<compile_context>
chip_gen: v7x
topology: tpu7x:2x2x1
jax: 0.10.2.dev20260603
libtpu: 0.0.44.dev20260713+nightly
codegen_flags: <defaults>
</compile_context>

<pallas_src>
import functools

import jax
import jax.numpy as jnp
from jax.experimental import pallas as pl
from jax.experimental.pallas import tpu as pltpu
from jax.experimental.pallas import tpu_sc as plsc

_N = 10000
_E = 320000
_D = 128
_NC = 2
_NS = 16
_NW = _NC * _NS
_K = 128
_CH = 80
_EPW = _CH * _K
_EP = _NW * _EPW
_NBUF = 2
_NA = _N + 16
_RPT = 624
_REM_BASE = _NS * _RPT
_REM = _N - _REM_BASE

_BLK = 1000
_G = _N // _BLK

_sc_mesh = functools.partial(
    plsc.VectorSubcoreMesh, core_axis_name="c", subcore_axis_name="s"
)


def _zero_acc(zero_hbm, acc, s):
    pltpu.sync_copy(zero_hbm.at[pl.ds(s * _RPT, _RPT)],
                    acc.at[pl.ds(s * _RPT, _RPT)])

    @pl.when(s == 0)
    def _():
        pltpu.sync_copy(zero_hbm.at[pl.ds(_REM_BASE, _REM)],
                        acc.at[pl.ds(_REM_BASE, _REM)])


def _drain_acc(acc, out_hbm, c, s):
    pltpu.sync_copy(acc.at[pl.ds(s * _RPT, _RPT)],
                    out_hbm.at[c, pl.ds(s * _RPT, _RPT)])

    @pl.when(s == 0)
    def _():
        pltpu.sync_copy(acc.at[pl.ds(_REM_BASE, _REM)],
                        out_hbm.at[c, pl.ds(_REM_BASE, _REM)])


def _sc_degree(dst3, ones_rows, zeros):

    @functools.partial(
        pl.kernel,
        out_type=jax.ShapeDtypeStruct((_NC, _N, _D), jnp.float32),
        mesh=_sc_mesh(),
        scratch_types=[
            pltpu.VMEM((_CH, _K), jnp.int32),
            pltpu.VMEM((_K, _D), jnp.float32),
            pltpu.VMEM_SHARED((_NA, _D), jnp.float32),
            pltpu.SemaphoreType.DMA((_NBUF,)),
        ],
    )
    def k(dst_hbm, ones_hbm, zero_hbm, out_hbm, didx, ones_v, acc, sems):
        c = jax.lax.axis_index("c")
        s = jax.lax.axis_index("s")
        wid = c * _NS + s
        pltpu.sync_copy(ones_hbm, ones_v)
        pltpu.sync_copy(dst_hbm.at[wid], didx)
        _zero_acc(zero_hbm, acc, s)
        plsc.subcore_barrier()

        for b in range(_NBUF):
            pltpu.async_copy(ones_v, acc.at[didx.at[b]], add=True,
                             sem=sems.at[b])

        @pl.loop(0, _CH - _NBUF, step=_NBUF)
        def _(j):
            for b in range(_NBUF):
                pltpu.make_async_copy(ones_v, acc.at[didx.at[0]],
                                      sems.at[b]).wait()
                pltpu.async_copy(ones_v, acc.at[didx.at[j + _NBUF + b]],
                                 add=True, sem=sems.at[b])

        for b in range(_NBUF):
            pltpu.make_async_copy(ones_v, acc.at[didx.at[0]],
                                  sems.at[b]).wait()

        plsc.subcore_barrier()
        _drain_acc(acc, out_hbm, c, s)

    return k(dst3, ones_rows, zeros)


def _sc_propagate(hs, src3, dst3, zeros):

    @functools.partial(
        pl.kernel,
        out_type=jax.ShapeDtypeStruct((_NC, _N, _D), jnp.float32),
        mesh=_sc_mesh(),
        scratch_types=[
            [pltpu.VMEM((_K,), jnp.int32) for _ in range(2 * _NBUF)],
            pltpu.VMEM((_CH, _K), jnp.int32),
            [pltpu.VMEM((_K, _D), jnp.float32) for _ in range(_NBUF)],
            pltpu.VMEM_SHARED((_NA, _D), jnp.float32),
            pltpu.SemaphoreType.DMA((_NBUF,)),
            pltpu.SemaphoreType.DMA((2 * _NBUF,)),
        ],
    )
    def k(hs_hbm, src_hbm, dst_hbm, zero_hbm, out_hbm,
          sidx, didx, rows, acc, gsem, isem):
        c = jax.lax.axis_index("c")
        s = jax.lax.axis_index("s")
        wid = c * _NS + s
        pltpu.sync_copy(dst_hbm.at[wid], didx)
        _zero_acc(zero_hbm, acc, s)
        plsc.subcore_barrier()

        def fire_idx(chunk, i):
            pltpu.async_copy(src_hbm.at[wid, chunk], sidx[i], isem.at[i])

        def wait_idx(i):
            pltpu.make_async_copy(src_hbm.at[wid, 0], sidx[i],
                                  isem.at[i]).wait()

        def fire_gather(i, b):
            pltpu.async_copy(hs_hbm.at[sidx[i]], rows[b], gsem.at[b])

        def wait_gather(i, b):
            pltpu.make_async_copy(hs_hbm.at[pl.ds(0, _K)], rows[b],
                                  gsem.at[b]).wait()

        for i in range(2 * _NBUF):
            fire_idx(i, i)
        for b in range(_NBUF):
            wait_idx(b)
            fire_gather(b, b)

        @pl.loop(0, _CH, step=2 * _NBUF)
        def _(j):
            for u in range(2 * _NBUF):
                b = u % _NBUF
                i = u
                cch = j + u
                wait_gather(i, b)
                pltpu.sync_copy(rows[b], acc.at[didx.at[cch]], add=True)

                @pl.when(cch + 2 * _NBUF < _CH)
                def _():
                    fire_idx(cch + 2 * _NBUF, i)

                @pl.when(cch + _NBUF < _CH)
                def _():
                    i4 = (u + _NBUF) % (2 * _NBUF)
                    wait_idx(i4)
                    fire_gather(i4, b)

        plsc.subcore_barrier()
        _drain_acc(acc, out_hbm, c, s)

    return k(hs, src3, dst3, zeros)


def _dis_block(degp):
    deg = 1.0 + degp[0, :, 0:1] + degp[1, :, 0:1]
    return jax.lax.rsqrt(deg), deg


_row_spec = pl.BlockSpec((_BLK, _D), lambda i: (i, 0))
_p_spec = pl.BlockSpec((_NC, _BLK, _D), lambda i: (0, i, 0))
_deg_spec = pl.BlockSpec((_NC, _BLK, _D), lambda i: (0, i, 0))
_w_spec = pl.BlockSpec((_D, _D), lambda i: (0, 0))
_b_spec = pl.BlockSpec((1, _D), lambda i: (0, 0))


def _tc_mm(x, W1):

    def body(x_ref, w_ref, h_ref):
        h_ref[...] = jnp.dot(x_ref[...], w_ref[...],
                             preferred_element_type=jnp.float32)

    return pl.pallas_call(
        body,
        grid=(_G,),
        in_specs=[_row_spec, _w_spec],
        out_specs=_row_spec,
        out_shape=jax.ShapeDtypeStruct((_N, _D), jnp.float32),
    )(x, W1)


def _tc_scale(h, degp):

    def body(h_ref, degp_ref, hs_ref):
        dis, _ = _dis_block(degp_ref[...])
        hs_ref[...] = h_ref[...] * dis

    return pl.pallas_call(
        body,
        grid=(_G,),
        in_specs=[_row_spec, _deg_spec],
        out_specs=_row_spec,
        out_shape=jax.ShapeDtypeStruct((_N, _D), jnp.float32),
    )(h, degp)


def _tc_mid(p, h, degp, b, res, Wn):
    have_res = res is not None

    def body(*refs):
        if have_res:
            p_ref, h_ref, degp_ref, b_ref, res_ref, w_ref, a_ref, hn_ref, hs_ref = refs
        else:
            p_ref, h_ref, degp_ref, b_ref, w_ref, a_ref, hn_ref, hs_ref = refs
        dis, deg = _dis_block(degp_ref[...])
        agg = p_ref[0] + p_ref[1]
        a = dis * agg + h_ref[...] / deg + b_ref[...]
        if have_res:
            a = a + res_ref[...]
        a = jnp.maximum(a, 0.0)
        hn = jnp.dot(a, w_ref[...], preferred_element_type=jnp.float32)
        a_ref[...] = a
        hn_ref[...] = hn
        hs_ref[...] = hn * dis

    in_specs = [_p_spec, _row_spec, _deg_spec, _b_spec]
    args = [p, h, degp, b.reshape(1, _D)]
    if have_res:
        in_specs.append(_row_spec)
        args.append(res)
    in_specs.append(_w_spec)
    args.append(Wn)
    return pl.pallas_call(
        body,
        grid=(_G,),
        in_specs=in_specs,
        out_specs=[_row_spec, _row_spec, _row_spec],
        out_shape=[
            jax.ShapeDtypeStruct((_N, _D), jnp.float32),
            jax.ShapeDtypeStruct((_N, _D), jnp.float32),
            jax.ShapeDtypeStruct((_N, _D), jnp.float32),
        ],
    )(*args)


def _tc_final(p, h, degp, b):

    def body(p_ref, h_ref, degp_ref, b_ref, o_ref):
        dis, deg = _dis_block(degp_ref[...])
        a = dis * (p_ref[0] + p_ref[1]) + h_ref[...] / deg + b_ref[...]
        o_ref[...] = jax.nn.sigmoid(a)

    return pl.pallas_call(
        body,
        grid=(_G,),
        in_specs=[_p_spec, _row_spec, _deg_spec, _b_spec],
        out_specs=_row_spec,
        out_shape=jax.ShapeDtypeStruct((_N, _D), jnp.float32),
    )(p, h, degp, b.reshape(1, _D))


def kernel(x, edge_index, W1, b1, W2, b2, W3, b3):
    src = edge_index[0]
    dst = edge_index[1]
    padw = _EPW - _E // _NW
    jr = _N + (jnp.arange(padw, dtype=jnp.int32) % _REM)
    src3 = jnp.concatenate(
        [src.reshape(_NW, -1), jnp.zeros((_NW, padw), jnp.int32)], axis=1
    ).reshape(_NW, _CH, _K)
    dst3 = jnp.concatenate(
        [dst.reshape(_NW, -1), jnp.broadcast_to(jr, (_NW, padw))], axis=1
    ).reshape(_NW, _CH, _K)
    zeros = jnp.zeros((_N, _D), jnp.float32)
    ones_rows = jnp.ones((_K, _D), jnp.float32)

    degp = _sc_degree(dst3, ones_rows, zeros)
    h1 = _tc_mm(x, W1)
    hs1 = _tc_scale(h1, degp)
    p1 = _sc_propagate(hs1, src3, dst3, zeros)

    act1, h2, hs2 = _tc_mid(p1, h1, degp, b1, None, W2)
    p2 = _sc_propagate(hs2, src3, dst3, zeros)

    _, h3, hs3 = _tc_mid(p2, h2, degp, b2, act1, W3)
    p3 = _sc_propagate(hs3, src3, dst3, zeros)

    return _tc_final(p3, h3, degp, b3)

# --- scband reference (transcript-rebuilt; emitter-appended) ---
"""Pipeline reference for scband-gcnmodel-69672959476100 (READ-ONLY COPY).

The authoritative reference and input builder live on the scoring server;
editing this copy changes nothing except your own understanding.
"""

import jax, jax.numpy as jnp
import numpy as np

N = 10000
E = 320000
D_IN = 128
D_HID = 128
D_OUT = 128


def setup_inputs(seed: int = 0) -> dict:
    key = jax.random.key(seed)
    ks = jax.random.split(key, 8)
    x = jax.random.normal(ks[0], (N, D_IN), dtype=jnp.float32)
    edge_index = jax.random.randint(ks[1], (2, E), 0, N, dtype=jnp.int32)
    W1 = jax.random.normal(ks[2], (D_IN, D_HID), dtype=jnp.float32) * (1.0 / np.sqrt(D_IN))
    b1 = jnp.zeros((D_HID,), dtype=jnp.float32)
    W2 = jax.random.normal(ks[3], (D_HID, D_HID), dtype=jnp.float32) * (1.0 / np.sqrt(D_HID))
    b2 = jnp.zeros((D_HID,), dtype=jnp.float32)
    W3 = jax.random.normal(ks[4], (D_HID, D_OUT), dtype=jnp.float32) * (1.0 / np.sqrt(D_HID))
    b3 = jnp.zeros((D_OUT,), dtype=jnp.float32)
    return {"x": x, "edge_index": edge_index, "W1": W1, "b1": b1, "W2": W2, "b2": b2, "W3": W3, "b3": b3}


def _gcn_conv(h, src, dst, deg_inv_sqrt, W, b):
    # GCNConv: x' = D^{-1/2} (A + I) D^{-1/2} (X W) + b
    h = h @ W
    norm = deg_inv_sqrt[src] * deg_inv_sqrt[dst]
    msg = h[src] * norm[:, None]
    out = jnp.zeros((N, W.shape[1]), dtype=h.dtype).at[dst].add(msg)
    return out + b


def reference(x, edge_index, W1, b1, W2, b2, W3, b3):
    # add self-loops (as in torch_geometric GCNConv default)
    loop = jnp.arange(N, dtype=edge_index.dtype)
    src = jnp.concatenate([edge_index[0], loop])
    dst = jnp.concatenate([edge_index[1], loop])
    deg = jnp.zeros((N,), dtype=jnp.float32).at[dst].add(1.0)
    deg_inv_sqrt = jax.lax.rsqrt(deg)

    h = _gcn_conv(x, src, dst, deg_inv_sqrt, W1, b1)
    h = jax.nn.relu(h)
    # dropout p=0.01 -> identity in eval mode
    h0 = h
    h = _gcn_conv(h, src, dst, deg_inv_sqrt, W2, b2)
    h = h + h0
    h = jax.nn.relu(h)
    out = _gcn_conv(h, src, dst, deg_inv_sqrt, W3, b3)
    return jax.nn.sigmoid(out)

if __name__ == "__main__":
    import jax
    _d = setup_inputs()
    print(jax.jit(kernel)(*tuple(_d.values())))

</pallas_src>

<mosaic_0001>
#map = affine_map<(d0, d1) -> (0, 0, 0)>
#map1 = affine_map<(d0, d1) -> (0, 0)>
module attributes {stable_mosaic.version = 14 : i64} {
  func.func @k(%arg0: i32, %arg1: i32, %arg2: memref<32x80x128xi32, #tpu.memory_space<hbm>>, %arg3: memref<128x128xf32, #tpu.memory_space<hbm>>, %arg4: memref<10000x128xf32, #tpu.memory_space<hbm>>, %arg5: memref<2x10000x128xf32, #tpu.memory_space<hbm>>, %arg6: memref<80x128xi32, #tpu.memory_space<vmem>>, %arg7: memref<128x128xf32, #tpu.memory_space<vmem>>, %arg8: memref<10016x128xf32, #tpu.memory_space<vmem_shared>>, %arg9: memref<2x!tpu.dma_semaphore, #tpu.memory_space<semaphore_mem>>) attributes {dimension_semantics = [#tpu.dimension_semantics<core_parallel>, #tpu.dimension_semantics<subcore_parallel>], iteration_bounds = array<i64: 2, 16>, scalar_prefetch = 0 : i64, scratch_operands = 4 : i64, tpu.core_type = #tpu.core_type<sc_vector_subcore>, window_params = [{transform_indices = #map}, {transform_indices = #map1}, {transform_indices = #map1}, {transform_indices = #map}]} {
    %mul3A = arith.constant 16 : i32
    %mul3A_0 = arith.muli %arg0, %mul3A : i32
    %add3A = arith.addi %mul3A_0, %arg1 : i32
    "tpu.region"() ({
      %run_scoped3A = tpu.sem_alloc : memref<!tpu.dma_semaphore, #tpu.memory_space<semaphore_mem>>
      tpu.enqueue_dma source(%arg3 : memref<128x128xf32, #tpu.memory_space<hbm>>) target(%arg7 : memref<128x128xf32, #tpu.memory_space<vmem>>) target_semaphore(%run_scoped3A : memref<!tpu.dma_semaphore, #tpu.memory_space<semaphore_mem>>)
      tpu.wait_dma2 semaphore(%run_scoped3A : memref<!tpu.dma_semaphore, #tpu.memory_space<semaphore_mem>>) src(%arg3 : memref<128x128xf32, #tpu.memory_space<hbm>>) dst(%arg7 : memref<128x128xf32, #tpu.memory_space<vmem>>)
      tpu.yield
    }) : () -> ()
    "tpu.region"() ({
      %run_scoped3A = tpu.sem_alloc : memref<!tpu.dma_semaphore, #tpu.memory_space<semaphore_mem>>
      %dma_start3A_59 = arith.constant 0 : i32
      %dma_start3A_60 = arith.constant 0 : i32
      %dma_start3A_61 = tpu.memref_slice %arg2[%add3A, %dma_start3A_59, %dma_start3A_60] : memref<32x80x128xi32, #tpu.memory_space<hbm>> -> memref<1x80x128xi32, #tpu.memory_space<hbm>>
      %dma_start3A_62 = tpu.memref_squeeze %dma_start3A_61 : memref<1x80x128xi32, #tpu.memory_space<hbm>> -> memref<80x128xi32, #tpu.memory_space<hbm>>
      %dma_start3A_63 = arith.constant 0 : i32
      %dma_start3A_64 = arith.constant 0 : i32
      %dma_start3A_65 = tpu.memref_slice %arg2[%add3A, %dma_start3A_63, %dma_start3A_64] : memref<32x80x128xi32, #tpu.memory_space<hbm>> -> memref<1x80x128xi32, #tpu.memory_space<hbm>>
      %dma_start3A_66 = tpu.memref_squeeze %dma_start3A_65 : memref<1x80x128xi32, #tpu.memory_space<hbm>> -> memref<80x128xi32, #tpu.memory_space<hbm>>
      tpu.enqueue_dma source(%dma_start3A_66 : memref<80x128xi32, #tpu.memory_space<hbm>>) target(%arg6 : memref<80x128xi32, #tpu.memory_space<vmem>>) target_semaphore(%run_scoped3A : memref<!tpu.dma_semaphore, #tpu.memory_space<semaphore_mem>>)
      %dma_wait3A_67 = arith.constant 0 : i32
      %dma_wait3A_68 = arith.constant 0 : i32
      %dma_wait3A_69 = tpu.memref_slice %arg2[%add3A, %dma_wait3A_67, %dma_wait3A_68] : memref<32x80x128xi32, #tpu.memory_space<hbm>> -> memref<1x80x128xi32, #tpu.memory_space<hbm>>
      %dma_wait3A_70 = tpu.memref_squeeze %dma_wait3A_69 : memref<1x80x128xi32, #tpu.memory_space<hbm>> -> memref<80x128xi32, #tpu.memory_space<hbm>>
      %dma_wait3A_71 = arith.constant 0 : i32
      %dma_wait3A_72 = arith.constant 0 : i32
      %dma_wait3A_73 = tpu.memref_slice %arg2[%add3A, %dma_wait3A_71, %dma_wait3A_72] : memref<32x80x128xi32, #tpu.memory_space<hbm>> -> memref<1x80x128xi32, #tpu.memory_space<hbm>>
      %dma_wait3A_74 = tpu.memref_squeeze %dma_wait3A_73 : memref<1x80x128xi32, #tpu.memory_space<hbm>> -> memref<80x128xi32, #tpu.memory_space<hbm>>
      tpu.wait_dma2 semaphore(%run_scoped3A : memref<!tpu.dma_semaphore, #tpu.memory_space<semaphore_mem>>) src(%dma_wait3A_74 : memref<80x128xi32, #tpu.memory_space<hbm>>) dst(%arg6 : memref<80x128xi32, #tpu.memory_space<vmem>>)
      tpu.yield
    }) : () -> ()
    %mul3A_1 = arith.constant 624 : i32
    %mul3A_2 = arith.muli %arg1, %mul3A_1 : i32
    %mul3A_3 = arith.constant 624 : i32
    %mul3A_4 = arith.muli %arg1, %mul3A_3 : i32
    "tpu.region"() ({
      %run_scoped3A = tpu.sem_alloc : memref<!tpu.dma_semaphore, #tpu.memory_space<semaphore_mem>>
      %dma_start3A_59 = arith.constant 0 : i32
      %dma_start3A_60 = tpu.memref_slice %arg8[%mul3A_4, %dma_start3A_59] : memref<10016x128xf32, #tpu.memory_space<vmem_shared>> -> memref<624x128xf32, #tpu.memory_space<vmem_shared>>
      %dma_start3A_61 = arith.constant 0 : i32
      %dma_start3A_62 = tpu.memref_slice %arg4[%mul3A_2, %dma_start3A_61] : memref<10000x128xf32, #tpu.memory_space<hbm>> -> memref<624x128xf32, #tpu.memory_space<hbm>>
      tpu.enqueue_dma source(%dma_start3A_62 : memref<624x128xf32, #tpu.memory_space<hbm>>) target(%dma_start3A_60 : memref<624x128xf32, #tpu.memory_space<vmem_shared>>) target_semaphore(%run_scoped3A : memref<!tpu.dma_semaphore, #tpu.memory_space<semaphore_mem>>)
      %dma_wait3A_63 = arith.constant 0 : i32
      %dma_wait3A_64 = tpu.memref_slice %arg8[%mul3A_4, %dma_wait3A_63] : memref<10016x128xf32, #tpu.memory_space<vmem_shared>> -> memref<624x128xf32, #tpu.memory_space<vmem_shared>>
      %dma_wait3A_65 = arith.constant 0 : i32
      %dma_wait3A_66 = tpu.memref_slice %arg4[%mul3A_2, %dma_wait3A_65] : memref<10000x128xf32, #tpu.memory_space<hbm>> -> memref<624x128xf32, #tpu.memory_space<hbm>>
      tpu.wait_dma2 semaphore(%run_scoped3A : memref<!tpu.dma_semaphore, #tpu.memory_space<semaphore_mem>>) src(%dma_wait3A_66 : memref<624x128xf32, #tpu.memory_space<hbm>>) dst(%dma_wait3A_64 : memref<624x128xf32, #tpu.memory_space<vmem_shared>>)
      tpu.yield
    }) : () -> ()
    %eq3A = arith.constant 0 : i32
    %eq3A_5 = arith.cmpi eq, %arg1, %eq3A : i32
    %convert_element_type3A = arith.extui %eq3A_5 : i1 to i32
    %cond3A = arith.constant 0 : i32
    %cond3A_6 = arith.cmpi ne, %convert_element_type3A, %cond3A : i32
    scf.if %cond3A_6 {
      "tpu.region"() ({
        %run_scoped3A = tpu.sem_alloc : memref<!tpu.dma_semaphore, #tpu.memory_space<semaphore_mem>>
        %dma_start3A_59 = arith.constant 9984 : i32
        %dma_start3A_60 = arith.constant 0 : i32
        %dma_start3A_61 = tpu.memref_slice %arg8[%dma_start3A_59, %dma_start3A_60] : memref<10016x128xf32, #tpu.memory_space<vmem_shared>> -> memref<16x128xf32, #tpu.memory_space<vmem_shared>>
        %dma_start3A_62 = arith.constant 9984 : i32
        %dma_start3A_63 = arith.constant 0 : i32
        %dma_start3A_64 = tpu.memref_slice %arg4[%dma_start3A_62, %dma_start3A_63] : memref<10000x128xf32, #tpu.memory_space<hbm>> -> memref<16x128xf32, #tpu.memory_space<hbm>>
        tpu.enqueue_dma source(%dma_start3A_64 : memref<16x128xf32, #tpu.memory_space<hbm>>) target(%dma_start3A_61 : memref<16x128xf32, #tpu.memory_space<vmem_shared>>) target_semaphore(%run_scoped3A : memref<!tpu.dma_semaphore, #tpu.memory_space<semaphore_mem>>)
        %dma_wait3A_65 = arith.constant 9984 : i32
        %dma_wait3A_66 = arith.constant 0 : i32
        %dma_wait3A_67 = tpu.memref_slice %arg8[%dma_wait3A_65, %dma_wait3A_66] : memref<10016x128xf32, #tpu.memory_space<vmem_shared>> -> memref<16x128xf32, #tpu.memory_space<vmem_shared>>
        %dma_wait3A_68 = arith.constant 9984 : i32
        %dma_wait3A_69 = arith.constant 0 : i32
        %dma_wait3A_70 = tpu.memref_slice %arg4[%dma_wait3A_68, %dma_wait3A_69] : memref<10000x128xf32, #tpu.memory_space<hbm>> -> memref<16x128xf32, #tpu.memory_space<hbm>>
        tpu.wait_dma2 semaphore(%run_scoped3A : memref<!tpu.dma_semaphore, #tpu.memory_space<semaphore_mem>>) src(%dma_wait3A_70 : memref<16x128xf32, #tpu.memory_space<hbm>>) dst(%dma_wait3A_67 : memref<16x128xf32, #tpu.memory_space<vmem_shared>>)
        tpu.yield
      }) : () -> ()
    } else {
    }
    %barrier3A = arith.constant 0 : index
    tpu.barrier barrier_id(%barrier3A)
    %dma_start3A = arith.constant 0 : i32
    %dma_start3A_7 = arith.constant 0 : i32
    %dma_start3A_8 = arith.constant 0 : i32
    %dma_start3A_9 = tpu.memref_slice %arg6[%dma_start3A, %dma_start3A_8] : memref<80x128xi32, #tpu.memory_space<vmem>> -> memref<1x128xi32, #tpu.memory_space<vmem>>
    %dma_start3A_10 = tpu.memref_squeeze %dma_start3A_9 : memref<1x128xi32, #tpu.memory_space<vmem>> -> memref<128xi32, #tpu.memory_space<vmem>>
    %dma_start3A_11 = arith.constant 0 : i32
    %dma_start3A_12 = arith.constant 0 : i32
    %dma_start3A_13 = tpu.memref_slice %arg8[%dma_start3A_11, %dma_start3A_12] : memref<10016x128xf32, #tpu.memory_space<vmem_shared>> -> memref<10016x128xf32, #tpu.memory_space<vmem_shared>>
    %dma_start3A_14 = tpu.memref_slice %arg9[%dma_start3A_7] : memref<2x!tpu.dma_semaphore, #tpu.memory_space<semaphore_mem>> -> memref<1x!tpu.dma_semaphore, #tpu.memory_space<semaphore_mem>>
    %dma_start3A_15 = tpu.memref_squeeze %dma_start3A_14 : memref<1x!tpu.dma_semaphore, #tpu.memory_space<semaphore_mem>> -> memref<!tpu.dma_semaphore, #tpu.memory_space<semaphore_mem>>
    tpu.enqueue_indirect_dma source(%arg7 : memref<128x128xf32, #tpu.memory_space<vmem>>) target(%dma_start3A_13 : memref<10016x128xf32, #tpu.memory_space<vmem_shared>>) offsets(%dma_start3A_10 : memref<128xi32, #tpu.memory_space<vmem>>) semaphore(%dma_start3A_15 : memref<!tpu.dma_semaphore, #tpu.memory_space<semaphore_mem>>) {add = true}
    %dma_start3A_16 = arith.constant 1 : i32
    %dma_start3A_17 = arith.constant 1 : i32
    %dma_start3A_18 = arith.constant 0 : i32
    %dma_start3A_19 = tpu.memref_slice %arg6[%dma_start3A_16, %dma_start3A_18] : memref<80x128xi32, #tpu.memory_space<vmem>> -> memref<1x128xi32, #tpu.memory_space<vmem>>
    %dma_start3A_20 = tpu.memref_squeeze %dma_start3A_19 : memref<1x128xi32, #tpu.memory_space<vmem>> -> memref<128xi32, #tpu.memory_space<vmem>>
    %dma_start3A_21 = arith.constant 0 : i32
    %dma_start3A_22 = arith.constant 0 : i32
    %dma_start3A_23 = tpu.memref_slice %arg8[%dma_start3A_21, %dma_start3A_22] : memref<10016x128xf32, #tpu.memory_space<vmem_shared>> -> memref<10016x128xf32, #tpu.memory_space<vmem_shared>>
    %dma_start3A_24 = tpu.memref_slice %arg9[%dma_start3A_17] : memref<2x!tpu.dma_semaphore, #tpu.memory_space<semaphore_mem>> -> memref<1x!tpu.dma_semaphore, #tpu.memory_space<semaphore_mem>>
    %dma_start3A_25 = tpu.memref_squeeze %dma_start3A_24 : memref<1x!tpu.dma_semaphore, #tpu.memory_space<semaphore_mem>> -> memref<!tpu.dma_semaphore, #tpu.memory_space<semaphore_mem>>
    tpu.enqueue_indirect_dma source(%arg7 : memref<128x128xf32, #tpu.memory_space<vmem>>) target(%dma_start3A_23 : memref<10016x128xf32, #tpu.memory_space<vmem_shared>>) offsets(%dma_start3A_20 : memref<128xi32, #tpu.memory_space<vmem>>) semaphore(%dma_start3A_25 : memref<!tpu.dma_semaphore, #tpu.memory_space<semaphore_mem>>) {add = true}
    %scan3A = arith.constant 0 : i32
    %scan3A_26 = arith.constant 39 : i32
    %scan3A_27 = arith.addi %scan3A, %scan3A_26 : i32
    %scan3A_28 = arith.constant 1 : i32
    scf.for %scan3A_59 = %scan3A to %scan3A_27 step %scan3A_28  : i32 {
      %mul3A_60 = arith.constant 2 : i32
      %mul3A_61 = arith.muli %scan3A_59, %mul3A_60 : i32
      %add3A_62 = arith.constant 0 : i32
      %add3A_63 = arith.addi %add3A_62, %mul3A_61 : i32
      %dma_wait3A_64 = arith.constant 0 : i32
      %dma_wait3A_65 = arith.constant 0 : i32
      %dma_wait3A_66 = arith.constant 0 : i32
      %dma_wait3A_67 = tpu.memref_slice %arg6[%dma_wait3A_64, %dma_wait3A_66] : memref<80x128xi32, #tpu.memory_space<vmem>> -> memref<1x128xi32, #tpu.memory_space<vmem>>
      %dma_wait3A_68 = tpu.memref_squeeze %dma_wait3A_67 : memref<1x128xi32, #tpu.memory_space<vmem>> -> memref<128xi32, #tpu.memory_space<vmem>>
      %dma_wait3A_69 = arith.constant 0 : i32
      %dma_wait3A_70 = arith.constant 0 : i32
      %dma_wait3A_71 = tpu.memref_slice %arg8[%dma_wait3A_69, %dma_wait3A_70] : memref<10016x128xf32, #tpu.memory_space<vmem_shared>> -> memref<10016x128xf32, #tpu.memory_space<vmem_shared>>
      %dma_wait3A_72 = tpu.memref_slice %arg9[%dma_wait3A_65] : memref<2x!tpu.dma_semaphore, #tpu.memory_space<semaphore_mem>> -> memref<1x!tpu.dma_semaphore, #tpu.memory_space<semaphore_mem>>
      %dma_wait3A_73 = tpu.memref_squeeze %dma_wait3A_72 : memref<1x!tpu.dma_semaphore, #tpu.memory_space<semaphore_mem>> -> memref<!tpu.dma_semaphore, #tpu.memory_space<semaphore_mem>>
      tpu.wait_indirect_dma semaphore(%dma_wait3A_73 : memref<!tpu.dma_semaphore, #tpu.memory_space<semaphore_mem>>) src(%arg7 : memref<128x128xf32, #tpu.memory_space<vmem>>) dst(%dma_wait3A_71 : memref<10016x128xf32, #tpu.memory_space<vmem_shared>>)
      %add3A_74 = arith.constant 2 : i32
      %add3A_75 = arith.addi %add3A_63, %add3A_74 : i32
      %add3A_76 = arith.constant 0 : i32
      %add3A_77 = arith.addi %add3A_75, %add3A_76 : i32
      %dma_start3A_78 = arith.constant 0 : i32
      %dma_start3A_79 = arith.constant 0 : i32
      %dma_start3A_80 = tpu.memref_slice %arg6[%add3A_77, %dma_start3A_79] : memref<80x128xi32, #tpu.memory_space<vmem>> -> memref<1x128xi32, #tpu.memory_space<vmem>>
      %dma_start3A_81 = tpu.memref_squeeze %dma_start3A_80 : memref<1x128xi32, #tpu.memory_space<vmem>> -> memref<128xi32, #tpu.memory_space<vmem>>
      %dma_start3A_82 = arith.constant 0 : i32
      %dma_start3A_83 = arith.constant 0 : i32
      %dma_start3A_84 = tpu.memref_slice %arg8[%dma_start3A_82, %dma_start3A_83] : memref<10016x128xf32, #tpu.memory_space<vmem_shared>> -> memref<10016x128xf32, #tpu.memory_space<vmem_shared>>
      %dma_start3A_85 = tpu.memref_slice %arg9[%dma_start3A_78] : memref<2x!tpu.dma_semaphore, #tpu.memory_space<semaphore_mem>> -> memref<1x!tpu.dma_semaphore, #tpu.memory_space<semaphore_mem>>
      %dma_start3A_86 = tpu.memref_squeeze %dma_start3A_85 : memref<1x!tpu.dma_semaphore, #tpu.memory_space<semaphore_mem>> -> memref<!tpu.dma_semaphore, #tpu.memory_space<semaphore_mem>>
      tpu.enqueue_indirect_dma source(%arg7 : memref<128x128xf32, #tpu.memory_space<vmem>>) target(%dma_start3A_84 : memref<10016x128xf32, #tpu.memory_space<vmem_shared>>) offsets(%dma_start3A_81 : memref<128xi32, #tpu.memory_space<vmem>>) semaphore(%dma_start3A_86 : memref<!tpu.dma_semaphore, #tpu.memory_space<semaphore_mem>>) {add = true}
      %dma_wait3A_87 = arith.constant 0 : i32
      %dma_wait3A_88 = arith.constant 1 : i32
      %dma_wait3A_89 = arith.constant 0 : i32
      %dma_wait3A_90 = tpu.memref_slice %arg6[%dma_wait3A_87, %dma_wait3A_89] : memref<80x128xi32, #tpu.memory_space<vmem>> -> memref<1x128xi32, #tpu.memory_space<vmem>>
      %dma_wait3A_91 = tpu.memref_squeeze %dma_wait3A_90 : memref<1x128xi32, #tpu.memory_space<vmem>> -> memref<128xi32, #tpu.memory_space<vmem>>
      %dma_wait3A_92 = arith.constant 0 : i32
      %dma_wait3A_93 = arith.constant 0 : i32
      %dma_wait3A_94 = tpu.memref_slice %arg8[%dma_wait3A_92, %dma_wait3A_93] : memref<10016x128xf32, #tpu.memory_space<vmem_shared>> -> memref<10016x128xf32, #tpu.memory_space<vmem_shared>>
      %dma_wait3A_95 = tpu.memref_slice %arg9[%dma_wait3A_88] : memref<2x!tpu.dma_semaphore, #tpu.memory_space<semaphore_mem>> -> memref<1x!tpu.dma_semaphore, #tpu.memory_space<semaphore_mem>>
      %dma_wait3A_96 = tpu.memref_squeeze %dma_wait3A_95 : memref<1x!tpu.dma_semaphore, #tpu.memory_space<semaphore_mem>> -> memref<!tpu.dma_semaphore, #tpu.memory_space<semaphore_mem>>
      tpu.wait_indirect_dma semaphore(%dma_wait3A_96 : memref<!tpu.dma_semaphore, #tpu.memory_space<semaphore_mem>>) src(%arg7 : memref<128x128xf32, #tpu.memory_space<vmem>>) dst(%dma_wait3A_94 : memref<10016x128xf32, #tpu.memory_space<vmem_shared>>)
      %add3A_97 = arith.constant 2 : i32
      %add3A_98 = arith.addi %add3A_63, %add3A_97 : i32
      %add3A_99 = arith.constant 1 : i32
      %add3A_100 = arith.addi %add3A_98, %add3A_99 : i32
      %dma_start3A_101 = arith.constant 1 : i32
      %dma_start3A_102 = arith.constant 0 : i32
      %dma_start3A_103 = tpu.memref_slice %arg6[%add3A_100, %dma_start3A_102] : memref<80x128xi32, #tpu.memory_space<vmem>> -> memref<1x128xi32, #tpu.memory_space<vmem>>
      %dma_start3A_104 = tpu.memref_squeeze %dma_start3A_103 : memref<1x128xi32, #tpu.memory_space<vmem>> -> memref<128xi32, #tpu.memory_space<vmem>>
      %dma_start3A_105 = arith.constant 0 : i32
      %dma_start3A_106 = arith.constant 0 : i32
      %dma_start3A_107 = tpu.memref_slice %arg8[%dma_start3A_105, %dma_start3A_106] : memref<10016x128xf32, #tpu.memory_space<vmem_shared>> -> memref<10016x128xf32, #tpu.memory_space<vmem_shared>>
      %dma_start3A_108 = tpu.memref_slice %arg9[%dma_start3A_101] : memref<2x!tpu.dma_semaphore, #tpu.memory_space<semaphore_mem>> -> memref<1x!tpu.dma_semaphore, #tpu.memory_space<semaphore_mem>>
      %dma_start3A_109 = tpu.memref_squeeze %dma_start3A_108 : memref<1x!tpu.dma_semaphore, #tpu.memory_space<semaphore_mem>> -> memref<!tpu.dma_semaphore, #tpu.memory_space<semaphore_mem>>
      tpu.enqueue_indirect_dma source(%arg7 : memref<128x128xf32, #tpu.memory_space<vmem>>) target(%dma_start3A_107 : memref<10016x128xf32, #tpu.memory_space<vmem_shared>>) offsets(%dma_start3A_104 : memref<128xi32, #tpu.memory_space<vmem>>) semaphore(%dma_start3A_109 : memref<!tpu.dma_semaphore, #tpu.memory_space<semaphore_mem>>) {add = true}
    }
    %scan3A_29 = arith.constant 39 : i32
    %dma_wait3A = arith.constant 0 : i32
    %dma_wait3A_30 = arith.constant 0 : i32
    %dma_wait3A_31 = arith.constant 0 : i32
    %dma_wait3A_32 = tpu.memref_slice %arg6[%dma_wait3A, %dma_wait3A_31] : memref<80x128xi32, #tpu.memory_space<vmem>> -> memref<1x128xi32, #tpu.memory_space<vmem>>
    %dma_wait3A_33 = tpu.memref_squeeze %dma_wait3A_32 : memref<1x128xi32, #tpu.memory_space<vmem>> -> memref<128xi32, #tpu.memory_space<vmem>>
    %dma_wait3A_34 = arith.constant 0 : i32
    %dma_wait3A_35 = arith.constant 0 : i32
    %dma_wait3A_36 = tpu.memref_slice %arg8[%dma_wait3A_34, %dma_wait3A_35] : memref<10016x128xf32, #tpu.memory_space<vmem_shared>> -> memref<10016x128xf32, #tpu.memory_space<vmem_shared>>
    %dma_wait3A_37 = tpu.memref_slice %arg9[%dma_wait3A_30] : memref<2x!tpu.dma_semaphore, #tpu.memory_space<semaphore_mem>> -> memref<1x!tpu.dma_semaphore, #tpu.memory_space<semaphore_mem>>
    %dma_wait3A_38 = tpu.memref_squeeze %dma_wait3A_37 : memref<1x!tpu.dma_semaphore, #tpu.memory_space<semaphore_mem>> -> memref<!tpu.dma_semaphore, #tpu.memory_space<semaphore_mem>>
    tpu.wait_indirect_dma semaphore(%dma_wait3A_38 : memref<!tpu.dma_semaphore, #tpu.memory_space<semaphore_mem>>) src(%arg7 : memref<128x128xf32, #tpu.memory_space<vmem>>) dst(%dma_wait3A_36 : memref<10016x128xf32, #tpu.memory_space<vmem_shared>>)
    %dma_wait3A_39 = arith.constant 0 : i32
    %dma_wait3A_40 = arith.constant 1 : i32
    %dma_wait3A_41 = arith.constant 0 : i32
    %dma_wait3A_42 = tpu.memref_slice %arg6[%dma_wait3A_39, %dma_wait3A_41] : memref<80x128xi32, #tpu.memory_space<vmem>> -> memref<1x128xi32, #tpu.memory_space<vmem>>
    %dma_wait3A_43 = tpu.memref_squeeze %dma_wait3A_42 : memref<1x128xi32, #tpu.memory_space<vmem>> -> memref<128xi32, #tpu.memory_space<vmem>>
    %dma_wait3A_44 = arith.constant 0 : i32
    %dma_wait3A_45 = arith.constant 0 : i32
    %dma_wait3A_46 = tpu.memref_slice %arg8[%dma_wait3A_44, %dma_wait3A_45] : memref<10016x128xf32, #tpu.memory_space<vmem_shared>> -> memref<10016x128xf32, #tpu.memory_space<vmem_shared>>
    %dma_wait3A_47 = tpu.memref_slice %arg9[%dma_wait3A_40] : memref<2x!tpu.dma_semaphore, #tpu.memory_space<semaphore_mem>> -> memref<1x!tpu.dma_semaphore, #tpu.memory_space<semaphore_mem>>
    %dma_wait3A_48 = tpu.memref_squeeze %dma_wait3A_47 : memref<1x!tpu.dma_semaphore, #tpu.memory_space<semaphore_mem>> -> memref<!tpu.dma_semaphore, #tpu.memory_space<semaphore_mem>>
    tpu.wait_indirect_dma semaphore(%dma_wait3A_48 : memref<!tpu.dma_semaphore, #tpu.memory_space<semaphore_mem>>) src(%arg7 : memref<128x128xf32, #tpu.memory_space<vmem>>) dst(%dma_wait3A_46 : memref<10016x128xf32, #tpu.memory_space<vmem_shared>>)
    %barrier3A_49 = arith.constant 0 : index
    tpu.barrier barrier_id(%barrier3A_49)
    %mul3A_50 = arith.constant 624 : i32
    %mul3A_51 = arith.muli %arg1, %mul3A_50 : i32
    %mul3A_52 = arith.constant 624 : i32
    %mul3A_53 = arith.muli %arg1, %mul3A_52 : i32
    "tpu.region"() ({
      %run_scoped3A = tpu.sem_alloc : memref<!tpu.dma_semaphore, #tpu.memory_space<semaphore_mem>>
      %dma_start3A_59 = arith.constant 0 : i32
      %dma_start3A_60 = tpu.memref_slice %arg5[%arg0, %mul3A_53, %dma_start3A_59] : memref<2x10000x128xf32, #tpu.memory_space<hbm>> -> memref<1x624x128xf32, #tpu.memory_space<hbm>>
      %dma_start3A_61 = tpu.memref_squeeze %dma_start3A_60 : memref<1x624x128xf32, #tpu.memory_space<hbm>> -> memref<624x128xf32, #tpu.memory_space<hbm>>
      %dma_start3A_62 = arith.constant 0 : i32
      %dma_start3A_63 = tpu.memref_slice %arg8[%mul3A_51, %dma_start3A_62] : memref<10016x128xf32, #tpu.memory_space<vmem_shared>> -> memref<624x128xf32, #tpu.memory_space<vmem_shared>>
      tpu.enqueue_dma source(%dma_start3A_63 : memref<624x128xf32, #tpu.memory_space<vmem_shared>>) target(%dma_start3A_61 : memref<624x128xf32, #tpu.memory_space<hbm>>) target_semaphore(%run_scoped3A : memref<!tpu.dma_semaphore, #tpu.memory_space<semaphore_mem>>)
      %dma_wait3A_64 = arith.constant 0 : i32
      %dma_wait3A_65 = tpu.memref_slice %arg5[%arg0, %mul3A_53, %dma_wait3A_64] : memref<2x10000x128xf32, #tpu.memory_space<hbm>> -> memref<1x624x128xf32, #tpu.memory_space<hbm>>
      %dma_wait3A_66 = tpu.memref_squeeze %dma_wait3A_65 : memref<1x624x128xf32, #tpu.memory_space<hbm>> -> memref<624x128xf32, #tpu.memory_space<hbm>>
      %dma_wait3A_67 = arith.constant 0 : i32
      %dma_wait3A_68 = tpu.memref_slice %arg8[%mul3A_51, %dma_wait3A_67] : memref<10016x128xf32, #tpu.memory_space<vmem_shared>> -> memref<624x128xf32, #tpu.memory_space<vmem_shared>>
      tpu.wait_dma2 semaphore(%run_scoped3A : memref<!tpu.dma_semaphore, #tpu.memory_space<semaphore_mem>>) src(%dma_wait3A_68 : memref<624x128xf32, #tpu.memory_space<vmem_shared>>) dst(%dma_wait3A_66 : memref<624x128xf32, #tpu.memory_space<hbm>>)
      tpu.yield
    }) : () -> ()
    %eq3A_54 = arith.constant 0 : i32
    %eq3A_55 = arith.cmpi eq, %arg1, %eq3A_54 : i32
    %convert_element_type3A_56 = arith.extui %eq3A_55 : i1 to i32
    %cond3A_57 = arith.constant 0 : i32
    %cond3A_58 = arith.cmpi ne, %convert_element_type3A_56, %cond3A_57 : i32
    scf.if %cond3A_58 {
      "tpu.region"() ({
        %run_scoped3A = tpu.sem_alloc : memref<!tpu.dma_semaphore, #tpu.memory_space<semaphore_mem>>
        %dma_start3A_59 = arith.constant 9984 : i32
        %dma_start3A_60 = arith.constant 0 : i32
        %dma_start3A_61 = tpu.memref_slice %arg5[%arg0, %dma_start3A_59, %dma_start3A_60] : memref<2x10000x128xf32, #tpu.memory_space<hbm>> -> memref<1x16x128xf32, #tpu.memory_space<hbm>>
        %dma_start3A_62 = tpu.memref_squeeze %dma_start3A_61 : memref<1x16x128xf32, #tpu.memory_space<hbm>> -> memref<16x128xf32, #tpu.memory_space<hbm>>
        %dma_start3A_63 = arith.constant 9984 : i32
        %dma_start3A_64 = arith.constant 0 : i32
        %dma_start3A_65 = tpu.memref_slice %arg8[%dma_start3A_63, %dma_start3A_64] : memref<10016x128xf32, #tpu.memory_space<vmem_shared>> -> memref<16x128xf32, #tpu.memory_space<vmem_shared>>
        tpu.enqueue_dma source(%dma_start3A_65 : memref<16x128xf32, #tpu.memory_space<vmem_shared>>) target(%dma_start3A_62 : memref<16x128xf32, #tpu.memory_space<hbm>>) target_semaphore(%run_scoped3A : memref<!tpu.dma_semaphore, #tpu.memory_space<semaphore_mem>>)
        %dma_wait3A_66 = arith.constant 9984 : i32
        %dma_wait3A_67 = arith.constant 0 : i32
        %dma_wait3A_68 = tpu.memref_slice %arg5[%arg0, %dma_wait3A_66, %dma_wait3A_67] : memref<2x10000x128xf32, #tpu.memory_space<hbm>> -> memref<1x16x128xf32, #tpu.memory_space<hbm>>
        %dma_wait3A_69 = tpu.memref_squeeze %dma_wait3A_68 : memref<1x16x128xf32, #tpu.memory_space<hbm>> -> memref<16x128xf32, #tpu.memory_space<hbm>>
        %dma_wait3A_70 = arith.constant 9984 : i32
        %dma_wait3A_71 = arith.constant 0 : i32
        %dma_wait3A_72 = tpu.memref_slice %arg8[%dma_wait3A_70, %dma_wait3A_71] : memref<10016x128xf32, #tpu.memory_space<vmem_shared>> -> memref<16x128xf32, #tpu.memory_space<vmem_shared>>
        tpu.wait_dma2 semaphore(%run_scoped3A : memref<!tpu.dma_semaphore, #tpu.memory_space<semaphore_mem>>) src(%dma_wait3A_72 : memref<16x128xf32, #tpu.memory_space<vmem_shared>>) dst(%dma_wait3A_69 : memref<16x128xf32, #tpu.memory_space<hbm>>)
        tpu.yield
      }) : () -> ()
    } else {
    }
    return
  }
}

#map = affine_map<(d0, d1) -> (0, 0)>
#map1 = affine_map<(d0, d1) -> (0, 0, 0)>
module attributes {stable_mosaic.version = 14 : i64} {
  func.func @k(%arg0: i32, %arg1: i32, %arg2: memref<10000x128xf32, #tpu.memory_space<hbm>>, %arg3: memref<32x80x128xi32, #tpu.memory_space<hbm>>, %arg4: memref<32x80x128xi32, #tpu.memory_space<hbm>>, %arg5: memref<10000x128xf32, #tpu.memory_space<hbm>>, %arg6: memref<2x10000x128xf32, #tpu.memory_space<hbm>>, %arg7: memref<128xi32, #tpu.memory_space<vmem>>, %arg8: memref<128xi32, #tpu.memory_space<vmem>>, %arg9: memref<128xi32, #tpu.memory_space<vmem>>, %arg10: memref<128xi32, #tpu.memory_space<vmem>>, %arg11: memref<80x128xi32, #tpu.memory_space<vmem>>, %arg12: memref<128x128xf32, #tpu.memory_space<vmem>>, %arg13: memref<128x128xf32, #tpu.memory_space<vmem>>, %arg14: memref<10016x128xf32, #tpu.memory_space<vmem_shared>>, %arg15: memref<2x!tpu.dma_semaphore, #tpu.memory_space<semaphore_mem>>, %arg16: memref<4x!tpu.dma_semaphore, #tpu.memory_space<semaphore_mem>>) attributes {dimension_semantics = [#tpu.dimension_semantics<core_parallel>, #tpu.dimension_semantics<subcore_parallel>], iteration_bounds = array<i64: 2, 16>, scalar_prefetch = 0 : i64, scratch_operands = 10 : i64, tpu.core_type = #tpu.core_type<sc_vector_subcore>, window_params = [{transform_indices = #map}, {transform_indices = #map1}, {transform_indices = #map1}, {transform_indices = #map}, {transform_indices = #map1}]} {
    %mul3A = arith.constant 16 : i32
    %mul3A_0 = arith.muli %arg0, %mul3A : i32
    %add3A = arith.addi %mul3A_0, %arg1 : i32
    "tpu.region"() ({
      %run_scoped3A = tpu.sem_alloc : memref<!tpu.dma_semaphore, #tpu.memory_space<semaphore_mem>>
      %dma_start3A_91 = arith.constant 0 : i32
      %dma_start3A_92 = arith.constant 0 : i32
      %dma_start3A_93 = tpu.memref_slice %arg4[%add3A, %dma_start3A_91, %dma_start3A_92] : memref<32x80x128xi32, #tpu.memory_space<hbm>> -> memref<1x80x128xi32, #tpu.memory_space<hbm>>
      %dma_start3A_94 = tpu.memref_squeeze %dma_start3A_93 : memref<1x80x128xi32, #tpu.memory_space<hbm>> -> memref<80x128xi32, #tpu.memory_space<hbm>>
      %dma_start3A_95 = arith.constant 0 : i32
      %dma_start3A_96 = arith.constant 0 : i32
      %dma_start3A_97 = tpu.memref_slice %arg4[%add3A, %dma_start3A_95, %dma_start3A_96] : memref<32x80x128xi32, #tpu.memory_space<hbm>> -> memref<1x80x128xi32, #tpu.memory_space<hbm>>
      %dma_start3A_98 = tpu.memref_squeeze %dma_start3A_97 : memref<1x80x128xi32, #tpu.memory_space<hbm>> -> memref<80x128xi32, #tpu.memory_space<hbm>>
      tpu.enqueue_dma source(%dma_start3A_98 : memref<80x128xi32, #tpu.memory_space<hbm>>) target(%arg11 : memref<80x128xi32, #tpu.memory_space<vmem>>) target_semaphore(%run_scoped3A : memref<!tpu.dma_semaphore, #tpu.memory_space<semaphore_mem>>)
      %dma_wait3A_99 = arith.constant 0 : i32
      %dma_wait3A_100 = arith.constant 0 : i32
      %dma_wait3A_101 = tpu.memref_slice %arg4[%add3A, %dma_wait3A_99, %dma_wait3A_100] : memref<32x80x128xi32, #tpu.memory_space<hbm>> -> memref<1x80x128xi32, #tpu.memory_space<hbm>>
      %dma_wait3A_102 = tpu.memref_squeeze %dma_wait3A_101 : memref<1x80x128xi32, #tpu.memory_space<hbm>> -> memref<80x128xi32, #tpu.memory_space<hbm>>
      %dma_wait3A_103 = arith.constant 0 : i32
      %dma_wait3A_104 = arith.constant 0 : i32
      %dma_wait3A_105 = tpu.memref_slice %arg4[%add3A, %dma_wait3A_103, %dma_wait3A_104] : memref<32x80x128xi32, #tpu.memory_space<hbm>> -> memref<1x80x128xi32, #tpu.memory_space<hbm>>
      %dma_wait3A_106 = tpu.memref_squeeze %dma_wait3A_105 : memref<1x80x128xi32, #tpu.memory_space<hbm>> -> memref<80x128xi32, #tpu.memory_space<hbm>>
      tpu.wait_dma2 semaphore(%run_scoped3A : memref<!tpu.dma_semaphore, #tpu.memory_space<semaphore_mem>>) src(%dma_wait3A_106 : memref<80x128xi32, #tpu.memory_space<hbm>>) dst(%arg11 : memref<80x128xi32, #tpu.memory_space<vmem>>)
      tpu.yield
    }) : () -> ()
    %mul3A_1 = arith.constant 624 : i32
    %mul3A_2 = arith.muli %arg1, %mul3A_1 : i32
    %mul3A_3 = arith.constant 624 : i32
    %mul3A_4 = arith.muli %arg1, %mul3A_3 : i32
    "tpu.region"() ({
      %run_scoped3A = tpu.sem_alloc : memref<!tpu.dma_semaphore, #tpu.memory_space<semaphore_mem>>
      %dma_start3A_91 = arith.constant 0 : i32
      %dma_start3A_92 = tpu.memref_slice %arg14[%mul3A_4, %dma_start3A_91] : memref<10016x128xf32, #tpu.memory_space<vmem_shared>> -> memref<624x128xf32, #tpu.memory_space<vmem_shared>>
      %dma_start3A_93 = arith.constant 0 : i32
      %dma_start3A_94 = tpu.memref_slice %arg5[%mul3A_2, %dma_start3A_93] : memref<10000x128xf32, #tpu.memory_space<hbm>> -> memref<624x128xf32, #tpu.memory_space<hbm>>
      tpu.enqueue_dma source(%dma_start3A_94 : memref<624x128xf32, #tpu.memory_space<hbm>>) target(%dma_start3A_92 : memref<624x128xf32, #tpu.memory_space<vmem_shared>>) target_semaphore(%run_scoped3A : memref<!tpu.dma_semaphore, #tpu.memory_space<semaphore_mem>>)
      %dma_wait3A_95 = arith.constant 0 : i32
      %dma_wait3A_96 = tpu.memref_slice %arg14[%mul3A_4, %dma_wait3A_95] : memref<10016x128xf32, #tpu.memory_space<vmem_shared>> -> memref<624x128xf32, #tpu.memory_space<vmem_shared>>
      %dma_wait3A_97 = arith.constant 0 : i32
      %dma_wait3A_98 = tpu.memref_slice %arg5[%mul3A_2, %dma_wait3A_97] : memref<10000x128xf32, #tpu.memory_space<hbm>> -> memref<624x128xf32, #tpu.memory_space<hbm>>
      tpu.wait_dma2 semaphore(%run_scoped3A : memref<!tpu.dma_semaphore, #tpu.memory_space<semaphore_mem>>) src(%dma_wait3A_98 : memref<624x128xf32, #tpu.memory_space<hbm>>) dst(%dma_wait3A_96 : memref<624x128xf32, #tpu.memory_space<vmem_shared>>)
      tpu.yield
    }) : () -> ()
    %eq3A = arith.constant 0 : i32
    %eq3A_5 = arith.cmpi eq, %arg1, %eq3A : i32
    %convert_element_type3A = arith.extui %eq3A_5 : i1 to i32
    %cond3A = arith.constant 0 : i32
    %cond3A_6 = arith.cmpi ne, %convert_element_type3A, %cond3A : i32
    scf.if %cond3A_6 {
      "tpu.region"() ({
        %run_scoped3A = tpu.sem_alloc : memref<!tpu.dma_semaphore, #tpu.memory_space<semaphore_mem>>
        %dma_start3A_91 = arith.constant 9984 : i32
        %dma_start3A_92 = arith.constant 0 : i32
        %dma_start3A_93 = tpu.memref_slice %arg14[%dma_start3A_91, %dma_start3A_92] : memref<10016x128xf32, #tpu.memory_space<vmem_shared>> -> memref<16x128xf32, #tpu.memory_space<vmem_shared>>
        %dma_start3A_94 = arith.constant 9984 : i32
        %dma_start3A_95 = arith.constant 0 : i32
        %dma_start3A_96 = tpu.memref_slice %arg5[%dma_start3A_94, %dma_start3A_95] : memref<10000x128xf32, #tpu.memory_space<hbm>> -> memref<16x128xf32, #tpu.memory_space<hbm>>
        tpu.enqueue_dma source(%dma_start3A_96 : memref<16x128xf32, #tpu.memory_space<hbm>>) target(%dma_start3A_93 : memref<16x128xf32, #tpu.memory_space<vmem_shared>>) target_semaphore(%run_scoped3A : memref<!tpu.dma_semaphore, #tpu.memory_space<semaphore_mem>>)
        %dma_wait3A_97 = arith.constant 9984 : i32
        %dma_wait3A_98 = arith.constant 0 : i32
        %dma_wait3A_99 = tpu.memref_slice %arg14[%dma_wait3A_97, %dma_wait3A_98] : memref<10016x128xf32, #tpu.memory_space<vmem_shared>> -> memref<16x128xf32, #tpu.memory_space<vmem_shared>>
        %dma_wait3A_100 = arith.constant 9984 : i32
        %dma_wait3A_101 = arith.constant 0 : i32
        %dma_wait3A_102 = tpu.memref_slice %arg5[%dma_wait3A_100, %dma_wait3A_101] : memref<10000x128xf32, #tpu.memory_space<hbm>> -> memref<16x128xf32, #tpu.memory_space<hbm>>
        tpu.wait_dma2 semaphore(%run_scoped3A : memref<!tpu.dma_semaphore, #tpu.memory_space<semaphore_mem>>) src(%dma_wait3A_102 : memref<16x128xf32, #tpu.memory_space<hbm>>) dst(%dma_wait3A_99 : memref<16x128xf32, #tpu.memory_space<vmem_shared>>)
        tpu.yield
      }) : () -> ()
    } else {
    }
    %barrier3A = arith.constant 0 : index
    tpu.barrier barrier_id(%barrier3A)
    %dma_start3A = arith.constant 0 : i32
    %dma_start3A_7 = arith.constant 0 : i32
    %dma_start3A_8 = arith.constant 0 : i32
    %dma_start3A_9 = tpu.memref_slice %arg3[%add3A, %dma_start3A, %dma_start3A_8] : memref<32x80x128xi32, #tpu.memory_space<hbm>> -> memref<1x1x128xi32, #tpu.memory_space<hbm>>
    %dma_start3A_10 = tpu.memref_squeeze %dma_start3A_9 : memref<1x1x128xi32, #tpu.memory_space<hbm>> -> memref<128xi32, #tpu.memory_space<hbm>>
    %dma_start3A_11 = tpu.memref_slice %arg16[%dma_start3A_7] : memref<4x!tpu.dma_semaphore, #tpu.memory_space<semaphore_mem>> -> memref<1x!tpu.dma_semaphore, #tpu.memory_space<semaphore_mem>>
    %dma_start3A_12 = tpu.memref_squeeze %dma_start3A_11 : memref<1x!tpu.dma_semaphore, #tpu.memory_space<semaphore_mem>> -> memref<!tpu.dma_semaphore, #tpu.memory_space<semaphore_mem>>
    %dma_start3A_13 = arith.constant 0 : i32
    %dma_start3A_14 = tpu.memref_slice %arg3[%add3A, %dma_start3A, %dma_start3A_13] : memref<32x80x128xi32, #tpu.memory_space<hbm>> -> memref<1x1x128xi32, #tpu.memory_space<hbm>>
    %dma_start3A_15 = tpu.memref_squeeze %dma_start3A_14 : memref<1x1x128xi32, #tpu.memory_space<hbm>> -> memref<128xi32, #tpu.memory_space<hbm>>
    tpu.enqueue_dma source(%dma_start3A_15 : memref<128xi32, #tpu.memory_space<hbm>>) target(%arg7 : memref<128xi32, #tpu.memory_space<vmem>>) target_semaphore(%dma_start3A_12 : memref<!tpu.dma_semaphore, #tpu.memory_space<semaphore_mem>>)
    %dma_start3A_16 = arith.constant 1 : i32
    %dma_start3A_17 = arith.constant 1 : i32
    %dma_start3A_18 = arith.constant 0 : i32
    %dma_start3A_19 = tpu.memref_slice %arg3[%add3A, %dma_start3A_16, %dma_start3A_18] : memref<32x80x128xi32, #tpu.memory_space<hbm>> -> memref<1x1x128xi32, #tpu.memory_space<hbm>>
    %dma_start3A_20 = tpu.memref_squeeze %dma_start3A_19 : memref<1x1x128xi32, #tpu.memory_space<hbm>> -> memref<128xi32, #tpu.memory_space<hbm>>
    %dma_start3A_21 = tpu.memref_slice %arg16[%dma_start3A_17] : memref<4x!tpu.dma_semaphore, #tpu.memory_space<semaphore_mem>> -> memref<1x!tpu.dma_semaphore, #tpu.memory_space<semaphore_mem>>
    %dma_start3A_22 = tpu.memref_squeeze %dma_start3A_21 : memref<1x!tpu.dma_semaphore, #tpu.memory_space<semaphore_mem>> -> memref<!tpu.dma_semaphore, #tpu.memory_space<semaphore_mem>>
    %dma_start3A_23 = arith.constant 0 : i32
    %dma_start3A_24 = tpu.memref_slice %arg3[%add3A, %dma_start3A_16, %dma_start3A_23] : memref<32x80x128xi32, #tpu.memory_space<hbm>> -> memref<1x1x128xi32, #tpu.memory_space<hbm>>
    %dma_start3A_25 = tpu.memref_squeeze %dma_start3A_24 : memref<1x1x128xi32, #tpu.memory_space<hbm>> -> memref<128xi32, #tpu.memory_space<hbm>>
    tpu.enqueue_dma source(%dma_start3A_25 : memref<128xi32, #tpu.memory_space<hbm>>) target(%arg8 : memref<128xi32, #tpu.memory_space<vmem>>) target_semaphore(%dma_start3A_22 : memref<!tpu.dma_semaphore, #tpu.memory_space<semaphore_mem>>)
    %dma_start3A_26 = arith.constant 2 : i32
    %dma_start3A_27 = arith.constant 2 : i32
    %dma_start3A_28 = arith.constant 0 : i32
    %dma_start3A_29 = tpu.memref_slice %arg3[%add3A, %dma_start3A_26, %dma_start3A_28] : memref<32x80x128xi32, #tpu.memory_space<hbm>> -> memref<1x1x128xi32, #tpu.memory_space<hbm>>
    %dma_start3A_30 = tpu.memref_squeeze %dma_start3A_29 : memref<1x1x128xi32, #tpu.memory_space<hbm>> -> memref<128xi32, #tpu.memory_space<hbm>>
    %dma_start3A_31 = tpu.memref_slice %arg16[%dma_start3A_27] : memref<4x!tpu.dma_semaphore, #tpu.memory_space<semaphore_mem>> -> memref<1x!tpu.dma_semaphore, #tpu.memory_space<semaphore_mem>>
    %dma_start3A_32 = tpu.memref_squeeze %dma_start3A_31 : memref<1x!tpu.dma_semaphore, #tpu.memory_space<semaphore_mem>> -> memref<!tpu.dma_semaphore, #tpu.memory_space<semaphore_mem>>
    %dma_start3A_33 = arith.constant 0 : i32
    %dma_start3A_34 = tpu.memref_slice %arg3[%add3A, %dma_start3A_26, %dma_start3A_33] : memref<32x80x128xi32, #tpu.memory_space<hbm>> -> memref<1x1x128xi32, #tpu.memory_space<hbm>>
    %dma_start3A_35 = tpu.memref_squeeze %dma_start3A_34 : memref<1x1x128xi32, #tpu.memory_space<hbm>> -> memref<128xi32, #tpu.memory_space<hbm>>
    tpu.enqueue_dma source(%dma_start3A_35 : memref<128xi32, #tpu.memory_space<hbm>>) target(%arg9 : memref<128xi32, #tpu.memory_space<vmem>>) target_semaphore(%dma_start3A_32 : memref<!tpu.dma_semaphore, #tpu.memory_space<semaphore_mem>>)
    %dma_start3A_36 = arith.constant 3 : i32
    %dma_start3A_37 = arith.constant 3 : i32
    %dma_start3A_38 = arith.constant 0 : i32
    %dma_start3A_39 = tpu.memref_slice %arg3[%add3A, %dma_start3A_36, %dma_start3A_38] : memref<32x80x128xi32, #tpu.memory_space<hbm>> -> memref<1x1x128xi32, #tpu.memory_space<hbm>>
    %dma_start3A_40 = tpu.memref_squeeze %dma_start3A_39 : memref<1x1x128xi32, #tpu.memory_space<hbm>> -> memref<128xi32, #tpu.memory_space<hbm>>
    %dma_start3A_41 = tpu.memref_slice %arg16[%dma_start3A_37] : memref<4x!tpu.dma_semaphore, #tpu.memory_space<semaphore_mem>> -> memref<1x!tpu.dma_semaphore, #tpu.memory_space<semaphore_mem>>
    %dma_start3A_42 = tpu.memref_squeeze %dma_start3A_41 : memref<1x!tpu.dma_semaphore, #tpu.memory_space<semaphore_mem>> -> memref<!tpu.dma_semaphore, #tpu.memory_space<semaphore_mem>>
    %dma_start3A_43 = arith.constant 0 : i32
    %dma_start3A_44 = tpu.memref_slice %arg3[%add3A, %dma_start3A_36, %dma_start3A_43] : memref<32x80x128xi32, #tpu.memory_space<hbm>> -> memref<1x1x128xi32, #tpu.memory_space<hbm>>
    %dma_start3A_45 = tpu.memref_squeeze %dma_start3A_44 : memref<1x1x128xi32, #tpu.memory_space<hbm>> -> memref<128xi32, #tpu.memory_space<hbm>>
    tpu.enqueue_dma source(%dma_start3A_45 : memref<128xi32, #tpu.memory_space<hbm>>) target(%arg10 : memref<128xi32, #tpu.memory_space<vmem>>) target_semaphore(%dma_start3A_42 : memref<!tpu.dma_semaphore, #tpu.memory_space<semaphore_mem>>)
    %dma_wait3A = arith.constant 0 : i32
    %dma_wait3A_46 = arith.constant 0 : i32
    %dma_wait3A_47 = arith.constant 0 : i32
    %dma_wait3A_48 = tpu.memref_slice %arg3[%add3A, %dma_wait3A, %dma_wait3A_47] : memref<32x80x128xi32, #tpu.memory_space<hbm>> -> memref<1x1x128xi32, #tpu.memory_space<hbm>>
    %dma_wait3A_49 = tpu.memref_squeeze %dma_wait3A_48 : memref<1x1x128xi32, #tpu.memory_space<hbm>> -> memref<128xi32, #tpu.memory_space<hbm>>
    %dma_wait3A_50 = tpu.memref_slice %arg16[%dma_wait3A_46] : memref<4x!tpu.dma_semaphore, #tpu.memory_space<semaphore_mem>> -> memref<1x!tpu.dma_semaphore, #tpu.memory_space<semaphore_mem>>
    %dma_wait3A_51 = tpu.memref_squeeze %dma_wait3A_50 : memref<1x!tpu.dma_semaphore, #tpu.memory_space<semaphore_mem>> -> memref<!tpu.dma_semaphore, #tpu.memory_space<semaphore_mem>>
    %dma_wait3A_52 = arith.constant 0 : i32
    %dma_wait3A_53 = tpu.memref_slice %arg3[%add3A, %dma_wait3A, %dma_wait3A_52] : memref<32x80x128xi32, #tpu.memory_space<hbm>> -> memref<1x1x128xi32, #tpu.memory_space<hbm>>
    %dma_wait3A_54 = tpu.memref_squeeze %dma_wait3A_53 : memref<1x1x128xi32, #tpu.memory_space<hbm>> -> memref<128xi32, #tpu.memory_space<hbm>>
    tpu.wait_dma2 semaphore(%dma_wait3A_51 : memref<!tpu.dma_semaphore, #tpu.memory_space<semaphore_mem>>) src(%dma_wait3A_54 : memref<128xi32, #tpu.memory_space<hbm>>) dst(%arg7 : memref<128xi32, #tpu.memory_space<vmem>>)
    %dma_start3A_55 = arith.constant 0 : i32
    %dma_start3A_56 = arith.constant 0 : i32
    %dma_start3A_57 = arith.constant 0 : i32
    %dma_start3A_58 = tpu.memref_slice %arg2[%dma_start3A_56, %dma_start3A_57] : memref<10000x128xf32, #tpu.memory_space<hbm>> -> memref<10000x128xf32, #tpu.memory_space<hbm>>
    %dma_start3A_59 = tpu.memref_slice %arg15[%dma_start3A_55] : memref<2x!tpu.dma_semaphore, #tpu.memory_space<semaphore_mem>> -> memref<1x!tpu.dma_semaphore, #tpu.memory_space<semaphore_mem>>
    %dma_start3A_60 = tpu.memref_squeeze %dma_start3A_59 : memref<1x!tpu.dma_semaphore, #tpu.memory_space<semaphore_mem>> -> memref<!tpu.dma_semaphore, #tpu.memory_space<semaphore_mem>>
    tpu.enqueue_indirect_dma source(%dma_start3A_58 : memref<10000x128xf32, #tpu.memory_space<hbm>>) target(%arg12 : memref<128x128xf32, #tpu.memory_space<vmem>>) offsets(%arg7 : memref<128xi32, #tpu.memory_space<vmem>>) semaphore(%dma_start3A_60 : memref<!tpu.dma_semaphore, #tpu.memory_space<semaphore_mem>>)
    %dma_wait3A_61 = arith.constant 0 : i32
    %dma_wait3A_62 = arith.constant 1 : i32
    %dma_wait3A_63 = arith.constant 0 : i32
    %dma_wait3A_64 = tpu.memref_slice %arg3[%add3A, %dma_wait3A_61, %dma_wait3A_63] : memref<32x80x128xi32, #tpu.memory_space<hbm>> -> memref<1x1x128xi32, #tpu.memory_space<hbm>>
    %dma_wait3A_65 = tpu.memref_squeeze %dma_wait3A_64 : memref<1x1x128xi32, #tpu.memory_space<hbm>> -> memref<128xi32, #tpu.memory_space<hbm>>
    %dma_wait3A_66 = tpu.memref_slice %arg16[%dma_wait3A_62] : memref<4x!tpu.dma_semaphore, #tpu.memory_space<semaphore_mem>> -> memref<1x!tpu.dma_semaphore, #tpu.memory_space<semaphore_mem>>
    %dma_wait3A_67 = tpu.memref_squeeze %dma_wait3A_66 : memref<1x!tpu.dma_semaphore, #tpu.memory_space<semaphore_mem>> -> memref<!tpu.dma_semaphore, #tpu.memory_space<semaphore_mem>>
    %dma_wait3A_68 = arith.constant 0 : i32
    %dma_wait3A_69 = tpu.memref_slice %arg3[%add3A, %dma_wait3A_61, %dma_wait3A_68] : memref<32x80x128xi32, #tpu.memory_space<hbm>> -> memref<1x1x128xi32, #tpu.memory_space<hbm>>
    %dma_wait3A_70 = tpu.memref_squeeze %dma_wait3A_69 : memref<1x1x128xi32, #tpu.memory_space<hbm>> -> memref<128xi32, #tpu.memory_space<hbm>>
    tpu.wait_dma2 semaphore(%dma_wait3A_67 : memref<!tpu.dma_semaphore, #tpu.memory_space<semaphore_mem>>) src(%dma_wait3A_70 : memref<128xi32, #tpu.memory_space<hbm>>) dst(%arg8 : memref<128xi32, #tpu.memory_space<vmem>>)
    %dma_start3A_71 = arith.constant 1 : i32
    %dma_start3A_72 = arith.constant 0 : i32
    %dma_start3A_73 = arith.constant 0 : i32
    %dma_start3A_74 = tpu.memref_slice %arg2[%dma_start3A_72, %dma_start3A_73] : memref<10000x128xf32, #tpu.memory_space<hbm>> -> memref<10000x128xf32, #tpu.memory_space<hbm>>
    %dma_start3A_75 = tpu.memref_slice %arg15[%dma_start3A_71] : memref<2x!tpu.dma_semaphore, #tpu.memory_space<semaphore_mem>> -> memref<1x!tpu.dma_semaphore, #tpu.memory_space<semaphore_mem>>
    %dma_start3A_76 = tpu.memref_squeeze %dma_start3A_75 : memref<1x!tpu.dma_semaphore, #tpu.memory_space<semaphore_mem>> -> memref<!tpu.dma_semaphore, #tpu.memory_space<semaphore_mem>>
    tpu.enqueue_indirect_dma source(%dma_start3A_74 : memref<10000x128xf32, #tpu.memory_space<hbm>>) target(%arg13 : memref<128x128xf32, #tpu.memory_space<vmem>>) offsets(%arg8 : memref<128xi32, #tpu.memory_space<vmem>>) semaphore(%dma_start3A_76 : memref<!tpu.dma_semaphore, #tpu.memory_space<semaphore_mem>>)
    %scan3A = arith.constant 0 : i32
    %scan3A_77 = arith.constant 20 : i32
    %scan3A_78 = arith.addi %scan3A, %scan3A_77 : i32
    %scan3A_79 = arith.constant 1 : i32
    scf.for %scan3A_91 = %scan3A to %scan3A_78 step %scan3A_79  : i32 {
      %mul3A_92 = arith.constant 4 : i32
      %mul3A_93 = arith.muli %scan3A_91, %mul3A_92 : i32
      %add3A_94 = arith.constant 0 : i32
      %add3A_95 = arith.addi %add3A_94, %mul3A_93 : i32
      %add3A_96 = arith.constant 0 : i32
      %add3A_97 = arith.addi %add3A_95, %add3A_96 : i32
      %dma_wait3A_98 = arith.constant 0 : i32
      %dma_wait3A_99 = arith.constant 0 : i32
      %dma_wait3A_100 = arith.constant 0 : i32
      %dma_wait3A_101 = tpu.memref_slice %arg2[%dma_wait3A_99, %dma_wait3A_100] : memref<10000x128xf32, #tpu.memory_space<hbm>> -> memref<128x128xf32, #tpu.memory_space<hbm>>
      %dma_wait3A_102 = tpu.memref_slice %arg15[%dma_wait3A_98] : memref<2x!tpu.dma_semaphore, #tpu.memory_space<semaphore_mem>> -> memref<1x!tpu.dma_semaphore, #tpu.memory_space<semaphore_mem>>
      %dma_wait3A_103 = tpu.memref_squeeze %dma_wait3A_102 : memref<1x!tpu.dma_semaphore, #tpu.memory_space<semaphore_mem>> -> memref<!tpu.dma_semaphore, #tpu.memory_space<semaphore_mem>>
      %dma_wait3A_104 = arith.constant 0 : i32
      %dma_wait3A_105 = arith.constant 0 : i32
      %dma_wait3A_106 = tpu.memref_slice %arg2[%dma_wait3A_104, %dma_wait3A_105] : memref<10000x128xf32, #tpu.memory_space<hbm>> -> memref<128x128xf32, #tpu.memory_space<hbm>>
      tpu.wait_dma2 semaphore(%dma_wait3A_103 : memref<!tpu.dma_semaphore, #tpu.memory_space<semaphore_mem>>) src(%dma_wait3A_106 : memref<128x128xf32, #tpu.memory_space<hbm>>) dst(%arg12 : memref<128x128xf32, #tpu.memory_space<vmem>>)
      "tpu.region"() ({
        %run_scoped3A = tpu.sem_alloc : memref<!tpu.dma_semaphore, #tpu.memory_space<semaphore_mem>>
        %dma_start3A_195 = arith.constant 0 : i32
        %dma_start3A_196 = tpu.memref_slice %arg11[%add3A_97, %dma_start3A_195] : memref<80x128xi32, #tpu.memory_space<vmem>> -> memref<1x128xi32, #tpu.memory_space<vmem>>
        %dma_start3A_197 = tpu.memref_squeeze %dma_start3A_196 : memref<1x128xi32, #tpu.memory_space<vmem>> -> memref<128xi32, #tpu.memory_space<vmem>>
        %dma_start3A_198 = arith.constant 0 : i32
        %dma_start3A_199 = arith.constant 0 : i32
        %dma_start3A_200 = tpu.memref_slice %arg14[%dma_start3A_198, %dma_start3A_199] : memref<10016x128xf32, #tpu.memory_space<vmem_shared>> -> memref<10016x128xf32, #tpu.memory_space<vmem_shared>>
        tpu.enqueue_indirect_dma source(%arg12 : memref<128x128xf32, #tpu.memory_space<vmem>>) target(%dma_start3A_200 : memref<10016x128xf32, #tpu.memory_space<vmem_shared>>) offsets(%dma_start3A_197 : memref<128xi32, #tpu.memory_space<vmem>>) semaphore(%run_scoped3A : memref<!tpu.dma_semaphore, #tpu.memory_space<semaphore_mem>>) {add = true}
        %dma_wait3A_201 = arith.constant 0 : i32
        %dma_wait3A_202 = tpu.memref_slice %arg11[%add3A_97, %dma_wait3A_201] : memref<80x128xi32, #tpu.memory_space<vmem>> -> memref<1x128xi32, #tpu.memory_space<vmem>>
        %dma_wait3A_203 = tpu.memref_squeeze %dma_wait3A_202 : memref<1x128xi32, #tpu.memory_space<vmem>> -> memref<128xi32, #tpu.memory_space<vmem>>
        %dma_wait3A_204 = arith.constant 0 : i32
        %dma_wait3A_205 = arith.constant 0 : i32
        %dma_wait3A_206 = tpu.memref_slice %arg14[%dma_wait3A_204, %dma_wait3A_205] : memref<10016x128xf32, #tpu.memory_space<vmem_shared>> -> memref<10016x128xf32, #tpu.memory_space<vmem_shared>>
        tpu.wait_indirect_dma semaphore(%run_scoped3A : memref<!tpu.dma_semaphore, #tpu.memory_space<semaphore_mem>>) src(%arg12 : memref<128x128xf32, #tpu.memory_space<vmem>>) dst(%dma_wait3A_206 : memref<10016x128xf32, #tpu.memory_space<vmem_shared>>)
        tpu.yield
      }) : () -> ()
      %add3A_107 = arith.constant 4 : i32
      %add3A_108 = arith.addi %add3A_97, %add3A_107 : i32
      %lt3A = arith.constant 80 : i32
      %lt3A_109 = arith.cmpi slt, %add3A_108, %lt3A : i32
      %convert_element_type3A_110 = arith.extui %lt3A_109 : i1 to i32
      %cond3A_111 = arith.constant 0 : i32
      %cond3A_112 = arith.cmpi ne, %convert_element_type3A_110, %cond3A_111 : i32
      scf.if %cond3A_112 {
        %add3A_195 = arith.constant 4 : i32
        %add3A_196 = arith.addi %add3A_97, %add3A_195 : i32
        %dma_start3A_197 = arith.constant 0 : i32
        %dma_start3A_198 = arith.constant 0 : i32
        %dma_start3A_199 = tpu.memref_slice %arg3[%add3A, %add3A_196, %dma_start3A_198] : memref<32x80x128xi32, #tpu.memory_space<hbm>> -> memref<1x1x128xi32, #tpu.memory_space<hbm>>
        %dma_start3A_200 = tpu.memref_squeeze %dma_start3A_199 : memref<1x1x128xi32, #tpu.memory_space<hbm>> -> memref<128xi32, #tpu.memory_space<hbm>>
        %dma_start3A_201 = tpu.memref_slice %arg16[%dma_start3A_197] : memref<4x!tpu.dma_semaphore, #tpu.memory_space<semaphore_mem>> -> memref<1x!tpu.dma_semaphore, #tpu.memory_space<semaphore_mem>>
        %dma_start3A_202 = tpu.memref_squeeze %dma_start3A_201 : memref<1x!tpu.dma_semaphore, #tpu.memory_space<semaphore_mem>> -> memref<!tpu.dma_semaphore, #tpu.memory_space<semaphore_mem>>
        %dma_start3A_203 = arith.constant 0 : i32
        %dma_start3A_204 = tpu.memref_slice %arg3[%add3A, %add3A_196, %dma_start3A_203] : memref<32x80x128xi32, #tpu.memory_space<hbm>> -> memref<1x1x128xi32, #tpu.memory_space<hbm>>
        %dma_start3A_205 = tpu.memref_squeeze %dma_start3A_204 : memref<1x1x128xi32, #tpu.memory_space<hbm>> -> memref<128xi32, #tpu.memory_space<hbm>>
        tpu.enqueue_dma source(%dma_start3A_205 : memref<128xi32, #tpu.memory_space<hbm>>) target(%arg7 : memref<128xi32, #tpu.memory_space<vmem>>) target_semaphore(%dma_start3A_202 : memref<!tpu.dma_semaphore, #tpu.memory_space<semaphore_mem>>)
      } else {
      }
      %add3A_113 = arith.constant 2 : i32
      %add3A_114 = arith.addi %add3A_97, %add3A_113 : i32
      %lt3A_115 = arith.constant 80 : i32
      %lt3A_116 = arith.cmpi slt, %add3A_114, %lt3A_115 : i32
      %convert_element_type3A_117 = arith.extui %lt3A_116 : i1 to i32
      %cond3A_118 = arith.constant 0 : i32
      %cond3A_119 = arith.cmpi ne, %convert_element_type3A_117, %cond3A_118 : i32
      scf.if %cond3A_119 {
        %dma_wait3A_195 = arith.constant 0 : i32
        %dma_wait3A_196 = arith.constant 2 : i32
        %dma_wait3A_197 = arith.constant 0 : i32
        %dma_wait3A_198 = tpu.memref_slice %arg3[%add3A, %dma_wait3A_195, %dma_wait3A_197] : memref<32x80x128xi32, #tpu.memory_space<hbm>> -> memref<1x1x128xi32, #tpu.memory_space<hbm>>
        %dma_wait3A_199 = tpu.memref_squeeze %dma_wait3A_198 : memref<1x1x128xi32, #tpu.memory_space<hbm>> -> memref<128xi32, #tpu.memory_space<hbm>>
        %dma_wait3A_200 = tpu.memref_slice %arg16[%dma_wait3A_196] : memref<4x!tpu.dma_semaphore, #tpu.memory_space<semaphore_mem>> -> memref<1x!tpu.dma_semaphore, #tpu.memory_space<semaphore_mem>>
        %dma_wait3A_201 = tpu.memref_squeeze %dma_wait3A_200 : memref<1x!tpu.dma_semaphore, #tpu.memory_space<semaphore_mem>> -> memref<!tpu.dma_semaphore, #tpu.memory_space<semaphore_mem>>
        %dma_wait3A_202 = arith.constant 0 : i32
        %dma_wait3A_203 = tpu.memref_slice %arg3[%add3A, %dma_wait3A_195, %dma_wait3A_202] : memref<32x80x128xi32, #tpu.memory_space<hbm>> -> memref<1x1x128xi32, #tpu.memory_space<hbm>>
        %dma_wait3A_204 = tpu.memref_squeeze %dma_wait3A_203 : memref<1x1x128xi32, #tpu.memory_space<hbm>> -> memref<128xi32, #tpu.memory_space<hbm>>
        tpu.wait_dma2 semaphore(%dma_wait3A_201 : memref<!tpu.dma_semaphore, #tpu.memory_space<semaphore_mem>>) src(%dma_wait3A_204 : memref<128xi32, #tpu.memory_space<hbm>>) dst(%arg9 : memref<128xi32, #tpu.memory_space<vmem>>)
        %dma_start3A_205 = arith.constant 0 : i32
        %dma_start3A_206 = arith.constant 0 : i32
        %dma_start3A_207 = arith.constant 0 : i32
        %dma_start3A_208 = tpu.memref_slice %arg2[%dma_start3A_206, %dma_start3A_207] : memref<10000x128xf32, #tpu.memory_space<hbm>> -> memref<10000x128xf32, #tpu.memory_space<hbm>>
        %dma_start3A_209 = tpu.memref_slice %arg15[%dma_start3A_205] : memref<2x!tpu.dma_semaphore, #tpu.memory_space<semaphore_mem>> -> memref<1x!tpu.dma_semaphore, #tpu.memory_space<semaphore_mem>>
        %dma_start3A_210 = tpu.memref_squeeze %dma_start3A_209 : memref<1x!tpu.dma_semaphore, #tpu.memory_space<semaphore_mem>> -> memref<!tpu.dma_semaphore, #tpu.memory_space<semaphore_mem>>
        tpu.enqueue_indirect_dma source(%dma_start3A_208 : memref<10000x128xf32, #tpu.memory_space<hbm>>) target(%arg12 : memref<128x128xf32, #tpu.memory_space<vmem>>) offsets(%arg9 : memref<128xi32, #tpu.memory_space<vmem>>) semaphore(%dma_start3A_210 : memref<!tpu.dma_semaphore, #tpu.memory_space<semaphore_mem>>)
      } else {
      }
      %add3A_120 = arith.constant 1 : i32
      %add3A_121 = arith.addi %add3A_95, %add3A_120 : i32
      %dma_wait3A_122 = arith.constant 1 : i32
      %dma_wait3A_123 = arith.constant 0 : i32
      %dma_wait3A_124 = arith.constant 0 : i32
      %dma_wait3A_125 = tpu.memref_slice %arg2[%dma_wait3A_123, %dma_wait3A_124] : memref<10000x128xf32, #tpu.memory_space<hbm>> -> memref<128x128xf32, #tpu.memory_space<hbm>>
      %dma_wait3A_126 = tpu.memref_slice %arg15[%dma_wait3A_122] : memref<2x!tpu.dma_semaphore, #tpu.memory_space<semaphore_mem>> -> memref<1x!tpu.dma_semaphore, #tpu.memory_space<semaphore_mem>>
      %dma_wait3A_127 = tpu.memref_squeeze %dma_wait3A_126 : memref<1x!tpu.dma_semaphore, #tpu.memory_space<semaphore_mem>> -> memref<!tpu.dma_semaphore, #tpu.memory_space<semaphore_mem>>
      %dma_wait3A_128 = arith.constant 0 : i32
      %dma_wait3A_129 = arith.constant 0 : i32
      %dma_wait3A_130 = tpu.memref_slice %arg2[%dma_wait3A_128, %dma_wait3A_129] : memref<10000x128xf32, #tpu.memory_space<hbm>> -> memref<128x128xf32, #tpu.memory_space<hbm>>
      tpu.wait_dma2 semaphore(%dma_wait3A_127 : memref<!tpu.dma_semaphore, #tpu.memory_space<semaphore_mem>>) src(%dma_wait3A_130 : memref<128x128xf32, #tpu.memory_space<hbm>>) dst(%arg13 : memref<128x128xf32, #tpu.memory_space<vmem>>)
      "tpu.region"() ({
        %run_scoped3A = tpu.sem_alloc : memref<!tpu.dma_semaphore, #tpu.memory_space<semaphore_mem>>
        %dma_start3A_195 = arith.constant 0 : i32
        %dma_start3A_196 = tpu.memref_slice %arg11[%add3A_121, %dma_start3A_195] : memref<80x128xi32, #tpu.memory_space<vmem>> -> memref<1x128xi32, #tpu.memory_space<vmem>>
        %dma_start3A_197 = tpu.memref_squeeze %dma_start3A_196 : memref<1x128xi32, #tpu.memory_space<vmem>> -> memref<128xi32, #tpu.memory_space<vmem>>
        %dma_start3A_198 = arith.constant 0 : i32
        %dma_start3A_199 = arith.constant 0 : i32
        %dma_start3A_200 = tpu.memref_slice %arg14[%dma_start3A_198, %dma_start3A_199] : memref<10016x128xf32, #tpu.memory_space<vmem_shared>> -> memref<10016x128xf32, #tpu.memory_space<vmem_shared>>
        tpu.enqueue_indirect_dma source(%arg13 : memref<128x128xf32, #tpu.memory_space<vmem>>) target(%dma_start3A_200 : memref<10016x128xf32, #tpu.memory_space<vmem_shared>>) offsets(%dma_start3A_197 : memref<128xi32, #tpu.memory_space<vmem>>) semaphore(%run_scoped3A : memref<!tpu.dma_semaphore, #tpu.memory_space<semaphore_mem>>) {add = true}
        %dma_wait3A_201 = arith.constant 0 : i32
        %dma_wait3A_202 = tpu.memref_slice %arg11[%add3A_121, %dma_wait3A_201] : memref<80x128xi32, #tpu.memory_space<vmem>> -> memref<1x128xi32, #tpu.memory_space<vmem>>
        %dma_wait3A_203 = tpu.memref_squeeze %dma_wait3A_202 : memref<1x128xi32, #tpu.memory_space<vmem>> -> memref<128xi32, #tpu.memory_space<vmem>>
        %dma_wait3A_204 = arith.constant 0 : i32
        %dma_wait3A_205 = arith.constant 0 : i32
        %dma_wait3A_206 = tpu.memref_slice %arg14[%dma_wait3A_204, %dma_wait3A_205] : memref<10016x128xf32, #tpu.memory_space<vmem_shared>> -> memref<10016x128xf32, #tpu.memory_space<vmem_shared>>
        tpu.wait_indirect_dma semaphore(%run_scoped3A : memref<!tpu.dma_semaphore, #tpu.memory_space<semaphore_mem>>) src(%arg13 : memref<128x128xf32, #tpu.memory_space<vmem>>) dst(%dma_wait3A_206 : memref<10016x128xf32, #tpu.memory_space<vmem_shared>>)
        tpu.yield
      }) : () -> ()
      %add3A_131 = arith.constant 4 : i32
      %add3A_132 = arith.addi %add3A_121, %add3A_131 : i32
      %lt3A_133 = arith.constant 80 : i32
      %lt3A_134 = arith.cmpi slt, %add3A_132, %lt3A_133 : i32
      %convert_element_type3A_135 = arith.extui %lt3A_134 : i1 to i32
      %cond3A_136 = arith.constant 0 : i32
      %cond3A_137 = arith.cmpi ne, %convert_element_type3A_135, %cond3A_136 : i32
      scf.if %cond3A_137 {
        %add3A_195 = arith.constant 4 : i32
        %add3A_196 = arith.addi %add3A_121, %add3A_195 : i32
        %dma_start3A_197 = arith.constant 1 : i32
        %dma_start3A_198 = arith.constant 0 : i32
        %dma_start3A_199 = tpu.memref_slice %arg3[%add3A, %add3A_196, %dma_start3A_198] : memref<32x80x128xi32, #tpu.memory_space<hbm>> -> memref<1x1x128xi32, #tpu.memory_space<hbm>>
        %dma_start3A_200 = tpu.memref_squeeze %dma_start3A_199 : memref<1x1x128xi32, #tpu.memory_space<hbm>> -> memref<128xi32, #tpu.memory_space<hbm>>
        %dma_start3A_201 = tpu.memref_slice %arg16[%dma_start3A_197] : memref<4x!tpu.dma_semaphore, #tpu.memory_space<semaphore_mem>> -> memref<1x!tpu.dma_semaphore, #tpu.memory_space<semaphore_mem>>
        %dma_start3A_202 = tpu.memref_squeeze %dma_start3A_201 : memref<1x!tpu.dma_semaphore, #tpu.memory_space<semaphore_mem>> -> memref<!tpu.dma_semaphore, #tpu.memory_space<semaphore_mem>>
        %dma_start3A_203 = arith.constant 0 : i32
        %dma_start3A_204 = tpu.memref_slice %arg3[%add3A, %add3A_196, %dma_start3A_203] : memref<32x80x128xi32, #tpu.memory_space<hbm>> -> memref<1x1x128xi32, #tpu.memory_space<hbm>>
        %dma_start3A_205 = tpu.memref_squeeze %dma_start3A_204 : memref<1x1x128xi32, #tpu.memory_space<hbm>> -> memref<128xi32, #tpu.memory_space<hbm>>
        tpu.enqueue_dma source(%dma_start3A_205 : memref<128xi32, #tpu.memory_space<hbm>>) target(%arg8 : memref<128xi32, #tpu.memory_space<vmem>>) target_semaphore(%dma_start3A_202 : memref<!tpu.dma_semaphore, #tpu.memory_space<semaphore_mem>>)
      } else {
      }
      %add3A_138 = arith.constant 2 : i32
      %add3A_139 = arith.addi %add3A_121, %add3A_138 : i32
      %lt3A_140 = arith.constant 80 : i32
      %lt3A_141 = arith.cmpi slt, %add3A_139, %lt3A_140 : i32
      %convert_element_type3A_142 = arith.extui %lt3A_141 : i1 to i32
      %cond3A_143 = arith.constant 0 : i32
      %cond3A_144 = arith.cmpi ne, %convert_element_type3A_142, %cond3A_143 : i32
      scf.if %cond3A_144 {
        %dma_wait3A_195 = arith.constant 0 : i32
        %dma_wait3A_196 = arith.constant 3 : i32
        %dma_wait3A_197 = arith.constant 0 : i32
        %dma_wait3A_198 = tpu.memref_slice %arg3[%add3A, %dma_wait3A_195, %dma_wait3A_197] : memref<32x80x128xi32, #tpu.memory_space<hbm>> -> memref<1x1x128xi32, #tpu.memory_space<hbm>>
        %dma_wait3A_199 = tpu.memref_squeeze %dma_wait3A_198 : memref<1x1x128xi32, #tpu.memory_space<hbm>> -> memref<128xi32, #tpu.memory_space<hbm>>
        %dma_wait3A_200 = tpu.memref_slice %arg16[%dma_wait3A_196] : memref<4x!tpu.dma_semaphore, #tpu.memory_space<semaphore_mem>> -> memref<1x!tpu.dma_semaphore, #tpu.memory_space<semaphore_mem>>
        %dma_wait3A_201 = tpu.memref_squeeze %dma_wait3A_200 : memref<1x!tpu.dma_semaphore, #tpu.memory_space<semaphore_mem>> -> memref<!tpu.dma_semaphore, #tpu.memory_space<semaphore_mem>>
        %dma_wait3A_202 = arith.constant 0 : i32
        %dma_wait3A_203 = tpu.memref_slice %arg3[%add3A, %dma_wait3A_195, %dma_wait3A_202] : memref<32x80x128xi32, #tpu.memory_space<hbm>> -> memref<1x1x128xi32, #tpu.memory_space<hbm>>
        %dma_wait3A_204 = tpu.memref_squeeze %dma_wait3A_203 : memref<1x1x128xi32, #tpu.memory_space<hbm>> -> memref<128xi32, #tpu.memory_space<hbm>>
        tpu.wait_dma2 semaphore(%dma_wait3A_201 : memref<!tpu.dma_semaphore, #tpu.memory_space<semaphore_mem>>) src(%dma_wait3A_204 : memref<128xi32, #tpu.memory_space<hbm>>) dst(%arg10 : memref<128xi32, #tpu.memory_space<vmem>>)
        %dma_start3A_205 = arith.constant 1 : i32
        %dma_start3A_206 = arith.constant 0 : i32
        %dma_start3A_207 = arith.constant 0 : i32
        %dma_start3A_208 = tpu.memref_slice %arg2[%dma_start3A_206, %dma_start3A_207] : memref<10000x128xf32, #tpu.memory_space<hbm>> -> memref<10000x128xf32, #tpu.memory_space<hbm>>
        %dma_start3A_209 = tpu.memref_slice %arg15[%dma_start3A_205] : memref<2x!tpu.dma_semaphore, #tpu.memory_space<semaphore_mem>> -> memref<1x!tpu.dma_semaphore, #tpu.memory_space<semaphore_mem>>
        %dma_start3A_210 = tpu.memref_squeeze %dma_start3A_209 : memref<1x!tpu.dma_semaphore, #tpu.memory_space<semaphore_mem>> -> memref<!tpu.dma_semaphore, #tpu.memory_space<semaphore_mem>>
        tpu.enqueue_indirect_dma source(%dma_start3A_208 : memref<10000x128xf32, #tpu.memory_space<hbm>>) target(%arg13 : memref<128x128xf32, #tpu.memory_space<vmem>>) offsets(%arg10 : memref<128xi32, #tpu.memory_space<vmem>>) semaphore(%dma_start3A_210 : memref<!tpu.dma_semaphore, #tpu.memory_space<semaphore_mem>>)
      } else {
      }
      %add3A_145 = arith.constant 2 : i32
      %add3A_146 = arith.addi %add3A_95, %add3A_145 : i32
      %dma_wait3A_147 = arith.constant 0 : i32
      %dma_wait3A_148 = arith.constant 0 : i32
      %dma_wait3A_149 = arith.constant 0 : i32
      %dma_wait3A_150 = tpu.memref_slice %arg2[%dma_wait3A_148, %dma_wait3A_149] : memref<10000x128xf32, #tpu.memory_space<hbm>> -> memref<128x128xf32, #tpu.memory_space<hbm>>
      %dma_wait3A_151 = tpu.memref_slice %arg15[%dma_wait3A_147] : memref<2x!tpu.dma_semaphore, #tpu.memory_space<semaphore_mem>> -> memref<1x!tpu.dma_semaphore, #tpu.memory_space<semaphore_mem>>
      %dma_wait3A_152 = tpu.memref_squeeze %dma_wait3A_151 : memref<1x!tpu.dma_semaphore, #tpu.memory_space<semaphore_mem>> -> memref<!tpu.dma_semaphore, #tpu.memory_space<semaphore_mem>>
      %dma_wait3A_153 = arith.constant 0 : i32
      %dma_wait3A_154 = arith.constant 0 : i32
      %dma_wait3A_155 = tpu.memref_slice %arg2[%dma_wait3A_153, %dma_wait3A_154] : memref<10000x128xf32, #tpu.memory_space<hbm>> -> memref<128x128xf32, #tpu.memory_space<hbm>>
      tpu.wait_dma2 semaphore(%dma_wait3A_152 : memref<!tpu.dma_semaphore, #tpu.memory_space<semaphore_mem>>) src(%dma_wait3A_155 : memref<128x128xf32, #tpu.memory_space<hbm>>) dst(%arg12 : memref<128x128xf32, #tpu.memory_space<vmem>>)
      "tpu.region"() ({
        %run_scoped3A = tpu.sem_alloc : memref<!tpu.dma_semaphore, #tpu.memory_space<semaphore_mem>>
        %dma_start3A_195 = arith.constant 0 : i32
        %dma_start3A_196 = tpu.memref_slice %arg11[%add3A_146, %dma_start3A_195] : memref<80x128xi32, #tpu.memory_space<vmem>> -> memref<1x128xi32, #tpu.memory_space<vmem>>
        %dma_start3A_197 = tpu.memref_squeeze %dma_start3A_196 : memref<1x128xi32, #tpu.memory_space<vmem>> -> memref<128xi32, #tpu.memory_space<vmem>>
        %dma_start3A_198 = arith.constant 0 : i32
        %dma_start3A_199 = arith.constant 0 : i32
        %dma_start3A_200 = tpu.memref_slice %arg14[%dma_start3A_198, %dma_start3A_199] : memref<10016x128xf32, #tpu.memory_space<vmem_shared>> -> memref<10016x128xf32, #tpu.memory_space<vmem_shared>>
        tpu.enqueue_indirect_dma source(%arg12 : memref<128x128xf32, #tpu.memory_space<vmem>>) target(%dma_start3A_200 : memref<10016x128xf32, #tpu.memory_space<vmem_shared>>) offsets(%dma_start3A_197 : memref<128xi32, #tpu.memory_space<vmem>>) semaphore(%run_scoped3A : memref<!tpu.dma_semaphore, #tpu.memory_space<semaphore_mem>>) {add = true}
        %dma_wait3A_201 = arith.constant 0 : i32
        %dma_wait3A_202 = tpu.memref_slice %arg11[%add3A_146, %dma_wait3A_201] : memref<80x128xi32, #tpu.memory_space<vmem>> -> memref<1x128xi32, #tpu.memory_space<vmem>>
        %dma_wait3A_203 = tpu.memref_squeeze %dma_wait3A_202 : memref<1x128xi32, #tpu.memory_space<vmem>> -> memref<128xi32, #tpu.memory_space<vmem>>
        %dma_wait3A_204 = arith.constant 0 : i32
        %dma_wait3A_205 = arith.constant 0 : i32
        %dma_wait3A_206 = tpu.memref_slice %arg14[%dma_wait3A_204, %dma_wait3A_205] : memref<10016x128xf32, #tpu.memory_space<vmem_shared>> -> memref<10016x128xf32, #tpu.memory_space<vmem_shared>>
        tpu.wait_indirect_dma semaphore(%run_scoped3A : memref<!tpu.dma_semaphore, #tpu.memory_space<semaphore_mem>>) src(%arg12 : memref<128x128xf32, #tpu.memory_space<vmem>>) dst(%dma_wait3A_206 : memref<10016x128xf32, #tpu.memory_space<vmem_shared>>)
        tpu.yield
      }) : () -> ()
      %add3A_156 = arith.constant 4 : i32
      %add3A_157 = arith.addi %add3A_146, %add3A_156 : i32
      %lt3A_158 = arith.constant 80 : i32
      %lt3A_159 = arith.cmpi slt, %add3A_157, %lt3A_158 : i32
      %convert_element_type3A_160 = arith.extui %lt3A_159 : i1 to i32
      %cond3A_161 = arith.constant 0 : i32
      %cond3A_162 = arith.cmpi ne, %convert_element_type3A_160, %cond3A_161 : i32
      scf.if %cond3A_162 {
        %add3A_195 = arith.constant 4 : i32
        %add3A_196 = arith.addi %add3A_146, %add3A_195 : i32
        %dma_start3A_197 = arith.constant 2 : i32
        %dma_start3A_198 = arith.constant 0 : i32
        %dma_start3A_199 = tpu.memref_slice %arg3[%add3A, %add3A_196, %dma_start3A_198] : memref<32x80x128xi32, #tpu.memory_space<hbm>> -> memref<1x1x128xi32, #tpu.memory_space<hbm>>
        %dma_start3A_200 = tpu.memref_squeeze %dma_start3A_199 : memref<1x1x128xi32, #tpu.memory_space<hbm>> -> memref<128xi32, #tpu.memory_space<hbm>>
        %dma_start3A_201 = tpu.memref_slice %arg16[%dma_start3A_197] : memref<4x!tpu.dma_semaphore, #tpu.memory_space<semaphore_mem>> -> memref<1x!tpu.dma_semaphore, #tpu.memory_space<semaphore_mem>>
        %dma_start3A_202 = tpu.memref_squeeze %dma_start3A_201 : memref<1x!tpu.dma_semaphore, #tpu.memory_space<semaphore_mem>> -> memref<!tpu.dma_semaphore, #tpu.memory_space<semaphore_mem>>
        %dma_start3A_203 = arith.constant 0 : i32
        %dma_start3A_204 = tpu.memref_slice %arg3[%add3A, %add3A_196, %dma_start3A_203] : memref<32x80x128xi32, #tpu.memory_space<hbm>> -> memref<1x1x128xi32, #tpu.memory_space<hbm>>
        %dma_start3A_205 = tpu.memref_squeeze %dma_start3A_204 : memref<1x1x128xi32, #tpu.memory_space<hbm>> -> memref<128xi32, #tpu.memory_space<hbm>>
        tpu.enqueue_dma source(%dma_start3A_205 : memref<128xi32, #tpu.memory_space<hbm>>) target(%arg9 : memref<128xi32, #tpu.memory_space<vmem>>) target_semaphore(%dma_start3A_202 : memref<!tpu.dma_semaphore, #tpu.memory_space<semaphore_mem>>)
      } else {
      }
      %add3A_163 = arith.constant 2 : i32
      %add3A_164 = arith.addi %add3A_146, %add3A_163 : i32
      %lt3A_165 = arith.constant 80 : i32
      %lt3A_166 = arith.cmpi slt, %add3A_164, %lt3A_165 : i32
      %convert_element_type3A_167 = arith.extui %lt3A_166 : i1 to i32
      %cond3A_168 = arith.constant 0 : i32
      %cond3A_169 = arith.cmpi ne, %convert_element_type3A_167, %cond3A_168 : i32
      scf.if %cond3A_169 {
        %dma_wait3A_195 = arith.constant 0 : i32
        %dma_wait3A_196 = arith.constant 0 : i32
        %dma_wait3A_197 = arith.constant 0 : i32
        %dma_wait3A_198 = tpu.memref_slice %arg3[%add3A, %dma_wait3A_195, %dma_wait3A_197] : memref<32x80x128xi32, #tpu.memory_space<hbm>> -> memref<1x1x128xi32, #tpu.memory_space<hbm>>
        %dma_wait3A_199 = tpu.memref_squeeze %dma_wait3A_198 : memref<1x1x128xi32, #tpu.memory_space<hbm>> -> memref<128xi32, #tpu.memory_space<hbm>>
        %dma_wait3A_200 = tpu.memref_slice %arg16[%dma_wait3A_196] : memref<4x!tpu.dma_semaphore, #tpu.memory_space<semaphore_mem>> -> memref<1x!tpu.dma_semaphore, #tpu.memory_space<semaphore_mem>>
        %dma_wait3A_201 = tpu.memref_squeeze %dma_wait3A_200 : memref<1x!tpu.dma_semaphore, #tpu.memory_space<semaphore_mem>> -> memref<!tpu.dma_semaphore, #tpu.memory_space<semaphore_mem>>
        %dma_wait3A_202 = arith.constant 0 : i32
        %dma_wait3A_203 = tpu.memref_slice %arg3[%add3A, %dma_wait3A_195, %dma_wait3A_202] : memref<32x80x128xi32, #tpu.memory_space<hbm>> -> memref<1x1x128xi32, #tpu.memory_space<hbm>>
        %dma_wait3A_204 = tpu.memref_squeeze %dma_wait3A_203 : memref<1x1x128xi32, #tpu.memory_space<hbm>> -> memref<128xi32, #tpu.memory_space<hbm>>
        tpu.wait_dma2 semaphore(%dma_wait3A_201 : memref<!tpu.dma_semaphore, #tpu.memory_space<semaphore_mem>>) src(%dma_wait3A_204 : memref<128xi32, #tpu.memory_space<hbm>>) dst(%arg7 : memref<128xi32, #tpu.memory_space<vmem>>)
        %dma_start3A_205 = arith.constant 0 : i32
        %dma_start3A_206 = arith.constant 0 : i32
        %dma_start3A_207 = arith.constant 0 : i32
        %dma_start3A_208 = tpu.memref_slice %arg2[%dma_start3A_206, %dma_start3A_207] : memref<10000x128xf32, #tpu.memory_space<hbm>> -> memref<10000x128xf32, #tpu.memory_space<hbm>>
        %dma_start3A_209 = tpu.memref_slice %arg15[%dma_start3A_205] : memref<2x!tpu.dma_semaphore, #tpu.memory_space<semaphore_mem>> -> memref<1x!tpu.dma_semaphore, #tpu.memory_space<semaphore_mem>>
        %dma_start3A_210 = tpu.memref_squeeze %dma_start3A_209 : memref<1x!tpu.dma_semaphore, #tpu.memory_space<semaphore_mem>> -> memref<!tpu.dma_semaphore, #tpu.memory_space<semaphore_mem>>
        tpu.enqueue_indirect_dma source(%dma_start3A_208 : memref<10000x128xf32, #tpu.memory_space<hbm>>) target(%arg12 : memref<128x128xf32, #tpu.memory_space<vmem>>) offsets(%arg7 : memref<128xi32, #tpu.memory_space<vmem>>) semaphore(%dma_start3A_210 : memref<!tpu.dma_semaphore, #tpu.memory_space<semaphore_mem>>)
      } else {
      }
      %add3A_170 = arith.constant 3 : i32
      %add3A_171 = arith.addi %add3A_95, %add3A_170 : i32
      %dma_wait3A_172 = arith.constant 1 : i32
      %dma_wait3A_173 = arith.constant 0 : i32
      %dma_wait3A_174 = arith.constant 0 : i32
      %dma_wait3A_175 = tpu.memref_slice %arg2[%dma_wait3A_173, %dma_wait3A_174] : memref<10000x128xf32, #tpu.memory_space<hbm>> -> memref<128x128xf32, #tpu.memory_space<hbm>>
      %dma_wait3A_176 = tpu.memref_slice %arg15[%dma_wait3A_172] : memref<2x!tpu.dma_semaphore, #tpu.memory_space<semaphore_mem>> -> memref<1x!tpu.dma_semaphore, #tpu.memory_space<semaphore_mem>>
      %dma_wait3A_177 = tpu.memref_squeeze %dma_wait3A_176 : memref<1x!tpu.dma_semaphore, #tpu.memory_space<semaphore_mem>> -> memref<!tpu.dma_semaphore, #tpu.memory_space<semaphore_mem>>
      %dma_wait3A_178 = arith.constant 0 : i32
      %dma_wait3A_179 = arith.constant 0 : i32
      %dma_wait3A_180 = tpu.memref_slice %arg2[%dma_wait3A_178, %dma_wait3A_179] : memref<10000x128xf32, #tpu.memory_space<hbm>> -> memref<128x128xf32, #tpu.memory_space<hbm>>
      tpu.wait_dma2 semaphore(%dma_wait3A_177 : memref<!tpu.dma_semaphore, #tpu.memory_space<semaphore_mem>>) src(%dma_wait3A_180 : memref<128x128xf32, #tpu.memory_space<hbm>>) dst(%arg13 : memref<128x128xf32, #tpu.memory_space<vmem>>)
      "tpu.region"() ({
        %run_scoped3A = tpu.sem_alloc : memref<!tpu.dma_semaphore, #tpu.memory_space<semaphore_mem>>
        %dma_start3A_195 = arith.constant 0 : i32
        %dma_start3A_196 = tpu.memref_slice %arg11[%add3A_171, %dma_start3A_195] : memref<80x128xi32, #tpu.memory_space<vmem>> -> memref<1x128xi32, #tpu.memory_space<vmem>>
        %dma_start3A_197 = tpu.memref_squeeze %dma_start3A_196 : memref<1x128xi32, #tpu.memory_space<vmem>> -> memref<128xi32, #tpu.memory_space<vmem>>
        %dma_start3A_198 = arith.constant 0 : i32
        %dma_start3A_199 = arith.constant 0 : i32
        %dma_start3A_200 = tpu.memref_slice %arg14[%dma_start3A_198, %dma_start3A_199] : memref<10016x128xf32, #tpu.memory_space<vmem_shared>> -> memref<10016x128xf32, #tpu.memory_space<vmem_shared>>
        tpu.enqueue_indirect_dma source(%arg13 : memref<128x128xf32, #tpu.memory_space<vmem>>) target(%dma_start3A_200 : memref<10016x128xf32, #tpu.memory_space<vmem_shared>>) offsets(%dma_start3A_197 : memref<128xi32, #tpu.memory_space<vmem>>) semaphore(%run_scoped3A : memref<!tpu.dma_semaphore, #tpu.memory_space<semaphore_mem>>) {add = true}
        %dma_wait3A_201 = arith.constant 0 : i32
        %dma_wait3A_202 = tpu.memref_slice %arg11[%add3A_171, %dma_wait3A_201] : memref<80x128xi32, #tpu.memory_space<vmem>> -> memref<1x128xi32, #tpu.memory_space<vmem>>
        %dma_wait3A_203 = tpu.memref_squeeze %dma_wait3A_202 : memref<1x128xi32, #tpu.memory_space<vmem>> -> memref<128xi32, #tpu.memory_space<vmem>>
        %dma_wait3A_204 = arith.constant 0 : i32
        %dma_wait3A_205 = arith.constant 0 : i32
        %dma_wait3A_206 = tpu.memref_slice %arg14[%dma_wait3A_204, %dma_wait3A_205] : memref<10016x128xf32, #tpu.memory_space<vmem_shared>> -> memref<10016x128xf32, #tpu.memory_space<vmem_shared>>
        tpu.wait_indirect_dma semaphore(%run_scoped3A : memref<!tpu.dma_semaphore, #tpu.memory_space<semaphore_mem>>) src(%arg13 : memref<128x128xf32, #tpu.memory_space<vmem>>) dst(%dma_wait3A_206 : memref<10016x128xf32, #tpu.memory_space<vmem_shared>>)
        tpu.yield
      }) : () -> ()
      %add3A_181 = arith.constant 4 : i32
      %add3A_182 = arith.addi %add3A_171, %add3A_181 : i32
      %lt3A_183 = arith.constant 80 : i32
      %lt3A_184 = arith.cmpi slt, %add3A_182, %lt3A_183 : i32
      %convert_element_type3A_185 = arith.extui %lt3A_184 : i1 to i32
      %cond3A_186 = arith.constant 0 : i32
      %cond3A_187 = arith.cmpi ne, %convert_element_type3A_185, %cond3A_186 : i32
      scf.if %cond3A_187 {
        %add3A_195 = arith.constant 4 : i32
        %add3A_196 = arith.addi %add3A_171, %add3A_195 : i32
        %dma_start3A_197 = arith.constant 3 : i32
        %dma_start3A_198 = arith.constant 0 : i32
        %dma_start3A_199 = tpu.memref_slice %arg3[%add3A, %add3A_196, %dma_start3A_198] : memref<32x80x128xi32, #tpu.memory_space<hbm>> -> memref<1x1x128xi32, #tpu.memory_space<hbm>>
        %dma_start3A_200 = tpu.memref_squeeze %dma_start3A_199 : memref<1x1x128xi32, #tpu.memory_space<hbm>> -> memref<128xi32, #tpu.memory_space<hbm>>
        %dma_start3A_201 = tpu.memref_slice %arg16[%dma_start3A_197] : memref<4x!tpu.dma_semaphore, #tpu.memory_space<semaphore_mem>> -> memref<1x!tpu.dma_semaphore, #tpu.memory_space<semaphore_mem>>
        %dma_start3A_202 = tpu.memref_squeeze %dma_start3A_201 : memref<1x!tpu.dma_semaphore, #tpu.memory_space<semaphore_mem>> -> memref<!tpu.dma_semaphore, #tpu.memory_space<semaphore_mem>>
        %dma_start3A_203 = arith.constant 0 : i32
        %dma_start3A_204 = tpu.memref_slice %arg3[%add3A, %add3A_196, %dma_start3A_203] : memref<32x80x128xi32, #tpu.memory_space<hbm>> -> memref<1x1x128xi32, #tpu.memory_space<hbm>>
        %dma_start3A_205 = tpu.memref_squeeze %dma_start3A_204 : memref<1x1x128xi32, #tpu.memory_space<hbm>> -> memref<128xi32, #tpu.memory_space<hbm>>
        tpu.enqueue_dma source(%dma_start3A_205 : memref<128xi32, #tpu.memory_space<hbm>>) target(%arg10 : memref<128xi32, #tpu.memory_space<vmem>>) target_semaphore(%dma_start3A_202 : memref<!tpu.dma_semaphore, #tpu.memory_space<semaphore_mem>>)
      } else {
      }
      %add3A_188 = arith.constant 2 : i32
      %add3A_189 = arith.addi %add3A_171, %add3A_188 : i32
      %lt3A_190 = arith.constant 80 : i32
      %lt3A_191 = arith.cmpi slt, %add3A_189, %lt3A_190 : i32
      %convert_element_type3A_192 = arith.extui %lt3A_191 : i1 to i32
      %cond3A_193 = arith.constant 0 : i32
      %cond3A_194 = arith.cmpi ne, %convert_element_type3A_192, %cond3A_193 : i32
      scf.if %cond3A_194 {
        %dma_wait3A_195 = arith.constant 0 : i32
        %dma_wait3A_196 = arith.constant 1 : i32
        %dma_wait3A_197 = arith.constant 0 : i32
        %dma_wait3A_198 = tpu.memref_slice %arg3[%add3A, %dma_wait3A_195, %dma_wait3A_197] : memref<32x80x128xi32, #tpu.memory_space<hbm>> -> memref<1x1x128xi32, #tpu.memory_space<hbm>>
        %dma_wait3A_199 = tpu.memref_squeeze %dma_wait3A_198 : memref<1x1x128xi32, #tpu.memory_space<hbm>> -> memref<128xi32, #tpu.memory_space<hbm>>
        %dma_wait3A_200 = tpu.memref_slice %arg16[%dma_wait3A_196] : memref<4x!tpu.dma_semaphore, #tpu.memory_space<semaphore_mem>> -> memref<1x!tpu.dma_semaphore, #tpu.memory_space<semaphore_mem>>
        %dma_wait3A_201 = tpu.memref_squeeze %dma_wait3A_200 : memref<1x!tpu.dma_semaphore, #tpu.memory_space<semaphore_mem>> -> memref<!tpu.dma_semaphore, #tpu.memory_space<semaphore_mem>>
        %dma_wait3A_202 = arith.constant 0 : i32
        %dma_wait3A_203 = tpu.memref_slice %arg3[%add3A, %dma_wait3A_195, %dma_wait3A_202] : memref<32x80x128xi32, #tpu.memory_space<hbm>> -> memref<1x1x128xi32, #tpu.memory_space<hbm>>
        %dma_wait3A_204 = tpu.memref_squeeze %dma_wait3A_203 : memref<1x1x128xi32, #tpu.memory_space<hbm>> -> memref<128xi32, #tpu.memory_space<hbm>>
        tpu.wait_dma2 semaphore(%dma_wait3A_201 : memref<!tpu.dma_semaphore, #tpu.memory_space<semaphore_mem>>) src(%dma_wait3A_204 : memref<128xi32, #tpu.memory_space<hbm>>) dst(%arg8 : memref<128xi32, #tpu.memory_space<vmem>>)
        %dma_start3A_205 = arith.constant 1 : i32
        %dma_start3A_206 = arith.constant 0 : i32
        %dma_start3A_207 = arith.constant 0 : i32
        %dma_start3A_208 = tpu.memref_slice %arg2[%dma_start3A_206, %dma_start3A_207] : memref<10000x128xf32, #tpu.memory_space<hbm>> -> memref<10000x128xf32, #tpu.memory_space<hbm>>
        %dma_start3A_209 = tpu.memref_slice %arg15[%dma_start3A_205] : memref<2x!tpu.dma_semaphore, #tpu.memory_space<semaphore_mem>> -> memref<1x!tpu.dma_semaphore, #tpu.memory_space<semaphore_mem>>
        %dma_start3A_210 = tpu.memref_squeeze %dma_start3A_209 : memref<1x!tpu.dma_semaphore, #tpu.memory_space<semaphore_mem>> -> memref<!tpu.dma_semaphore, #tpu.memory_space<semaphore_mem>>
        tpu.enqueue_indirect_dma source(%dma_start3A_208 : memref<10000x128xf32, #tpu.memory_space<hbm>>) target(%arg13 : memref<128x128xf32, #tpu.memory_space<vmem>>) offsets(%arg8 : memref<128xi32, #tpu.memory_space<vmem>>) semaphore(%dma_start3A_210 : memref<!tpu.dma_semaphore, #tpu.memory_space<semaphore_mem>>)
      } else {
      }
    }
    %scan3A_80 = arith.constant 20 : i32
    %barrier3A_81 = arith.constant 0 : index
    tpu.barrier barrier_id(%barrier3A_81)
    %mul3A_82 = arith.constant 624 : i32
    %mul3A_83 = arith.muli %arg1, %mul3A_82 : i32
    %mul3A_84 = arith.constant 624 : i32
    %mul3A_85 = arith.muli %arg1, %mul3A_84 : i32
    "tpu.region"() ({
      %run_scoped3A = tpu.sem_alloc : memref<!tpu.dma_semaphore, #tpu.memory_space<semaphore_mem>>
      %dma_start3A_91 = arith.constant 0 : i32
      %dma_start3A_92 = tpu.memref_slice %arg6[%arg0, %mul3A_85, %dma_start3A_91] : memref<2x10000x128xf32, #tpu.memory_space<hbm>> -> memref<1x624x128xf32, #tpu.memory_space<hbm>>
      %dma_start3A_93 = tpu.memref_squeeze %dma_start3A_92 : memref<1x624x128xf32, #tpu.memory_space<hbm>> -> memref<624x128xf32, #tpu.memory_space<hbm>>
      %dma_start3A_94 = arith.constant 0 : i32
      %dma_start3A_95 = tpu.memref_slice %arg14[%mul3A_83, %dma_start3A_94] : memref<10016x128xf32, #tpu.memory_space<vmem_shared>> -> memref<624x128xf32, #tpu.memory_space<vmem_shared>>
      tpu.enqueue_dma source(%dma_start3A_95 : memref<624x128xf32, #tpu.memory_space<vmem_shared>>) target(%dma_start3A_93 : memref<624x128xf32, #tpu.memory_space<hbm>>) target_semaphore(%run_scoped3A : memref<!tpu.dma_semaphore, #tpu.memory_space<semaphore_mem>>)
      %dma_wait3A_96 = arith.constant 0 : i32
      %dma_wait3A_97 = tpu.memref_slice %arg6[%arg0, %mul3A_85, %dma_wait3A_96] : memref<2x10000x128xf32, #tpu.memory_space<hbm>> -> memref<1x624x128xf32, #tpu.memory_space<hbm>>
      %dma_wait3A_98 = tpu.memref_squeeze %dma_wait3A_97 : memref<1x624x128xf32, #tpu.memory_space<hbm>> -> memref<624x128xf32, #tpu.memory_space<hbm>>
      %dma_wait3A_99 = arith.constant 0 : i32
      %dma_wait3A_100 = tpu.memref_slice %arg14[%mul3A_83, %dma_wait3A_99] : memref<10016x128xf32, #tpu.memory_space<vmem_shared>> -> memref<624x128xf32, #tpu.memory_space<vmem_shared>>
      tpu.wait_dma2 semaphore(%run_scoped3A : memref<!tpu.dma_semaphore, #tpu.memory_space<semaphore_mem>>) src(%dma_wait3A_100 : memref<624x128xf32, #tpu.memory_space<vmem_shared>>) dst(%dma_wait3A_98 : memref<624x128xf32, #tpu.memory_space<hbm>>)
      tpu.yield
    }) : () -> ()
    %eq3A_86 = arith.constant 0 : i32
    %eq3A_87 = arith.cmpi eq, %arg1, %eq3A_86 : i32
    %convert_element_type3A_88 = arith.extui %eq3A_87 : i1 to i32
    %cond3A_89 = arith.constant 0 : i32
    %cond3A_90 = arith.cmpi ne, %convert_element_type3A_88, %cond3A_89 : i32
    scf.if %cond3A_90 {
      "tpu.region"() ({
        %run_scoped3A = tpu.sem_alloc : memref<!tpu.dma_semaphore, #tpu.memory_space<semaphore_mem>>
        %dma_start3A_91 = arith.constant 9984 : i32
        %dma_start3A_92 = arith.constant 0 : i32
        %dma_start3A_93 = tpu.memref_slice %arg6[%arg0, %dma_start3A_91, %dma_start3A_92] : memref<2x10000x128xf32, #tpu.memory_space<hbm>> -> memref<1x16x128xf32, #tpu.memory_space<hbm>>
        %dma_start3A_94 = tpu.memref_squeeze %dma_start3A_93 : memref<1x16x128xf32, #tpu.memory_space<hbm>> -> memref<16x128xf32, #tpu.memory_space<hbm>>
        %dma_start3A_95 = arith.constant 9984 : i32
        %dma_start3A_96 = arith.constant 0 : i32
        %dma_start3A_97 = tpu.memref_slice %arg14[%dma_start3A_95, %dma_start3A_96] : memref<10016x128xf32, #tpu.memory_space<vmem_shared>> -> memref<16x128xf32, #tpu.memory_space<vmem_shared>>
        tpu.enqueue_dma source(%dma_start3A_97 : memref<16x128xf32, #tpu.memory_space<vmem_shared>>) target(%dma_start3A_94 : memref<16x128xf32, #tpu.memory_space<hbm>>) target_semaphore(%run_scoped3A : memref<!tpu.dma_semaphore, #tpu.memory_space<semaphore_mem>>)
        %dma_wait3A_98 = arith.constant 9984 : i32
        %dma_wait3A_99 = arith.constant 0 : i32
        %dma_wait3A_100 = tpu.memref_slice %arg6[%arg0, %dma_wait3A_98, %dma_wait3A_99] : memref<2x10000x128xf32, #tpu.memory_space<hbm>> -> memref<1x16x128xf32, #tpu.memory_space<hbm>>
        %dma_wait3A_101 = tpu.memref_squeeze %dma_wait3A_100 : memref<1x16x128xf32, #tpu.memory_space<hbm>> -> memref<16x128xf32, #tpu.memory_space<hbm>>
        %dma_wait3A_102 = arith.constant 9984 : i32
        %dma_wait3A_103 = arith.constant 0 : i32
        %dma_wait3A_104 = tpu.memref_slice %arg14[%dma_wait3A_102, %dma_wait3A_103] : memref<10016x128xf32, #tpu.memory_space<vmem_shared>> -> memref<16x128xf32, #tpu.memory_space<vmem_shared>>
        tpu.wait_dma2 semaphore(%run_scoped3A : memref<!tpu.dma_semaphore, #tpu.memory_space<semaphore_mem>>) src(%dma_wait3A_104 : memref<16x128xf32, #tpu.memory_space<vmem_shared>>) dst(%dma_wait3A_101 : memref<16x128xf32, #tpu.memory_space<hbm>>)
        tpu.yield
      }) : () -> ()
    } else {
    }
    return
  }
}

#map = affine_map<(d0, d1) -> (0, 0)>
#map1 = affine_map<(d0, d1) -> (0, 0, 0)>
module attributes {stable_mosaic.version = 14 : i64} {
  func.func @k(%arg0: i32, %arg1: i32, %arg2: memref<10000x128xf32, #tpu.memory_space<hbm>>, %arg3: memref<32x80x128xi32, #tpu.memory_space<hbm>>, %arg4: memref<32x80x128xi32, #tpu.memory_space<hbm>>, %arg5: memref<10000x128xf32, #tpu.memory_space<hbm>>, %arg6: memref<2x10000x128xf32, #tpu.memory_space<hbm>>, %arg7: memref<128xi32, #tpu.memory_space<vmem>>, %arg8: memref<128xi32, #tpu.memory_space<vmem>>, %arg9: memref<128xi32, #tpu.memory_space<vmem>>, %arg10: memref<128xi32, #tpu.memory_space<vmem>>, %arg11: memref<80x128xi32, #tpu.memory_space<vmem>>, %arg12: memref<128x128xf32, #tpu.memory_space<vmem>>, %arg13: memref<128x128xf32, #tpu.memory_space<vmem>>, %arg14: memref<10016x128xf32, #tpu.memory_space<vmem_shared>>, %arg15: memref<2x!tpu.dma_semaphore, #tpu.memory_space<semaphore_mem>>, %arg16: memref<4x!tpu.dma_semaphore, #tpu.memory_space<semaphore_mem>>) attributes {dimension_semantics = [#tpu.dimension_semantics<core_parallel>, #tpu.dimension_semantics<subcore_parallel>], iteration_bounds = array<i64: 2, 16>, scalar_prefetch = 0 : i64, scratch_operands = 10 : i64, tpu.core_type = #tpu.core_type<sc_vector_subcore>, window_params = [{transform_indices = #map}, {transform_indices = #map1}, {transform_indices = #map1}, {transform_indices = #map}, {transform_indices = #map1}]} {
    %mul3A = arith.constant 16 : i32
    %mul3A_0 = arith.muli %arg0, %mul3A : i32
    %add3A = arith.addi %mul3A_0, %arg1 : i32
    "tpu.region"() ({
      %run_scoped3A = tpu.sem_alloc : memref<!tpu.dma_semaphore, #tpu.memory_space<semaphore_mem>>
      %dma_start3A_91 = arith.constant 0 : i32
      %dma_start3A_92 = arith.constant 0 : i32
      %dma_start3A_93 = tpu.memref_slice %arg4[%add3A, %dma_start3A_91, %dma_start3A_92] : memref<32x80x128xi32, #tpu.memory_space<hbm>> -> memref<1x80x128xi32, #tpu.memory_space<hbm>>
      %dma_start3A_94 = tpu.memref_squeeze %dma_start3A_93 : memref<1x80x128xi32, #tpu.memory_space<hbm>> -> memref<80x128xi32, #tpu.memory_space<hbm>>
      %dma_start3A_95 = arith.constant 0 : i32
      %dma_start3A_96 = arith.constant 0 : i32
      %dma_start3A_97 = tpu.memref_slice %arg4[%add3A, %dma_start3A_95, %dma_start3A_96] : memref<32x80x128xi32, #tpu.memory_space<hbm>> -> memref<1x80x128xi32, #tpu.memory_space<hbm>>
      %dma_start3A_98 = tpu.memref_squeeze %dma_start3A_97 : memref<1x80x128xi32, #tpu.memory_space<hbm>> -> memref<80x128xi32, #tpu.memory_space<hbm>>
      tpu.enqueue_dma source(%dma_start3A_98 : memref<80x128xi32, #tpu.memory_space<hbm>>) target(%arg11 : memref<80x128xi32, #tpu.memory_space<vmem>>) target_semaphore(%run_scoped3A : memref<!tpu.dma_semaphore, #tpu.memory_space<semaphore_mem>>)
      %dma_wait3A_99 = arith.constant 0 : i32
      %dma_wait3A_100 = arith.constant 0 : i32
      %dma_wait3A_101 = tpu.memref_slice %arg4[%add3A, %dma_wait3A_99, %dma_wait3A_100] : memref<32x80x128xi32, #tpu.memory_space<hbm>> -> memref<1x80x128xi32, #tpu.memory_space<hbm>>
      %dma_wait3A_102 = tpu.memref_squeeze %dma_wait3A_101 : memref<1x80x128xi32, #tpu.memory_space<hbm>> -> memref<80x128xi32, #tpu.memory_space<hbm>>
      %dma_wait3A_103 = arith.constant 0 : i32
      %dma_wait3A_104 = arith.constant 0 : i32
      %dma_wait3A_105 = tpu.memref_slice %arg4[%add3A, %dma_wait3A_103, %dma_wait3A_104] : memref<32x80x128xi32, #tpu.memory_space<hbm>> -> memref<1x80x128xi32, #tpu.memory_space<hbm>>
      %dma_wait3A_106 = tpu.memref_squeeze %dma_wait3A_105 : memref<1x80x128xi32, #tpu.memory_space<hbm>> -> memref<80x128xi32, #tpu.memory_space<hbm>>
      tpu.wait_dma2 semaphore(%run_scoped3A : memref<!tpu.dma_semaphore, #tpu.memory_space<semaphore_mem>>) src(%dma_wait3A_106 : memref<80x128xi32, #tpu.memory_space<hbm>>) dst(%arg11 : memref<80x128xi32, #tpu.memory_space<vmem>>)
      tpu.yield
    }) : () -> ()
    %mul3A_1 = arith.constant 624 : i32
    %mul3A_2 = arith.muli %arg1, %mul3A_1 : i32
    %mul3A_3 = arith.constant 624 : i32
    %mul3A_4 = arith.muli %arg1, %mul3A_3 : i32
    "tpu.region"() ({
      %run_scoped3A = tpu.sem_alloc : memref<!tpu.dma_semaphore, #tpu.memory_space<semaphore_mem>>
      %dma_start3A_91 = arith.constant 0 : i32
      %dma_start3A_92 = tpu.memref_slice %arg14[%mul3A_4, %dma_start3A_91] : memref<10016x128xf32, #tpu.memory_space<vmem_shared>> -> memref<624x128xf32, #tpu.memory_space<vmem_shared>>
      %dma_start3A_93 = arith.constant 0 : i32
      %dma_start3A_94 = tpu.memref_slice %arg5[%mul3A_2, %dma_start3A_93] : memref<10000x128xf32, #tpu.memory_space<hbm>> -> memref<624x128xf32, #tpu.memory_space<hbm>>
      tpu.enqueue_dma source(%dma_start3A_94 : memref<624x128xf32, #tpu.memory_space<hbm>>) target(%dma_start3A_92 : memref<624x128xf32, #tpu.memory_space<vmem_shared>>) target_semaphore(%run_scoped3A : memref<!tpu.dma_semaphore, #tpu.memory_space<semaphore_mem>>)
      %dma_wait3A_95 = arith.constant 0 : i32
      %dma_wait3A_96 = tpu.memref_slice %arg14[%mul3A_4, %dma_wait3A_95] : memref<10016x128xf32, #tpu.memory_space<vmem_shared>> -> memref<624x128xf32, #tpu.memory_space<vmem_shared>>
      %dma_wait3A_97 = arith.constant 0 : i32
      %dma_wait3A_98 = tpu.memref_slice %arg5[%mul3A_2, %dma_wait3A_97] : memref<10000x128xf32, #tpu.memory_space<hbm>> -> memref<624x128xf32, #tpu.memory_space<hbm>>
      tpu.wait_dma2 semaphore(%run_scoped3A : memref<!tpu.dma_semaphore, #tpu.memory_space<semaphore_mem>>) src(%dma_wait3A_98 : memref<624x128xf32, #tpu.memory_space<hbm>>) dst(%dma_wait3A_96 : memref<624x128xf32, #tpu.memory_space<vmem_shared>>)
      tpu.yield
    }) : () -> ()
    %eq3A = arith.constant 0 : i32
    %eq3A_5 = arith.cmpi eq, %arg1, %eq3A : i32
    %convert_element_type3A = arith.extui %eq3A_5 : i1 to i32
    %cond3A = arith.constant 0 : i32
    %cond3A_6 = arith.cmpi ne, %convert_element_type3A, %cond3A : i32
    scf.if %cond3A_6 {
      "tpu.region"() ({
        %run_scoped3A = tpu.sem_alloc : memref<!tpu.dma_semaphore, #tpu.memory_space<semaphore_mem>>
        %dma_start3A_91 = arith.constant 9984 : i32
        %dma_start3A_92 = arith.constant 0 : i32
        %dma_start3A_93 = tpu.memref_slice %arg14[%dma_start3A_91, %dma_start3A_92] : memref<10016x128xf32, #tpu.memory_space<vmem_shared>> -> memref<16x128xf32, #tpu.memory_space<vmem_shared>>
        %dma_start3A_94 = arith.constant 9984 : i32
        %dma_start3A_95 = arith.constant 0 : i32
        %dma_start3A_96 = tpu.memref_slice %arg5[%dma_start3A_94, %dma_start3A_95] : memref<10000x128xf32, #tpu.memory_space<hbm>> -> memref<16x128xf32, #tpu.memory_space<hbm>>
        tpu.enqueue_dma source(%dma_start3A_96 : memref<16x128xf32, #tpu.memory_space<hbm>>) target(%dma_start3A_93 : memref<16x128xf32, #tpu.memory_space<vmem_shared>>) target_semaphore(%run_scoped3A : memref<!tpu.dma_semaphore, #tpu.memory_space<semaphore_mem>>)
        %dma_wait3A_97 = arith.constant 9984 : i32
        %dma_wait3A_98 = arith.constant 0 : i32
        %dma_wait3A_99 = tpu.memref_slice %arg14[%dma_wait3A_97, %dma_wait3A_98] : memref<10016x128xf32, #tpu.memory_space<vmem_shared>> -> memref<16x128xf32, #tpu.memory_space<vmem_shared>>
        %dma_wait3A_100 = arith.constant 9984 : i32
        %dma_wait3A_101 = arith.constant 0 : i32
        %dma_wait3A_102 = tpu.memref_slice %arg5[%dma_wait3A_100, %dma_wait3A_101] : memref<10000x128xf32, #tpu.memory_space<hbm>> -> memref<16x128xf32, #tpu.memory_space<hbm>>
        tpu.wait_dma2 semaphore(%run_scoped3A : memref<!tpu.dma_semaphore, #tpu.memory_space<semaphore_mem>>) src(%dma_wait3A_102 : memref<16x128xf32, #tpu.memory_space<hbm>>) dst(%dma_wait3A_99 : memref<16x128xf32, #tpu.memory_space<vmem_shared>>)
        tpu.yield
      }) : () -> ()
    } else {
    }
    %barrier3A = arith.constant 0 : index
    tpu.barrier barrier_id(%barrier3A)
    %dma_start3A = arith.constant 0 : i32
    %dma_start3A_7 = arith.constant 0 : i32
    %dma_start3A_8 = arith.constant 0 : i32
    %dma_start3A_9 = tpu.memref_slice %arg3[%add3A, %dma_start3A, %dma_start3A_8] : memref<32x80x128xi32, #tpu.memory_space<hbm>> -> memref<1x1x128xi32, #tpu.memory_space<hbm>>
    %dma_start3A_10 = tpu.memref_squeeze %dma_start3A_9 : memref<1x1x128xi32, #tpu.memory_space<hbm>> -> memref<128xi32, #tpu.memory_space<hbm>>
    %dma_start3A_11 = tpu.memref_slice %arg16[%dma_start3A_7] : memref<4x!tpu.dma_semaphore, #tpu.memory_space<semaphore_mem>> -> memref<1x!tpu.dma_semaphore, #tpu.memory_space<semaphore_mem>>
    %dma_start3A_12 = tpu.memref_squeeze %dma_start3A_11 : memref<1x!tpu.dma_semaphore, #tpu.memory_space<semaphore_mem>> -> memref<!tpu.dma_semaphore, #tpu.memory_space<semaphore_mem>>
    %dma_start3A_13 = arith.constant 0 : i32
    %dma_start3A_14 = tpu.memref_slice %arg3[%add3A, %dma_start3A, %dma_start3A_13] : memref<32x80x128xi32, #tpu.memory_space<hbm>> -> memref<1x1x128xi32, #tpu.memory_space<hbm>>
    %dma_start3A_15 = tpu.memref_squeeze %dma_start3A_14 : memref<1x1x128xi32, #tpu.memory_space<hbm>> -> memref<128xi32, #tpu.memory_space<hbm>>
    tpu.enqueue_dma source(%dma_start3A_15 : memref<128xi32, #tpu.memory_space<hbm>>) target(%arg7 : memref<128xi32, #tpu.memory_space<vmem>>) target_semaphore(%dma_start3A_12 : memref<!tpu.dma_semaphore, #tpu.memory_space<semaphore_mem>>)
    %dma_start3A_16 = arith.constant 1 : i32
    %dma_start3A_17 = arith.constant 1 : i32
    %dma_start3A_18 = arith.constant 0 : i32
    %dma_start3A_19 = tpu.memref_slice %arg3[%add3A, %dma_start3A_16, %dma_start3A_18] : memref<32x80x128xi32, #tpu.memory_space<hbm>> -> memref<1x1x128xi32, #tpu.memory_space<hbm>>
    %dma_start3A_20 = tpu.memref_squeeze %dma_start3A_19 : memref<1x1x128xi32, #tpu.memory_space<hbm>> -> memref<128xi32, #tpu.memory_space<hbm>>
    %dma_start3A_21 = tpu.memref_slice %arg16[%dma_start3A_17] : memref<4x!tpu.dma_semaphore, #tpu.memory_space<semaphore_mem>> -> memref<1x!tpu.dma_semaphore, #tpu.memory_space<semaphore_mem>>
    %dma_start3A_22 = tpu.memref_squeeze %dma_start3A_21 : memref<1x!tpu.dma_semaphore, #tpu.memory_space<semaphore_mem>> -> memref<!tpu.dma_semaphore, #tpu.memory_space<semaphore_mem>>
    %dma_start3A_23 = arith.constant 0 : i32
    %dma_start3A_24 = tpu.memref_slice %arg3[%add3A, %dma_start3A_16, %dma_start3A_23] : memref<32x80x128xi32, #tpu.memory_space<hbm>> -> memref<1x1x128xi32, #tpu.memory_space<hbm>>
    %dma_start3A_25 = tpu.memref_squeeze %dma_start3A_24 : memref<1x1x128xi32, #tpu.memory_space<hbm>> -> memref<128xi32, #tpu.memory_space<hbm>>
    tpu.enqueue_dma source(%dma_start3A_25 : memref<128xi32, #tpu.memory_space<hbm>>) target(%arg8 : memref<128xi32, #tpu.memory_space<vmem>>) target_semaphore(%dma_start3A_22 : memref<!tpu.dma_semaphore, #tpu.memory_space<semaphore_mem>>)
    %dma_start3A_26 = arith.constant 2 : i32
    %dma_start3A_27 = arith.constant 2 : i32
    %dma_start3A_28 = arith.constant 0 : i32
    %dma_start3A_29 = tpu.memref_slice %arg3[%add3A, %dma_start3A_26, %dma_start3A_28] : memref<32x80x128xi32, #tpu.memory_space<hbm>> -> memref<1x1x128xi32, #tpu.memory_space<hbm>>
    %dma_start3A_30 = tpu.memref_squeeze %dma_start3A_29 : memref<1x1x128xi32, #tpu.memory_space<hbm>> -> memref<128xi32, #tpu.memory_space<hbm>>
    %dma_start3A_31 = tpu.memref_slice %arg16[%dma_start3A_27] : memref<4x!tpu.dma_semaphore, #tpu.memory_space<semaphore_mem>> -> memref<1x!tpu.dma_semaphore, #tpu.memory_space<semaphore_mem>>
    %dma_start3A_32 = tpu.memref_squeeze %dma_start3A_31 : memref<1x!tpu.dma_semaphore, #tpu.memory_space<semaphore_mem>> -> memref<!tpu.dma_semaphore, #tpu.memory_space<semaphore_mem>>
    %dma_start3A_33 = arith.constant 0 : i32
    %dma_start3A_34 = tpu.memref_slice %arg3[%add3A, %dma_start3A_26, %dma_start3A_33] : memref<32x80x128xi32, #tpu.memory_space<hbm>> -> memref<1x1x128xi32, #tpu.memory_space<hbm>>
    %dma_start3A_35 = tpu.memref_squeeze %dma_start3A_34 : memref<1x1x128xi32, #tpu.memory_space<hbm>> -> memref<128xi32, #tpu.memory_space<hbm>>
    tpu.enqueue_dma source(%dma_start3A_35 : memref<128xi32, #tpu.memory_space<hbm>>) target(%arg9 : memref<128xi32, #tpu.memory_space<vmem>>) target_semaphore(%dma_start3A_32 : memref<!tpu.dma_semaphore, #tpu.memory_space<semaphore_mem>>)
    %dma_start3A_36 = arith.constant 3 : i32
    %dma_start3A_37 = arith.constant 3 : i32
    %dma_start3A_38 = arith.constant 0 : i32
    %dma_start3A_39 = tpu.memref_slice %arg3[%add3A, %dma_start3A_36, %dma_start3A_38] : memref<32x80x128xi32, #tpu.memory_space<hbm>> -> memref<1x1x128xi32, #tpu.memory_space<hbm>>
    %dma_start3A_40 = tpu.memref_squeeze %dma_start3A_39 : memref<1x1x128xi32, #tpu.memory_space<hbm>> -> memref<128xi32, #tpu.memory_space<hbm>>
    %dma_start3A_41 = tpu.memref_slice %arg16[%dma_start3A_37] : memref<4x!tpu.dma_semaphore, #tpu.memory_space<semaphore_mem>> -> memref<1x!tpu.dma_semaphore, #tpu.memory_space<semaphore_mem>>
    %dma_start3A_42 = tpu.memref_squeeze %dma_start3A_41 : memref<1x!tpu.dma_semaphore, #tpu.memory_space<semaphore_mem>> -> memref<!tpu.dma_semaphore, #tpu.memory_space<semaphore_mem>>
    %dma_start3A_43 = arith.constant 0 : i32
    %dma_start3A_44 = tpu.memref_slice %arg3[%add3A, %dma_start3A_36, %dma_start3A_43] : memref<32x80x128xi32, #tpu.memory_space<hbm>> -> memref<1x1x128xi32, #tpu.memory_space<hbm>>
    %dma_start3A_45 = tpu.memref_squeeze %dma_start3A_44 : memref<1x1x128xi32, #tpu.memory_space<hbm>> -> memref<128xi32, #tpu.memory_space<hbm>>
    tpu.enqueue_dma source(%dma_start3A_45 : memref<128xi32, #tpu.memory_space<hbm>>) target(%arg10 : memref<128xi32, #tpu.memory_space<vmem>>) target_semaphore(%dma_start3A_42 : memref<!tpu.dma_semaphore, #tpu.memory_space<semaphore_mem>>)
    %dma_wait3A = arith.constant 0 : i32
    %dma_wait3A_46 = arith.constant 0 : i32
    %dma_wait3A_47 = arith.constant 0 : i32
    %dma_wait3A_48 = tpu.memref_slice %arg3[%add3A, %dma_wait3A, %dma_wait3A_47] : memref<32x80x128xi32, #tpu.memory_space<hbm>> -> memref<1x1x128xi32, #tpu.memory_space<hbm>>
    %dma_wait3A_49 = tpu.memref_squeeze %dma_wait3A_48 : memref<1x1x128xi32, #tpu.memory_space<hbm>> -> memref<128xi32, #tpu.memory_space<hbm>>
    %dma_wait3A_50 = tpu.memref_slice %arg16[%dma_wait3A_46] : memref<4x!tpu.dma_semaphore, #tpu.memory_space<semaphore_mem>> -> memref<1x!tpu.dma_semaphore, #tpu.memory_space<semaphore_mem>>
    %dma_wait3A_51 = tpu.memref_squeeze %dma_wait3A_50 : memref<1x!tpu.dma_semaphore, #tpu.memory_space<semaphore_mem>> -> memref<!tpu.dma_semaphore, #tpu.memory_space<semaphore_mem>>
    %dma_wait3A_52 = arith.constant 0 : i32
    %dma_wait3A_53 = tpu.memref_slice %arg3[%add3A, %dma_wait3A, %dma_wait3A_52] : memref<32x80x128xi32, #tpu.memory_space<hbm>> -> memref<1x1x128xi32, #tpu.memory_space<hbm>>
    %dma_wait3A_54 = tpu.memref_squeeze %dma_wait3A_53 : memref<1x1x128xi32, #tpu.memory_space<hbm>> -> memref<128xi32, #tpu.memory_space<hbm>>
    tpu.wait_dma2 semaphore(%dma_wait3A_51 : memref<!tpu.dma_semaphore, #tpu.memory_space<semaphore_mem>>) src(%dma_wait3A_54 : memref<128xi32, #tpu.memory_space<hbm>>) dst(%arg7 : memref<128xi32, #tpu.memory_space<vmem>>)
    %dma_start3A_55 = arith.constant 0 : i32
    %dma_start3A_56 = arith.constant 0 : i32
    %dma_start3A_57 = arith.constant 0 : i32
    %dma_start3A_58 = tpu.memref_slice %arg2[%dma_start3A_56, %dma_start3A_57] : memref<10000x128xf32, #tpu.memory_space<hbm>> -> memref<10000x128xf32, #tpu.memory_space<hbm>>
    %dma_start3A_59 = tpu.memref_slice %arg15[%dma_start3A_55] : memref<2x!tpu.dma_semaphore, #tpu.memory_space<semaphore_mem>> -> memref<1x!tpu.dma_semaphore, #tpu.memory_space<semaphore_mem>>
    %dma_start3A_60 = tpu.memref_squeeze %dma_start3A_59 : memref<1x!tpu.dma_semaphore, #tpu.memory_space<semaphore_mem>> -> memref<!tpu.dma_semaphore, #tpu.memory_space<semaphore_mem>>
    tpu.enqueue_indirect_dma source(%dma_start3A_58 : memref<10000x128xf32, #tpu.memory_space<hbm>>) target(%arg12 : memref<128x128xf32, #tpu.memory_space<vmem>>) offsets(%arg7 : memref<128xi32, #tpu.memory_space<vmem>>) semaphore(%dma_start3A_60 : memref<!tpu.dma_semaphore, #tpu.memory_space<semaphore_mem>>)
    %dma_wait3A_61 = arith.constant 0 : i32
    %dma_wait3A_62 = arith.constant 1 : i32
    %dma_wait3A_63 = arith.constant 0 : i32
    %dma_wait3A_64 = tpu.memref_slice %arg3[%add3A, %dma_wait3A_61, %dma_wait3A_63] : memref<32x80x128xi32, #tpu.memory_space<hbm>> -> memref<1x1x128xi32, #tpu.memory_space<hbm>>
    %dma_wait3A_65 = tpu.memref_squeeze %dma_wait3A_64 : memref<1x1x128xi32, #tpu.memory_space<hbm>> -> memref<128xi32, #tpu.memory_space<hbm>>
    %dma_wait3A_66 = tpu.memref_slice %arg16[%dma_wait3A_62] : memref<4x!tpu.dma_semaphore, #tpu.memory_space<semaphore_mem>> -> memref<1x!tpu.dma_semaphore, #tpu.memory_space<semaphore_mem>>
    %dma_wait3A_67 = tpu.memref_squeeze %dma_wait3A_66 : memref<1x!tpu.dma_semaphore, #tpu.memory_space<semaphore_mem>> -> memref<!tpu.dma_semaphore, #tpu.memory_space<semaphore_mem>>
    %dma_wait3A_68 = arith.constant 0 : i32
    %dma_wait3A_69 = tpu.memref_slice %arg3[%add3A, %dma_wait3A_61, %dma_wait3A_68] : memref<32x80x128xi32, #tpu.memory_space<hbm>> -> memref<1x1x128xi32, #tpu.memory_space<hbm>>
    %dma_wait3A_70 = tpu.memref_squeeze %dma_wait3A_69 : memref<1x1x128xi32, #tpu.memory_space<hbm>> -> memref<128xi32, #tpu.memory_space<hbm>>
    tpu.wait_dma2 semaphore(%dma_wait3A_67 : memref<!tpu.dma_semaphore, #tpu.memory_space<semaphore_mem>>) src(%dma_wait3A_70 : memref<128xi32, #tpu.memory_space<hbm>>) dst(%arg8 : memref<128xi32, #tpu.memory_space<vmem>>)
    %dma_start3A_71 = arith.constant 1 : i32
    %dma_start3A_72 = arith.constant 0 : i32
    %dma_start3A_73 = arith.constant 0 : i32
    %dma_start3A_74 = tpu.memref_slice %arg2[%dma_start3A_72, %dma_start3A_73] : memref<10000x128xf32, #tpu.memory_space<hbm>> -> memref<10000x128xf32, #tpu.memory_space<hbm>>
    %dma_start3A_75 = tpu.memref_slice %arg15[%dma_start3A_71] : memref<2x!tpu.dma_semaphore, #tpu.memory_space<semaphore_mem>> -> memref<1x!tpu.dma_semaphore, #tpu.memory_space<semaphore_mem>>
    %dma_start3A_76 = tpu.memref_squeeze %dma_start3A_75 : memref<1x!tpu.dma_semaphore, #tpu.memory_space<semaphore_mem>> -> memref<!tpu.dma_semaphore, #tpu.memory_space<semaphore_mem>>
    tpu.enqueue_indirect_dma source(%dma_start3A_74 : memref<10000x128xf32, #tpu.memory_space<hbm>>) target(%arg13 : memref<128x128xf32, #tpu.memory_space<vmem>>) offsets(%arg8 : memref<128xi32, #tpu.memory_space<vmem>>) semaphore(%dma_start3A_76 : memref<!tpu.dma_semaphore, #tpu.memory_space<semaphore_mem>>)
    %scan3A = arith.constant 0 : i32
    %scan3A_77 = arith.constant 20 : i32
    %scan3A_78 = arith.addi %scan3A, %scan3A_77 : i32
    %scan3A_79 = arith.constant 1 : i32
    scf.for %scan3A_91 = %scan3A to %scan3A_78 step %scan3A_79  : i32 {
      %mul3A_92 = arith.constant 4 : i32
      %mul3A_93 = arith.muli %scan3A_91, %mul3A_92 : i32
      %add3A_94 = arith.constant 0 : i32
      %add3A_95 = arith.addi %add3A_94, %mul3A_93 : i32
      %add3A_96 = arith.constant 0 : i32
      %add3A_97 = arith.addi %add3A_95, %add3A_96 : i32
      %dma_wait3A_98 = arith.constant 0 : i32
      %dma_wait3A_99 = arith.constant 0 : i32
      %dma_wait3A_100 = arith.constant 0 : i32
      %dma_wait3A_101 = tpu.memref_slice %arg2[%dma_wait3A_99, %dma_wait3A_100] : memref<10000x128xf32, #tpu.memory_space<hbm>> -> memref<128x128xf32, #tpu.memory_space<hbm>>
      %dma_wait3A_102 = tpu.memref_slice %arg15[%dma_wait3A_98] : memref<2x!tpu.dma_semaphore, #tpu.memory_space<semaphore_mem>> -> memref<1x!tpu.dma_semaphore, #tpu.memory_space<semaphore_mem>>
      %dma_wait3A_103 = tpu.memref_squeeze %dma_wait3A_102 : memref<1x!tpu.dma_semaphore, #tpu.memory_space<semaphore_mem>> -> memref<!tpu.dma_semaphore, #tpu.memory_space<semaphore_mem>>
      %dma_wait3A_104 = arith.constant 0 : i32
      %dma_wait3A_105 = arith.constant 0 : i32
      %dma_wait3A_106 = tpu.memref_slice %arg2[%dma_wait3A_104, %dma_wait3A_105] : memref<10000x128xf32, #tpu.memory_space<hbm>> -> memref<128x128xf32, #tpu.memory_space<hbm>>
      tpu.wait_dma2 semaphore(%dma_wait3A_103 : memref<!tpu.dma_semaphore, #tpu.memory_space<semaphore_mem>>) src(%dma_wait3A_106 : memref<128x128xf32, #tpu.memory_space<hbm>>) dst(%arg12 : memref<128x128xf32, #tpu.memory_space<vmem>>)
      "tpu.region"() ({
        %run_scoped3A = tpu.sem_alloc : memref<!tpu.dma_semaphore, #tpu.memory_space<semaphore_mem>>
        %dma_start3A_195 = arith.constant 0 : i32
        %dma_start3A_196 = tpu.memref_slice %arg11[%add3A_97, %dma_start3A_195] : memref<80x128xi32, #tpu.memory_space<vmem>> -> memref<1x128xi32, #tpu.memory_space<vmem>>
        %dma_start3A_197 = tpu.memref_squeeze %dma_start3A_196 : memref<1x128xi32, #tpu.memory_space<vmem>> -> memref<128xi32, #tpu.memory_space<vmem>>
        %dma_start3A_198 = arith.constant 0 : i32
        %dma_start3A_199 = arith.constant 0 : i32
        %dma_start3A_200 = tpu.memref_slice %arg14[%dma_start3A_198, %dma_start3A_199] : memref<10016x128xf32, #tpu.memory_space<vmem_shared>> -> memref<10016x128xf32, #tpu.memory_space<vmem_shared>>
        tpu.enqueue_indirect_dma source(%arg12 : memref<128x128xf32, #tpu.memory_space<vmem>>) target(%dma_start3A_200 : memref<10016x128xf32, #tpu.memory_space<vmem_shared>>) offsets(%dma_start3A_197 : memref<128xi32, #tpu.memory_space<vmem>>) semaphore(%run_scoped3A : memref<!tpu.dma_semaphore, #tpu.memory_space<semaphore_mem>>) {add = true}
        %dma_wait3A_201 = arith.constant 0 : i32
        %dma_wait3A_202 = tpu.memref_slice %arg11[%add3A_97, %dma_wait3A_201] : memref<80x128xi32, #tpu.memory_space<vmem>> -> memref<1x128xi32, #tpu.memory_space<vmem>>
        %dma_wait3A_203 = tpu.memref_squeeze %dma_wait3A_202 : memref<1x128xi32, #tpu.memory_space<vmem>> -> memref<128xi32, #tpu.memory_space<vmem>>
        %dma_wait3A_204 = arith.constant 0 : i32
        %dma_wait3A_205 = arith.constant 0 : i32
        %dma_wait3A_206 = tpu.memref_slice %arg14[%dma_wait3A_204, %dma_wait3A_205] : memref<10016x128xf32, #tpu.memory_space<vmem_shared>> -> memref<10016x128xf32, #tpu.memory_space<vmem_shared>>
        tpu.wait_indirect_dma semaphore(%run_scoped3A : memref<!tpu.dma_semaphore, #tpu.memory_space<semaphore_mem>>) src(%arg12 : memref<128x128xf32, #tpu.memory_space<vmem>>) dst(%dma_wait3A_206 : memref<10016x128xf32, #tpu.memory_space<vmem_shared>>)
        tpu.yield
      }) : () -> ()
      %add3A_107 = arith.constant 4 : i32
      %add3A_108 = arith.addi %add3A_97, %add3A_107 : i32
      %lt3A = arith.constant 80 : i32
      %lt3A_109 = arith.cmpi slt, %add3A_108, %lt3A : i32
      %convert_element_type3A_110 = arith.extui %lt3A_109 : i1 to i32
      %cond3A_111 = arith.constant 0 : i32
      %cond3A_112 = arith.cmpi ne, %convert_element_type3A_110, %cond3A_111 : i32
      scf.if %cond3A_112 {
        %add3A_195 = arith.constant 4 : i32
        %add3A_196 = arith.addi %add3A_97, %add3A_195 : i32
        %dma_start3A_197 = arith.constant 0 : i32
        %dma_start3A_198 = arith.constant 0 : i32
        %dma_start3A_199 = tpu.memref_slice %arg3[%add3A, %add3A_196, %dma_start3A_198] : memref<32x80x128xi32, #tpu.memory_space<hbm>> -> memref<1x1x128xi32, #tpu.memory_space<hbm>>
        %dma_start3A_200 = tpu.memref_squeeze %dma_start3A_199 : memref<1x1x128xi32, #tpu.memory_space<hbm>> -> memref<128xi32, #tpu.memory_space<hbm>>
        %dma_start3A_201 = tpu.memref_slice %arg16[%dma_start3A_197] : memref<4x!tpu.dma_semaphore, #tpu.memory_space<semaphore_mem>> -> memref<1x!tpu.dma_semaphore, #tpu.memory_space<semaphore_mem>>
        %dma_start3A_202 = tpu.memref_squeeze %dma_start3A_201 : memref<1x!tpu.dma_semaphore, #tpu.memory_space<semaphore_mem>> -> memref<!tpu.dma_semaphore, #tpu.memory_space<semaphore_mem>>
        %dma_start3A_203 = arith.constant 0 : i32
        %dma_start3A_204 = tpu.memref_slice %arg3[%add3A, %add3A_196, %dma_start3A_203] : memref<32x80x128xi32, #tpu.memory_space<hbm>> -> memref<1x1x128xi32, #tpu.memory_space<hbm>>
        %dma_start3A_205 = tpu.memref_squeeze %dma_start3A_204 : memref<1x1x128xi32, #tpu.memory_space<hbm>> -> memref<128xi32, #tpu.memory_space<hbm>>
        tpu.enqueue_dma source(%dma_start3A_205 : memref<128xi32, #tpu.memory_space<hbm>>) target(%arg7 : memref<128xi32, #tpu.memory_space<vmem>>) target_semaphore(%dma_start3A_202 : memref<!tpu.dma_semaphore, #tpu.memory_space<semaphore_mem>>)
      } else {
      }
      %add3A_113 = arith.constant 2 : i32
      %add3A_114 = arith.addi %add3A_97, %add3A_113 : i32
      %lt3A_115 = arith.constant 80 : i32
      %lt3A_116 = arith.cmpi slt, %add3A_114, %lt3A_115 : i32
      %convert_element_type3A_117 = arith.extui %lt3A_116 : i1 to i32
      %cond3A_118 = arith.constant 0 : i32
      %cond3A_119 = arith.cmpi ne, %convert_element_type3A_117, %cond3A_118 : i32
      scf.if %cond3A_119 {
        %dma_wait3A_195 = arith.constant 0 : i32
        %dma_wait3A_196 = arith.constant 2 : i32
        %dma_wait3A_197 = arith.constant 0 : i32
        %dma_wait3A_198 = tpu.memref_slice %arg3[%add3A, %dma_wait3A_195, %dma_wait3A_197] : memref<32x80x128xi32, #tpu.memory_space<hbm>> -> memref<1x1x128xi32, #tpu.memory_space<hbm>>
        %dma_wait3A_199 = tpu.memref_squeeze %dma_wait3A_198 : memref<1x1x128xi32, #tpu.memory_space<hbm>> -> memref<128xi32, #tpu.memory_space<hbm>>
        %dma_wait3A_200 = tpu.memref_slice %arg16[%dma_wait3A_196] : memref<4x!tpu.dma_semaphore, #tpu.memory_space<semaphore_mem>> -> memref<1x!tpu.dma_semaphore, #tpu.memory_space<semaphore_mem>>
        %dma_wait3A_201 = tpu.memref_squeeze %dma_wait3A_200 : memref<1x!tpu.dma_semaphore, #tpu.memory_space<semaphore_mem>> -> memref<!tpu.dma_semaphore, #tpu.memory_space<semaphore_mem>>
        %dma_wait3A_202 = arith.constant 0 : i32
        %dma_wait3A_203 = tpu.memref_slice %arg3[%add3A, %dma_wait3A_195, %dma_wait3A_202] : memref<32x80x128xi32, #tpu.memory_space<hbm>> -> memref<1x1x128xi32, #tpu.memory_space<hbm>>
        %dma_wait3A_204 = tpu.memref_squeeze %dma_wait3A_203 : memref<1x1x128xi32, #tpu.memory_space<hbm>> -> memref<128xi32, #tpu.memory_space<hbm>>
        tpu.wait_dma2 semaphore(%dma_wait3A_201 : memref<!tpu.dma_semaphore, #tpu.memory_space<semaphore_mem>>) src(%dma_wait3A_204 : memref<128xi32, #tpu.memory_space<hbm>>) dst(%arg9 : memref<128xi32, #tpu.memory_space<vmem>>)
        %dma_start3A_205 = arith.constant 0 : i32
        %dma_start3A_206 = arith.constant 0 : i32
        %dma_start3A_207 = arith.constant 0 : i32
        %dma_start3A_208 = tpu.memref_slice %arg2[%dma_start3A_206, %dma_start3A_207] : memref<10000x128xf32, #tpu.memory_space<hbm>> -> memref<10000x128xf32, #tpu.memory_space<hbm>>
        %dma_start3A_209 = tpu.memref_slice %arg15[%dma_start3A_205] : memref<2x!tpu.dma_semaphore, #tpu.memory_space<semaphore_mem>> -> memref<1x!tpu.dma_semaphore, #tpu.memory_space<semaphore_mem>>
        %dma_start3A_210 = tpu.memref_squeeze %dma_start3A_209 : memref<1x!tpu.dma_semaphore, #tpu.memory_space<semaphore_mem>> -> memref<!tpu.dma_semaphore, #tpu.memory_space<semaphore_mem>>
        tpu.enqueue_indirect_dma source(%dma_start3A_208 : memref<10000x128xf32, #tpu.memory_space<hbm>>) target(%arg12 : memref<128x128xf32, #tpu.memory_space<vmem>>) offsets(%arg9 : memref<128xi32, #tpu.memory_space<vmem>>) semaphore(%dma_start3A_210 : memref<!tpu.dma_semaphore, #tpu.memory_space<semaphore_mem>>)
      } else {
      }
      %add3A_120 = arith.constant 1 : i32
      %add3A_121 = arith.addi %add3A_95, %add3A_120 : i32
      %dma_wait3A_122 = arith.constant 1 : i32
      %dma_wait3A_123 = arith.constant 0 : i32
      %dma_wait3A_124 = arith.constant 0 : i32
      %dma_wait3A_125 = tpu.memref_slice %arg2[%dma_wait3A_123, %dma_wait3A_124] : memref<10000x128xf32, #tpu.memory_space<hbm>> -> memref<128x128xf32, #tpu.memory_space<hbm>>
      %dma_wait3A_126 = tpu.memref_slice %arg15[%dma_wait3A_122] : memref<2x!tpu.dma_semaphore, #tpu.memory_space<semaphore_mem>> -> memref<1x!tpu.dma_semaphore, #tpu.memory_space<semaphore_mem>>
      %dma_wait3A_127 = tpu.memref_squeeze %dma_wait3A_126 : memref<1x!tpu.dma_semaphore, #tpu.memory_space<semaphore_mem>> -> memref<!tpu.dma_semaphore, #tpu.memory_space<semaphore_mem>>
      %dma_wait3A_128 = arith.constant 0 : i32
      %dma_wait3A_129 = arith.constant 0 : i32
      %dma_wait3A_130 = tpu.memref_slice %arg2[%dma_wait3A_128, %dma_wait3A_129] : memref<10000x128xf32, #tpu.memory_space<hbm>> -> memref<128x128xf32, #tpu.memory_space<hbm>>
      tpu.wait_dma2 semaphore(%dma_wait3A_127 : memref<!tpu.dma_semaphore, #tpu.memory_space<semaphore_mem>>) src(%dma_wait3A_130 : memref<128x128xf32, #tpu.memory_space<hbm>>) dst(%arg13 : memref<128x128xf32, #tpu.memory_space<vmem>>)
      "tpu.region"() ({
        %run_scoped3A = tpu.sem_alloc : memref<!tpu.dma_semaphore, #tpu.memory_space<semaphore_mem>>
        %dma_start3A_195 = arith.constant 0 : i32
        %dma_start3A_196 = tpu.memref_slice %arg11[%add3A_121, %dma_start3A_195] : memref<80x128xi32, #tpu.memory_space<vmem>> -> memref<1x128xi32, #tpu.memory_space<vmem>>
        %dma_start3A_197 = tpu.memref_squeeze %dma_start3A_196 : memref<1x128xi32, #tpu.memory_space<vmem>> -> memref<128xi32, #tpu.memory_space<vmem>>
        %dma_start3A_198 = arith.constant 0 : i32
        %dma_start3A_199 = arith.constant 0 : i32
        %dma_start3A_200 = tpu.memref_slice %arg14[%dma_start3A_198, %dma_start3A_199] : memref<10016x128xf32, #tpu.memory_space<vmem_shared>> -> memref<10016x128xf32, #tpu.memory_space<vmem_shared>>
        tpu.enqueue_indirect_dma source(%arg13 : memref<128x128xf32, #tpu.memory_space<vmem>>) target(%dma_start3A_200 : memref<10016x128xf32, #tpu.memory_space<vmem_shared>>) offsets(%dma_start3A_197 : memref<128xi32, #tpu.memory_space<vmem>>) semaphore(%run_scoped3A : memref<!tpu.dma_semaphore, #tpu.memory_space<semaphore_mem>>) {add = true}
        %dma_wait3A_201 = arith.constant 0 : i32
        %dma_wait3A_202 = tpu.memref_slice %arg11[%add3A_121, %dma_wait3A_201] : memref<80x128xi32, #tpu.memory_space<vmem>> -> memref<1x128xi32, #tpu.memory_space<vmem>>
        %dma_wait3A_203 = tpu.memref_squeeze %dma_wait3A_202 : memref<1x128xi32, #tpu.memory_space<vmem>> -> memref<128xi32, #tpu.memory_space<vmem>>
        %dma_wait3A_204 = arith.constant 0 : i32
        %dma_wait3A_205 = arith.constant 0 : i32
        %dma_wait3A_206 = tpu.memref_slice %arg14[%dma_wait3A_204, %dma_wait3A_205] : memref<10016x128xf32, #tpu.memory_space<vmem_shared>> -> memref<10016x128xf32, #tpu.memory_space<vmem_shared>>
        tpu.wait_indirect_dma semaphore(%run_scoped3A : memref<!tpu.dma_semaphore, #tpu.memory_space<semaphore_mem>>) src(%arg13 : memref<128x128xf32, #tpu.memory_space<vmem>>) dst(%dma_wait3A_206 : memref<10016x128xf32, #tpu.memory_space<vmem_shared>>)
        tpu.yield
      }) : () -> ()
      %add3A_131 = arith.constant 4 : i32
      %add3A_132 = arith.addi %add3A_121, %add3A_131 : i32
      %lt3A_133 = arith.constant 80 : i32
      %lt3A_134 = arith.cmpi slt, %add3A_132, %lt3A_133 : i32
      %convert_element_type3A_135 = arith.extui %lt3A_134 : i1 to i32
      %cond3A_136 = arith.constant 0 : i32
      %cond3A_137 = arith.cmpi ne, %convert_element_type3A_135, %cond3A_136 : i32
      scf.if %cond3A_137 {
        %add3A_195 = arith.constant 4 : i32
        %add3A_196 = arith.addi %add3A_121, %add3A_195 : i32
        %dma_start3A_197 = arith.constant 1 : i32
        %dma_start3A_198 = arith.constant 0 : i32
        %dma_start3A_199 = tpu.memref_slice %arg3[%add3A, %add3A_196, %dma_start3A_198] : memref<32x80x128xi32, #tpu.memory_space<hbm>> -> memref<1x1x128xi32, #tpu.memory_space<hbm>>
        %dma_start3A_200 = tpu.memref_squeeze %dma_start3A_199 : memref<1x1x128xi32, #tpu.memory_space<hbm>> -> memref<128xi32, #tpu.memory_space<hbm>>
        %dma_start3A_201 = tpu.memref_slice %arg16[%dma_start3A_197] : memref<4x!tpu.dma_semaphore, #tpu.memory_space<semaphore_mem>> -> memref<1x!tpu.dma_semaphore, #tpu.memory_space<semaphore_mem>>
        %dma_start3A_202 = tpu.memref_squeeze %dma_start3A_201 : memref<1x!tpu.dma_semaphore, #tpu.memory_space<semaphore_mem>> -> memref<!tpu.dma_semaphore, #tpu.memory_space<semaphore_mem>>
        %dma_start3A_203 = arith.constant 0 : i32
        %dma_start3A_204 = tpu.memref_slice %arg3[%add3A, %add3A_196, %dma_start3A_203] : memref<32x80x128xi32, #tpu.memory_space<hbm>> -> memref<1x1x128xi32, #tpu.memory_space<hbm>>
        %dma_start3A_205 = tpu.memref_squeeze %dma_start3A_204 : memref<1x1x128xi32, #tpu.memory_space<hbm>> -> memref<128xi32, #tpu.memory_space<hbm>>
        tpu.enqueue_dma source(%dma_start3A_205 : memref<128xi32, #tpu.memory_space<hbm>>) target(%arg8 : memref<128xi32, #tpu.memory_space<vmem>>) target_semaphore(%dma_start3A_202 : memref<!tpu.dma_semaphore, #tpu.memory_space<semaphore_mem>>)
      } else {
      }
      %add3A_138 = arith.constant 2 : i32
      %add3A_139 = arith.addi %add3A_121, %add3A_138 : i32
      %lt3A_140 = arith.constant 80 : i32
      %lt3A_141 = arith.cmpi slt, %add3A_139, %lt3A_140 : i32
      %convert_element_type3A_142 = arith.extui %lt3A_141 : i1 to i32
      %cond3A_143 = arith.constant 0 : i32
      %cond3A_144 = arith.cmpi ne, %convert_element_type3A_142, %cond3A_143 : i32
      scf.if %cond3A_144 {
        %dma_wait3A_195 = arith.constant 0 : i32
        %dma_wait3A_196 = arith.constant 3 : i32
        %dma_wait3A_197 = arith.constant 0 : i32
        %dma_wait3A_198 = tpu.memref_slice %arg3[%add3A, %dma_wait3A_195, %dma_wait3A_197] : memref<32x80x128xi32, #tpu.memory_space<hbm>> -> memref<1x1x128xi32, #tpu.memory_space<hbm>>
        %dma_wait3A_199 = tpu.memref_squeeze %dma_wait3A_198 : memref<1x1x128xi32, #tpu.memory_space<hbm>> -> memref<128xi32, #tpu.memory_space<hbm>>
        %dma_wait3A_200 = tpu.memref_slice %arg16[%dma_wait3A_196] : memref<4x!tpu.dma_semaphore, #tpu.memory_space<semaphore_mem>> -> memref<1x!tpu.dma_semaphore, #tpu.memory_space<semaphore_mem>>
        %dma_wait3A_201 = tpu.memref_squeeze %dma_wait3A_200 : memref<1x!tpu.dma_semaphore, #tpu.memory_space<semaphore_mem>> -> memref<!tpu.dma_semaphore, #tpu.memory_space<semaphore_mem>>
        %dma_wait3A_202 = arith.constant 0 : i32
        %dma_wait3A_203 = tpu.memref_slice %arg3[%add3A, %dma_wait3A_195, %dma_wait3A_202] : memref<32x80x128xi32, #tpu.memory_space<hbm>> -> memref<1x1x128xi32, #tpu.memory_space<hbm>>
        %dma_wait3A_204 = tpu.memref_squeeze %dma_wait3A_203 : memref<1x1x128xi32, #tpu.memory_space<hbm>> -> memref<128xi32, #tpu.memory_space<hbm>>
        tpu.wait_dma2 semaphore(%dma_wait3A_201 : memref<!tpu.dma_semaphore, #tpu.memory_space<semaphore_mem>>) src(%dma_wait3A_204 : memref<128xi32, #tpu.memory_space<hbm>>) dst(%arg10 : memref<128xi32, #tpu.memory_space<vmem>>)
        %dma_start3A_205 = arith.constant 1 : i32
        %dma_start3A_206 = arith.constant 0 : i32
        %dma_start3A_207 = arith.constant 0 : i32
        %dma_start3A_208 = tpu.memref_slice %arg2[%dma_start3A_206, %dma_start3A_207] : memref<10000x128xf32, #tpu.memory_space<hbm>> -> memref<10000x128xf32, #tpu.memory_space<hbm>>
        %dma_start3A_209 = tpu.memref_slice %arg15[%dma_start3A_205] : memref<2x!tpu.dma_semaphore, #tpu.memory_space<semaphore_mem>> -> memref<1x!tpu.dma_semaphore, #tpu.memory_space<semaphore_mem>>
        %dma_start3A_210 = tpu.memref_squeeze %dma_start3A_209 : memref<1x!tpu.dma_semaphore, #tpu.memory_space<semaphore_mem>> -> memref<!tpu.dma_semaphore, #tpu.memory_space<semaphore_mem>>
        tpu.enqueue_indirect_dma source(%dma_start3A_208 : memref<10000x128xf32, #tpu.memory_space<hbm>>) target(%arg13 : memref<128x128xf32, #tpu.memory_space<vmem>>) offsets(%arg10 : memref<128xi32, #tpu.memory_space<vmem>>) semaphore(%dma_start3A_210 : memref<!tpu.dma_semaphore, #tpu.memory_space<semaphore_mem>>)
      } else {
      }
      %add3A_145 = arith.constant 2 : i32
      %add3A_146 = arith.addi %add3A_95, %add3A_145 : i32
      %dma_wait3A_147 = arith.constant 0 : i32
      %dma_wait3A_148 = arith.constant 0 : i32
      %dma_wait3A_149 = arith.constant 0 : i32
      %dma_wait3A_150 = tpu.memref_slice %arg2[%dma_wait3A_148, %dma_wait3A_149] : memref<10000x128xf32, #tpu.memory_space<hbm>> -> memref<128x128xf32, #tpu.memory_space<hbm>>
      %dma_wait3A_151 = tpu.memref_slice %arg15[%dma_wait3A_147] : memref<2x!tpu.dma_semaphore, #tpu.memory_space<semaphore_mem>> -> memref<1x!tpu.dma_semaphore, #tpu.memory_space<semaphore_mem>>
      %dma_wait3A_152 = tpu.memref_squeeze %dma_wait3A_151 : memref<1x!tpu.dma_semaphore, #tpu.memory_space<semaphore_mem>> -> memref<!tpu.dma_semaphore, #tpu.memory_space<semaphore_mem>>
      %dma_wait3A_153 = arith.constant 0 : i32
      %dma_wait3A_154 = arith.constant 0 : i32
      %dma_wait3A_155 = tpu.memref_slice %arg2[%dma_wait3A_153, %dma_wait3A_154] : memref<10000x128xf32, #tpu.memory_space<hbm>> -> memref<128x128xf32, #tpu.memory_space<hbm>>
      tpu.wait_dma2 semaphore(%dma_wait3A_152 : memref<!tpu.dma_semaphore, #tpu.memory_space<semaphore_mem>>) src(%dma_wait3A_155 : memref<128x128xf32, #tpu.memory_space<hbm>>) dst(%arg12 : memref<128x128xf32, #tpu.memory_space<vmem>>)
      "tpu.region"() ({
        %run_scoped3A = tpu.sem_alloc : memref<!tpu.dma_semaphore, #tpu.memory_space<semaphore_mem>>
        %dma_start3A_195 = arith.constant 0 : i32
        %dma_start3A_196 = tpu.memref_slice %arg11[%add3A_146, %dma_start3A_195] : memref<80x128xi32, #tpu.memory_space<vmem>> -> memref<1x128xi32, #tpu.memory_space<vmem>>
        %dma_start3A_197 = tpu.memref_squeeze %dma_start3A_196 : memref<1x128xi32, #tpu.memory_space<vmem>> -> memref<128xi32, #tpu.memory_space<vmem>>
        %dma_start3A_198 = arith.constant 0 : i32
        %dma_start3A_199 = arith.constant 0 : i32
        %dma_start3A_200 = tpu.memref_slice %arg14[%dma_start3A_198, %dma_start3A_199] : memref<10016x128xf32, #tpu.memory_space<vmem_shared>> -> memref<10016x128xf32, #tpu.memory_space<vmem_shared>>
        tpu.enqueue_indirect_dma source(%arg12 : memref<128x128xf32, #tpu.memory_space<vmem>>) target(%dma_start3A_200 : memref<10016x128xf32, #tpu.memory_space<vmem_shared>>) offsets(%dma_start3A_197 : memref<128xi32, #tpu.memory_space<vmem>>) semaphore(%run_scoped3A : memref<!tpu.dma_semaphore, #tpu.memory_space<semaphore_mem>>) {add = true}
        %dma_wait3A_201 = arith.constant 0 : i32
        %dma_wait3A_202 = tpu.memref_slice %arg11[%add3A_146, %dma_wait3A_201] : memref<80x128xi32, #tpu.memory_space<vmem>> -> memref<1x128xi32, #tpu.memory_space<vmem>>
        %dma_wait3A_203 = tpu.memref_squeeze %dma_wait3A_202 : memref<1x128xi32, #tpu.memory_space<vmem>> -> memref<128xi32, #tpu.memory_space<vmem>>
        %dma_wait3A_204 = arith.constant 0 : i32
        %dma_wait3A_205 = arith.constant 0 : i32
        %dma_wait3A_206 = tpu.memref_slice %arg14[%dma_wait3A_204, %dma_wait3A_205] : memref<10016x128xf32, #tpu.memory_space<vmem_shared>> -> memref<10016x128xf32, #tpu.memory_space<vmem_shared>>
        tpu.wait_indirect_dma semaphore(%run_scoped3A : memref<!tpu.dma_semaphore, #tpu.memory_space<semaphore_mem>>) src(%arg12 : memref<128x128xf32, #tpu.memory_space<vmem>>) dst(%dma_wait3A_206 : memref<10016x128xf32, #tpu.memory_space<vmem_shared>>)
        tpu.yield
      }) : () -> ()
      %add3A_156 = arith.constant 4 : i32
      %add3A_157 = arith.addi %add3A_146, %add3A_156 : i32
      %lt3A_158 = arith.constant 80 : i32
      %lt3A_159 = arith.cmpi slt, %add3A_157, %lt3A_158 : i32
      %convert_element_type3A_160 = arith.extui %lt3A_159 : i1 to i32
      %cond3A_161 = arith.constant 0 : i32
      %cond3A_162 = arith.cmpi ne, %convert_element_type3A_160, %cond3A_161 : i32
      scf.if %cond3A_162 {
        %add3A_195 = arith.constant 4 : i32
        %add3A_196 = arith.addi %add3A_146, %add3A_195 : i32
        %dma_start3A_197 = arith.constant 2 : i32
        %dma_start3A_198 = arith.constant 0 : i32
        %dma_start3A_199 = tpu.memref_slice %arg3[%add3A, %add3A_196, %dma_start3A_198] : memref<32x80x128xi32, #tpu.memory_space<hbm>> -> memref<1x1x128xi32, #tpu.memory_space<hbm>>
        %dma_start3A_200 = tpu.memref_squeeze %dma_start3A_199 : memref<1x1x128xi32, #tpu.memory_space<hbm>> -> memref<128xi32, #tpu.memory_space<hbm>>
        %dma_start3A_201 = tpu.memref_slice %arg16[%dma_start3A_197] : memref<4x!tpu.dma_semaphore, #tpu.memory_space<semaphore_mem>> -> memref<1x!tpu.dma_semaphore, #tpu.memory_space<semaphore_mem>>
        %dma_start3A_202 = tpu.memref_squeeze %dma_start3A_201 : memref<1x!tpu.dma_semaphore, #tpu.memory_space<semaphore_mem>> -> memref<!tpu.dma_semaphore, #tpu.memory_space<semaphore_mem>>
        %dma_start3A_203 = arith.constant 0 : i32
        %dma_start3A_204 = tpu.memref_slice %arg3[%add3A, %add3A_196, %dma_start3A_203] : memref<32x80x128xi32, #tpu.memory_space<hbm>> -> memref<1x1x128xi32, #tpu.memory_space<hbm>>
        %dma_start3A_205 = tpu.memref_squeeze %dma_start3A_204 : memref<1x1x128xi32, #tpu.memory_space<hbm>> -> memref<128xi32, #tpu.memory_space<hbm>>
        tpu.enqueue_dma source(%dma_start3A_205 : memref<128xi32, #tpu.memory_space<hbm>>) target(%arg9 : memref<128xi32, #tpu.memory_space<vmem>>) target_semaphore(%dma_start3A_202 : memref<!tpu.dma_semaphore, #tpu.memory_space<semaphore_mem>>)
      } else {
      }
      %add3A_163 = arith.constant 2 : i32
      %add3A_164 = arith.addi %add3A_146, %add3A_163 : i32
      %lt3A_165 = arith.constant 80 : i32
      %lt3A_166 = arith.cmpi slt, %add3A_164, %lt3A_165 : i32
      %convert_element_type3A_167 = arith.extui %lt3A_166 : i1 to i32
      %cond3A_168 = arith.constant 0 : i32
      %cond3A_169 = arith.cmpi ne, %convert_element_type3A_167, %cond3A_168 : i32
      scf.if %cond3A_169 {
        %dma_wait3A_195 = arith.constant 0 : i32
        %dma_wait3A_196 = arith.constant 0 : i32
        %dma_wait3A_197 = arith.constant 0 : i32
        %dma_wait3A_198 = tpu.memref_slice %arg3[%add3A, %dma_wait3A_195, %dma_wait3A_197] : memref<32x80x128xi32, #tpu.memory_space<hbm>> -> memref<1x1x128xi32, #tpu.memory_space<hbm>>
        %dma_wait3A_199 = tpu.memref_squeeze %dma_wait3A_198 : memref<1x1x128xi32, #tpu.memory_space<hbm>> -> memref<128xi32, #tpu.memory_space<hbm>>
        %dma_wait3A_200 = tpu.memref_slice %arg16[%dma_wait3A_196] : memref<4x!tpu.dma_semaphore, #tpu.memory_space<semaphore_mem>> -> memref<1x!tpu.dma_semaphore, #tpu.memory_space<semaphore_mem>>
        %dma_wait3A_201 = tpu.memref_squeeze %dma_wait3A_200 : memref<1x!tpu.dma_semaphore, #tpu.memory_space<semaphore_mem>> -> memref<!tpu.dma_semaphore, #tpu.memory_space<semaphore_mem>>
        %dma_wait3A_202 = arith.constant 0 : i32
        %dma_wait3A_203 = tpu.memref_slice %arg3[%add3A, %dma_wait3A_195, %dma_wait3A_202] : memref<32x80x128xi32, #tpu.memory_space<hbm>> -> memref<1x1x128xi32, #tpu.memory_space<hbm>>
        %dma_wait3A_204 = tpu.memref_squeeze %dma_wait3A_203 : memref<1x1x128xi32, #tpu.memory_space<hbm>> -> memref<128xi32, #tpu.memory_space<hbm>>
        tpu.wait_dma2 semaphore(%dma_wait3A_201 : memref<!tpu.dma_semaphore, #tpu.memory_space<semaphore_mem>>) src(%dma_wait3A_204 : memref<128xi32, #tpu.memory_space<hbm>>) dst(%arg7 : memref<128xi32, #tpu.memory_space<vmem>>)
        %dma_start3A_205 = arith.constant 0 : i32
        %dma_start3A_206 = arith.constant 0 : i32
        %dma_start3A_207 = arith.constant 0 : i32
        %dma_start3A_208 = tpu.memref_slice %arg2[%dma_start3A_206, %dma_start3A_207] : memref<10000x128xf32, #tpu.memory_space<hbm>> -> memref<10000x128xf32, #tpu.memory_space<hbm>>
        %dma_start3A_209 = tpu.memref_slice %arg15[%dma_start3A_205] : memref<2x!tpu.dma_semaphore, #tpu.memory_space<semaphore_mem>> -> memref<1x!tpu.dma_semaphore, #tpu.memory_space<semaphore_mem>>
        %dma_start3A_210 = tpu.memref_squeeze %dma_start3A_209 : memref<1x!tpu.dma_semaphore, #tpu.memory_space<semaphore_mem>> -> memref<!tpu.dma_semaphore, #tpu.memory_space<semaphore_mem>>
        tpu.enqueue_indirect_dma source(%dma_start3A_208 : memref<10000x128xf32, #tpu.memory_space<hbm>>) target(%arg12 : memref<128x128xf32, #tpu.memory_space<vmem>>) offsets(%arg7 : memref<128xi32, #tpu.memory_space<vmem>>) semaphore(%dma_start3A_210 : memref<!tpu.dma_semaphore, #tpu.memory_space<semaphore_mem>>)
      } else {
      }
      %add3A_170 = arith.constant 3 : i32
      %add3A_171 = arith.addi %add3A_95, %add3A_170 : i32
      %dma_wait3A_172 = arith.constant 1 : i32
      %dma_wait3A_173 = arith.constant 0 : i32
      %dma_wait3A_174 = arith.constant 0 : i32
      %dma_wait3A_175 = tpu.memref_slice %arg2[%dma_wait3A_173, %dma_wait3A_174] : memref<10000x128xf32, #tpu.memory_space<hbm>> -> memref<128x128xf32, #tpu.memory_space<hbm>>
      %dma_wait3A_176 = tpu.memref_slice %arg15[%dma_wait3A_172] : memref<2x!tpu.dma_semaphore, #tpu.memory_space<semaphore_mem>> -> memref<1x!tpu.dma_semaphore, #tpu.memory_space<semaphore_mem>>
      %dma_wait3A_177 = tpu.memref_squeeze %dma_wait3A_176 : memref<1x!tpu.dma_semaphore, #tpu.memory_space<semaphore_mem>> -> memref<!tpu.dma_semaphore, #tpu.memory_space<semaphore_mem>>
      %dma_wait3A_178 = arith.constant 0 : i32
      %dma_wait3A_179 = arith.constant 0 : i32
      %dma_wait3A_180 = tpu.memref_slice %arg2[%dma_wait3A_178, %dma_wait3A_179] : memref<10000x128xf32, #tpu.memory_space<hbm>> -> memref<128x128xf32, #tpu.memory_space<hbm>>
      tpu.wait_dma2 semaphore(%dma_wait3A_177 : memref<!tpu.dma_semaphore, #tpu.memory_space<semaphore_mem>>) src(%dma_wait3A_180 : memref<128x128xf32, #tpu.memory_space<hbm>>) dst(%arg13 : memref<128x128xf32, #tpu.memory_space<vmem>>)
      "tpu.region"() ({
        %run_scoped3A = tpu.sem_alloc : memref<!tpu.dma_semaphore, #tpu.memory_space<semaphore_mem>>
        %dma_start3A_195 = arith.constant 0 : i32
        %dma_start3A_196 = tpu.memref_slice %arg11[%add3A_171, %dma_start3A_195] : memref<80x128xi32, #tpu.memory_space<vmem>> -> memref<1x128xi32, #tpu.memory_space<vmem>>
        %dma_start3A_197 = tpu.memref_squeeze %dma_start3A_196 : memref<1x128xi32, #tpu.memory_space<vmem>> -> memref<128xi32, #tpu.memory_space<vmem>>
        %dma_start3A_198 = arith.constant 0 : i32
        %dma_start3A_199 = arith.constant 0 : i32
        %dma_start3A_200 = tpu.memref_slice %arg14[%dma_start3A_198, %dma_start3A_199] : memref<10016x128xf32, #tpu.memory_space<vmem_shared>> -> memref<10016x128xf32, #tpu.memory_space<vmem_shared>>
        tpu.enqueue_indirect_dma source(%arg13 : memref<128x128xf32, #tpu.memory_space<vmem>>) target(%dma_start3A_200 : memref<10016x128xf32, #tpu.memory_space<vmem_shared>>) offsets(%dma_start3A_197 : memref<128xi32, #tpu.memory_space<vmem>>) semaphore(%run_scoped3A : memref<!tpu.dma_semaphore, #tpu.memory_space<semaphore_mem>>) {add = true}
        %dma_wait3A_201 = arith.constant 0 : i32
        %dma_wait3A_202 = tpu.memref_slice %arg11[%add3A_171, %dma_wait3A_201] : memref<80x128xi32, #tpu.memory_space<vmem>> -> memref<1x128xi32, #tpu.memory_space<vmem>>
        %dma_wait3A_203 = tpu.memref_squeeze %dma_wait3A_202 : memref<1x128xi32, #tpu.memory_space<vmem>> -> memref<128xi32, #tpu.memory_space<vmem>>
        %dma_wait3A_204 = arith.constant 0 : i32
        %dma_wait3A_205 = arith.constant 0 : i32
        %dma_wait3A_206 = tpu.memref_slice %arg14[%dma_wait3A_204, %dma_wait3A_205] : memref<10016x128xf32, #tpu.memory_space<vmem_shared>> -> memref<10016x128xf32, #tpu.memory_space<vmem_shared>>
        tpu.wait_indirect_dma semaphore(%run_scoped3A : memref<!tpu.dma_semaphore, #tpu.memory_space<semaphore_mem>>) src(%arg13 : memref<128x128xf32, #tpu.memory_space<vmem>>) dst(%dma_wait3A_206 : memref<10016x128xf32, #tpu.memory_space<vmem_shared>>)
        tpu.yield
      }) : () -> ()
      %add3A_181 = arith.constant 4 : i32
      %add3A_182 = arith.addi %add3A_171, %add3A_181 : i32
      %lt3A_183 = arith.constant 80 : i32
      %lt3A_184 = arith.cmpi slt, %add3A_182, %lt3A_183 : i32
      %convert_element_type3A_185 = arith.extui %lt3A_184 : i1 to i32
      %cond3A_186 = arith.constant 0 : i32
      %cond3A_187 = arith.cmpi ne, %convert_element_type3A_185, %cond3A_186 : i32
      scf.if %cond3A_187 {
        %add3A_195 = arith.constant 4 : i32
        %add3A_196 = arith.addi %add3A_171, %add3A_195 : i32
        %dma_start3A_197 = arith.constant 3 : i32
        %dma_start3A_198 = arith.constant 0 : i32
        %dma_start3A_199 = tpu.memref_slice %arg3[%add3A, %add3A_196, %dma_start3A_198] : memref<32x80x128xi32, #tpu.memory_space<hbm>> -> memref<1x1x128xi32, #tpu.memory_space<hbm>>
        %dma_start3A_200 = tpu.memref_squeeze %dma_start3A_199 : memref<1x1x128xi32, #tpu.memory_space<hbm>> -> memref<128xi32, #tpu.memory_space<hbm>>
        %dma_start3A_201 = tpu.memref_slice %arg16[%dma_start3A_197] : memref<4x!tpu.dma_semaphore, #tpu.memory_space<semaphore_mem>> -> memref<1x!tpu.dma_semaphore, #tpu.memory_space<semaphore_mem>>
        %dma_start3A_202 = tpu.memref_squeeze %dma_start3A_201 : memref<1x!tpu.dma_semaphore, #tpu.memory_space<semaphore_mem>> -> memref<!tpu.dma_semaphore, #tpu.memory_space<semaphore_mem>>
        %dma_start3A_203 = arith.constant 0 : i32
        %dma_start3A_204 = tpu.memref_slice %arg3[%add3A, %add3A_196, %dma_start3A_203] : memref<32x80x128xi32, #tpu.memory_space<hbm>> -> memref<1x1x128xi32, #tpu.memory_space<hbm>>
        %dma_start3A_205 = tpu.memref_squeeze %dma_start3A_204 : memref<1x1x128xi32, #tpu.memory_space<hbm>> -> memref<128xi32, #tpu.memory_space<hbm>>
        tpu.enqueue_dma source(%dma_start3A_205 : memref<128xi32, #tpu.memory_space<hbm>>) target(%arg10 : memref<128xi32, #tpu.memory_space<vmem>>) target_semaphore(%dma_start3A_202 : memref<!tpu.dma_semaphore, #tpu.memory_space<semaphore_mem>>)
      } else {
      }
      %add3A_188 = arith.constant 2 : i32
      %add3A_189 = arith.addi %add3A_171, %add3A_188 : i32
      %lt3A_190 = arith.constant 80 : i32
      %lt3A_191 = arith.cmpi slt, %add3A_189, %lt3A_190 : i32
      %convert_element_type3A_192 = arith.extui %lt3A_191 : i1 to i32
      %cond3A_193 = arith.constant 0 : i32
      %cond3A_194 = arith.cmpi ne, %convert_element_type3A_192, %cond3A_193 : i32
      scf.if %cond3A_194 {
        %dma_wait3A_195 = arith.constant 0 : i32
        %dma_wait3A_196 = arith.constant 1 : i32
        %dma_wait3A_197 = arith.constant 0 : i32
        %dma_wait3A_198 = tpu.memref_slice %arg3[%add3A, %dma_wait3A_195, %dma_wait3A_197] : memref<32x80x128xi32, #tpu.memory_space<hbm>> -> memref<1x1x128xi32, #tpu.memory_space<hbm>>
        %dma_wait3A_199 = tpu.memref_squeeze %dma_wait3A_198 : memref<1x1x128xi32, #tpu.memory_space<hbm>> -> memref<128xi32, #tpu.memory_space<hbm>>
        %dma_wait3A_200 = tpu.memref_slice %arg16[%dma_wait3A_196] : memref<4x!tpu.dma_semaphore, #tpu.memory_space<semaphore_mem>> -> memref<1x!tpu.dma_semaphore, #tpu.memory_space<semaphore_mem>>
        %dma_wait3A_201 = tpu.memref_squeeze %dma_wait3A_200 : memref<1x!tpu.dma_semaphore, #tpu.memory_space<semaphore_mem>> -> memref<!tpu.dma_semaphore, #tpu.memory_space<semaphore_mem>>
        %dma_wait3A_202 = arith.constant 0 : i32
        %dma_wait3A_203 = tpu.memref_slice %arg3[%add3A, %dma_wait3A_195, %dma_wait3A_202] : memref<32x80x128xi32, #tpu.memory_space<hbm>> -> memref<1x1x128xi32, #tpu.memory_space<hbm>>
        %dma_wait3A_204 = tpu.memref_squeeze %dma_wait3A_203 : memref<1x1x128xi32, #tpu.memory_space<hbm>> -> memref<128xi32, #tpu.memory_space<hbm>>
        tpu.wait_dma2 semaphore(%dma_wait3A_201 : memref<!tpu.dma_semaphore, #tpu.memory_space<semaphore_mem>>) src(%dma_wait3A_204 : memref<128xi32, #tpu.memory_space<hbm>>) dst(%arg8 : memref<128xi32, #tpu.memory_space<vmem>>)
        %dma_start3A_205 = arith.constant 1 : i32
        %dma_start3A_206 = arith.constant 0 : i32
        %dma_start3A_207 = arith.constant 0 : i32
        %dma_start3A_208 = tpu.memref_slice %arg2[%dma_start3A_206, %dma_start3A_207] : memref<10000x128xf32, #tpu.memory_space<hbm>> -> memref<10000x128xf32, #tpu.memory_space<hbm>>
        %dma_start3A_209 = tpu.memref_slice %arg15[%dma_start3A_205] : memref<2x!tpu.dma_semaphore, #tpu.memory_space<semaphore_mem>> -> memref<1x!tpu.dma_semaphore, #tpu.memory_space<semaphore_mem>>
        %dma_start3A_210 = tpu.memref_squeeze %dma_start3A_209 : memref<1x!tpu.dma_semaphore, #tpu.memory_space<semaphore_mem>> -> memref<!tpu.dma_semaphore, #tpu.memory_space<semaphore_mem>>
        tpu.enqueue_indirect_dma source(%dma_start3A_208 : memref<10000x128xf32, #tpu.memory_space<hbm>>) target(%arg13 : memref<128x128xf32, #tpu.memory_space<vmem>>) offsets(%arg8 : memref<128xi32, #tpu.memory_space<vmem>>) semaphore(%dma_start3A_210 : memref<!tpu.dma_semaphore, #tpu.memory_space<semaphore_mem>>)
      } else {
      }
    }
    %scan3A_80 = arith.constant 20 : i32
    %barrier3A_81 = arith.constant 0 : index
    tpu.barrier barrier_id(%barrier3A_81)
    %mul3A_82 = arith.constant 624 : i32
    %mul3A_83 = arith.muli %arg1, %mul3A_82 : i32
    %mul3A_84 = arith.constant 624 : i32
    %mul3A_85 = arith.muli %arg1, %mul3A_84 : i32
    "tpu.region"() ({
      %run_scoped3A = tpu.sem_alloc : memref<!tpu.dma_semaphore, #tpu.memory_space<semaphore_mem>>
      %dma_start3A_91 = arith.constant 0 : i32
      %dma_start3A_92 = tpu.memref_slice %arg6[%arg0, %mul3A_85, %dma_start3A_91] : memref<2x10000x128xf32, #tpu.memory_space<hbm>> -> memref<1x624x128xf32, #tpu.memory_space<hbm>>
      %dma_start3A_93 = tpu.memref_squeeze %dma_start3A_92 : memref<1x624x128xf32, #tpu.memory_space<hbm>> -> memref<624x128xf32, #tpu.memory_space<hbm>>
      %dma_start3A_94 = arith.constant 0 : i32
      %dma_start3A_95 = tpu.memref_slice %arg14[%mul3A_83, %dma_start3A_94] : memref<10016x128xf32, #tpu.memory_space<vmem_shared>> -> memref<624x128xf32, #tpu.memory_space<vmem_shared>>
      tpu.enqueue_dma source(%dma_start3A_95 : memref<624x128xf32, #tpu.memory_space<vmem_shared>>) target(%dma_start3A_93 : memref<624x128xf32, #tpu.memory_space<hbm>>) target_semaphore(%run_scoped3A : memref<!tpu.dma_semaphore, #tpu.memory_space<semaphore_mem>>)
      %dma_wait3A_96 = arith.constant 0 : i32
      %dma_wait3A_97 = tpu.memref_slice %arg6[%arg0, %mul3A_85, %dma_wait3A_96] : memref<2x10000x128xf32, #tpu.memory_space<hbm>> -> memref<1x624x128xf32, #tpu.memory_space<hbm>>
      %dma_wait3A_98 = tpu.memref_squeeze %dma_wait3A_97 : memref<1x624x128xf32, #tpu.memory_space<hbm>> -> memref<624x128xf32, #tpu.memory_space<hbm>>
      %dma_wait3A_99 = arith.constant 0 : i32
      %dma_wait3A_100 = tpu.memref_slice %arg14[%mul3A_83, %dma_wait3A_99] : memref<10016x128xf32, #tpu.memory_space<vmem_shared>> -> memref<624x128xf32, #tpu.memory_space<vmem_shared>>
      tpu.wait_dma2 semaphore(%run_scoped3A : memref<!tpu.dma_semaphore, #tpu.memory_space<semaphore_mem>>) src(%dma_wait3A_100 : memref<624x128xf32, #tpu.memory_space<vmem_shared>>) dst(%dma_wait3A_98 : memref<624x128xf32, #tpu.memory_space<hbm>>)
      tpu.yield
    }) : () -> ()
    %eq3A_86 = arith.constant 0 : i32
    %eq3A_87 = arith.cmpi eq, %arg1, %eq3A_86 : i32
    %convert_element_type3A_88 = arith.extui %eq3A_87 : i1 to i32
    %cond3A_89 = arith.constant 0 : i32
    %cond3A_90 = arith.cmpi ne, %convert_element_type3A_88, %cond3A_89 : i32
    scf.if %cond3A_90 {
      "tpu.region"() ({
        %run_scoped3A = tpu.sem_alloc : memref<!tpu.dma_semaphore, #tpu.memory_space<semaphore_mem>>
        %dma_start3A_91 = arith.constant 9984 : i32
        %dma_start3A_92 = arith.constant 0 : i32
        %dma_start3A_93 = tpu.memref_slice %arg6[%arg0, %dma_start3A_91, %dma_start3A_92] : memref<2x10000x128xf32, #tpu.memory_space<hbm>> -> memref<1x16x128xf32, #tpu.memory_space<hbm>>
        %dma_start3A_94 = tpu.memref_squeeze %dma_start3A_93 : memref<1x16x128xf32, #tpu.memory_space<hbm>> -> memref<16x128xf32, #tpu.memory_space<hbm>>
        %dma_start3A_95 = arith.constant 9984 : i32
        %dma_start3A_96 = arith.constant 0 : i32
        %dma_start3A_97 = tpu.memref_slice %arg14[%dma_start3A_95, %dma_start3A_96] : memref<10016x128xf32, #tpu.memory_space<vmem_shared>> -> memref<16x128xf32, #tpu.memory_space<vmem_shared>>
        tpu.enqueue_dma source(%dma_start3A_97 : memref<16x128xf32, #tpu.memory_space<vmem_shared>>) target(%dma_start3A_94 : memref<16x128xf32, #tpu.memory_space<hbm>>) target_semaphore(%run_scoped3A : memref<!tpu.dma_semaphore, #tpu.memory_space<semaphore_mem>>)
        %dma_wait3A_98 = arith.constant 9984 : i32
        %dma_wait3A_99 = arith.constant 0 : i32
        %dma_wait3A_100 = tpu.memref_slice %arg6[%arg0, %dma_wait3A_98, %dma_wait3A_99] : memref<2x10000x128xf32, #tpu.memory_space<hbm>> -> memref<1x16x128xf32, #tpu.memory_space<hbm>>
        %dma_wait3A_101 = tpu.memref_squeeze %dma_wait3A_100 : memref<1x16x128xf32, #tpu.memory_space<hbm>> -> memref<16x128xf32, #tpu.memory_space<hbm>>
        %dma_wait3A_102 = arith.constant 9984 : i32
        %dma_wait3A_103 = arith.constant 0 : i32
        %dma_wait3A_104 = tpu.memref_slice %arg14[%dma_wait3A_102, %dma_wait3A_103] : memref<10016x128xf32, #tpu.memory_space<vmem_shared>> -> memref<16x128xf32, #tpu.memory_space<vmem_shared>>
        tpu.wait_dma2 semaphore(%run_scoped3A : memref<!tpu.dma_semaphore, #tpu.memory_space<semaphore_mem>>) src(%dma_wait3A_104 : memref<16x128xf32, #tpu.memory_space<vmem_shared>>) dst(%dma_wait3A_101 : memref<16x128xf32, #tpu.memory_space<hbm>>)
        tpu.yield
      }) : () -> ()
    } else {
    }
    return
  }
}

#map = affine_map<(d0, d1) -> (0, 0)>
#map1 = affine_map<(d0, d1) -> (0, 0, 0)>
module attributes {stable_mosaic.version = 14 : i64} {
  func.func @k(%arg0: i32, %arg1: i32, %arg2: memref<10000x128xf32, #tpu.memory_space<hbm>>, %arg3: memref<32x80x128xi32, #tpu.memory_space<hbm>>, %arg4: memref<32x80x128xi32, #tpu.memory_space<hbm>>, %arg5: memref<10000x128xf32, #tpu.memory_space<hbm>>, %arg6: memref<2x10000x128xf32, #tpu.memory_space<hbm>>, %arg7: memref<128xi32, #tpu.memory_space<vmem>>, %arg8: memref<128xi32, #tpu.memory_space<vmem>>, %arg9: memref<128xi32, #tpu.memory_space<vmem>>, %arg10: memref<128xi32, #tpu.memory_space<vmem>>, %arg11: memref<80x128xi32, #tpu.memory_space<vmem>>, %arg12: memref<128x128xf32, #tpu.memory_space<vmem>>, %arg13: memref<128x128xf32, #tpu.memory_space<vmem>>, %arg14: memref<10016x128xf32, #tpu.memory_space<vmem_shared>>, %arg15: memref<2x!tpu.dma_semaphore, #tpu.memory_space<semaphore_mem>>, %arg16: memref<4x!tpu.dma_semaphore, #tpu.memory_space<semaphore_mem>>) attributes {dimension_semantics = [#tpu.dimension_semantics<core_parallel>, #tpu.dimension_semantics<subcore_parallel>], iteration_bounds = array<i64: 2, 16>, scalar_prefetch = 0 : i64, scratch_operands = 10 : i64, tpu.core_type = #tpu.core_type<sc_vector_subcore>, window_params = [{transform_indices = #map}, {transform_indices = #map1}, {transform_indices = #map1}, {transform_indices = #map}, {transform_indices = #map1}]} {
    %mul3A = arith.constant 16 : i32
    %mul3A_0 = arith.muli %arg0, %mul3A : i32
    %add3A = arith.addi %mul3A_0, %arg1 : i32
    "tpu.region"() ({
      %run_scoped3A = tpu.sem_alloc : memref<!tpu.dma_semaphore, #tpu.memory_space<semaphore_mem>>
      %dma_start3A_91 = arith.constant 0 : i32
      %dma_start3A_92 = arith.constant 0 : i32
      %dma_start3A_93 = tpu.memref_slice %arg4[%add3A, %dma_start3A_91, %dma_start3A_92] : memref<32x80x128xi32, #tpu.memory_space<hbm>> -> memref<1x80x128xi32, #tpu.memory_space<hbm>>
      %dma_start3A_94 = tpu.memref_squeeze %dma_start3A_93 : memref<1x80x128xi32, #tpu.memory_space<hbm>> -> memref<80x128xi32, #tpu.memory_space<hbm>>
      %dma_start3A_95 = arith.constant 0 : i32
      %dma_start3A_96 = arith.constant 0 : i32
      %dma_start3A_97 = tpu.memref_slice %arg4[%add3A, %dma_start3A_95, %dma_start3A_96] : memref<32x80x128xi32, #tpu.memory_space<hbm>> -> memref<1x80x128xi32, #tpu.memory_space<hbm>>
      %dma_start3A_98 = tpu.memref_squeeze %dma_start3A_97 : memref<1x80x128xi32, #tpu.memory_space<hbm>> -> memref<80x128xi32, #tpu.memory_space<hbm>>
      tpu.enqueue_dma source(%dma_start3A_98 : memref<80x128xi32, #tpu.memory_space<hbm>>) target(%arg11 : memref<80x128xi32, #tpu.memory_space<vmem>>) target_semaphore(%run_scoped3A : memref<!tpu.dma_semaphore, #tpu.memory_space<semaphore_mem>>)
      %dma_wait3A_99 = arith.constant 0 : i32
      %dma_wait3A_100 = arith.constant 0 : i32
      %dma_wait3A_101 = tpu.memref_slice %arg4[%add3A, %dma_wait3A_99, %dma_wait3A_100] : memref<32x80x128xi32, #tpu.memory_space<hbm>> -> memref<1x80x128xi32, #tpu.memory_space<hbm>>
      %dma_wait3A_102 = tpu.memref_squeeze %dma_wait3A_101 : memref<1x80x128xi32, #tpu.memory_space<hbm>> -> memref<80x128xi32, #tpu.memory_space<hbm>>
      %dma_wait3A_103 = arith.constant 0 : i32
      %dma_wait3A_104 = arith.constant 0 : i32
      %dma_wait3A_105 = tpu.memref_slice %arg4[%add3A, %dma_wait3A_103, %dma_wait3A_104] : memref<32x80x128xi32, #tpu.memory_space<hbm>> -> memref<1x80x128xi32, #tpu.memory_space<hbm>>
      %dma_wait3A_106 = tpu.memref_squeeze %dma_wait3A_105 : memref<1x80x128xi32, #tpu.memory_space<hbm>> -> memref<80x128xi32, #tpu.memory_space<hbm>>
      tpu.wait_dma2 semaphore(%run_scoped3A : memref<!tpu.dma_semaphore, #tpu.memory_space<semaphore_mem>>) src(%dma_wait3A_106 : memref<80x128xi32, #tpu.memory_space<hbm>>) dst(%arg11 : memref<80x128xi32, #tpu.memory_space<vmem>>)
      tpu.yield
    }) : () -> ()
    %mul3A_1 = arith.constant 624 : i32
    %mul3A_2 = arith.muli %arg1, %mul3A_1 : i32
    %mul3A_3 = arith.constant 624 : i32
    %mul3A_4 = arith.muli %arg1, %mul3A_3 : i32
    "tpu.region"() ({
      %run_scoped3A = tpu.sem_alloc : memref<!tpu.dma_semaphore, #tpu.memory_space<semaphore_mem>>
      %dma_start3A_91 = arith.constant 0 : i32
      %dma_start3A_92 = tpu.memref_slice %arg14[%mul3A_4, %dma_start3A_91] : memref<10016x128xf32, #tpu.memory_space<vmem_shared>> -> memref<624x128xf32, #tpu.memory_space<vmem_shared>>
      %dma_start3A_93 = arith.constant 0 : i32
      %dma_start3A_94 = tpu.memref_slice %arg5[%mul3A_2, %dma_start3A_93] : memref<10000x128xf32, #tpu.memory_space<hbm>> -> memref<624x128xf32, #tpu.memory_space<hbm>>
      tpu.enqueue_dma source(%dma_start3A_94 : memref<624x128xf32, #tpu.memory_space<hbm>>) target(%dma_start3A_92 : memref<624x128xf32, #tpu.memory_space<vmem_shared>>) target_semaphore(%run_scoped3A : memref<!tpu.dma_semaphore, #tpu.memory_space<semaphore_mem>>)
      %dma_wait3A_95 = arith.constant 0 : i32
      %dma_wait3A_96 = tpu.memref_slice %arg14[%mul3A_4, %dma_wait3A_95] : memref<10016x128xf32, #tpu.memory_space<vmem_shared>> -> memref<624x128xf32, #tpu.memory_space<vmem_shared>>
      %dma_wait3A_97 = arith.constant 0 : i32
      %dma_wait3A_98 = tpu.memref_slice %arg5[%mul3A_2, %dma_wait3A_97] : memref<10000x128xf32, #tpu.memory_space<hbm>> -> memref<624x128xf32, #tpu.memory_space<hbm>>
      tpu.wait_dma2 semaphore(%run_scoped3A : memref<!tpu.dma_semaphore, #tpu.memory_space<semaphore_mem>>) src(%dma_wait3A_98 : memref<624x128xf32, #tpu.memory_space<hbm>>) dst(%dma_wait3A_96 : memref<624x128xf32, #tpu.memory_space<vmem_shared>>)
      tpu.yield
    }) : () -> ()
    %eq3A = arith.constant 0 : i32
    %eq3A_5 = arith.cmpi eq, %arg1, %eq3A : i32
    %convert_element_type3A = arith.extui %eq3A_5 : i1 to i32
    %cond3A = arith.constant 0 : i32
    %cond3A_6 = arith.cmpi ne, %convert_element_type3A, %cond3A : i32
    scf.if %cond3A_6 {
      "tpu.region"() ({
        %run_scoped3A = tpu.sem_alloc : memref<!tpu.dma_semaphore, #tpu.memory_space<semaphore_mem>>
        %dma_start3A_91 = arith.constant 9984 : i32
        %dma_start3A_92 = arith.constant 0 : i32
        %dma_start3A_93 = tpu.memref_slice %arg14[%dma_start3A_91, %dma_start3A_92] : memref<10016x128xf32, #tpu.memory_space<vmem_shared>> -> memref<16x128xf32, #tpu.memory_space<vmem_shared>>
        %dma_start3A_94 = arith.constant 9984 : i32
        %dma_start3A_95 = arith.constant 0 : i32
        %dma_start3A_96 = tpu.memref_slice %arg5[%dma_start3A_94, %dma_start3A_95] : memref<10000x128xf32, #tpu.memory_space<hbm>> -> memref<16x128xf32, #tpu.memory_space<hbm>>
        tpu.enqueue_dma source(%dma_start3A_96 : memref<16x128xf32, #tpu.memory_space<hbm>>) target(%dma_start3A_93 : memref<16x128xf32, #tpu.memory_space<vmem_shared>>) target_semaphore(%run_scoped3A : memref<!tpu.dma_semaphore, #tpu.memory_space<semaphore_mem>>)
        %dma_wait3A_97 = arith.constant 9984 : i32
        %dma_wait3A_98 = arith.constant 0 : i32
        %dma_wait3A_99 = tpu.memref_slice %arg14[%dma_wait3A_97, %dma_wait3A_98] : memref<10016x128xf32, #tpu.memory_space<vmem_shared>> -> memref<16x128xf32, #tpu.memory_space<vmem_shared>>
        %dma_wait3A_100 = arith.constant 9984 : i32
        %dma_wait3A_101 = arith.constant 0 : i32
        %dma_wait3A_102 = tpu.memref_slice %arg5[%dma_wait3A_100, %dma_wait3A_101] : memref<10000x128xf32, #tpu.memory_space<hbm>> -> memref<16x128xf32, #tpu.memory_space<hbm>>
        tpu.wait_dma2 semaphore(%run_scoped3A : memref<!tpu.dma_semaphore, #tpu.memory_space<semaphore_mem>>) src(%dma_wait3A_102 : memref<16x128xf32, #tpu.memory_space<hbm>>) dst(%dma_wait3A_99 : memref<16x128xf32, #tpu.memory_space<vmem_shared>>)
        tpu.yield
      }) : () -> ()
    } else {
    }
    %barrier3A = arith.constant 0 : index
    tpu.barrier barrier_id(%barrier3A)
    %dma_start3A = arith.constant 0 : i32
    %dma_start3A_7 = arith.constant 0 : i32
    %dma_start3A_8 = arith.constant 0 : i32
    %dma_start3A_9 = tpu.memref_slice %arg3[%add3A, %dma_start3A, %dma_start3A_8] : memref<32x80x128xi32, #tpu.memory_space<hbm>> -> memref<1x1x128xi32, #tpu.memory_space<hbm>>
    %dma_start3A_10 = tpu.memref_squeeze %dma_start3A_9 : memref<1x1x128xi32, #tpu.memory_space<hbm>> -> memref<128xi32, #tpu.memory_space<hbm>>
    %dma_start3A_11 = tpu.memref_slice %arg16[%dma_start3A_7] : memref<4x!tpu.dma_semaphore, #tpu.memory_space<semaphore_mem>> -> memref<1x!tpu.dma_semaphore, #tpu.memory_space<semaphore_mem>>
    %dma_start3A_12 = tpu.memref_squeeze %dma_start3A_11 : memref<1x!tpu.dma_semaphore, #tpu.memory_space<semaphore_mem>> -> memref<!tpu.dma_semaphore, #tpu.memory_space<semaphore_mem>>
    %dma_start3A_13 = arith.constant 0 : i32
    %dma_start3A_14 = tpu.memref_slice %arg3[%add3A, %dma_start3A, %dma_start3A_13] : memref<32x80x128xi32, #tpu.memory_space<hbm>> -> memref<1x1x128xi32, #tpu.memory_space<hbm>>
    %dma_start3A_15 = tpu.memref_squeeze %dma_start3A_14 : memref<1x1x128xi32, #tpu.memory_space<hbm>> -> memref<128xi32, #tpu.memory_space<hbm>>
    tpu.enqueue_dma source(%dma_start3A_15 : memref<128xi32, #tpu.memory_space<hbm>>) target(%arg7 : memref<128xi32, #tpu.memory_space<vmem>>) target_semaphore(%dma_start3A_12 : memref<!tpu.dma_semaphore, #tpu.memory_space<semaphore_mem>>)
    %dma_start3A_16 = arith.constant 1 : i32
    %dma_start3A_17 = arith.constant 1 : i32
    %dma_start3A_18 = arith.constant 0 : i32
    %dma_start3A_19 = tpu.memref_slice %arg3[%add3A, %dma_start3A_16, %dma_start3A_18] : memref<32x80x128xi32, #tpu.memory_space<hbm>> -> memref<1x1x128xi32, #tpu.memory_space<hbm>>
    %dma_start3A_20 = tpu.memref_squeeze %dma_start3A_19 : memref<1x1x128xi32, #tpu.memory_space<hbm>> -> memref<128xi32, #tpu.memory_space<hbm>>
    %dma_start3A_21 = tpu.memref_slice %arg16[%dma_start3A_17] : memref<4x!tpu.dma_semaphore, #tpu.memory_space<semaphore_mem>> -> memref<1x!tpu.dma_semaphore, #tpu.memory_space<semaphore_mem>>
    %dma_start3A_22 = tpu.memref_squeeze %dma_start3A_21 : memref<1x!tpu.dma_semaphore, #tpu.memory_space<semaphore_mem>> -> memref<!tpu.dma_semaphore, #tpu.memory_space<semaphore_mem>>
    %dma_start3A_23 = arith.constant 0 : i32
    %dma_start3A_24 = tpu.memref_slice %arg3[%add3A, %dma_start3A_16, %dma_start3A_23] : memref<32x80x128xi32, #tpu.memory_space<hbm>> -> memref<1x1x128xi32, #tpu.memory_space<hbm>>
    %dma_start3A_25 = tpu.memref_squeeze %dma_start3A_24 : memref<1x1x128xi32, #tpu.memory_space<hbm>> -> memref<128xi32, #tpu.memory_space<hbm>>
    tpu.enqueue_dma source(%dma_start3A_25 : memref<128xi32, #tpu.memory_space<hbm>>) target(%arg8 : memref<128xi32, #tpu.memory_space<vmem>>) target_semaphore(%dma_start3A_22 : memref<!tpu.dma_semaphore, #tpu.memory_space<semaphore_mem>>)
    %dma_start3A_26 = arith.constant 2 : i32
    %dma_start3A_27 = arith.constant 2 : i32
    %dma_start3A_28 = arith.constant 0 : i32
    %dma_start3A_29 = tpu.memref_slice %arg3[%add3A, %dma_start3A_26, %dma_start3A_28] : memref<32x80x128xi32, #tpu.memory_space<hbm>> -> memref<1x1x128xi32, #tpu.memory_space<hbm>>
    %dma_start3A_30 = tpu.memref_squeeze %dma_start3A_29 : memref<1x1x128xi32, #tpu.memory_space<hbm>> -> memref<128xi32, #tpu.memory_space<hbm>>
    %dma_start3A_31 = tpu.memref_slice %arg16[%dma_start3A_27] : memref<4x!tpu.dma_semaphore, #tpu.memory_space<semaphore_mem>> -> memref<1x!tpu.dma_semaphore, #tpu.memory_space<semaphore_mem>>
    %dma_start3A_32 = tpu.memref_squeeze %dma_start3A_31 : memref<1x!tpu.dma_semaphore, #tpu.memory_space<semaphore_mem>> -> memref<!tpu.dma_semaphore, #tpu.memory_space<semaphore_mem>>
    %dma_start3A_33 = arith.constant 0 : i32
    %dma_start3A_34 = tpu.memref_slice %arg3[%add3A, %dma_start3A_26, %dma_start3A_33] : memref<32x80x128xi32, #tpu.memory_space<hbm>> -> memref<1x1x128xi32, #tpu.memory_space<hbm>>
    %dma_start3A_35 = tpu.memref_squeeze %dma_start3A_34 : memref<1x1x128xi32, #tpu.memory_space<hbm>> -> memref<128xi32, #tpu.memory_space<hbm>>
    tpu.enqueue_dma source(%dma_start3A_35 : memref<128xi32, #tpu.memory_space<hbm>>) target(%arg9 : memref<128xi32, #tpu.memory_space<vmem>>) target_semaphore(%dma_start3A_32 : memref<!tpu.dma_semaphore, #tpu.memory_space<semaphore_mem>>)
    %dma_start3A_36 = arith.constant 3 : i32
    %dma_start3A_37 = arith.constant 3 : i32
    %dma_start3A_38 = arith.constant 0 : i32
    %dma_start3A_39 = tpu.memref_slice %arg3[%add3A, %dma_start3A_36, %dma_start3A_38] : memref<32x80x128xi32, #tpu.memory_space<hbm>> -> memref<1x1x128xi32, #tpu.memory_space<hbm>>
    %dma_start3A_40 = tpu.memref_squeeze %dma_start3A_39 : memref<1x1x128xi32, #tpu.memory_space<hbm>> -> memref<128xi32, #tpu.memory_space<hbm>>
    %dma_start3A_41 = tpu.memref_slice %arg16[%dma_start3A_37] : memref<4x!tpu.dma_semaphore, #tpu.memory_space<semaphore_mem>> -> memref<1x!tpu.dma_semaphore, #tpu.memory_space<semaphore_mem>>
    %dma_start3A_42 = tpu.memref_squeeze %dma_start3A_41 : memref<1x!tpu.dma_semaphore, #tpu.memory_space<semaphore_mem>> -> memref<!tpu.dma_semaphore, #tpu.memory_space<semaphore_mem>>
    %dma_start3A_43 = arith.constant 0 : i32
    %dma_start3A_44 = tpu.memref_slice %arg3[%add3A, %dma_start3A_36, %dma_start3A_43] : memref<32x80x128xi32, #tpu.memory_space<hbm>> -> memref<1x1x128xi32, #tpu.memory_space<hbm>>
    %dma_start3A_45 = tpu.memref_squeeze %dma_start3A_44 : memref<1x1x128xi32, #tpu.memory_space<hbm>> -> memref<128xi32, #tpu.memory_space<hbm>>
    tpu.enqueue_dma source(%dma_start3A_45 : memref<128xi32, #tpu.memory_space<hbm>>) target(%arg10 : memref<128xi32, #tpu.memory_space<vmem>>) target_semaphore(%dma_start3A_42 : memref<!tpu.dma_semaphore, #tpu.memory_space<semaphore_mem>>)
    %dma_wait3A = arith.constant 0 : i32
    %dma_wait3A_46 = arith.constant 0 : i32
    %dma_wait3A_47 = arith.constant 0 : i32
    %dma_wait3A_48 = tpu.memref_slice %arg3[%add3A, %dma_wait3A, %dma_wait3A_47] : memref<32x80x128xi32, #tpu.memory_space<hbm>> -> memref<1x1x128xi32, #tpu.memory_space<hbm>>
    %dma_wait3A_49 = tpu.memref_squeeze %dma_wait3A_48 : memref<1x1x128xi32, #tpu.memory_space<hbm>> -> memref<128xi32, #tpu.memory_space<hbm>>
    %dma_wait3A_50 = tpu.memref_slice %arg16[%dma_wait3A_46] : memref<4x!tpu.dma_semaphore, #tpu.memory_space<semaphore_mem>> -> memref<1x!tpu.dma_semaphore, #tpu.memory_space<semaphore_mem>>
    %dma_wait3A_51 = tpu.memref_squeeze %dma_wait3A_50 : memref<1x!tpu.dma_semaphore, #tpu.memory_space<semaphore_mem>> -> memref<!tpu.dma_semaphore, #tpu.memory_space<semaphore_mem>>
    %dma_wait3A_52 = arith.constant 0 : i32
    %dma_wait3A_53 = tpu.memref_slice %arg3[%add3A, %dma_wait3A, %dma_wait3A_52] : memref<32x80x128xi32, #tpu.memory_space<hbm>> -> memref<1x1x128xi32, #tpu.memory_space<hbm>>
    %dma_wait3A_54 = tpu.memref_squeeze %dma_wait3A_53 : memref<1x1x128xi32, #tpu.memory_space<hbm>> -> memref<128xi32, #tpu.memory_space<hbm>>
    tpu.wait_dma2 semaphore(%dma_wait3A_51 : memref<!tpu.dma_semaphore, #tpu.memory_space<semaphore_mem>>) src(%dma_wait3A_54 : memref<128xi32, #tpu.memory_space<hbm>>) dst(%arg7 : memref<128xi32, #tpu.memory_space<vmem>>)
    %dma_start3A_55 = arith.constant 0 : i32
    %dma_start3A_56 = arith.constant 0 : i32
    %dma_start3A_57 = arith.constant 0 : i32
    %dma_start3A_58 = tpu.memref_slice %arg2[%dma_start3A_56, %dma_start3A_57] : memref<10000x128xf32, #tpu.memory_space<hbm>> -> memref<10000x128xf32, #tpu.memory_space<hbm>>
    %dma_start3A_59 = tpu.memref_slice %arg15[%dma_start3A_55] : memref<2x!tpu.dma_semaphore, #tpu.memory_space<semaphore_mem>> -> memref<1x!tpu.dma_semaphore, #tpu.memory_space<semaphore_mem>>
    %dma_start3A_60 = tpu.memref_squeeze %dma_start3A_59 : memref<1x!tpu.dma_semaphore, #tpu.memory_space<semaphore_mem>> -> memref<!tpu.dma_semaphore, #tpu.memory_space<semaphore_mem>>
    tpu.enqueue_indirect_dma source(%dma_start3A_58 : memref<10000x128xf32, #tpu.memory_space<hbm>>) target(%arg12 : memref<128x128xf32, #tpu.memory_space<vmem>>) offsets(%arg7 : memref<128xi32, #tpu.memory_space<vmem>>) semaphore(%dma_start3A_60 : memref<!tpu.dma_semaphore, #tpu.memory_space<semaphore_mem>>)
    %dma_wait3A_61 = arith.constant 0 : i32
    %dma_wait3A_62 = arith.constant 1 : i32
    %dma_wait3A_63 = arith.constant 0 : i32
    %dma_wait3A_64 = tpu.memref_slice %arg3[%add3A, %dma_wait3A_61, %dma_wait3A_63] : memref<32x80x128xi32, #tpu.memory_space<hbm>> -> memref<1x1x128xi32, #tpu.memory_space<hbm>>
    %dma_wait3A_65 = tpu.memref_squeeze %dma_wait3A_64 : memref<1x1x128xi32, #tpu.memory_space<hbm>> -> memref<128xi32, #tpu.memory_space<hbm>>
    %dma_wait3A_66 = tpu.memref_slice %arg16[%dma_wait3A_62] : memref<4x!tpu.dma_semaphore, #tpu.memory_space<semaphore_mem>> -> memref<1x!tpu.dma_semaphore, #tpu.memory_space<semaphore_mem>>
    %dma_wait3A_67 = tpu.memref_squeeze %dma_wait3A_66 : memref<1x!tpu.dma_semaphore, #tpu.memory_space<semaphore_mem>> -> memref<!tpu.dma_semaphore, #tpu.memory_space<semaphore_mem>>
    %dma_wait3A_68 = arith.constant 0 : i32
    %dma_wait3A_69 = tpu.memref_slice %arg3[%add3A, %dma_wait3A_61, %dma_wait3A_68] : memref<32x80x128xi32, #tpu.memory_space<hbm>> -> memref<1x1x128xi32, #tpu.memory_space<hbm>>
    %dma_wait3A_70 = tpu.memref_squeeze %dma_wait3A_69 : memref<1x1x128xi32, #tpu.memory_space<hbm>> -> memref<128xi32, #tpu.memory_space<hbm>>
    tpu.wait_dma2 semaphore(%dma_wait3A_67 : memref<!tpu.dma_semaphore, #tpu.memory_space<semaphore_mem>>) src(%dma_wait3A_70 : memref<128xi32, #tpu.memory_space<hbm>>) dst(%arg8 : memref<128xi32, #tpu.memory_space<vmem>>)
    %dma_start3A_71 = arith.constant 1 : i32
    %dma_start3A_72 = arith.constant 0 : i32
    %dma_start3A_73 = arith.constant 0 : i32
    %dma_start3A_74 = tpu.memref_slice %arg2[%dma_start3A_72, %dma_start3A_73] : memref<10000x128xf32, #tpu.memory_space<hbm>> -> memref<10000x128xf32, #tpu.memory_space<hbm>>
    %dma_start3A_75 = tpu.memref_slice %arg15[%dma_start3A_71] : memref<2x!tpu.dma_semaphore, #tpu.memory_space<semaphore_mem>> -> memref<1x!tpu.dma_semaphore, #tpu.memory_space<semaphore_mem>>
    %dma_start3A_76 = tpu.memref_squeeze %dma_start3A_75 : memref<1x!tpu.dma_semaphore, #tpu.memory_space<semaphore_mem>> -> memref<!tpu.dma_semaphore, #tpu.memory_space<semaphore_mem>>
    tpu.enqueue_indirect_dma source(%dma_start3A_74 : memref<10000x128xf32, #tpu.memory_space<hbm>>) target(%arg13 : memref<128x128xf32, #tpu.memory_space<vmem>>) offsets(%arg8 : memref<128xi32, #tpu.memory_space<vmem>>) semaphore(%dma_start3A_76 : memref<!tpu.dma_semaphore, #tpu.memory_space<semaphore_mem>>)
    %scan3A = arith.constant 0 : i32
    %scan3A_77 = arith.constant 20 : i32
    %scan3A_78 = arith.addi %scan3A, %scan3A_77 : i32
    %scan3A_79 = arith.constant 1 : i32
    scf.for %scan3A_91 = %scan3A to %scan3A_78 step %scan3A_79  : i32 {
      %mul3A_92 = arith.constant 4 : i32
      %mul3A_93 = arith.muli %scan3A_91, %mul3A_92 : i32
      %add3A_94 = arith.constant 0 : i32
      %add3A_95 = arith.addi %add3A_94, %mul3A_93 : i32
      %add3A_96 = arith.constant 0 : i32
      %add3A_97 = arith.addi %add3A_95, %add3A_96 : i32
      %dma_wait3A_98 = arith.constant 0 : i32
      %dma_wait3A_99 = arith.constant 0 : i32
      %dma_wait3A_100 = arith.constant 0 : i32
      %dma_wait3A_101 = tpu.memref_slice %arg2[%dma_wait3A_99, %dma_wait3A_100] : memref<10000x128xf32, #tpu.memory_space<hbm>> -> memref<128x128xf32, #tpu.memory_space<hbm>>
      %dma_wait3A_102 = tpu.memref_slice %arg15[%dma_wait3A_98] : memref<2x!tpu.dma_semaphore, #tpu.memory_space<semaphore_mem>> -> memref<1x!tpu.dma_semaphore, #tpu.memory_space<semaphore_mem>>
      %dma_wait3A_103 = tpu.memref_squeeze %dma_wait3A_102 : memref<1x!tpu.dma_semaphore, #tpu.memory_space<semaphore_mem>> -> memref<!tpu.dma_semaphore, #tpu.memory_space<semaphore_mem>>
      %dma_wait3A_104 = arith.constant 0 : i32
      %dma_wait3A_105 = arith.constant 0 : i32
      %dma_wait3A_106 = tpu.memref_slice %arg2[%dma_wait3A_104, %dma_wait3A_105] : memref<10000x128xf32, #tpu.memory_space<hbm>> -> memref<128x128xf32, #tpu.memory_space<hbm>>
      tpu.wait_dma2 semaphore(%dma_wait3A_103 : memref<!tpu.dma_semaphore, #tpu.memory_space<semaphore_mem>>) src(%dma_wait3A_106 : memref<128x128xf32, #tpu.memory_space<hbm>>) dst(%arg12 : memref<128x128xf32, #tpu.memory_space<vmem>>)
      "tpu.region"() ({
        %run_scoped3A = tpu.sem_alloc : memref<!tpu.dma_semaphore, #tpu.memory_space<semaphore_mem>>
        %dma_start3A_195 = arith.constant 0 : i32
        %dma_start3A_196 = tpu.memref_slice %arg11[%add3A_97, %dma_start3A_195] : memref<80x128xi32, #tpu.memory_space<vmem>> -> memref<1x128xi32, #tpu.memory_space<vmem>>
        %dma_start3A_197 = tpu.memref_squeeze %dma_start3A_196 : memref<1x128xi32, #tpu.memory_space<vmem>> -> memref<128xi32, #tpu.memory_space<vmem>>
        %dma_start3A_198 = arith.constant 0 : i32
        %dma_start3A_199 = arith.constant 0 : i32
        %dma_start3A_200 = tpu.memref_slice %arg14[%dma_start3A_198, %dma_start3A_199] : memref<10016x128xf32, #tpu.memory_space<vmem_shared>> -> memref<10016x128xf32, #tpu.memory_space<vmem_shared>>
        tpu.enqueue_indirect_dma source(%arg12 : memref<128x128xf32, #tpu.memory_space<vmem>>) target(%dma_start3A_200 : memref<10016x128xf32, #tpu.memory_space<vmem_shared>>) offsets(%dma_start3A_197 : memref<128xi32, #tpu.memory_space<vmem>>) semaphore(%run_scoped3A : memref<!tpu.dma_semaphore, #tpu.memory_space<semaphore_mem>>) {add = true}
        %dma_wait3A_201 = arith.constant 0 : i32
        %dma_wait3A_202 = tpu.memref_slice %arg11[%add3A_97, %dma_wait3A_201] : memref<80x128xi32, #tpu.memory_space<vmem>> -> memref<1x128xi32, #tpu.memory_space<vmem>>
        %dma_wait3A_203 = tpu.memref_squeeze %dma_wait3A_202 : memref<1x128xi32, #tpu.memory_space<vmem>> -> memref<128xi32, #tpu.memory_space<vmem>>
        %dma_wait3A_204 = arith.constant 0 : i32
        %dma_wait3A_205 = arith.constant 0 : i32
        %dma_wait3A_206 = tpu.memref_slice %arg14[%dma_wait3A_204, %dma_wait3A_205] : memref<10016x128xf32, #tpu.memory_space<vmem_shared>> -> memref<10016x128xf32, #tpu.memory_space<vmem_shared>>
        tpu.wait_indirect_dma semaphore(%run_scoped3A : memref<!tpu.dma_semaphore, #tpu.memory_space<semaphore_mem>>) src(%arg12 : memref<128x128xf32, #tpu.memory_space<vmem>>) dst(%dma_wait3A_206 : memref<10016x128xf32, #tpu.memory_space<vmem_shared>>)
        tpu.yield
      }) : () -> ()
      %add3A_107 = arith.constant 4 : i32
      %add3A_108 = arith.addi %add3A_97, %add3A_107 : i32
      %lt3A = arith.constant 80 : i32
      %lt3A_109 = arith.cmpi slt, %add3A_108, %lt3A : i32
      %convert_element_type3A_110 = arith.extui %lt3A_109 : i1 to i32
      %cond3A_111 = arith.constant 0 : i32
      %cond3A_112 = arith.cmpi ne, %convert_element_type3A_110, %cond3A_111 : i32
      scf.if %cond3A_112 {
        %add3A_195 = arith.constant 4 : i32
        %add3A_196 = arith.addi %add3A_97, %add3A_195 : i32
        %dma_start3A_197 = arith.constant 0 : i32
        %dma_start3A_198 = arith.constant 0 : i32
        %dma_start3A_199 = tpu.memref_slice %arg3[%add3A, %add3A_196, %dma_start3A_198] : memref<32x80x128xi32, #tpu.memory_space<hbm>> -> memref<1x1x128xi32, #tpu.memory_space<hbm>>
        %dma_start3A_200 = tpu.memref_squeeze %dma_start3A_199 : memref<1x1x128xi32, #tpu.memory_space<hbm>> -> memref<128xi32, #tpu.memory_space<hbm>>
        %dma_start3A_201 = tpu.memref_slice %arg16[%dma_start3A_197] : memref<4x!tpu.dma_semaphore, #tpu.memory_space<semaphore_mem>> -> memref<1x!tpu.dma_semaphore, #tpu.memory_space<semaphore_mem>>
        %dma_start3A_202 = tpu.memref_squeeze %dma_start3A_201 : memref<1x!tpu.dma_semaphore, #tpu.memory_space<semaphore_mem>> -> memref<!tpu.dma_semaphore, #tpu.memory_space<semaphore_mem>>
        %dma_start3A_203 = arith.constant 0 : i32
        %dma_start3A_204 = tpu.memref_slice %arg3[%add3A, %add3A_196, %dma_start3A_203] : memref<32x80x128xi32, #tpu.memory_space<hbm>> -> memref<1x1x128xi32, #tpu.memory_space<hbm>>
        %dma_start3A_205 = tpu.memref_squeeze %dma_start3A_204 : memref<1x1x128xi32, #tpu.memory_space<hbm>> -> memref<128xi32, #tpu.memory_space<hbm>>
        tpu.enqueue_dma source(%dma_start3A_205 : memref<128xi32, #tpu.memory_space<hbm>>) target(%arg7 : memref<128xi32, #tpu.memory_space<vmem>>) target_semaphore(%dma_start3A_202 : memref<!tpu.dma_semaphore, #tpu.memory_space<semaphore_mem>>)
      } else {
      }
      %add3A_113 = arith.constant 2 : i32
      %add3A_114 = arith.addi %add3A_97, %add3A_113 : i32
      %lt3A_115 = arith.constant 80 : i32
      %lt3A_116 = arith.cmpi slt, %add3A_114, %lt3A_115 : i32
      %convert_element_type3A_117 = arith.extui %lt3A_116 : i1 to i32
      %cond3A_118 = arith.constant 0 : i32
      %cond3A_119 = arith.cmpi ne, %convert_element_type3A_117, %cond3A_118 : i32
      scf.if %cond3A_119 {
        %dma_wait3A_195 = arith.constant 0 : i32
        %dma_wait3A_196 = arith.constant 2 : i32
        %dma_wait3A_197 = arith.constant 0 : i32
        %dma_wait3A_198 = tpu.memref_slice %arg3[%add3A, %dma_wait3A_195, %dma_wait3A_197] : memref<32x80x128xi32, #tpu.memory_space<hbm>> -> memref<1x1x128xi32, #tpu.memory_space<hbm>>
        %dma_wait3A_199 = tpu.memref_squeeze %dma_wait3A_198 : memref<1x1x128xi32, #tpu.memory_space<hbm>> -> memref<128xi32, #tpu.memory_space<hbm>>
        %dma_wait3A_200 = tpu.memref_slice %arg16[%dma_wait3A_196] : memref<4x!tpu.dma_semaphore, #tpu.memory_space<semaphore_mem>> -> memref<1x!tpu.dma_semaphore, #tpu.memory_space<semaphore_mem>>
        %dma_wait3A_201 = tpu.memref_squeeze %dma_wait3A_200 : memref<1x!tpu.dma_semaphore, #tpu.memory_space<semaphore_mem>> -> memref<!tpu.dma_semaphore, #tpu.memory_space<semaphore_mem>>
        %dma_wait3A_202 = arith.constant 0 : i32
        %dma_wait3A_203 = tpu.memref_slice %arg3[%add3A, %dma_wait3A_195, %dma_wait3A_202] : memref<32x80x128xi32, #tpu.memory_space<hbm>> -> memref<1x1x128xi32, #tpu.memory_space<hbm>>
        %dma_wait3A_204 = tpu.memref_squeeze %dma_wait3A_203 : memref<1x1x128xi32, #tpu.memory_space<hbm>> -> memref<128xi32, #tpu.memory_space<hbm>>
        tpu.wait_dma2 semaphore(%dma_wait3A_201 : memref<!tpu.dma_semaphore, #tpu.memory_space<semaphore_mem>>) src(%dma_wait3A_204 : memref<128xi32, #tpu.memory_space<hbm>>) dst(%arg9 : memref<128xi32, #tpu.memory_space<vmem>>)
        %dma_start3A_205 = arith.constant 0 : i32
        %dma_start3A_206 = arith.constant 0 : i32
        %dma_start3A_207 = arith.constant 0 : i32
        %dma_start3A_208 = tpu.memref_slice %arg2[%dma_start3A_206, %dma_start3A_207] : memref<10000x128xf32, #tpu.memory_space<hbm>> -> memref<10000x128xf32, #tpu.memory_space<hbm>>
        %dma_start3A_209 = tpu.memref_slice %arg15[%dma_start3A_205] : memref<2x!tpu.dma_semaphore, #tpu.memory_space<semaphore_mem>> -> memref<1x!tpu.dma_semaphore, #tpu.memory_space<semaphore_mem>>
        %dma_start3A_210 = tpu.memref_squeeze %dma_start3A_209 : memref<1x!tpu.dma_semaphore, #tpu.memory_space<semaphore_mem>> -> memref<!tpu.dma_semaphore, #tpu.memory_space<semaphore_mem>>
        tpu.enqueue_indirect_dma source(%dma_start3A_208 : memref<10000x128xf32, #tpu.memory_space<hbm>>) target(%arg12 : memref<128x128xf32, #tpu.memory_space<vmem>>) offsets(%arg9 : memref<128xi32, #tpu.memory_space<vmem>>) semaphore(%dma_start3A_210 : memref<!tpu.dma_semaphore, #tpu.memory_space<semaphore_mem>>)
      } else {
      }
      %add3A_120 = arith.constant 1 : i32
      %add3A_121 = arith.addi %add3A_95, %add3A_120 : i32
      %dma_wait3A_122 = arith.constant 1 : i32
      %dma_wait3A_123 = arith.constant 0 : i32
      %dma_wait3A_124 = arith.constant 0 : i32
      %dma_wait3A_125 = tpu.memref_slice %arg2[%dma_wait3A_123, %dma_wait3A_124] : memref<10000x128xf32, #tpu.memory_space<hbm>> -> memref<128x128xf32, #tpu.memory_space<hbm>>
      %dma_wait3A_126 = tpu.memref_slice %arg15[%dma_wait3A_122] : memref<2x!tpu.dma_semaphore, #tpu.memory_space<semaphore_mem>> -> memref<1x!tpu.dma_semaphore, #tpu.memory_space<semaphore_mem>>
      %dma_wait3A_127 = tpu.memref_squeeze %dma_wait3A_126 : memref<1x!tpu.dma_semaphore, #tpu.memory_space<semaphore_mem>> -> memref<!tpu.dma_semaphore, #tpu.memory_space<semaphore_mem>>
      %dma_wait3A_128 = arith.constant 0 : i32
      %dma_wait3A_129 = arith.constant 0 : i32
      %dma_wait3A_130 = tpu.memref_slice %arg2[%dma_wait3A_128, %dma_wait3A_129] : memref<10000x128xf32, #tpu.memory_space<hbm>> -> memref<128x128xf32, #tpu.memory_space<hbm>>
      tpu.wait_dma2 semaphore(%dma_wait3A_127 : memref<!tpu.dma_semaphore, #tpu.memory_space<semaphore_mem>>) src(%dma_wait3A_130 : memref<128x128xf32, #tpu.memory_space<hbm>>) dst(%arg13 : memref<128x128xf32, #tpu.memory_space<vmem>>)
      "tpu.region"() ({
        %run_scoped3A = tpu.sem_alloc : memref<!tpu.dma_semaphore, #tpu.memory_space<semaphore_mem>>
        %dma_start3A_195 = arith.constant 0 : i32
        %dma_start3A_196 = tpu.memref_slice %arg11[%add3A_121, %dma_start3A_195] : memref<80x128xi32, #tpu.memory_space<vmem>> -> memref<1x128xi32, #tpu.memory_space<vmem>>
        %dma_start3A_197 = tpu.memref_squeeze %dma_start3A_196 : memref<1x128xi32, #tpu.memory_space<vmem>> -> memref<128xi32, #tpu.memory_space<vmem>>
        %dma_start3A_198 = arith.constant 0 : i32
        %dma_start3A_199 = arith.constant 0 : i32
        %dma_start3A_200 = tpu.memref_slice %arg14[%dma_start3A_198, %dma_start3A_199] : memref<10016x128xf32, #tpu.memory_space<vmem_shared>> -> memref<10016x128xf32, #tpu.memory_space<vmem_shared>>
        tpu.enqueue_indirect_dma source(%arg13 : memref<128x128xf32, #tpu.memory_space<vmem>>) target(%dma_start3A_200 : memref<10016x128xf32, #tpu.memory_space<vmem_shared>>) offsets(%dma_start3A_197 : memref<128xi32, #tpu.memory_space<vmem>>) semaphore(%run_scoped3A : memref<!tpu.dma_semaphore, #tpu.memory_space<semaphore_mem>>) {add = true}
        %dma_wait3A_201 = arith.constant 0 : i32
        %dma_wait3A_202 = tpu.memref_slice %arg11[%add3A_121, %dma_wait3A_201] : memref<80x128xi32, #tpu.memory_space<vmem>> -> memref<1x128xi32, #tpu.memory_space<vmem>>
        %dma_wait3A_203 = tpu.memref_squeeze %dma_wait3A_202 : memref<1x128xi32, #tpu.memory_space<vmem>> -> memref<128xi32, #tpu.memory_space<vmem>>
        %dma_wait3A_204 = arith.constant 0 : i32
        %dma_wait3A_205 = arith.constant 0 : i32
        %dma_wait3A_206 = tpu.memref_slice %arg14[%dma_wait3A_204, %dma_wait3A_205] : memref<10016x128xf32, #tpu.memory_space<vmem_shared>> -> memref<10016x128xf32, #tpu.memory_space<vmem_shared>>
        tpu.wait_indirect_dma semaphore(%run_scoped3A : memref<!tpu.dma_semaphore, #tpu.memory_space<semaphore_mem>>) src(%arg13 : memref<128x128xf32, #tpu.memory_space<vmem>>) dst(%dma_wait3A_206 : memref<10016x128xf32, #tpu.memory_space<vmem_shared>>)
        tpu.yield
      }) : () -> ()
      %add3A_131 = arith.constant 4 : i32
      %add3A_132 = arith.addi %add3A_121, %add3A_131 : i32
      %lt3A_133 = arith.constant 80 : i32
      %lt3A_134 = arith.cmpi slt, %add3A_132, %lt3A_133 : i32
      %convert_element_type3A_135 = arith.extui %lt3A_134 : i1 to i32
      %cond3A_136 = arith.constant 0 : i32
      %cond3A_137 = arith.cmpi ne, %convert_element_type3A_135, %cond3A_136 : i32
      scf.if %cond3A_137 {
        %add3A_195 = arith.constant 4 : i32
        %add3A_196 = arith.addi %add3A_121, %add3A_195 : i32
        %dma_start3A_197 = arith.constant 1 : i32
        %dma_start3A_198 = arith.constant 0 : i32
        %dma_start3A_199 = tpu.memref_slice %arg3[%add3A, %add3A_196, %dma_start3A_198] : memref<32x80x128xi32, #tpu.memory_space<hbm>> -> memref<1x1x128xi32, #tpu.memory_space<hbm>>
        %dma_start3A_200 = tpu.memref_squeeze %dma_start3A_199 : memref<1x1x128xi32, #tpu.memory_space<hbm>> -> memref<128xi32, #tpu.memory_space<hbm>>
        %dma_start3A_201 = tpu.memref_slice %arg16[%dma_start3A_197] : memref<4x!tpu.dma_semaphore, #tpu.memory_space<semaphore_mem>> -> memref<1x!tpu.dma_semaphore, #tpu.memory_space<semaphore_mem>>
        %dma_start3A_202 = tpu.memref_squeeze %dma_start3A_201 : memref<1x!tpu.dma_semaphore, #tpu.memory_space<semaphore_mem>> -> memref<!tpu.dma_semaphore, #tpu.memory_space<semaphore_mem>>
        %dma_start3A_203 = arith.constant 0 : i32
        %dma_start3A_204 = tpu.memref_slice %arg3[%add3A, %add3A_196, %dma_start3A_203] : memref<32x80x128xi32, #tpu.memory_space<hbm>> -> memref<1x1x128xi32, #tpu.memory_space<hbm>>
        %dma_start3A_205 = tpu.memref_squeeze %dma_start3A_204 : memref<1x1x128xi32, #tpu.memory_space<hbm>> -> memref<128xi32, #tpu.memory_space<hbm>>
        tpu.enqueue_dma source(%dma_start3A_205 : memref<128xi32, #tpu.memory_space<hbm>>) target(%arg8 : memref<128xi32, #tpu.memory_space<vmem>>) target_semaphore(%dma_start3A_202 : memref<!tpu.dma_semaphore, #tpu.memory_space<semaphore_mem>>)
      } else {
      }
      %add3A_138 = arith.constant 2 : i32
      %add3A_139 = arith.addi %add3A_121, %add3A_138 : i32
      %lt3A_140 = arith.constant 80 : i32
      %lt3A_141 = arith.cmpi slt, %add3A_139, %lt3A_140 : i32
      %convert_element_type3A_142 = arith.extui %lt3A_141 : i1 to i32
      %cond3A_143 = arith.constant 0 : i32
      %cond3A_144 = arith.cmpi ne, %convert_element_type3A_142, %cond3A_143 : i32
      scf.if %cond3A_144 {
        %dma_wait3A_195 = arith.constant 0 : i32
        %dma_wait3A_196 = arith.constant 3 : i32
        %dma_wait3A_197 = arith.constant 0 : i32
        %dma_wait3A_198 = tpu.memref_slice %arg3[%add3A, %dma_wait3A_195, %dma_wait3A_197] : memref<32x80x128xi32, #tpu.memory_space<hbm>> -> memref<1x1x128xi32, #tpu.memory_space<hbm>>
        %dma_wait3A_199 = tpu.memref_squeeze %dma_wait3A_198 : memref<1x1x128xi32, #tpu.memory_space<hbm>> -> memref<128xi32, #tpu.memory_space<hbm>>
        %dma_wait3A_200 = tpu.memref_slice %arg16[%dma_wait3A_196] : memref<4x!tpu.dma_semaphore, #tpu.memory_space<semaphore_mem>> -> memref<1x!tpu.dma_semaphore, #tpu.memory_space<semaphore_mem>>
        %dma_wait3A_201 = tpu.memref_squeeze %dma_wait3A_200 : memref<1x!tpu.dma_semaphore, #tpu.memory_space<semaphore_mem>> -> memref<!tpu.dma_semaphore, #tpu.memory_space<semaphore_mem>>
        %dma_wait3A_202 = arith.constant 0 : i32
        %dma_wait3A_203 = tpu.memref_slice %arg3[%add3A, %dma_wait3A_195, %dma_wait3A_202] : memref<32x80x128xi32, #tpu.memory_space<hbm>> -> memref<1x1x128xi32, #tpu.memory_space<hbm>>
        %dma_wait3A_204 = tpu.memref_squeeze %dma_wait3A_203 : memref<1x1x128xi32, #tpu.memory_space<hbm>> -> memref<128xi32, #tpu.memory_space<hbm>>
        tpu.wait_dma2 semaphore(%dma_wait3A_201 : memref<!tpu.dma_semaphore, #tpu.memory_space<semaphore_mem>>) src(%dma_wait3A_204 : memref<128xi32, #tpu.memory_space<hbm>>) dst(%arg10 : memref<128xi32, #tpu.memory_space<vmem>>)
        %dma_start3A_205 = arith.constant 1 : i32
        %dma_start3A_206 = arith.constant 0 : i32
        %dma_start3A_207 = arith.constant 0 : i32
        %dma_start3A_208 = tpu.memref_slice %arg2[%dma_start3A_206, %dma_start3A_207] : memref<10000x128xf32, #tpu.memory_space<hbm>> -> memref<10000x128xf32, #tpu.memory_space<hbm>>
        %dma_start3A_209 = tpu.memref_slice %arg15[%dma_start3A_205] : memref<2x!tpu.dma_semaphore, #tpu.memory_space<semaphore_mem>> -> memref<1x!tpu.dma_semaphore, #tpu.memory_space<semaphore_mem>>
        %dma_start3A_210 = tpu.memref_squeeze %dma_start3A_209 : memref<1x!tpu.dma_semaphore, #tpu.memory_space<semaphore_mem>> -> memref<!tpu.dma_semaphore, #tpu.memory_space<semaphore_mem>>
        tpu.enqueue_indirect_dma source(%dma_start3A_208 : memref<10000x128xf32, #tpu.memory_space<hbm>>) target(%arg13 : memref<128x128xf32, #tpu.memory_space<vmem>>) offsets(%arg10 : memref<128xi32, #tpu.memory_space<vmem>>) semaphore(%dma_start3A_210 : memref<!tpu.dma_semaphore, #tpu.memory_space<semaphore_mem>>)
      } else {
      }
      %add3A_145 = arith.constant 2 : i32
      %add3A_146 = arith.addi %add3A_95, %add3A_145 : i32
      %dma_wait3A_147 = arith.constant 0 : i32
      %dma_wait3A_148 = arith.constant 0 : i32
      %dma_wait3A_149 = arith.constant 0 : i32
      %dma_wait3A_150 = tpu.memref_slice %arg2[%dma_wait3A_148, %dma_wait3A_149] : memref<10000x128xf32, #tpu.memory_space<hbm>> -> memref<128x128xf32, #tpu.memory_space<hbm>>
      %dma_wait3A_151 = tpu.memref_slice %arg15[%dma_wait3A_147] : memref<2x!tpu.dma_semaphore, #tpu.memory_space<semaphore_mem>> -> memref<1x!tpu.dma_semaphore, #tpu.memory_space<semaphore_mem>>
      %dma_wait3A_152 = tpu.memref_squeeze %dma_wait3A_151 : memref<1x!tpu.dma_semaphore, #tpu.memory_space<semaphore_mem>> -> memref<!tpu.dma_semaphore, #tpu.memory_space<semaphore_mem>>
      %dma_wait3A_153 = arith.constant 0 : i32
      %dma_wait3A_154 = arith.constant 0 : i32
      %dma_wait3A_155 = tpu.memref_slice %arg2[%dma_wait3A_153, %dma_wait3A_154] : memref<10000x128xf32, #tpu.memory_space<hbm>> -> memref<128x128xf32, #tpu.memory_space<hbm>>
      tpu.wait_dma2 semaphore(%dma_wait3A_152 : memref<!tpu.dma_semaphore, #tpu.memory_space<semaphore_mem>>) src(%dma_wait3A_155 : memref<128x128xf32, #tpu.memory_space<hbm>>) dst(%arg12 : memref<128x128xf32, #tpu.memory_space<vmem>>)
      "tpu.region"() ({
        %run_scoped3A = tpu.sem_alloc : memref<!tpu.dma_semaphore, #tpu.memory_space<semaphore_mem>>
        %dma_start3A_195 = arith.constant 0 : i32
        %dma_start3A_196 = tpu.memref_slice %arg11[%add3A_146, %dma_start3A_195] : memref<80x128xi32, #tpu.memory_space<vmem>> -> memref<1x128xi32, #tpu.memory_space<vmem>>
        %dma_start3A_197 = tpu.memref_squeeze %dma_start3A_196 : memref<1x128xi32, #tpu.memory_space<vmem>> -> memref<128xi32, #tpu.memory_space<vmem>>
        %dma_start3A_198 = arith.constant 0 : i32
        %dma_start3A_199 = arith.constant 0 : i32
        %dma_start3A_200 = tpu.memref_slice %arg14[%dma_start3A_198, %dma_start3A_199] : memref<10016x128xf32, #tpu.memory_space<vmem_shared>> -> memref<10016x128xf32, #tpu.memory_space<vmem_shared>>
        tpu.enqueue_indirect_dma source(%arg12 : memref<128x128xf32, #tpu.memory_space<vmem>>) target(%dma_start3A_200 : memref<10016x128xf32, #tpu.memory_space<vmem_shared>>) offsets(%dma_start3A_197 : memref<128xi32, #tpu.memory_space<vmem>>) semaphore(%run_scoped3A : memref<!tpu.dma_semaphore, #tpu.memory_space<semaphore_mem>>) {add = true}
        %dma_wait3A_201 = arith.constant 0 : i32
        %dma_wait3A_202 = tpu.memref_slice %arg11[%add3A_146, %dma_wait3A_201] : memref<80x128xi32, #tpu.memory_space<vmem>> -> memref<1x128xi32, #tpu.memory_space<vmem>>
        %dma_wait3A_203 = tpu.memref_squeeze %dma_wait3A_202 : memref<1x128xi32, #tpu.memory_space<vmem>> -> memref<128xi32, #tpu.memory_space<vmem>>
        %dma_wait3A_204 = arith.constant 0 : i32
        %dma_wait3A_205 = arith.constant 0 : i32
        %dma_wait3A_206 = tpu.memref_slice %arg14[%dma_wait3A_204, %dma_wait3A_205] : memref<10016x128xf32, #tpu.memory_space<vmem_shared>> -> memref<10016x128xf32, #tpu.memory_space<vmem_shared>>
        tpu.wait_indirect_dma semaphore(%run_scoped3A : memref<!tpu.dma_semaphore, #tpu.memory_space<semaphore_mem>>) src(%arg12 : memref<128x128xf32, #tpu.memory_space<vmem>>) dst(%dma_wait3A_206 : memref<10016x128xf32, #tpu.memory_space<vmem_shared>>)
        tpu.yield
      }) : () -> ()
      %add3A_156 = arith.constant 4 : i32
      %add3A_157 = arith.addi %add3A_146, %add3A_156 : i32
      %lt3A_158 = arith.constant 80 : i32
      %lt3A_159 = arith.cmpi slt, %add3A_157, %lt3A_158 : i32
      %convert_element_type3A_160 = arith.extui %lt3A_159 : i1 to i32
      %cond3A_161 = arith.constant 0 : i32
      %cond3A_162 = arith.cmpi ne, %convert_element_type3A_160, %cond3A_161 : i32
      scf.if %cond3A_162 {
        %add3A_195 = arith.constant 4 : i32
        %add3A_196 = arith.addi %add3A_146, %add3A_195 : i32
        %dma_start3A_197 = arith.constant 2 : i32
        %dma_start3A_198 = arith.constant 0 : i32
        %dma_start3A_199 = tpu.memref_slice %arg3[%add3A, %add3A_196, %dma_start3A_198] : memref<32x80x128xi32, #tpu.memory_space<hbm>> -> memref<1x1x128xi32, #tpu.memory_space<hbm>>
        %dma_start3A_200 = tpu.memref_squeeze %dma_start3A_199 : memref<1x1x128xi32, #tpu.memory_space<hbm>> -> memref<128xi32, #tpu.memory_space<hbm>>
        %dma_start3A_201 = tpu.memref_slice %arg16[%dma_start3A_197] : memref<4x!tpu.dma_semaphore, #tpu.memory_space<semaphore_mem>> -> memref<1x!tpu.dma_semaphore, #tpu.memory_space<semaphore_mem>>
        %dma_start3A_202 = tpu.memref_squeeze %dma_start3A_201 : memref<1x!tpu.dma_semaphore, #tpu.memory_space<semaphore_mem>> -> memref<!tpu.dma_semaphore, #tpu.memory_space<semaphore_mem>>
        %dma_start3A_203 = arith.constant 0 : i32
        %dma_start3A_204 = tpu.memref_slice %arg3[%add3A, %add3A_196, %dma_start3A_203] : memref<32x80x128xi32, #tpu.memory_space<hbm>> -> memref<1x1x128xi32, #tpu.memory_space<hbm>>
        %dma_start3A_205 = tpu.memref_squeeze %dma_start3A_204 : memref<1x1x128xi32, #tpu.memory_space<hbm>> -> memref<128xi32, #tpu.memory_space<hbm>>
        tpu.enqueue_dma source(%dma_start3A_205 : memref<128xi32, #tpu.memory_space<hbm>>) target(%arg9 : memref<128xi32, #tpu.memory_space<vmem>>) target_semaphore(%dma_start3A_202 : memref<!tpu.dma_semaphore, #tpu.memory_space<semaphore_mem>>)
      } else {
      }
      %add3A_163 = arith.constant 2 : i32
      %add3A_164 = arith.addi %add3A_146, %add3A_163 : i32
      %lt3A_165 = arith.constant 80 : i32
      %lt3A_166 = arith.cmpi slt, %add3A_164, %lt3A_165 : i32
      %convert_element_type3A_167 = arith.extui %lt3A_166 : i1 to i32
      %cond3A_168 = arith.constant 0 : i32
      %cond3A_169 = arith.cmpi ne, %convert_element_type3A_167, %cond3A_168 : i32
      scf.if %cond3A_169 {
        %dma_wait3A_195 = arith.constant 0 : i32
        %dma_wait3A_196 = arith.constant 0 : i32
        %dma_wait3A_197 = arith.constant 0 : i32
        %dma_wait3A_198 = tpu.memref_slice %arg3[%add3A, %dma_wait3A_195, %dma_wait3A_197] : memref<32x80x128xi32, #tpu.memory_space<hbm>> -> memref<1x1x128xi32, #tpu.memory_space<hbm>>
        %dma_wait3A_199 = tpu.memref_squeeze %dma_wait3A_198 : memref<1x1x128xi32, #tpu.memory_space<hbm>> -> memref<128xi32, #tpu.memory_space<hbm>>
        %dma_wait3A_200 = tpu.memref_slice %arg16[%dma_wait3A_196] : memref<4x!tpu.dma_semaphore, #tpu.memory_space<semaphore_mem>> -> memref<1x!tpu.dma_semaphore, #tpu.memory_space<semaphore_mem>>
        %dma_wait3A_201 = tpu.memref_squeeze %dma_wait3A_200 : memref<1x!tpu.dma_semaphore, #tpu.memory_space<semaphore_mem>> -> memref<!tpu.dma_semaphore, #tpu.memory_space<semaphore_mem>>
        %dma_wait3A_202 = arith.constant 0 : i32
        %dma_wait3A_203 = tpu.memref_slice %arg3[%add3A, %dma_wait3A_195, %dma_wait3A_202] : memref<32x80x128xi32, #tpu.memory_space<hbm>> -> memref<1x1x128xi32, #tpu.memory_space<hbm>>
        %dma_wait3A_204 = tpu.memref_squeeze %dma_wait3A_203 : memref<1x1x128xi32, #tpu.memory_space<hbm>> -> memref<128xi32, #tpu.memory_space<hbm>>
        tpu.wait_dma2 semaphore(%dma_wait3A_201 : memref<!tpu.dma_semaphore, #tpu.memory_space<semaphore_mem>>) src(%dma_wait3A_204 : memref<128xi32, #tpu.memory_space<hbm>>) dst(%arg7 : memref<128xi32, #tpu.memory_space<vmem>>)
        %dma_start3A_205 = arith.constant 0 : i32
        %dma_start3A_206 = arith.constant 0 : i32
        %dma_start3A_207 = arith.constant 0 : i32
        %dma_start3A_208 = tpu.memref_slice %arg2[%dma_start3A_206, %dma_start3A_207] : memref<10000x128xf32, #tpu.memory_space<hbm>> -> memref<10000x128xf32, #tpu.memory_space<hbm>>
        %dma_start3A_209 = tpu.memref_slice %arg15[%dma_start3A_205] : memref<2x!tpu.dma_semaphore, #tpu.memory_space<semaphore_mem>> -> memref<1x!tpu.dma_semaphore, #tpu.memory_space<semaphore_mem>>
        %dma_start3A_210 = tpu.memref_squeeze %dma_start3A_209 : memref<1x!tpu.dma_semaphore, #tpu.memory_space<semaphore_mem>> -> memref<!tpu.dma_semaphore, #tpu.memory_space<semaphore_mem>>
        tpu.enqueue_indirect_dma source(%dma_start3A_208 : memref<10000x128xf32, #tpu.memory_space<hbm>>) target(%arg12 : memref<128x128xf32, #tpu.memory_space<vmem>>) offsets(%arg7 : memref<128xi32, #tpu.memory_space<vmem>>) semaphore(%dma_start3A_210 : memref<!tpu.dma_semaphore, #tpu.memory_space<semaphore_mem>>)
      } else {
      }
      %add3A_170 = arith.constant 3 : i32
      %add3A_171 = arith.addi %add3A_95, %add3A_170 : i32
      %dma_wait3A_172 = arith.constant 1 : i32
      %dma_wait3A_173 = arith.constant 0 : i32
      %dma_wait3A_174 = arith.constant 0 : i32
      %dma_wait3A_175 = tpu.memref_slice %arg2[%dma_wait3A_173, %dma_wait3A_174] : memref<10000x128xf32, #tpu.memory_space<hbm>> -> memref<128x128xf32, #tpu.memory_space<hbm>>
      %dma_wait3A_176 = tpu.memref_slice %arg15[%dma_wait3A_172] : memref<2x!tpu.dma_semaphore, #tpu.memory_space<semaphore_mem>> -> memref<1x!tpu.dma_semaphore, #tpu.memory_space<semaphore_mem>>
      %dma_wait3A_177 = tpu.memref_squeeze %dma_wait3A_176 : memref<1x!tpu.dma_semaphore, #tpu.memory_space<semaphore_mem>> -> memref<!tpu.dma_semaphore, #tpu.memory_space<semaphore_mem>>
      %dma_wait3A_178 = arith.constant 0 : i32
      %dma_wait3A_179 = arith.constant 0 : i32
      %dma_wait3A_180 = tpu.memref_slice %arg2[%dma_wait3A_178, %dma_wait3A_179] : memref<10000x128xf32, #tpu.memory_space<hbm>> -> memref<128x128xf32, #tpu.memory_space<hbm>>
      tpu.wait_dma2 semaphore(%dma_wait3A_177 : memref<!tpu.dma_semaphore, #tpu.memory_space<semaphore_mem>>) src(%dma_wait3A_180 : memref<128x128xf32, #tpu.memory_space<hbm>>) dst(%arg13 : memref<128x128xf32, #tpu.memory_space<vmem>>)
      "tpu.region"() ({
        %run_scoped3A = tpu.sem_alloc : memref<!tpu.dma_semaphore, #tpu.memory_space<semaphore_mem>>
        %dma_start3A_195 = arith.constant 0 : i32
        %dma_start3A_196 = tpu.memref_slice %arg11[%add3A_171, %dma_start3A_195] : memref<80x128xi32, #tpu.memory_space<vmem>> -> memref<1x128xi32, #tpu.memory_space<vmem>>
        %dma_start3A_197 = tpu.memref_squeeze %dma_start3A_196 : memref<1x128xi32, #tpu.memory_space<vmem>> -> memref<128xi32, #tpu.memory_space<vmem>>
        %dma_start3A_198 = arith.constant 0 : i32
        %dma_start3A_199 = arith.constant 0 : i32
        %dma_start3A_200 = tpu.memref_slice %arg14[%dma_start3A_198, %dma_start3A_199] : memref<10016x128xf32, #tpu.memory_space<vmem_shared>> -> memref<10016x128xf32, #tpu.memory_space<vmem_shared>>
        tpu.enqueue_indirect_dma source(%arg13 : memref<128x128xf32, #tpu.memory_space<vmem>>) target(%dma_start3A_200 : memref<10016x128xf32, #tpu.memory_space<vmem_shared>>) offsets(%dma_start3A_197 : memref<128xi32, #tpu.memory_space<vmem>>) semaphore(%run_scoped3A : memref<!tpu.dma_semaphore, #tpu.memory_space<semaphore_mem>>) {add = true}
        %dma_wait3A_201 = arith.constant 0 : i32
        %dma_wait3A_202 = tpu.memref_slice %arg11[%add3A_171, %dma_wait3A_201] : memref<80x128xi32, #tpu.memory_space<vmem>> -> memref<1x128xi32, #tpu.memory_space<vmem>>
        %dma_wait3A_203 = tpu.memref_squeeze %dma_wait3A_202 : memref<1x128xi32, #tpu.memory_space<vmem>> -> memref<128xi32, #tpu.memory_space<vmem>>
        %dma_wait3A_204 = arith.constant 0 : i32
        %dma_wait3A_205 = arith.constant 0 : i32
        %dma_wait3A_206 = tpu.memref_slice %arg14[%dma_wait3A_204, %dma_wait3A_205] : memref<10016x128xf32, #tpu.memory_space<vmem_shared>> -> memref<10016x128xf32, #tpu.memory_space<vmem_shared>>
        tpu.wait_indirect_dma semaphore(%run_scoped3A : memref<!tpu.dma_semaphore, #tpu.memory_space<semaphore_mem>>) src(%arg13 : memref<128x128xf32, #tpu.memory_space<vmem>>) dst(%dma_wait3A_206 : memref<10016x128xf32, #tpu.memory_space<vmem_shared>>)
        tpu.yield
      }) : () -> ()
      %add3A_181 = arith.constant 4 : i32
      %add3A_182 = arith.addi %add3A_171, %add3A_181 : i32
      %lt3A_183 = arith.constant 80 : i32
      %lt3A_184 = arith.cmpi slt, %add3A_182, %lt3A_183 : i32
      %convert_element_type3A_185 = arith.extui %lt3A_184 : i1 to i32
      %cond3A_186 = arith.constant 0 : i32
      %cond3A_187 = arith.cmpi ne, %convert_element_type3A_185, %cond3A_186 : i32
      scf.if %cond3A_187 {
        %add3A_195 = arith.constant 4 : i32
        %add3A_196 = arith.addi %add3A_171, %add3A_195 : i32
        %dma_start3A_197 = arith.constant 3 : i32
        %dma_start3A_198 = arith.constant 0 : i32
        %dma_start3A_199 = tpu.memref_slice %arg3[%add3A, %add3A_196, %dma_start3A_198] : memref<32x80x128xi32, #tpu.memory_space<hbm>> -> memref<1x1x128xi32, #tpu.memory_space<hbm>>
        %dma_start3A_200 = tpu.memref_squeeze %dma_start3A_199 : memref<1x1x128xi32, #tpu.memory_space<hbm>> -> memref<128xi32, #tpu.memory_space<hbm>>
        %dma_start3A_201 = tpu.memref_slice %arg16[%dma_start3A_197] : memref<4x!tpu.dma_semaphore, #tpu.memory_space<semaphore_mem>> -> memref<1x!tpu.dma_semaphore, #tpu.memory_space<semaphore_mem>>
        %dma_start3A_202 = tpu.memref_squeeze %dma_start3A_201 : memref<1x!tpu.dma_semaphore, #tpu.memory_space<semaphore_mem>> -> memref<!tpu.dma_semaphore, #tpu.memory_space<semaphore_mem>>
        %dma_start3A_203 = arith.constant 0 : i32
        %dma_start3A_204 = tpu.memref_slice %arg3[%add3A, %add3A_196, %dma_start3A_203] : memref<32x80x128xi32, #tpu.memory_space<hbm>> -> memref<1x1x128xi32, #tpu.memory_space<hbm>>
        %dma_start3A_205 = tpu.memref_squeeze %dma_start3A_204 : memref<1x1x128xi32, #tpu.memory_space<hbm>> -> memref<128xi32, #tpu.memory_space<hbm>>
        tpu.enqueue_dma source(%dma_start3A_205 : memref<128xi32, #tpu.memory_space<hbm>>) target(%arg10 : memref<128xi32, #tpu.memory_space<vmem>>) target_semaphore(%dma_start3A_202 : memref<!tpu.dma_semaphore, #tpu.memory_space<semaphore_mem>>)
      } else {
      }
      %add3A_188 = arith.constant 2 : i32
      %add3A_189 = arith.addi %add3A_171, %add3A_188 : i32
      %lt3A_190 = arith.constant 80 : i32
      %lt3A_191 = arith.cmpi slt, %add3A_189, %lt3A_190 : i32
      %convert_element_type3A_192 = arith.extui %lt3A_191 : i1 to i32
      %cond3A_193 = arith.constant 0 : i32
      %cond3A_194 = arith.cmpi ne, %convert_element_type3A_192, %cond3A_193 : i32
      scf.if %cond3A_194 {
        %dma_wait3A_195 = arith.constant 0 : i32
        %dma_wait3A_196 = arith.constant 1 : i32
        %dma_wait3A_197 = arith.constant 0 : i32
        %dma_wait3A_198 = tpu.memref_slice %arg3[%add3A, %dma_wait3A_195, %dma_wait3A_197] : memref<32x80x128xi32, #tpu.memory_space<hbm>> -> memref<1x1x128xi32, #tpu.memory_space<hbm>>
        %dma_wait3A_199 = tpu.memref_squeeze %dma_wait3A_198 : memref<1x1x128xi32, #tpu.memory_space<hbm>> -> memref<128xi32, #tpu.memory_space<hbm>>
        %dma_wait3A_200 = tpu.memref_slice %arg16[%dma_wait3A_196] : memref<4x!tpu.dma_semaphore, #tpu.memory_space<semaphore_mem>> -> memref<1x!tpu.dma_semaphore, #tpu.memory_space<semaphore_mem>>
        %dma_wait3A_201 = tpu.memref_squeeze %dma_wait3A_200 : memref<1x!tpu.dma_semaphore, #tpu.memory_space<semaphore_mem>> -> memref<!tpu.dma_semaphore, #tpu.memory_space<semaphore_mem>>
        %dma_wait3A_202 = arith.constant 0 : i32
        %dma_wait3A_203 = tpu.memref_slice %arg3[%add3A, %dma_wait3A_195, %dma_wait3A_202] : memref<32x80x128xi32, #tpu.memory_space<hbm>> -> memref<1x1x128xi32, #tpu.memory_space<hbm>>
        %dma_wait3A_204 = tpu.memref_squeeze %dma_wait3A_203 : memref<1x1x128xi32, #tpu.memory_space<hbm>> -> memref<128xi32, #tpu.memory_space<hbm>>
        tpu.wait_dma2 semaphore(%dma_wait3A_201 : memref<!tpu.dma_semaphore, #tpu.memory_space<semaphore_mem>>) src(%dma_wait3A_204 : memref<128xi32, #tpu.memory_space<hbm>>) dst(%arg8 : memref<128xi32, #tpu.memory_space<vmem>>)
        %dma_start3A_205 = arith.constant 1 : i32
        %dma_start3A_206 = arith.constant 0 : i32
        %dma_start3A_207 = arith.constant 0 : i32
        %dma_start3A_208 = tpu.memref_slice %arg2[%dma_start3A_206, %dma_start3A_207] : memref<10000x128xf32, #tpu.memory_space<hbm>> -> memref<10000x128xf32, #tpu.memory_space<hbm>>
        %dma_start3A_209 = tpu.memref_slice %arg15[%dma_start3A_205] : memref<2x!tpu.dma_semaphore, #tpu.memory_space<semaphore_mem>> -> memref<1x!tpu.dma_semaphore, #tpu.memory_space<semaphore_mem>>
        %dma_start3A_210 = tpu.memref_squeeze %dma_start3A_209 : memref<1x!tpu.dma_semaphore, #tpu.memory_space<semaphore_mem>> -> memref<!tpu.dma_semaphore, #tpu.memory_space<semaphore_mem>>
        tpu.enqueue_indirect_dma source(%dma_start3A_208 : memref<10000x128xf32, #tpu.memory_space<hbm>>) target(%arg13 : memref<128x128xf32, #tpu.memory_space<vmem>>) offsets(%arg8 : memref<128xi32, #tpu.memory_space<vmem>>) semaphore(%dma_start3A_210 : memref<!tpu.dma_semaphore, #tpu.memory_space<semaphore_mem>>)
      } else {
      }
    }
    %scan3A_80 = arith.constant 20 : i32
    %barrier3A_81 = arith.constant 0 : index
    tpu.barrier barrier_id(%barrier3A_81)
    %mul3A_82 = arith.constant 624 : i32
    %mul3A_83 = arith.muli %arg1, %mul3A_82 : i32
    %mul3A_84 = arith.constant 624 : i32
    %mul3A_85 = arith.muli %arg1, %mul3A_84 : i32
    "tpu.region"() ({
      %run_scoped3A = tpu.sem_alloc : memref<!tpu.dma_semaphore, #tpu.memory_space<semaphore_mem>>
      %dma_start3A_91 = arith.constant 0 : i32
      %dma_start3A_92 = tpu.memref_slice %arg6[%arg0, %mul3A_85, %dma_start3A_91] : memref<2x10000x128xf32, #tpu.memory_space<hbm>> -> memref<1x624x128xf32, #tpu.memory_space<hbm>>
      %dma_start3A_93 = tpu.memref_squeeze %dma_start3A_92 : memref<1x624x128xf32, #tpu.memory_space<hbm>> -> memref<624x128xf32, #tpu.memory_space<hbm>>
      %dma_start3A_94 = arith.constant 0 : i32
      %dma_start3A_95 = tpu.memref_slice %arg14[%mul3A_83, %dma_start3A_94] : memref<10016x128xf32, #tpu.memory_space<vmem_shared>> -> memref<624x128xf32, #tpu.memory_space<vmem_shared>>
      tpu.enqueue_dma source(%dma_start3A_95 : memref<624x128xf32, #tpu.memory_space<vmem_shared>>) target(%dma_start3A_93 : memref<624x128xf32, #tpu.memory_space<hbm>>) target_semaphore(%run_scoped3A : memref<!tpu.dma_semaphore, #tpu.memory_space<semaphore_mem>>)
      %dma_wait3A_96 = arith.constant 0 : i32
      %dma_wait3A_97 = tpu.memref_slice %arg6[%arg0, %mul3A_85, %dma_wait3A_96] : memref<2x10000x128xf32, #tpu.memory_space<hbm>> -> memref<1x624x128xf32, #tpu.memory_space<hbm>>
      %dma_wait3A_98 = tpu.memref_squeeze %dma_wait3A_97 : memref<1x624x128xf32, #tpu.memory_space<hbm>> -> memref<624x128xf32, #tpu.memory_space<hbm>>
      %dma_wait3A_99 = arith.constant 0 : i32
      %dma_wait3A_100 = tpu.memref_slice %arg14[%mul3A_83, %dma_wait3A_99] : memref<10016x128xf32, #tpu.memory_space<vmem_shared>> -> memref<624x128xf32, #tpu.memory_space<vmem_shared>>
      tpu.wait_dma2 semaphore(%run_scoped3A : memref<!tpu.dma_semaphore, #tpu.memory_space<semaphore_mem>>) src(%dma_wait3A_100 : memref<624x128xf32, #tpu.memory_space<vmem_shared>>) dst(%dma_wait3A_98 : memref<624x128xf32, #tpu.memory_space<hbm>>)
      tpu.yield
    }) : () -> ()
    %eq3A_86 = arith.constant 0 : i32
    %eq3A_87 = arith.cmpi eq, %arg1, %eq3A_86 : i32
    %convert_element_type3A_88 = arith.extui %eq3A_87 : i1 to i32
    %cond3A_89 = arith.constant 0 : i32
    %cond3A_90 = arith.cmpi ne, %convert_element_type3A_88, %cond3A_89 : i32
    scf.if %cond3A_90 {
      "tpu.region"() ({
        %run_scoped3A = tpu.sem_alloc : memref<!tpu.dma_semaphore, #tpu.memory_space<semaphore_mem>>
        %dma_start3A_91 = arith.constant 9984 : i32
        %dma_start3A_92 = arith.constant 0 : i32
        %dma_start3A_93 = tpu.memref_slice %arg6[%arg0, %dma_start3A_91, %dma_start3A_92] : memref<2x10000x128xf32, #tpu.memory_space<hbm>> -> memref<1x16x128xf32, #tpu.memory_space<hbm>>
        %dma_start3A_94 = tpu.memref_squeeze %dma_start3A_93 : memref<1x16x128xf32, #tpu.memory_space<hbm>> -> memref<16x128xf32, #tpu.memory_space<hbm>>
        %dma_start3A_95 = arith.constant 9984 : i32
        %dma_start3A_96 = arith.constant 0 : i32
        %dma_start3A_97 = tpu.memref_slice %arg14[%dma_start3A_95, %dma_start3A_96] : memref<10016x128xf32, #tpu.memory_space<vmem_shared>> -> memref<16x128xf32, #tpu.memory_space<vmem_shared>>
        tpu.enqueue_dma source(%dma_start3A_97 : memref<16x128xf32, #tpu.memory_space<vmem_shared>>) target(%dma_start3A_94 : memref<16x128xf32, #tpu.memory_space<hbm>>) target_semaphore(%run_scoped3A : memref<!tpu.dma_semaphore, #tpu.memory_space<semaphore_mem>>)
        %dma_wait3A_98 = arith.constant 9984 : i32
        %dma_wait3A_99 = arith.constant 0 : i32
        %dma_wait3A_100 = tpu.memref_slice %arg6[%arg0, %dma_wait3A_98, %dma_wait3A_99] : memref<2x10000x128xf32, #tpu.memory_space<hbm>> -> memref<1x16x128xf32, #tpu.memory_space<hbm>>
        %dma_wait3A_101 = tpu.memref_squeeze %dma_wait3A_100 : memref<1x16x128xf32, #tpu.memory_space<hbm>> -> memref<16x128xf32, #tpu.memory_space<hbm>>
        %dma_wait3A_102 = arith.constant 9984 : i32
        %dma_wait3A_103 = arith.constant 0 : i32
        %dma_wait3A_104 = tpu.memref_slice %arg14[%dma_wait3A_102, %dma_wait3A_103] : memref<10016x128xf32, #tpu.memory_space<vmem_shared>> -> memref<16x128xf32, #tpu.memory_space<vmem_shared>>
        tpu.wait_dma2 semaphore(%run_scoped3A : memref<!tpu.dma_semaphore, #tpu.memory_space<semaphore_mem>>) src(%dma_wait3A_104 : memref<16x128xf32, #tpu.memory_space<vmem_shared>>) dst(%dma_wait3A_101 : memref<16x128xf32, #tpu.memory_space<hbm>>)
        tpu.yield
      }) : () -> ()
    } else {
    }
    return
  }
}

module attributes {stable_mosaic.version = 14 : i64} {
  func.func @body(%arg0: i32, %arg1: memref<1000x128xf32, #tpu.memory_space<vmem>>, %arg2: memref<128x128xf32, #tpu.memory_space<vmem>>, %arg3: memref<1000x128xf32, #tpu.memory_space<vmem>>) attributes {dimension_semantics = [#tpu.dimension_semantics<arbitrary>], iteration_bounds = array<i64: 10>, scalar_prefetch = 0 : i64, scratch_operands = 0 : i64, tpu.core_type = #tpu.core_type<tc>, window_params = [{transform_indices = @transform_0, window_bounds = array<i64: 1000, 128>}, {pipeline_mode = #tpu.pipeline_mode<synchronous>, transform_indices = @transform_1, window_bounds = array<i64: 128, 128>}, {transform_indices = @transform_2, window_bounds = array<i64: 1000, 128>}]} {
    %get3A = arith.constant 0 : index
    %get3A_0 = arith.constant 0 : index
    %get3A_1 = vector.load %arg1[%get3A, %get3A_0] : memref<1000x128xf32, #tpu.memory_space<vmem>>, vector<1000x128xf32>
    %get3A_2 = arith.constant 0 : index
    %get3A_3 = arith.constant 0 : index
    %get3A_4 = vector.load %arg2[%get3A_2, %get3A_3] : memref<128x128xf32, #tpu.memory_space<vmem>>, vector<128x128xf32>
    %dot_general3A = arith.constant dense<0.000000e+00> : vector<1000x128xf32>
    %dot_general3A_5 = tpu.matmul %get3A_1, %get3A_4, %dot_general3A {dimension_numbers = #tpu.dot_dimension_numbers<[1], [0], [0], [1], [0, 0, 1, 1], [], []>, transpose_lhs_hint = false} : vector<1000x128xf32>, vector<128x128xf32>, vector<1000x128xf32> -> vector<1000x128xf32>
    %swap3A = arith.constant 0 : index
    %swap3A_6 = arith.constant 0 : index
    %swap3A_7 = vector.load %arg3[%swap3A, %swap3A_6] : memref<1000x128xf32, #tpu.memory_space<vmem>>, vector<1000x128xf32>
    tpu.vector_store %arg3[%swap3A, %swap3A_6], %dot_general3A_5 {strides = array<i32>} : memref<1000x128xf32, #tpu.memory_space<vmem>>, vector<1000x128xf32>,
    return
  }
  func.func @transform_0(%arg0: i32) -> (i32, i32) {
    %c0_i32 = arith.constant 0 : i32
    %c0_i32_0 = arith.constant 0 : i32
    return %arg0, %c0_i32 : i32, i32
  }
  func.func @transform_1(%arg0: i32) -> (i32, i32) {
    %c0_i32 = arith.constant 0 : i32
    %c0_i32_0 = arith.constant 0 : i32
    %c0_i32_1 = arith.constant 0 : i32
    return %c0_i32, %c0_i32_0 : i32, i32
  }
  func.func @transform_2(%arg0: i32) -> (i32, i32) {
    %c0_i32 = arith.constant 0 : i32
    %c0_i32_0 = arith.constant 0 : i32
    return %arg0, %c0_i32 : i32, i32
  }
}

module attributes {stable_mosaic.version = 14 : i64} {
  func.func @body(%arg0: i32, %arg1: memref<1000x128xf32, #tpu.memory_space<vmem>>, %arg2: memref<2x1000x128xf32, #tpu.memory_space<vmem>>, %arg3: memref<1000x128xf32, #tpu.memory_space<vmem>>) attributes {dimension_semantics = [#tpu.dimension_semantics<arbitrary>], iteration_bounds = array<i64: 10>, scalar_prefetch = 0 : i64, scratch_operands = 0 : i64, tpu.core_type = #tpu.core_type<tc>, window_params = [{transform_indices = @transform_0, window_bounds = array<i64: 1000, 128>}, {transform_indices = @transform_1, window_bounds = array<i64: 2, 1000, 128>}, {transform_indices = @transform_2, window_bounds = array<i64: 1000, 128>}]} {
    %get3A = arith.constant 0 : index
    %get3A_0 = arith.constant 0 : index
    %get3A_1 = arith.constant 0 : index
    %get3A_2 = vector.load %arg2[%get3A, %get3A_0, %get3A_1] : memref<2x1000x128xf32, #tpu.memory_space<vmem>>, vector<2x1000x128xf32>
    %slice3A = vector.extract_strided_slice %get3A_2 {offsets = [0, 0, 0], sizes = [1, 1000, 1], strides = [1, 1, 1]} : vector<2x1000x128xf32> to vector<1x1000x1xf32>
    %squeeze3A = vector.shape_cast %slice3A : vector<1x1000x1xf32> to vector<1000x1xf32>
    %add3A = arith.constant 1.000000e+00 : f32
    %add3A_3 = vector.broadcast %add3A : f32 to vector<1000x1xf32>
    %add3A_4 = arith.addf %add3A_3, %squeeze3A : vector<1000x1xf32>
    %slice3A_5 = vector.extract_strided_slice %get3A_2 {offsets = [1, 0, 0], sizes = [1, 1000, 1], strides = [1, 1, 1]} : vector<2x1000x128xf32> to vector<1x1000x1xf32>
    %squeeze3A_6 = vector.shape_cast %slice3A_5 : vector<1x1000x1xf32> to vector<1000x1xf32>
    %add3A_7 = arith.addf %add3A_4, %squeeze3A_6 : vector<1000x1xf32>
    %rsqrt3A = math.rsqrt %add3A_7 : vector<1000x1xf32>
    %get3A_8 = arith.constant 0 : index
    %get3A_9 = arith.constant 0 : index
    %get3A_10 = vector.load %arg1[%get3A_8, %get3A_9] : memref<1000x128xf32, #tpu.memory_space<vmem>>, vector<1000x128xf32>
    %mul3A = vector.broadcast %rsqrt3A : vector<1000x1xf32> to vector<1000x128xf32>
    %mul3A_11 = arith.mulf %get3A_10, %mul3A : vector<1000x128xf32>
    %swap3A = arith.constant 0 : index
    %swap3A_12 = arith.constant 0 : index
    %swap3A_13 = vector.load %arg3[%swap3A, %swap3A_12] : memref<1000x128xf32, #tpu.memory_space<vmem>>, vector<1000x128xf32>
    tpu.vector_store %arg3[%swap3A, %swap3A_12], %mul3A_11 {strides = array<i32>} : memref<1000x128xf32, #tpu.memory_space<vmem>>, vector<1000x128xf32>,
    return
  }
  func.func @transform_0(%arg0: i32) -> (i32, i32) {
    %c0_i32 = arith.constant 0 : i32
    %c0_i32_0 = arith.constant 0 : i32
    return %arg0, %c0_i32 : i32, i32
  }
  func.func @transform_1(%arg0: i32) -> (i32, i32, i32) {
    %c0_i32 = arith.constant 0 : i32
    %c0_i32_0 = arith.constant 0 : i32
    %c0_i32_1 = arith.constant 0 : i32
    return %c0_i32, %arg0, %c0_i32_0 : i32, i32, i32
  }
  func.func @transform_2(%arg0: i32) -> (i32, i32) {
    %c0_i32 = arith.constant 0 : i32
    %c0_i32_0 = arith.constant 0 : i32
    return %arg0, %c0_i32 : i32, i32
  }
}

module attributes {stable_mosaic.version = 14 : i64} {
  func.func @body(%arg0: i32, %arg1: memref<2x1000x128xf32, #tpu.memory_space<vmem>>, %arg2: memref<1000x128xf32, #tpu.memory_space<vmem>>, %arg3: memref<2x1000x128xf32, #tpu.memory_space<vmem>>, %arg4: memref<1x128xf32, #tpu.memory_space<vmem>>, %arg5: memref<128x128xf32, #tpu.memory_space<vmem>>, %arg6: memref<1000x128xf32, #tpu.memory_space<vmem>>, %arg7: memref<1000x128xf32, #tpu.memory_space<vmem>>, %arg8: memref<1000x128xf32, #tpu.memory_space<vmem>>) attributes {dimension_semantics = [#tpu.dimension_semantics<arbitrary>], iteration_bounds = array<i64: 10>, scalar_prefetch = 0 : i64, scratch_operands = 0 : i64, tpu.core_type = #tpu.core_type<tc>, window_params = [{transform_indices = @transform_0, window_bounds = array<i64: 2, 1000, 128>}, {transform_indices = @transform_1, window_bounds = array<i64: 1000, 128>}, {transform_indices = @transform_2, window_bounds = array<i64: 2, 1000, 128>}, {pipeline_mode = #tpu.pipeline_mode<synchronous>, transform_indices = @transform_3, window_bounds = array<i64: 1, 128>}, {pipeline_mode = #tpu.pipeline_mode<synchronous>, transform_indices = @transform_4, window_bounds = array<i64: 128, 128>}, {transform_indices = @transform_5, window_bounds = array<i64: 1000, 128>}, {transform_indices = @transform_6, window_bounds = array<i64: 1000, 128>}, {transform_indices = @transform_7, window_bounds = array<i64: 1000, 128>}]} {
    %get3A = arith.constant 0 : index
    %get3A_0 = arith.constant 0 : index
    %get3A_1 = arith.constant 0 : index
    %get3A_2 = vector.load %arg3[%get3A, %get3A_0, %get3A_1] : memref<2x1000x128xf32, #tpu.memory_space<vmem>>, vector<2x1000x128xf32>
    %slice3A = vector.extract_strided_slice %get3A_2 {offsets = [0, 0, 0], sizes = [1, 1000, 1], strides = [1, 1, 1]} : vector<2x1000x128xf32> to vector<1x1000x1xf32>
    %squeeze3A = vector.shape_cast %slice3A : vector<1x1000x1xf32> to vector<1000x1xf32>
    %add3A = arith.constant 1.000000e+00 : f32
    %add3A_3 = vector.broadcast %add3A : f32 to vector<1000x1xf32>
    %add3A_4 = arith.addf %add3A_3, %squeeze3A : vector<1000x1xf32>
    %slice3A_5 = vector.extract_strided_slice %get3A_2 {offsets = [1, 0, 0], sizes = [1, 1000, 1], strides = [1, 1, 1]} : vector<2x1000x128xf32> to vector<1x1000x1xf32>
    %squeeze3A_6 = vector.shape_cast %slice3A_5 : vector<1x1000x1xf32> to vector<1000x1xf32>
    %add3A_7 = arith.addf %add3A_4, %squeeze3A_6 : vector<1000x1xf32>
    %rsqrt3A = math.rsqrt %add3A_7 : vector<1000x1xf32>
    %get3A_8 = arith.constant 0 : index
    %get3A_9 = arith.constant 0 : index
    %get3A_10 = arith.constant 0 : index
    %get3A_11 = vector.load %arg1[%get3A_8, %get3A_9, %get3A_10] : memref<2x1000x128xf32, #tpu.memory_space<vmem>>, vector<1x1000x128xf32>
    %get3A_12 = vector.shape_cast %get3A_11 : vector<1x1000x128xf32> to vector<1000x128xf32>
    %get3A_13 = arith.constant 1 : index
    %get3A_14 = arith.constant 0 : index
    %get3A_15 = arith.constant 0 : index
    %get3A_16 = vector.load %arg1[%get3A_13, %get3A_14, %get3A_15] : memref<2x1000x128xf32, #tpu.memory_space<vmem>>, vector<1x1000x128xf32>
    %get3A_17 = vector.shape_cast %get3A_16 : vector<1x1000x128xf32> to vector<1000x128xf32>
    %add3A_18 = arith.addf %get3A_12, %get3A_17 : vector<1000x128xf32>
    %mul3A = vector.broadcast %rsqrt3A : vector<1000x1xf32> to vector<1000x128xf32>
    %mul3A_19 = arith.mulf %mul3A, %add3A_18 : vector<1000x128xf32>
    %get3A_20 = arith.constant 0 : index
    %get3A_21 = arith.constant 0 : index
    %get3A_22 = vector.load %arg2[%get3A_20, %get3A_21] : memref<1000x128xf32, #tpu.memory_space<vmem>>, vector<1000x128xf32>
    %div3A = vector.broadcast %add3A_7 : vector<1000x1xf32> to vector<1000x128xf32>
    %div3A_23 = arith.divf %get3A_22, %div3A : vector<1000x128xf32>
    %add3A_24 = arith.addf %mul3A_19, %div3A_23 : vector<1000x128xf32>
    %get3A_25 = arith.constant 0 : index
    %get3A_26 = arith.constant 0 : index
    %get3A_27 = vector.load %arg4[%get3A_25, %get3A_26] : memref<1x128xf32, #tpu.memory_space<vmem>>, vector<1x128xf32>
    %add3A_28 = vector.broadcast %get3A_27 : vector<1x128xf32> to vector<1000x128xf32>
    %add3A_29 = arith.addf %add3A_24, %add3A_28 : vector<1000x128xf32>
    %max3A = arith.constant 0.000000e+00 : f32
    %max3A_30 = vector.broadcast %max3A : f32 to vector<1000x128xf32>
    %max3A_31 = arith.maximumf %add3A_29, %max3A_30 : vector<1000x128xf32>
    %get3A_32 = arith.constant 0 : index
    %get3A_33 = arith.constant 0 : index
    %get3A_34 = vector.load %arg5[%get3A_32, %get3A_33] : memref<128x128xf32, #tpu.memory_space<vmem>>, vector<128x128xf32>
    %dot_general3A = arith.constant dense<0.000000e+00> : vector<1000x128xf32>
    %dot_general3A_35 = tpu.matmul %max3A_31, %get3A_34, %dot_general3A {dimension_numbers = #tpu.dot_dimension_numbers<[1], [0], [0], [1], [0, 0, 1, 1], [], []>, transpose_lhs_hint = false} : vector<1000x128xf32>, vector<128x128xf32>, vector<1000x128xf32> -> vector<1000x128xf32>
    %swap3A = arith.constant 0 : index
    %swap3A_36 = arith.constant 0 : index
    %swap3A_37 = vector.load %arg6[%swap3A, %swap3A_36] : memref<1000x128xf32, #tpu.memory_space<vmem>>, vector<1000x128xf32>
    tpu.vector_store %arg6[%swap3A, %swap3A_36], %max3A_31 {strides = array<i32>} : memref<1000x128xf32, #tpu.memory_space<vmem>>, vector<1000x128xf32>,
    %swap3A_38 = arith.constant 0 : index
    %swap3A_39 = arith.constant 0 : index
    %swap3A_40 = vector.load %arg7[%swap3A_38, %swap3A_39] : memref<1000x128xf32, #tpu.memory_space<vmem>>, vector<1000x128xf32>
    tpu.vector_store %arg7[%swap3A_38, %swap3A_39], %dot_general3A_35 {strides = array<i32>} : memref<1000x128xf32, #tpu.memory_space<vmem>>, vector<1000x128xf32>,
    %mul3A_41 = vector.broadcast %rsqrt3A : vector<1000x1xf32> to vector<1000x128xf32>
    %mul3A_42 = arith.mulf %dot_general3A_35, %mul3A_41 : vector<1000x128xf32>
    %swap3A_43 = arith.constant 0 : index
    %swap3A_44 = arith.constant 0 : index
    %swap3A_45 = vector.load %arg8[%swap3A_43, %swap3A_44] : memref<1000x128xf32, #tpu.memory_space<vmem>>, vector<1000x128xf32>
    tpu.vector_store %arg8[%swap3A_43, %swap3A_44], %mul3A_42 {strides = array<i32>} : memref<1000x128xf32, #tpu.memory_space<vmem>>, vector<1000x128xf32>,
    return
  }
  func.func @transform_0(%arg0: i32) -> (i32, i32, i32) {
    %c0_i32 = arith.constant 0 : i32
    %c0_i32_0 = arith.constant 0 : i32
    %c0_i32_1 = arith.constant 0 : i32
    return %c0_i32, %arg0, %c0_i32_0 : i32, i32, i32
  }
  func.func @transform_1(%arg0: i32) -> (i32, i32) {
    %c0_i32 = arith.constant 0 : i32
    %c0_i32_0 = arith.constant 0 : i32
    return %arg0, %c0_i32 : i32, i32
  }
  func.func @transform_2(%arg0: i32) -> (i32, i32, i32) {
    %c0_i32 = arith.constant 0 : i32
    %c0_i32_0 = arith.constant 0 : i32
    %c0_i32_1 = arith.constant 0 : i32
    return %c0_i32, %arg0, %c0_i32_0 : i32, i32, i32
  }
  func.func @transform_3(%arg0: i32) -> (i32, i32) {
    %c0_i32 = arith.constant 0 : i32
    %c0_i32_0 = arith.constant 0 : i32
    %c0_i32_1 = arith.constant 0 : i32
    return %c0_i32, %c0_i32_0 : i32, i32
  }
  func.func @transform_4(%arg0: i32) -> (i32, i32) {
    %c0_i32 = arith.constant 0 : i32
    %c0_i32_0 = arith.constant 0 : i32
    %c0_i32_1 = arith.constant 0 : i32
    return %c0_i32, %c0_i32_0 : i32, i32
  }
  func.func @transform_5(%arg0: i32) -> (i32, i32) {
    %c0_i32 = arith.constant 0 : i32
    %c0_i32_0 = arith.constant 0 : i32
    return %arg0, %c0_i32 : i32, i32
  }
  func.func @transform_6(%arg0: i32) -> (i32, i32) {
    %c0_i32 = arith.constant 0 : i32
    %c0_i32_0 = arith.constant 0 : i32
    return %arg0, %c0_i32 : i32, i32
  }
  func.func @transform_7(%arg0: i32) -> (i32, i32) {
    %c0_i32 = arith.constant 0 : i32
    %c0_i32_0 = arith.constant 0 : i32
    return %arg0, %c0_i32 : i32, i32
  }
}

module attributes {stable_mosaic.version = 14 : i64} {
  func.func @body(%arg0: i32, %arg1: memref<2x1000x128xf32, #tpu.memory_space<vmem>>, %arg2: memref<1000x128xf32, #tpu.memory_space<vmem>>, %arg3: memref<2x1000x128xf32, #tpu.memory_space<vmem>>, %arg4: memref<1x128xf32, #tpu.memory_space<vmem>>, %arg5: memref<1000x128xf32, #tpu.memory_space<vmem>>) attributes {dimension_semantics = [#tpu.dimension_semantics<arbitrary>], iteration_bounds = array<i64: 10>, scalar_prefetch = 0 : i64, scratch_operands = 0 : i64, tpu.core_type = #tpu.core_type<tc>, window_params = [{transform_indices = @transform_0, window_bounds = array<i64: 2, 1000, 128>}, {transform_indices = @transform_1, window_bounds = array<i64: 1000, 128>}, {transform_indices = @transform_2, window_bounds = array<i64: 2, 1000, 128>}, {pipeline_mode = #tpu.pipeline_mode<synchronous>, transform_indices = @transform_3, window_bounds = array<i64: 1, 128>}, {transform_indices = @transform_4, window_bounds = array<i64: 1000, 128>}]} {
    %get3A = arith.constant 0 : index
    %get3A_0 = arith.constant 0 : index
    %get3A_1 = arith.constant 0 : index
    %get3A_2 = vector.load %arg3[%get3A, %get3A_0, %get3A_1] : memref<2x1000x128xf32, #tpu.memory_space<vmem>>, vector<2x1000x128xf32>
    %slice3A = vector.extract_strided_slice %get3A_2 {offsets = [0, 0, 0], sizes = [1, 1000, 1], strides = [1, 1, 1]} : vector<2x1000x128xf32> to vector<1x1000x1xf32>
    %squeeze3A = vector.shape_cast %slice3A : vector<1x1000x1xf32> to vector<1000x1xf32>
    %add3A = arith.constant 1.000000e+00 : f32
    %add3A_3 = vector.broadcast %add3A : f32 to vector<1000x1xf32>
    %add3A_4 = arith.addf %add3A_3, %squeeze3A : vector<1000x1xf32>
    %slice3A_5 = vector.extract_strided_slice %get3A_2 {offsets = [1, 0, 0], sizes = [1, 1000, 1], strides = [1, 1, 1]} : vector<2x1000x128xf32> to vector<1x1000x1xf32>
    %squeeze3A_6 = vector.shape_cast %slice3A_5 : vector<1x1000x1xf32> to vector<1000x1xf32>
    %add3A_7 = arith.addf %add3A_4, %squeeze3A_6 : vector<1000x1xf32>
    %rsqrt3A = math.rsqrt %add3A_7 : vector<1000x1xf32>
    %get3A_8 = arith.constant 0 : index
    %get3A_9 = arith.constant 0 : index
    %get3A_10 = arith.constant 0 : index
    %get3A_11 = vector.load %arg1[%get3A_8, %get3A_9, %get3A_10] : memref<2x1000x128xf32, #tpu.memory_space<vmem>>, vector<1x1000x128xf32>
    %get3A_12 = vector.shape_cast %get3A_11 : vector<1x1000x128xf32> to vector<1000x128xf32>
    %get3A_13 = arith.constant 1 : index
    %get3A_14 = arith.constant 0 : index
    %get3A_15 = arith.constant 0 : index
    %get3A_16 = vector.load %arg1[%get3A_13, %get3A_14, %get3A_15] : memref<2x1000x128xf32, #tpu.memory_space<vmem>>, vector<1x1000x128xf32>
    %get3A_17 = vector.shape_cast %get3A_16 : vector<1x1000x128xf32> to vector<1000x128xf32>
    %add3A_18 = arith.addf %get3A_12, %get3A_17 : vector<1000x128xf32>
    %mul3A = vector.broadcast %rsqrt3A : vector<1000x1xf32> to vector<1000x128xf32>
    %mul3A_19 = arith.mulf %mul3A, %add3A_18 : vector<1000x128xf32>
    %get3A_20 = arith.constant 0 : index
    %get3A_21 = arith.constant 0 : index
    %get3A_22 = vector.load %arg2[%get3A_20, %get3A_21] : memref<1000x128xf32, #tpu.memory_space<vmem>>, vector<1000x128xf32>
    %div3A = vector.broadcast %add3A_7 : vector<1000x1xf32> to vector<1000x128xf32>
    %div3A_23 = arith.divf %get3A_22, %div3A : vector<1000x128xf32>
    %add3A_24 = arith.addf %mul3A_19, %div3A_23 : vector<1000x128xf32>
    %get3A_25 = arith.constant 0 : index
    %get3A_26 = arith.constant 0 : index
    %get3A_27 = vector.load %arg4[%get3A_25, %get3A_26] : memref<1x128xf32, #tpu.memory_space<vmem>>, vector<1x128xf32>
    %add3A_28 = vector.broadcast %get3A_27 : vector<1x128xf32> to vector<1000x128xf32>
    %add3A_29 = arith.addf %add3A_24, %add3A_28 : vector<1000x128xf32>
    %logistic3A = arith.negf %add3A_29 : vector<1000x128xf32>
    %logistic3A_30 = math.exp %logistic3A : vector<1000x128xf32>
    %logistic3A_31 = arith.constant 1.000000e+00 : f32
    %logistic3A_32 = vector.broadcast %logistic3A_31 : f32 to vector<1000x128xf32>
    %logistic3A_33 = arith.addf %logistic3A_32, %logistic3A_30 : vector<1000x128xf32>
    %logistic3A_34 = arith.divf %logistic3A_32, %logistic3A_33 : vector<1000x128xf32>
    %swap3A = arith.constant 0 : index
    %swap3A_35 = arith.constant 0 : index
    %swap3A_36 = vector.load %arg5[%swap3A, %swap3A_35] : memref<1000x128xf32, #tpu.memory_space<vmem>>, vector<1000x128xf32>
    tpu.vector_store %arg5[%swap3A, %swap3A_35], %logistic3A_34 {strides = array<i32>} : memref<1000x128xf32, #tpu.memory_space<vmem>>, vector<1000x128xf32>,
    return
  }
  func.func @transform_0(%arg0: i32) -> (i32, i32, i32) {
    %c0_i32 = arith.constant 0 : i32
    %c0_i32_0 = arith.constant 0 : i32
    %c0_i32_1 = arith.constant 0 : i32
    return %c0_i32, %arg0, %c0_i32_0 : i32, i32, i32
  }
  func.func @transform_1(%arg0: i32) -> (i32, i32) {
    %c0_i32 = arith.constant 0 : i32
    %c0_i32_0 = arith.constant 0 : i32
    return %arg0, %c0_i32 : i32, i32
  }
  func.func @transform_2(%arg0: i32) -> (i32, i32, i32) {
    %c0_i32 = arith.constant 0 : i32
    %c0_i32_0 = arith.constant 0 : i32
    %c0_i32_1 = arith.constant 0 : i32
    return %c0_i32, %arg0, %c0_i32_0 : i32, i32, i32
  }
  func.func @transform_3(%arg0: i32) -> (i32, i32) {
    %c0_i32 = arith.constant 0 : i32
    %c0_i32_0 = arith.constant 0 : i32
    %c0_i32_1 = arith.constant 0 : i32
    return %c0_i32, %c0_i32_0 : i32, i32
  }
  func.func @transform_4(%arg0: i32) -> (i32, i32) {
    %c0_i32 = arith.constant 0 : i32
    %c0_i32_0 = arith.constant 0 : i32
    return %arg0, %c0_i32 : i32, i32
  }
}

module attributes {stable_mosaic.version = 14 : i64} {
  func.func @body(%arg0: i32, %arg1: memref<2x1000x128xf32, #tpu.memory_space<vmem>>, %arg2: memref<1000x128xf32, #tpu.memory_space<vmem>>, %arg3: memref<2x1000x128xf32, #tpu.memory_space<vmem>>, %arg4: memref<1x128xf32, #tpu.memory_space<vmem>>, %arg5: memref<1000x128xf32, #tpu.memory_space<vmem>>, %arg6: memref<128x128xf32, #tpu.memory_space<vmem>>, %arg7: memref<1000x128xf32, #tpu.memory_space<vmem>>, %arg8: memref<1000x128xf32, #tpu.memory_space<vmem>>, %arg9: memref<1000x128xf32, #tpu.memory_space<vmem>>) attributes {dimension_semantics = [#tpu.dimension_semantics<arbitrary>], iteration_bounds = array<i64: 10>, scalar_prefetch = 0 : i64, scratch_operands = 0 : i64, tpu.core_type = #tpu.core_type<tc>, window_params = [{transform_indices = @transform_0, window_bounds = array<i64: 2, 1000, 128>}, {transform_indices = @transform_1, window_bounds = array<i64: 1000, 128>}, {transform_indices = @transform_2, window_bounds = array<i64: 2, 1000, 128>}, {pipeline_mode = #tpu.pipeline_mode<synchronous>, transform_indices = @transform_3, window_bounds = array<i64: 1, 128>}, {transform_indices = @transform_4, window_bounds = array<i64: 1000, 128>}, {pipeline_mode = #tpu.pipeline_mode<synchronous>, transform_indices = @transform_5, window_bounds = array<i64: 128, 128>}, {transform_indices = @transform_6, window_bounds = array<i64: 1000, 128>}, {transform_indices = @transform_7, window_bounds = array<i64: 1000, 128>}, {transform_indices = @transform_8, window_bounds = array<i64: 1000, 128>}]} {
    %get3A = arith.constant 0 : index
    %get3A_0 = arith.constant 0 : index
    %get3A_1 = arith.constant 0 : index
    %get3A_2 = vector.load %arg3[%get3A, %get3A_0, %get3A_1] : memref<2x1000x128xf32, #tpu.memory_space<vmem>>, vector<2x1000x128xf32>
    %slice3A = vector.extract_strided_slice %get3A_2 {offsets = [0, 0, 0], sizes = [1, 1000, 1], strides = [1, 1, 1]} : vector<2x1000x128xf32> to vector<1x1000x1xf32>
    %squeeze3A = vector.shape_cast %slice3A : vector<1x1000x1xf32> to vector<1000x1xf32>
    %add3A = arith.constant 1.000000e+00 : f32
    %add3A_3 = vector.broadcast %add3A : f32 to vector<1000x1xf32>
    %add3A_4 = arith.addf %add3A_3, %squeeze3A : vector<1000x1xf32>
    %slice3A_5 = vector.extract_strided_slice %get3A_2 {offsets = [1, 0, 0], sizes = [1, 1000, 1], strides = [1, 1, 1]} : vector<2x1000x128xf32> to vector<1x1000x1xf32>
    %squeeze3A_6 = vector.shape_cast %slice3A_5 : vector<1x1000x1xf32> to vector<1000x1xf32>
    %add3A_7 = arith.addf %add3A_4, %squeeze3A_6 : vector<1000x1xf32>
    %rsqrt3A = math.rsqrt %add3A_7 : vector<1000x1xf32>
    %get3A_8 = arith.constant 0 : index
    %get3A_9 = arith.constant 0 : index
    %get3A_10 = arith.constant 0 : index
    %get3A_11 = vector.load %arg1[%get3A_8, %get3A_9, %get3A_10] : memref<2x1000x128xf32, #tpu.memory_space<vmem>>, vector<1x1000x128xf32>
    %get3A_12 = vector.shape_cast %get3A_11 : vector<1x1000x128xf32> to vector<1000x128xf32>
    %get3A_13 = arith.constant 1 : index
    %get3A_14 = arith.constant 0 : index
    %get3A_15 = arith.constant 0 : index
    %get3A_16 = vector.load %arg1[%get3A_13, %get3A_14, %get3A_15] : memref<2x1000x128xf32, #tpu.memory_space<vmem>>, vector<1x1000x128xf32>
    %get3A_17 = vector.shape_cast %get3A_16 : vector<1x1000x128xf32> to vector<1000x128xf32>
    %add3A_18 = arith.addf %get3A_12, %get3A_17 : vector<1000x128xf32>
    %mul3A = vector.broadcast %rsqrt3A : vector<1000x1xf32> to vector<1000x128xf32>
    %mul3A_19 = arith.mulf %mul3A, %add3A_18 : vector<1000x128xf32>
    %get3A_20 = arith.constant 0 : index
    %get3A_21 = arith.constant 0 : index
    %get3A_22 = vector.load %arg2[%get3A_20, %get3A_21] : memref<1000x128xf32, #tpu.memory_space<vmem>>, vector<1000x128xf32>
    %div3A = vector.broadcast %add3A_7 : vector<1000x1xf32> to vector<1000x128xf32>
    %div3A_23 = arith.divf %get3A_22, %div3A : vector<1000x128xf32>
    %add3A_24 = arith.addf %mul3A_19, %div3A_23 : vector<1000x128xf32>
    %get3A_25 = arith.constant 0 : index
    %get3A_26 = arith.constant 0 : index
    %get3A_27 = vector.load %arg4[%get3A_25, %get3A_26] : memref<1x128xf32, #tpu.memory_space<vmem>>, vector<1x128xf32>
    %add3A_28 = vector.broadcast %get3A_27 : vector<1x128xf32> to vector<1000x128xf32>
    %add3A_29 = arith.addf %add3A_24, %add3A_28 : vector<1000x128xf32>
    %get3A_30 = arith.constant 0 : index
    %get3A_31 = arith.constant 0 : index
    %get3A_32 = vector.load %arg5[%get3A_30, %get3A_31] : memref<1000x128xf32, #tpu.memory_space<vmem>>, vector<1000x128xf32>
    %add3A_33 = arith.addf %add3A_29, %get3A_32 : vector<1000x128xf32>
    %max3A = arith.constant 0.000000e+00 : f32
    %max3A_34 = vector.broadcast %max3A : f32 to vector<1000x128xf32>
    %max3A_35 = arith.maximumf %add3A_33, %max3A_34 : vector<1000x128xf32>
    %get3A_36 = arith.constant 0 : index
    %get3A_37 = arith.constant 0 : index
    %get3A_38 = vector.load %arg6[%get3A_36, %get3A_37] : memref<128x128xf32, #tpu.memory_space<vmem>>, vector<128x128xf32>
    %dot_general3A = arith.constant dense<0.000000e+00> : vector<1000x128xf32>
    %dot_general3A_39 = tpu.matmul %max3A_35, %get3A_38, %dot_general3A {dimension_numbers = #tpu.dot_dimension_numbers<[1], [0], [0], [1], [0, 0, 1, 1], [], []>, transpose_lhs_hint = false} : vector<1000x128xf32>, vector<128x128xf32>, vector<1000x128xf32> -> vector<1000x128xf32>
    %swap3A = arith.constant 0 : index
    %swap3A_40 = arith.constant 0 : index
    %swap3A_41 = vector.load %arg7[%swap3A, %swap3A_40] : memref<1000x128xf32, #tpu.memory_space<vmem>>, vector<1000x128xf32>
    tpu.vector_store %arg7[%swap3A, %swap3A_40], %max3A_35 {strides = array<i32>} : memref<1000x128xf32, #tpu.memory_space<vmem>>, vector<1000x128xf32>,
    %swap3A_42 = arith.constant 0 : index
    %swap3A_43 = arith.constant 0 : index
    %swap3A_44 = vector.load %arg8[%swap3A_42, %swap3A_43] : memref<1000x128xf32, #tpu.memory_space<vmem>>, vector<1000x128xf32>
    tpu.vector_store %arg8[%swap3A_42, %swap3A_43], %dot_general3A_39 {strides = array<i32>} : memref<1000x128xf32, #tpu.memory_space<vmem>>, vector<1000x128xf32>,
    %mul3A_45 = vector.broadcast %rsqrt3A : vector<1000x1xf32> to vector<1000x128xf32>
    %mul3A_46 = arith.mulf %dot_general3A_39, %mul3A_45 : vector<1000x128xf32>
    %swap3A_47 = arith.constant 0 : index
    %swap3A_48 = arith.constant 0 : index
    %swap3A_49 = vector.load %arg9[%swap3A_47, %swap3A_48] : memref<1000x128xf32, #tpu.memory_space<vmem>>, vector<1000x128xf32>
    tpu.vector_store %arg9[%swap3A_47, %swap3A_48], %mul3A_46 {strides = array<i32>} : memref<1000x128xf32, #tpu.memory_space<vmem>>, vector<1000x128xf32>,
    return
  }
  func.func @transform_0(%arg0: i32) -> (i32, i32, i32) {
    %c0_i32 = arith.constant 0 : i32
    %c0_i32_0 = arith.constant 0 : i32
    %c0_i32_1 = arith.constant 0 : i32
    return %c0_i32, %arg0, %c0_i32_0 : i32, i32, i32
  }
  func.func @transform_1(%arg0: i32) -> (i32, i32) {
    %c0_i32 = arith.constant 0 : i32
    %c0_i32_0 = arith.constant 0 : i32
    return %arg0, %c0_i32 : i32, i32
  }
  func.func @transform_2(%arg0: i32) -> (i32, i32, i32) {
    %c0_i32 = arith.constant 0 : i32
    %c0_i32_0 = arith.constant 0 : i32
    %c0_i32_1 = arith.constant 0 : i32
    return %c0_i32, %arg0, %c0_i32_0 : i32, i32, i32
  }
  func.func @transform_3(%arg0: i32) -> (i32, i32) {
    %c0_i32 = arith.constant 0 : i32
    %c0_i32_0 = arith.constant 0 : i32
    %c0_i32_1 = arith.constant 0 : i32
    return %c0_i32, %c0_i32_0 : i32, i32
  }
  func.func @transform_4(%arg0: i32) -> (i32, i32) {
    %c0_i32 = arith.constant 0 : i32
    %c0_i32_0 = arith.constant 0 : i32
    return %arg0, %c0_i32 : i32, i32
  }
  func.func @transform_5(%arg0: i32) -> (i32, i32) {
    %c0_i32 = arith.constant 0 : i32
    %c0_i32_0 = arith.constant 0 : i32
    %c0_i32_1 = arith.constant 0 : i32
    return %c0_i32, %c0_i32_0 : i32, i32
  }
  func.func @transform_6(%arg0: i32) -> (i32, i32) {
    %c0_i32 = arith.constant 0 : i32
    %c0_i32_0 = arith.constant 0 : i32
    return %arg0, %c0_i32 : i32, i32
  }
  func.func @transform_7(%arg0: i32) -> (i32, i32) {
    %c0_i32 = arith.constant 0 : i32
    %c0_i32_0 = arith.constant 0 : i32
    return %arg0, %c0_i32 : i32, i32
  }
  func.func @transform_8(%arg0: i32) -> (i32, i32) {
    %c0_i32 = arith.constant 0 : i32
    %c0_i32_0 = arith.constant 0 : i32
    return %arg0, %c0_i32 : i32, i32
  }
}

</mosaic_0001>

<sc_bundles>
// kernel: kernel.11.cloned.1.call-start
scs
__scs_entry_jumppad:
0x0: {  	(pc) =	sbr.rel $0x88, $3  }
0x1: {  	(tag) =	ssettag $0x0;
	lr =	simm.s32 $0x1  }
0x2: {  	[smem:$0x3F99] =	sst lr;
	_ =	strace $0xD0000000  }
0x3: {  	_ = 	snop  }
0x4: {  	_ = 	snop  }
0x5: {  	_ = 	snop  }
0x6: {  	_ = 	snop  }
0x7: {  	_ = 	snop  }
__scs_overlays_trampoline_lowered:
0x8: {  	[smem:$0x3FA8] =	sst s0  }
0x9: {  	[smem:$0x3FA9] =	sst s1  }
0xa: {  	[smem:$0x3FAA] =	sst s2  }
0xb: {  	[smem:$0x3FAB] =	sst s3  }
0xc: {  	[smem:$0x3FAC] =	sst s4  }
0xd: {  	[smem:$0x3FAD] =	sst s5  }
0xe: {  	[smem:$0x3FAE] =	sst s6  }
0xf: {  	[smem:$0x3FAF] =	sst s7  }
0x10: {  	[smem:$0x3FB0] =	sst s8  }
0x11: {  	[smem:$0x3FB1] =	sst s9;
	s0 =	simm.s32 @!p0 $0x0  }
0x12: {  	s1 =	sld [smem:$0x3F97];
	s0 =	simm.s32 @p0 $0x1  }
0x13: {  	[smem:$0x3FB2] =	sst s0;
	s0 =	simm.s32 @!p1 $0x0  }
0x14: {  	s2 =	sld [smem:$0x3F96];
	s0 =	simm.s32 @p1 $0x1  }
0x15: {  	[smem:$0x3FB3] =	sst s0;
	s0 =	simm.s32 @!p2 $0x0  }
0x16: {  	s3 =	sld [smem:$0x3FDB];
	s0 =	simm.s32 @p2 $0x1  }
0x17: {  	s4 =	simm.s32 $0x1BF5;
	[smem:$0x3FB5] =	sst s0  }
0x18: {  	s0 =	sld [smem:$0x3F98];
	_ =	swait.ge [sflag:s4], $0x0  }
0x19: {  	s7 =	sld [smem:$0x3F99]  }
0x1a: {  	s8 =	sadd.s32 $0xFFFFE003, lr  }
0x1b: {  	s9 =	sadd.s32 $0xFFFFFEF7, lr;
	s5 =	simm.s32 $0xFFFFFFFF;
	p2 =	slt.u32 s8, $0xFFFFF086  }
0x1c: {  	p1 =	slt.u32 s9, $0xF7A;
	s5 =	simm.s32 @!p2 $0x0  }
0x1d: {  	s5 =	simm.s32 @p1 $0x1;
	p0 =	seq.s32 s7, s2  }
0x1e: {  	s7 =	smul.u32 @!p0 $0xF7A, s2;
	p2 =	seq.s32 @!p0 s5, $0x0  }
0x1f: {  	s9 =	smul.u32 $0xF7A, s1;
	s8 =	simm.s32 @!p0 $0x1BF5;
	p2 =	por !p2, p0  }
0x20: {  	[sflag:s8] =	ssyncset.s32 @!p0 $0xFFFFF086;
	s6 =	sadd.s32 @!p0 s3, s7;
	s7 =	simm.s32 @!p0 $0x108  }
0x21: {  	s3 =	sadd.s32 s3, s9;
	s6 =	sadd.s32 @!p0 $0x88, s6;
	s7 =	simm.s32 @p2 $0x1082  }
0x22: {  	[simem:s7], [sflag:s8] =	dma.local @!p0 [hbm:s6], $0xF7A  }
0x23: {  	s9 =	sor.u32 $0xD0000000, s2;
	s6 =	simm.s32 $0x108;
	_ =	swait.ge @!p0 [sflag:s8], $0x0  }
0x24: {  	s3 =	sadd.s32 $0x88, s3;
	s6 =	simm.s32 @!p1 $0x1082;
	[sflag:s4] =	ssyncset.s32 $0xFFFFF086  }
0x25: {  	[simem:s6], [sflag:s4] =	dma.local [hbm:s3], $0xF7A  }
0x26: {  	[smem:$0x3F99] =	sst s1;
	(tag) =	ssettag s2;
	_ =	strace s9  }
0x27: {  	s1 =	sld [smem:$0x3FA9]  }
0x28: {  	s2 =	sld [smem:$0x3FAA]  }
0x29: {  	s4 =	sld [smem:$0x3FAC]  }
0x2a: {  	p0 =	seq.s32 s5, $0x0;
	s5 =	sld [smem:$0x3FAD]  }
0x2b: {  	s6 =	sld [smem:$0x3FAE]  }
0x2c: {  	s7 =	sld [smem:$0x3FAF]  }
0x2d: {  	s3 =	simm.s32 $0x108;
	s8 =	sld [smem:$0x3FB0]  }
0x2e: {  	s3 =	simm.s32 @!p0 $0x1082;
	s9 =	sld [smem:$0x3FB1]  }
0x2f: {  	lr =	sadd.s32 s0, s3;
	s0 =	sld [smem:$0x3FA8]  }
0x30: {  	s3 =	sld [smem:$0x3FAB]  }
0x31: {  	[smem:$0x3FB4] =	sst s10  }
0x32: {  	s10 =	sld [smem:$0x3FB2];
	_ =	sdelay $0x3  }
0x33: {  	p0 =	seq.s32 s10, $0x1;
	s10 =	sld [smem:$0x3FB4];
	_ =	sdelay $0x3  }
0x34: {  	[smem:$0x3FB4] =	sst s10  }
0x35: {  	s10 =	sld [smem:$0x3FB3];
	_ =	sdelay $0x3  }
0x36: {  	p1 =	seq.s32 s10, $0x1;
	s10 =	sld [smem:$0x3FB4];
	_ =	sdelay $0x3  }
0x37: {  	[smem:$0x3FB4] =	sst s10  }
0x38: {  	s10 =	sld [smem:$0x3FB5]  }
0x39: {  	_ = 	snop;
	(pc) =	sbr.ind lr, $3  }
0x3a: {  	_ = 	snop  }
0x3b: {  	_ = 	snop  }
0x3c: {  	p2 =	seq.s32 s10, $0x1;
	s10 =	sld [smem:$0x3FB4]  }
0x3d: {  	_ =	shalt  }
0x3e: {  	_ =	shalt  }
0x3f: {  	_ =	shalt  }
0x40: {  	_ =	shalt  }
0x41: {  	_ =	shalt  }
0x42: {  	_ =	shalt  }
0x43: {  	_ =	shalt  }
0x44: {  	_ =	shalt  }
0x45: {  	_ =	shalt  }
0x46: {  	_ =	shalt  }
0x47: {  	_ =	shalt  }
0x48: {  	_ =	shalt  }
0x49: {  	_ =	shalt  }
0x4a: {  	_ =	shalt  }
0x4b: {  	_ =	shalt  }
0x4c: {  	_ =	shalt  }
0x4d: {  	_ =	shalt  }
0x4e: {  	_ =	shalt  }
0x4f: {  	_ =	shalt  }
0x50: {  	_ =	shalt  }
0x51: {  	_ =	shalt  }
0x52: {  	_ =	shalt  }
0x53: {  	_ =	shalt  }
0x54: {  	_ =	shalt  }
0x55: {  	_ =	shalt  }
0x56: {  	_ =	shalt  }
0x57: {  	_ =	shalt  }
0x58: {  	_ =	shalt  }
0x59: {  	_ =	shalt  }
0x5a: {  	_ =	shalt  }
0x5b: {  	_ =	shalt  }
0x5c: {  	_ =	shalt  }
0x5d: {  	_ =	shalt  }
0x5e: {  	_ =	shalt  }
0x5f: {  	_ =	shalt  }
0x60: {  	_ =	shalt  }
0x61: {  	_ =	shalt  }
0x62: {  	_ =	shalt  }
0x63: {  	_ =	shalt  }
0x64: {  	_ =	shalt  }
0x65: {  	_ =	shalt  }
0x66: {  	_ =	shalt  }
0x67: {  	_ =	shalt  }
0x68: {  	_ =	shalt  }
0x69: {  	_ =	shalt  }
0x6a: {  	_ =	shalt  }
0x6b: {  	_ =	shalt  }
0x6c: {  	_ =	shalt  }
0x6d: {  	_ =	shalt  }
0x6e: {  	_ =	shalt  }
0x6f: {  	_ =	shalt  }
0x70: {  	_ =	shalt  }
0x71: {  	_ =	shalt  }
0x72: {  	_ =	shalt  }
0x73: {  	_ =	shalt  }
0x74: {  	_ =	shalt  }
0x75: {  	_ =	shalt  }
0x76: {  	_ =	shalt  }
0x77: {  	_ =	shalt  }
0x78: {  	_ =	shalt  }
0x79: {  	_ =	shalt  }
0x7a: {  	_ =	shalt  }
0x7b: {  	_ =	shalt  }
0x7c: {  	_ =	shalt  }
0x7d: {  	_ =	shalt  }
0x7e: {  	_ =	shalt  }
0x7f: {  	_ =	shalt  }
0x80: {  	_ =	shalt  }
0x81: {  	_ =	shalt  }
0x82: {  	_ =	shalt  }
0x83: {  	_ =	shalt  }
0x84: {  	_ =	shalt  }
0x85: {  	_ =	shalt  }
0x86: {  	_ =	shalt  }
0x87: {  	_ =	shalt  }
.Lfunc_end0:
.L_simem_size_0:
called_computation_lowered:
.L_overlay_start_0:
0x88: {  	s2 =	sld [smem:$0x3FD9]  }
0x89: {  	s3 =	sld [smem:$0x3FFE];
	_ =	sdelay $0x1  }
0x8a: {  	s1 =	srdreg.scid  }
0x8b: {  	s0 =	sand.u32 $0x1, s1  }
0x8c: {  	s17 =	sshll.u32 s0, $0xA;
	s2 =	sadd.s32 s3, s2  }
0x8d: {  	s2 =	sadd.s32 s2, s17  }
0x8e: {  	[smem:$0x3FC0] =	sst s2  }
0x8f: {  	_ = 	snop  }
0x90: {  	s2 =	sld [smem:$0x3FD0];
	(tm) =	ssettm $0x1  }
0x91: {  	s18 =	sld [smem:$0x3FFB];
	_ =	sdelay $0x3  }
0x92: {  	_ =	strace s18  }
0x93: {  	s3 =	sld [smem:$0x3FFC];
	_ =	sdelay $0x3  }
0x94: {  	_ =	strace s3  }
0x95: {  	s3 =	sld [smem:$0x3FFD];
	_ =	sdelay $0x3  }
0x96: {  	_ =	strace s3  }
0x97: {  	_ =	strace $0x8FFFFFFF  }
0x98: {  	s19 =	sld [smem:$0x3FDB];
	_ =	sdelay $0x1  }
0x99: {  	s4 =	simm.s32 $_scs_section_size  }
0x9a: {  	s5 =	simm.s32 $_size__tile_overlayer_lowered;
	s6 =	simm.s32 $_tile_overlayer_lowered  }
0x9b: {  	s22 =	simm.s32 $0x1BFF;
	s21 =	sshll.u32 s6, $0x1;
	s3 =	sadd.s32 s4, s19  }
0x9c: {  	s7 =	simm.s32 $0x0;
	s20 =	sshll.u32 s5, $0x1;
	s5 =	sadd.s32 s21, s3  }
0x9d: {  	[timem:s7], [sflag:s22] =	dma.local [hbm:s5], s20  }
0x9e: {  	_ =	swait.ge [sflag:s22], s20  }
0x9f: {  	s4 =	ssub.s32 $0x0, s20;
	[sflag:s22] =	ssyncset.done $0x0  }
0xa0: {  	[sflag:s22] =	ssyncadd.s32 s4;
	_ =	sdelay $0x1  }
0xa1: {  	s23 =	simm.s32 $0x1B8B  }
0xa2: {  	_ =	swait.ge [sflag:s23], $0x1  }
0xa3: {  	[sflag:s23] =	ssyncset.done $0x0  }
0xa4: {  	s25 =	simm.s32 $0x1B8E;
	s24 =	sld [smem:$0x3FFE];
	[sflag:s23] =	ssyncadd.s32 $0xFFFFFFFF  }
0xa5: {  	s26 =	simm.s32 $execute0_lowered;
	[smem:$0x3FD2] =	sst s25  }
0xa6: {  	s5 =	sshll.u32 s26, $0x1;
	_ =	strace $0x80000046;
	[dreg:$0x1] =	wrdreg $0xFFFFFFFF  }
0xa7: {  	s28 =	simm.s32 $_size_execute0_lowered;
	s3 =	sadd.s32 s3, s5;
	[dreg:$0x0] =	wrdreg $0x0  }
0xa8: {  	s5 =	sshll.u32 s28, $0x1;
	[dreg:$0x2] =	wrdreg s3  }
0xa9: {  	[dreg:$0x3] =	wrdreg s5  }
0xaa: {  	[dreg:$0x4] =	wrdreg $0xC0  }
0xab: {  	_ =	task [dreg:s7], $0x5FFFF  }
0xac: {  	[dreg:$0x1] =	wrdreg $0xFFFFFFFF  }
0xad: {  	[dreg:$0x0] =	wrdreg $0x60  }
0xae: {  	[dreg:$0x2] =	wrdreg s24  }
0xaf: {  	[dreg:$0x3] =	wrdreg s2  }
0xb0: {  	[dreg:$0x4] =	wrdreg $0x68000  }
0xb1: {  	[dreg:$0x5] =	wrdreg $0x9  }
0xb2: {  	_ =	task.clear_ibuf [dreg:s7], $0x6FFFF;
	_ =	strace $0x90000046  }
0xb3: {  	s29 =	simm.s32 $0x9;
	_ =	strace $0x80000048  }
0xb4: {  	_ =	swait.ge [sflag:s29], $0x1  }
0xb5: {  	[sflag:s29] =	ssyncadd.s32 $0xFFFFFFFF  }
0xb6: {  	_ =	strace $0x90000048  }
0xb7: {  	_ =	sfence  }
0xb8: {  	s30 =	sld [smem:$0x0];
	_ =	sdelay $0x2  }
0xb9: {  	s31 =	sshll.u32 s1, $0xD;
	s1 =	sshrl.u32 s1, $0x2  }
0xba: {  	s3 =	sand.u32 $0x4000, s31;
	s1 =	sadd.s32 s1, s30  }
0xbb: {  	s0 =	sor.u32 s3, s0;
	s1 =	sshll.u32 s1, $0x11  }
0xbc: {  	s0 =	sor.u32 s1, s0  }
0xbd: {  	s0 =	sadd.s32 $0x8F2B, s0  }
0xbe: {  	[sflag:s0] =	ssyncadd.remote.s32 $0x1  }
0xbf: {  	_ =	sfence.sel $0xFFFF  }
0xc0: {  	[dreg:$0x0] =	wrdreg $0xFFFFFFFF;
	(pc) =	sbr.abs _section_cstart, $3  }
0xc1: {  	[dreg:$0x1] =	wrdreg $0xFFFFFFFF  }
0xc2: {  	_ =	task.clear_ibuf [dreg:s7], $0x2FFFF;
	_ =	strace $0x9FFFFFFF  }
0xc3: {  	(tm) =	ssettm $0x7FFFFFFF  }
tec
execute0_lowered:
.L_overlay_start_1:
0x0: {  	(tag) =	ssettag $0x1  }
0x1: {  	s4 =	rddreg [dreg:$0x0]  }
0x2: {  	s0 =	srdreg.scid;
	s6 =	rddreg [dreg:$0x1]  }
0x3: {  	s10 =	stileid.u32;
	s1 =	rddreg [dreg:$0x2]  }
0x4: {  	s2 =	simm.s32 $0x0;
	s16 =	simm.s32 $0x1;
	s17 =	simm.s32 $0x2  }
0x5: {  	s18 =	simm.s32 $0x0;
	s5 =	sand.u32 $0x1, s0;
	s9 =	smul.u32 $0x4E000, s10  }
0x6: {  	[smem:$0x7FF] =	sst s2;
	s11 =	sadd.s32 $0xD400, s4;
	s12 =	smul.u32 $0x13800, s10  }
0x7: {  	s15 =	sadd.s32 $0x138000, s1;
	p0 =	sne.s32 s10, $0x0;
	s31 =	sshll.u32 s10, $0x6  }
0x8: {  	s0 =	sshll.u32 s5, $0x4;
	s8 =	ssub.s32 $0x2, s5;
	s26 =	smul.u32 $0x138800, s5  }
0x9: {  	s3 =	sor.u32 s10, s0;
	s0 =	rddreg [dreg:$0x3];
	_ =	strace $0x80000047  }
0xa: {  	s24 =	sshrl.u32 s8, $0x1;
	s25 =	sshrl.u32 s9, $0x2;
	s28 =	sshrl.u32 s12, $0x3  }
0xb: {  	s10 =	simm.s32 $0x2800;
	s3 =	smul.u32 $0x500, s3;
	s13 =	ssub.s32 s8, s24  }
0xc: {  	s14 =	sadd.s32 s25, s1;
	s5 =	sadd.s32 s6, s28;
	s29 =	sadd.s32 s12, s26  }
0xd: {  	s30 =	sshrl.u32 s26, $0x3;
	s6 =	sadd.s32 $0x27000, s6;
	s12 =	sor.u32 $0x1C03, s31  }
0xe: {  	s8 =	sadd.s32 s11, s30;
	s9 =	smax.u32 s13, $0x1;
	s13 =	sshrl.u32 s14, $0x3  }
0xf: {  	s14 =	sshrl.u32 @!p0 s15, $0x3;
	s15 =	simm.s32 $0x80;
	s7 =	sadd.s32 s3, s4  }
0x10: {  	s3 =	sadd.s32 $0xCC00, s4;
	s4 =	sadd.s32 $0x2C00, s7;
	s7 =	sshrl.u32 s29, $0x3  }
0x11: {  	s8 =	sadd.s32 $0x27000, s8;
	s7 =	sadd.s32 s11, s7;
	s11 =	simm.s32 $0x3  }
.LBB2_1:
0x12: {  	[tilespmem:s10], [sflag:$0x3] =	stream.linear.gather [hbm4b:s3+s2], $0x4000, $0x38;
	[tilespmem:$0x1A100] =	vst v63  }
0x13: {  	_ =	swait.ge [sflag:s11], $0x4000  }
0x14: {  	[sflag:s11] =	ssyncset.done $0x0  }
0x15: {  	[sflag:s11] =	ssyncadd.s32 $0xFFFFC000  }
0x16: {  	[tilespmem:s2], [sflag:$0x3] =	stream.linear.gather [hbm4b:s4+s2], $0x2800, $0x38;
	[tilespmem:$0x1A100] =	vst v63  }
0x17: {  	_ =	swait.ge [sflag:s11], $0x2800  }
0x18: {  	[sflag:s11] =	ssyncset.done $0x0  }
0x19: {  	[sflag:s11] =	ssyncadd.s32 $0xFFFFD800  }
0x1a: {  	[spmem:s13], [sflag:s12] =	dma.local [hbm:s5], $0x2700  }
0x1b: {  	_ =	swait.ge [sflag:s11], $0x2700  }
0x1c: {  	[sflag:s11] =	ssyncset.done $0x0  }
0x1d: {  	s19 =	simm.s32 @!p0 $0x3;
	[sflag:s11] =	ssyncadd.s32 $0xFFFFD900  }
0x1e: {  	[spmem:s14], [sflag:s12] =	dma.local @!p0 [hbm:s6], $0x100  }
0x1f: {  	_ =	swait.ge @!p0 [sflag:s19], $0x100  }
0x20: {  	[sflag:s19] =	ssyncset.done @!p0 $0x0  }
0x21: {  	[sflag:s19] =	ssyncadd.s32 @!p0 $0xFFFFFF00  }
0x22: {  	[bflag:$0x0] =	sbarrier.arrive $0xFFFF  }
0x23: {  	[spmem:s1] =	stream.indirect.scatter.add.f32 [tilespmem:s10], [sflag:$0x1], $0x80, s2, s15, $0xb8;
	[tilespmem:$0x1A100] =	vst v63  }
0x24: {  	_ = 	snop  }
0x25: {  	[spmem:s1] =	stream.indirect.scatter.add.f32 [tilespmem:s10], [sflag:$0x2], $0x80, s15, s15, $0xb8;
	[tilespmem:$0x1A100] =	vst v63  }
0x26: {  	_ =	swait.ge [sflag:s16], $0x4000  }
0x27: {  	[sflag:s16] =	ssyncset.done $0x0  }
0x28: {  	s31 =	simm.s32 $0x100;
	[sflag:s16] =	ssyncadd.s32 $0xFFFFC000  }
0x29: {  	[spmem:s1] =	stream.indirect.scatter.add.f32 [tilespmem:s10], [sflag:$0x1], $0x80, s31, s15, $0xb8;
	[tilespmem:$0x1A100] =	vst v63  }
0x2a: {  	_ =	swait.ge [sflag:s17], $0x4000  }
0x2b: {  	[sflag:s17] =	ssyncset.done $0x0  }
0x2c: {  	s20 =	simm.s32 $0x180;
	s19 =	simm.s32 $0xFFFF6800;
	[sflag:s17] =	ssyncadd.s32 $0xFFFFC000  }
.LBB2_2:
0x2d: {  	[spmem:s1] =	stream.indirect.scatter.add.f32 [tilespmem:s10], [sflag:$0x2], $0x80, s20, s15, $0xb8;
	[tilespmem:$0x1A100] =	vst v63  }
0x2e: {  	s20 =	smov.u32 s19  }
0x2f: {  	p1 =	sne.s32 s19, $0xFFFFFC00;
	s19 =	sadd.s32 $0x400, s19;
	_ =	swait.ge [sflag:s16], $0x4000  }
0x30: {  	s20 =	sshra.s32 s20, $0x2;
	[sflag:s16] =	ssyncset.done $0x0  }
.Ltmp0:
0x31: {  	s21 =	sadd.s32 $0x2800, s20;
	[sflag:s16] =	ssyncadd.s32 $0xFFFFC000;
	(pc) =	sbr.rel @p1 .LBB2_2-.Ltmp0, $4  }
0x32: {  	[spmem:s1] =	stream.indirect.scatter.add.f32 [tilespmem:s10], [sflag:$0x1], $0x80, s21, s15, $0xb8;
	[tilespmem:$0x1A100] =	vst v63  }
0x33: {  	_ =	swait.ge [sflag:s17], $0x4000  }
0x34: {  	[sflag:s17] =	ssyncset.done $0x0  }
0x35: {  	s20 =	sadd.s32 $0x2880, s20;
	[sflag:s17] =	ssyncadd.s32 $0xFFFFC000  }
0x36: {  	[spmem:s1] =	stream.indirect.scatter.add.f32 [tilespmem:s10], [sflag:$0x2], $0x80, s20, s15, $0xb8;
	[tilespmem:$0x1A100] =	vst v63  }
0x37: {  	_ =	swait.ge [sflag:s16], $0x4000  }
0x38: {  	[sflag:s16] =	ssyncset.done $0x0  }
0x39: {  	[sflag:s16] =	ssyncadd.s32 $0xFFFFC000  }
0x3a: {  	_ =	swait.ge [sflag:s17], $0x4000  }
0x3b: {  	[sflag:s17] =	ssyncset.done $0x0  }
0x3c: {  	[sflag:s17] =	ssyncadd.s32 $0xFFFFC000  }
0x3d: {  	[bflag:$0x0] =	sbarrier.arrive $0xFFFF  }
0x3e: {  	[hbm:s7], [sflag:s12] =	dma.local [spmem:s13], $0x2700  }
0x3f: {  	s18 =	sadd.s32 $0x1, s18;
	_ =	swait.ge [sflag:s11], $0x2700  }
0x40: {  	p1 =	sne.s32 s18, s9;
	[sflag:s11] =	ssyncset.done $0x0  }
.Ltmp1:
0x41: {  	s19 =	simm.s32 @!p0 $0x3;
	[sflag:s11] =	ssyncadd.s32 $0xFFFFD900;
	(pc) =	sbr.rel @p1 .LBB2_1-.Ltmp1, $4  }
0x42: {  	[hbm:s8], [sflag:s12] =	dma.local @!p0 [spmem:s14], $0x100  }
0x43: {  	_ =	swait.ge @!p0 [sflag:s19], $0x100  }
0x44: {  	[sflag:s19] =	ssyncset.done @!p0 $0x0  }
0x45: {  	[sflag:s19] =	ssyncadd.s32 @!p0 $0xFFFFFF00  }
0x46: {  	_ =	sfence.sel $0x180000  }
0x47: {  	[bflag:$0x0] =	sbarrier.arrive $0xFFFF  }
0x48: {  	_ =	strace $0x90000047  }
0x49: {  	s0 =	sadd.s32 @!p0 $0x100000, s0;
	[bflag:$0x2] =	sbarrier.arrive $0xFFFF  }
0x4a: {  	[sflag:s0] =	ssyncadd.tile.s32 @!p0 $0x1;
	_ =	shalt  }
.Lfunc_end2:
_tile_overlayer_lowered:
.L_overlay_start_2:
0x4b: {  	(tag) =	ssettag $0x2  }
0x4c: {  	s0 =	rddreg [dreg:$0x0];
	s2 =	stileid.u32  }
0x4d: {  	s1 =	rddreg [dreg:$0x1];
	p0 =	sne.s32 s2, $0x0  }
0x4e: {  	s3 =	rddreg [dreg:$0x2];
	[bflag:$0x3] =	sbarrier.arrive $0xFFFF;
	s2 =	simm.s32 @!p0 $0x1C03  }
0x4f: {  	[timem:s3], [sflag:s2] =	dma.local @!p0 [hbm:s0], s1  }
0x50: {  	s0 =	simm.s32 @!p0 $0x3  }
0x51: {  	_ =	swait.ge @!p0 [sflag:s0], s1  }
0x52: {  	s1 =	ssub.s32 @!p0 $0x0, s1;
	[sflag:s0] =	ssyncset.done @!p0 $0x0  }
0x53: {  	[sflag:s0] =	ssyncadd.s32 @!p0 s1  }
0x54: {  	[bflag:$0x3] =	sbarrier.arrive $0xFFFF  }
0x55: {  	_ =	shalt  }

// kernel: kernel.14.cloned.1.call-start
scs
__scs_entry_jumppad:
0x0: {  	(pc) =	sbr.rel $0x88, $3  }
0x1: {  	(tag) =	ssettag $0x0;
	lr =	simm.s32 $0x1  }
0x2: {  	[smem:$0x3F99] =	sst lr;
	_ =	strace $0xD0000000  }
0x3: {  	_ = 	snop  }
0x4: {  	_ = 	snop  }
0x5: {  	_ = 	snop  }
0x6: {  	_ = 	snop  }
0x7: {  	_ = 	snop  }
__scs_overlays_trampoline_lowered:
0x8: {  	[smem:$0x3FA8] =	sst s0  }
0x9: {  	[smem:$0x3FA9] =	sst s1  }
0xa: {  	[smem:$0x3FAA] =	sst s2  }
0xb: {  	[smem:$0x3FAB] =	sst s3  }
0xc: {  	[smem:$0x3FAC] =	sst s4  }
0xd: {  	[smem:$0x3FAD] =	sst s5  }
0xe: {  	[smem:$0x3FAE] =	sst s6  }
0xf: {  	[smem:$0x3FAF] =	sst s7  }
0x10: {  	[smem:$0x3FB0] =	sst s8  }
0x11: {  	[smem:$0x3FB1] =	sst s9;
	s0 =	simm.s32 @!p0 $0x0  }
0x12: {  	s1 =	sld [smem:$0x3F97];
	s0 =	simm.s32 @p0 $0x1  }
0x13: {  	[smem:$0x3FB2] =	sst s0;
	s0 =	simm.s32 @!p1 $0x0  }
0x14: {  	s2 =	sld [smem:$0x3F96];
	s0 =	simm.s32 @p1 $0x1  }
0x15: {  	[smem:$0x3FB3] =	sst s0;
	s0 =	simm.s32 @!p2 $0x0  }
0x16: {  	s3 =	sld [smem:$0x3FDB];
	s0 =	simm.s32 @p2 $0x1  }
0x17: {  	s4 =	simm.s32 $0x1BF5;
	[smem:$0x3FB5] =	sst s0  }
0x18: {  	s0 =	sld [smem:$0x3F98];
	_ =	swait.ge [sflag:s4], $0x0  }
0x19: {  	s7 =	sld [smem:$0x3F99]  }
0x1a: {  	s8 =	sadd.s32 $0xFFFFE003, lr  }
0x1b: {  	s9 =	sadd.s32 $0xFFFFFEF7, lr;
	s5 =	simm.s32 $0xFFFFFFFF;
	p2 =	slt.u32 s8, $0xFFFFF086  }
0x1c: {  	p1 =	slt.u32 s9, $0xF7A;
	s5 =	simm.s32 @!p2 $0x0  }
0x1d: {  	s5 =	simm.s32 @p1 $0x1;
	p0 =	seq.s32 s7, s2  }
0x1e: {  	s7 =	smul.u32 @!p0 $0xF7A, s2;
	p2 =	seq.s32 @!p0 s5, $0x0  }
0x1f: {  	s9 =	smul.u32 $0xF7A, s1;
	s8 =	simm.s32 @!p0 $0x1BF5;
	p2 =	por !p2, p0  }
0x20: {  	[sflag:s8] =	ssyncset.s32 @!p0 $0xFFFFF086;
	s6 =	sadd.s32 @!p0 s3, s7;
	s7 =	simm.s32 @!p0 $0x108  }
0x21: {  	s3 =	sadd.s32 s3, s9;
	s6 =	sadd.s32 @!p0 $0x88, s6;
	s7 =	simm.s32 @p2 $0x1082  }
0x22: {  	[simem:s7], [sflag:s8] =	dma.local @!p0 [hbm:s6], $0xF7A  }
0x23: {  	s9 =	sor.u32 $0xD0000000, s2;
	s6 =	simm.s32 $0x108;
	_ =	swait.ge @!p0 [sflag:s8], $0x0  }
0x24: {  	s3 =	sadd.s32 $0x88, s3;
	s6 =	simm.s32 @!p1 $0x1082;
	[sflag:s4] =	ssyncset.s32 $0xFFFFF086  }
0x25: {  	[simem:s6], [sflag:s4] =	dma.local [hbm:s3], $0xF7A  }
0x26: {  	[smem:$0x3F99] =	sst s1;
	(tag) =	ssettag s2;
	_ =	strace s9  }
0x27: {  	s1 =	sld [smem:$0x3FA9]  }
0x28: {  	s2 =	sld [smem:$0x3FAA]  }
0x29: {  	s4 =	sld [smem:$0x3FAC]  }
0x2a: {  	p0 =	seq.s32 s5, $0x0;
	s5 =	sld [smem:$0x3FAD]  }
0x2b: {  	s6 =	sld [smem:$0x3FAE]  }
0x2c: {  	s7 =	sld [smem:$0x3FAF]  }
0x2d: {  	s3 =	simm.s32 $0x108;
	s8 =	sld [smem:$0x3FB0]  }
0x2e: {  	s3 =	simm.s32 @!p0 $0x1082;
	s9 =	sld [smem:$0x3FB1]  }
0x2f: {  	lr =	sadd.s32 s0, s3;
	s0 =	sld [smem:$0x3FA8]  }
0x30: {  	s3 =	sld [smem:$0x3FAB]  }
0x31: {  	[smem:$0x3FB4] =	sst s10  }
0x32: {  	s10 =	sld [smem:$0x3FB2];
	_ =	sdelay $0x3  }
0x33: {  	p0 =	seq.s32 s10, $0x1;
	s10 =	sld [smem:$0x3FB4];
	_ =	sdelay $0x3  }
0x34: {  	[smem:$0x3FB4] =	sst s10  }
0x35: {  	s10 =	sld [smem:$0x3FB3];
	_ =	sdelay $0x3  }
0x36: {  	p1 =	seq.s32 s10, $0x1;
	s10 =	sld [smem:$0x3FB4];
	_ =	sdelay $0x3  }
0x37: {  	[smem:$0x3FB4] =	sst s10  }
0x38: {  	s10 =	sld [smem:$0x3FB5]  }
0x39: {  	_ = 	snop;
	(pc) =	sbr.ind lr, $3  }
0x3a: {  	_ = 	snop  }
0x3b: {  	_ = 	snop  }
0x3c: {  	p2 =	seq.s32 s10, $0x1;
	s10 =	sld [smem:$0x3FB4]  }
0x3d: {  	_ =	shalt  }
0x3e: {  	_ =	shalt  }
0x3f: {  	_ =	shalt  }
0x40: {  	_ =	shalt  }
0x41: {  	_ =	shalt  }
0x42: {  	_ =	shalt  }
0x43: {  	_ =	shalt  }
0x44: {  	_ =	shalt  }
0x45: {  	_ =	shalt  }
0x46: {  	_ =	shalt  }
0x47: {  	_ =	shalt  }
0x48: {  	_ =	shalt  }
0x49: {  	_ =	shalt  }
0x4a: {  	_ =	shalt  }
0x4b: {  	_ =	shalt  }
0x4c: {  	_ =	shalt  }
0x4d: {  	_ =	shalt  }
0x4e: {  	_ =	shalt  }
0x4f: {  	_ =	shalt  }
0x50: {  	_ =	shalt  }
0x51: {  	_ =	shalt  }
0x52: {  	_ =	shalt  }
0x53: {  	_ =	shalt  }
0x54: {  	_ =	shalt  }
0x55: {  	_ =	shalt  }
0x56: {  	_ =	shalt  }
0x57: {  	_ =	shalt  }
0x58: {  	_ =	shalt  }
0x59: {  	_ =	shalt  }
0x5a: {  	_ =	shalt  }
0x5b: {  	_ =	shalt  }
0x5c: {  	_ =	shalt  }
0x5d: {  	_ =	shalt  }
0x5e: {  	_ =	shalt  }
0x5f: {  	_ =	shalt  }
0x60: {  	_ =	shalt  }
0x61: {  	_ =	shalt  }
0x62: {  	_ =	shalt  }
0x63: {  	_ =	shalt  }
0x64: {  	_ =	shalt  }
0x65: {  	_ =	shalt  }
0x66: {  	_ =	shalt  }
0x67: {  	_ =	shalt  }
0x68: {  	_ =	shalt  }
0x69: {  	_ =	shalt  }
0x6a: {  	_ =	shalt  }
0x6b: {  	_ =	shalt  }
0x6c: {  	_ =	shalt  }
0x6d: {  	_ =	shalt  }
0x6e: {  	_ =	shalt  }
0x6f: {  	_ =	shalt  }
0x70: {  	_ =	shalt  }
0x71: {  	_ =	shalt  }
0x72: {  	_ =	shalt  }
0x73: {  	_ =	shalt  }
0x74: {  	_ =	shalt  }
0x75: {  	_ =	shalt  }
0x76: {  	_ =	shalt  }
0x77: {  	_ =	shalt  }
0x78: {  	_ =	shalt  }
0x79: {  	_ =	shalt  }
0x7a: {  	_ =	shalt  }
0x7b: {  	_ =	shalt  }
0x7c: {  	_ =	shalt  }
0x7d: {  	_ =	shalt  }
0x7e: {  	_ =	shalt  }
0x7f: {  	_ =	shalt  }
0x80: {  	_ =	shalt  }
0x81: {  	_ =	shalt  }
0x82: {  	_ =	shalt  }
0x83: {  	_ =	shalt  }
0x84: {  	_ =	shalt  }
0x85: {  	_ =	shalt  }
0x86: {  	_ =	shalt  }
0x87: {  	_ =	shalt  }
.Lfunc_end0:
.L_simem_size_0:
called_computation.1_lowered:
.L_overlay_start_0:
0x88: {  	s2 =	sld [smem:$0x3FD9]  }
0x89: {  	s3 =	sld [smem:$0x3FFE];
	_ =	sdelay $0x1  }
0x8a: {  	s1 =	srdreg.scid  }
0x8b: {  	s0 =	sand.u32 $0x1, s1  }
0x8c: {  	s17 =	sshll.u32 s0, $0xA;
	s2 =	sadd.s32 s3, s2  }
0x8d: {  	s2 =	sadd.s32 s2, s17  }
0x8e: {  	[smem:$0x3FC0] =	sst s2  }
0x8f: {  	_ = 	snop  }
0x90: {  	s2 =	sld [smem:$0x3FD0];
	(tm) =	ssettm $0x1  }
0x91: {  	s18 =	sld [smem:$0x3FFB];
	_ =	sdelay $0x3  }
0x92: {  	_ =	strace s18  }
0x93: {  	s3 =	sld [smem:$0x3FFC];
	_ =	sdelay $0x3  }
0x94: {  	_ =	strace s3  }
0x95: {  	s3 =	sld [smem:$0x3FFD];
	_ =	sdelay $0x3  }
0x96: {  	_ =	strace s3  }
0x97: {  	_ =	strace $0x8FFFFFFF  }
0x98: {  	s19 =	sld [smem:$0x3FDB];
	_ =	sdelay $0x1  }
0x99: {  	s4 =	simm.s32 $_scs_section_size  }
0x9a: {  	s5 =	simm.s32 $_size__tile_overlayer_lowered;
	s6 =	simm.s32 $_tile_overlayer_lowered  }
0x9b: {  	s22 =	simm.s32 $0x1BFF;
	s21 =	sshll.u32 s6, $0x1;
	s3 =	sadd.s32 s4, s19  }
0x9c: {  	s7 =	simm.s32 $0x0;
	s20 =	sshll.u32 s5, $0x1;
	s5 =	sadd.s32 s21, s3  }
0x9d: {  	[timem:s7], [sflag:s22] =	dma.local [hbm:s5], s20  }
0x9e: {  	_ =	swait.ge [sflag:s22], s20  }
0x9f: {  	s4 =	ssub.s32 $0x0, s20;
	[sflag:s22] =	ssyncset.done $0x0  }
0xa0: {  	[sflag:s22] =	ssyncadd.s32 s4;
	_ =	sdelay $0x1  }
0xa1: {  	s23 =	simm.s32 $0x1B8B  }
0xa2: {  	_ =	swait.ge [sflag:s23], $0x1  }
0xa3: {  	[sflag:s23] =	ssyncset.done $0x0  }
0xa4: {  	s25 =	simm.s32 $0x1B8E;
	s24 =	sld [smem:$0x3FFE];
	[sflag:s23] =	ssyncadd.s32 $0xFFFFFFFF  }
0xa5: {  	s26 =	simm.s32 $execute0_lowered;
	[smem:$0x3FD2] =	sst s25  }
0xa6: {  	s5 =	sshll.u32 s26, $0x1;
	_ =	strace $0x80000049;
	[dreg:$0x1] =	wrdreg $0xFFFFFFFF  }
0xa7: {  	s28 =	simm.s32 $_size_execute0_lowered;
	s3 =	sadd.s32 s3, s5;
	[dreg:$0x0] =	wrdreg $0x0  }
0xa8: {  	s5 =	sshll.u32 s28, $0x1;
	[dreg:$0x2] =	wrdreg s3  }
0xa9: {  	[dreg:$0x3] =	wrdreg s5  }
0xaa: {  	[dreg:$0x4] =	wrdreg $0xC0  }
0xab: {  	_ =	task [dreg:s7], $0x5FFFF  }
0xac: {  	[dreg:$0x1] =	wrdreg $0xFFFFFFFF  }
0xad: {  	[dreg:$0x0] =	wrdreg $0x60  }
0xae: {  	[dreg:$0x2] =	wrdreg s24  }
0xaf: {  	[dreg:$0x3] =	wrdreg s2  }
0xb0: {  	[dreg:$0x4] =	wrdreg $0xAA000  }
0xb1: {  	[dreg:$0x5] =	wrdreg $0x9  }
0xb2: {  	_ =	task.clear_ibuf [dreg:s7], $0x6FFFF;
	_ =	strace $0x90000049  }
0xb3: {  	s29 =	simm.s32 $0x9;
	_ =	strace $0x8000004B  }
0xb4: {  	_ =	swait.ge [sflag:s29], $0x1  }
0xb5: {  	[sflag:s29] =	ssyncadd.s32 $0xFFFFFFFF  }
0xb6: {  	_ =	strace $0x9000004B  }
0xb7: {  	_ =	sfence  }
0xb8: {  	s30 =	sld [smem:$0x0];
	_ =	sdelay $0x2  }
0xb9: {  	s31 =	sshll.u32 s1, $0xD;
	s1 =	sshrl.u32 s1, $0x2  }
0xba: {  	s3 =	sand.u32 $0x4000, s31;
	s1 =	sadd.s32 s1, s30  }
0xbb: {  	s0 =	sor.u32 s3, s0;
	s1 =	sshll.u32 s1, $0x11  }
0xbc: {  	s0 =	sor.u32 s1, s0  }
0xbd: {  	s0 =	sadd.s32 $0x8F2B, s0  }
0xbe: {  	[sflag:s0] =	ssyncadd.remote.s32 $0x1  }
0xbf: {  	_ =	sfence.sel $0xFFFF  }
0xc0: {  	[dreg:$0x0] =	wrdreg $0xFFFFFFFF;
	(pc) =	sbr.abs _section_cstart, $3  }
0xc1: {  	[dreg:$0x1] =	wrdreg $0xFFFFFFFF  }
0xc2: {  	_ =	task.clear_ibuf [dreg:s7], $0x2FFFF;
	_ =	strace $0x9FFFFFFF  }
0xc3: {  	(tm) =	ssettm $0x7FFFFFFF  }
tec
execute0_lowered:
.L_overlay_start_1:
0x0: {  	(tag) =	ssettag $0x1  }
0x1: {  	s0 =	rddreg [dreg:$0x0];
	s1 =	srdreg.scid  }
0x2: {  	s6 =	rddreg [dreg:$0x1];
	s9 =	stileid.u32;
	s2 =	simm.s32 $0x0  }
0x3: {  	s18 =	simm.s32 $0x7;
	s28 =	simm.s32 $0x6A00;
	s29 =	simm.s32 $0x1  }
0x4: {  	s30 =	simm.s32 $0x5;
	s7 =	sand.u32 $0x1, s1;
	s1 =	rddreg [dreg:$0x2]  }
0x5: {  	s31 =	simm.s32 $0x2;
	[smem:$0x7FF] =	sst s2;
	s11 =	smul.u32 $0x4E000, s9  }
0x6: {  	s4 =	sadd.s32 $0x65600, s0;
	s5 =	sadd.s32 $0x5B600, s0;
	s14 =	smul.u32 $0x13800, s9  }
0x7: {  	p0 =	sne.s32 s9, $0x0;
	s26 =	sshll.u32 s9, $0x6;
	s3 =	sshll.u32 s7, $0x4  }
0x8: {  	_ =	strace $0x8000004A;
	s10 =	ssub.s32 $0x2, s7;
	s7 =	smul.u32 $0x138800, s7  }
0x9: {  	s22 =	sadd.s32 $0x138000, s1;
	s3 =	sor.u32 s9, s3;
	s13 =	sshrl.u32 s10, $0x1  }
0xa: {  	s19 =	sshrl.u32 s11, $0x2;
	s21 =	sshrl.u32 s14, $0x3;
	[dreg:$0x6] =	wrdreg s22  }
0xb: {  	s22 =	simm.s32 $0x100;
	s3 =	smul.u32 $0x2800, s3;
	s16 =	ssub.s32 s10, s13  }
0xc: {  	s17 =	sadd.s32 s19, s1;
	s10 =	sadd.s32 s6, s21;
	s6 =	sadd.s32 $0x27000, s6  }
0xd: {  	s25 =	sadd.s32 s14, s7;
	s7 =	sshrl.u32 s7, $0x3;
	s19 =	sor.u32 $0x1C07, s26  }
0xe: {  	s21 =	simm.s32 $0x80;
	s26 =	simm.s32 $0x4;
	[dreg:$0x5] =	wrdreg s10  }
0xf: {  	[dreg:$0x7] =	wrdreg s6;
	s6 =	sshrl.u32 s25, $0x3;
	s8 =	sshrl.u32 s3, $0x3  }
0x10: {  	s16 =	smax.u32 s16, $0x1;
	s25 =	simm.s32 $0x2A00;
	s12 =	sadd.s32 s8, s0  }
0x11: {  	s0 =	sadd.s32 $0x8C800, s0;
	s8 =	sadd.s32 s5, s8;
	s20 =	sadd.s32 $0x2C00, s12  }
.Ltmp0:
0x12: {  	s23 =	sadd.s32 $0x10, s8;
	s24 =	sadd.s32 $0x20, s8;
	(pc) =	sbr.rel .LBB2_1-.Ltmp0, $4  }
0x13: {  	s13 =	sadd.s32 $0x30, s8;
	s7 =	sadd.s32 s0, s7;
	[dreg:$0x4] =	wrdreg s20  }
0x14: {  	s14 =	sadd.s32 s0, s6;
	s0 =	simm.s32 $0x6;
	[dreg:$0x8] =	wrdreg s23  }
0x15: {  	[dreg:$0x9] =	wrdreg s24;
	s15 =	sadd.s32 $0x27000, s7;
	s20 =	sshrl.u32 s17, $0x3  }
0x16: {  	s23 =	simm.s32 $0x180;
	s24 =	simm.s32 $0x3;
	s17 =	simm.s32 $0x0  }
.LBB2_4:
0x17: {  	_ =	swait.ge [sflag:s31], $0x4000  }
0x18: {  	[sflag:s31] =	ssyncset.done $0x0  }
0x19: {  	[sflag:s31] =	ssyncadd.s32 $0xFFFFC000  }
0x1a: {  	[spmem:s1] =	stream.indirect.scatter.add.f32 [tilespmem:s28], [sflag:$0x7], $0x80, s7, s21, $0xb8;
	[tilespmem:$0x1E300] =	vst v63  }
0x1b: {  	_ =	swait.ge [sflag:s18], $0x4000  }
0x1c: {  	[sflag:s18] =	ssyncset.done $0x0  }
0x1d: {  	[sflag:s18] =	ssyncadd.s32 $0xFFFFC000  }
0x1e: {  	[bflag:$0x0] =	sbarrier.arrive $0xFFFF  }
0x1f: {  	[hbm:s14], [sflag:s19] =	dma.local [spmem:s20], $0x2700  }
0x20: {  	_ =	swait.ge [sflag:s18], $0x2700  }
0x21: {  	s17 =	sadd.s32 $0x1, s17;
	[sflag:s18] =	ssyncset.done $0x0  }
0x22: {  	p1 =	sne.s32 s17, s16;
	[sflag:s18] =	ssyncadd.s32 $0xFFFFD900  }
0x23: {  	[hbm:s15], [sflag:s19] =	dma.local @!p0 [spmem:s6], $0x100  }
.Ltmp1:
0x24: {  	_ = 	snop;
	(pc) =	sbr.rel @!p1 .LBB2_5-.Ltmp1, $4  }
0x25: {  	s6 =	simm.s32 @!p0 $0x7  }
0x26: {  	_ =	swait.ge @!p0 [sflag:s6], $0x100  }
0x27: {  	[sflag:s6] =	ssyncset.done @!p0 $0x0  }
0x28: {  	[sflag:s6] =	ssyncadd.s32 @!p0 $0xFFFFFF00  }
.LBB2_1:
0x29: {  	s6 =	rddreg [dreg:$0x4];
	s7 =	simm.s32 $0x200  }
0x2a: {  	[tilespmem:s7], [sflag:$0x7] =	stream.linear.gather [hbm4b:s6+s2], $0x2800, $0x38;
	[tilespmem:$0x1E300] =	vst v63  }
0x2b: {  	_ =	swait.ge [sflag:s18], $0x2800  }
0x2c: {  	[sflag:s18] =	ssyncset.done $0x0  }
0x2d: {  	s10 =	rddreg [dreg:$0x5];
	[sflag:s18] =	ssyncadd.s32 $0xFFFFD800  }
0x2e: {  	[spmem:s20], [sflag:s19] =	dma.local [hbm:s10], $0x2700  }
0x2f: {  	_ =	swait.ge [sflag:s18], $0x2700  }
0x30: {  	[sflag:s18] =	ssyncset.done $0x0;
	s6 =	rddreg [dreg:$0x6]  }
0x31: {  	s7 =	rddreg [dreg:$0x7];
	[sflag:s18] =	ssyncadd.s32 $0xFFFFD900;
	s6 =	sshrl.u32 @!p0 s6, $0x3  }
0x32: {  	[spmem:s6], [sflag:s19] =	dma.local @!p0 [hbm:s7], $0x100  }
0x33: {  	s7 =	simm.s32 @!p0 $0x7  }
0x34: {  	_ =	swait.ge @!p0 [sflag:s7], $0x100  }
0x35: {  	[sflag:s7] =	ssyncset.done @!p0 $0x0  }
0x36: {  	[sflag:s7] =	ssyncadd.s32 @!p0 $0xFFFFFF00  }
0x37: {  	[bflag:$0x0] =	sbarrier.arrive $0xFFFF  }
0x38: {  	[tilespmem:s2], [sflag:$0x3] =	stream.linear.gather [hbm4b:s8+s2], $0x80, $0x38;
	[tilespmem:$0x1E300] =	vst v63  }
0x39: {  	s11 =	rddreg [dreg:$0x8]  }
0x3a: {  	[tilespmem:s21], [sflag:$0x4] =	stream.linear.gather [hbm4b:s11+s2], $0x80, $0x38;
	[tilespmem:$0x1E300] =	vst v63  }
0x3b: {  	s12 =	rddreg [dreg:$0x9]  }
0x3c: {  	[tilespmem:s22], [sflag:$0x5] =	stream.linear.gather [hbm4b:s12+s2], $0x80, $0x38;
	[tilespmem:$0x1E300] =	vst v63  }
0x3d: {  	_ = 	snop  }
0x3e: {  	[tilespmem:s23], [sflag:$0x6] =	stream.linear.gather [hbm4b:s13+s2], $0x80, $0x38;
	[tilespmem:$0x1E300] =	vst v63  }
0x3f: {  	_ =	swait.ge [sflag:s24], $0x80  }
0x40: {  	[sflag:s24] =	ssyncset.done $0x0  }
0x41: {  	[sflag:s24] =	ssyncadd.s32 $0xFFFFFF80  }
0x42: {  	[tilespmem:s25], [sflag:$0x1] =	stream.indirect.gather [hbm4b:s4+s21], $0x80, s2, s21, $0xb8;
	[tilespmem:$0x1E300] =	vst v63  }
0x43: {  	_ =	swait.ge [sflag:s26], $0x80  }
0x44: {  	[sflag:s26] =	ssyncset.done $0x0  }
0x45: {  	s9 =	simm.s32 $0x380;
	s7 =	simm.s32 $0x380;
	[sflag:s26] =	ssyncadd.s32 $0xFFFFFF80  }
0x46: {  	[tilespmem:s28], [sflag:$0x2] =	stream.indirect.gather [hbm4b:s4+s21], $0x80, s21, s21, $0xb8;
	[tilespmem:$0x1E300] =	vst v63  }
.LBB2_2:
0x47: {  	_ =	swait.ge [sflag:s29], $0x4000  }
0x48: {  	[sflag:s29] =	ssyncset.done $0x0  }
0x49: {  	s10 =	sadd.s32 $0xFFFFFE80, s7;
	p1 =	seq.s32 s9, $0x2980;
	[sflag:s29] =	ssyncadd.s32 $0xFFFFC000  }
0x4a: {  	[spmem:s1] =	stream.indirect.scatter.add.f32 [tilespmem:s25], [sflag:$0x7], $0x80, s10, s21, $0xb8;
	[tilespmem:$0x1E300] =	vst v63  }
0x4b: {  	s10 =	sadd.s32 @!p1 $0xFFFFFE80, s9  }
0x4c: {  	s11 =	sand.u32 @!p1 $0x7C00, s10  }
0x4d: {  	s10 =	sand.u32 @!p1 $0x200, s10;
	s11 =	sadd.s32 @!p1 s3, s11  }
0x4e: {  	_ =	swait.ge [sflag:s18], $0x4000;
	s10 =	sor.u32 @!p1 s10, s11  }
0x4f: {  	[sflag:s18] =	ssyncset.done $0x0;
	s10 =	sshrl.u32 @!p1 s10, $0x3  }
0x50: {  	[sflag:s18] =	ssyncadd.s32 $0xFFFFC000;
	s11 =	simm.s32 @!p1 $0x0;
	s10 =	sadd.s32 @!p1 s5, s10  }
0x51: {  	[tilespmem:s11], [sflag:$0x3] =	stream.linear.gather @!p1 [hbm4b:s10+s11], $0x80, $0x38;
	[tilespmem:$0x1E300] =	vst v63  }
0x52: {  	_ =	swait.ge [sflag:s30], $0x80  }
0x53: {  	[sflag:s30] =	ssyncset.done $0x0  }
0x54: {  	[sflag:s30] =	ssyncadd.s32 $0xFFFFFF80  }
0x55: {  	[tilespmem:s25], [sflag:$0x1] =	stream.indirect.gather [hbm4b:s4+s21], $0x80, s22, s21, $0xb8;
	[tilespmem:$0x1E300] =	vst v63  }
0x56: {  	_ =	swait.ge [sflag:s31], $0x4000  }
0x57: {  	[sflag:s31] =	ssyncset.done $0x0  }
0x58: {  	s12 =	sadd.s32 $0xFFFFFF00, s7;
	s10 =	sadd.s32 @!p1 $0xFFFFFF00, s9;
	[sflag:s31] =	ssyncadd.s32 $0xFFFFC000  }
0x59: {  	[spmem:s1] =	stream.indirect.scatter.add.f32 [tilespmem:s28], [sflag:$0x7], $0x80, s12, s21, $0xb8;
	[tilespmem:$0x1E300] =	vst v63  }
0x5a: {  	s12 =	sand.u32 @!p1 $0x7C00, s10  }
0x5b: {  	s10 =	sand.u32 @!p1 $0x280, s10;
	s12 =	sadd.s32 @!p1 s3, s12  }
0x5c: {  	_ =	swait.ge [sflag:s18], $0x4000;
	s10 =	sor.u32 @!p1 s10, s12  }
0x5d: {  	[sflag:s18] =	ssyncset.done $0x0;
	s10 =	sshrl.u32 @!p1 s10, $0x3  }
0x5e: {  	s12 =	simm.s32 @!p1 $0x80;
	[sflag:s18] =	ssyncadd.s32 $0xFFFFC000;
	s10 =	sadd.s32 @!p1 s5, s10  }
0x5f: {  	[tilespmem:s12], [sflag:$0x4] =	stream.linear.gather @!p1 [hbm4b:s10+s11], $0x80, $0x38;
	[tilespmem:$0x1E300] =	vst v63  }
0x60: {  	_ =	swait.ge [sflag:s0], $0x80  }
0x61: {  	[sflag:s0] =	ssyncset.done $0x0  }
0x62: {  	[sflag:s0] =	ssyncadd.s32 $0xFFFFFF80  }
0x63: {  	[tilespmem:s28], [sflag:$0x2] =	stream.indirect.gather [hbm4b:s4+s21], $0x80, s23, s21, $0xb8;
	[tilespmem:$0x1E300] =	vst v63  }
0x64: {  	_ =	swait.ge [sflag:s29], $0x4000  }
0x65: {  	[sflag:s29] =	ssyncset.done $0x0  }
.Ltmp2:
0x66: {  	s12 =	sadd.s32 $0xFFFFFF80, s7;
	[sflag:s29] =	ssyncadd.s32 $0xFFFFC000;
	(pc) =	sbr.rel @p1 .LBB2_4-.Ltmp2, $4  }
0x67: {  	[spmem:s1] =	stream.indirect.scatter.add.f32 [tilespmem:s25], [sflag:$0x7], $0x80, s12, s21, $0xb8;
	[tilespmem:$0x1E300] =	vst v63  }
0x68: {  	_ =	swait.ge [sflag:s18], $0x4000  }
0x69: {  	[sflag:s18] =	ssyncset.done $0x0  }
0x6a: {  	[sflag:s18] =	ssyncadd.s32 $0xFFFFC000  }
0x6b: {  	s10 =	sadd.s32 $0xFFFFFF80, s9  }
0x6c: {  	s11 =	sand.u32 $0x7C00, s10  }
0x6d: {  	s10 =	sand.u32 $0x300, s10;
	s11 =	sadd.s32 s3, s11  }
0x6e: {  	s10 =	sor.u32 s10, s11  }
0x6f: {  	s10 =	sshrl.u32 s10, $0x3  }
0x70: {  	s10 =	sadd.s32 s5, s10  }
0x71: {  	[tilespmem:s22], [sflag:$0x5] =	stream.linear.gather [hbm4b:s10+s2], $0x80, $0x38;
	[tilespmem:$0x1E300] =	vst v63  }
0x72: {  	_ =	swait.ge [sflag:s24], $0x80  }
0x73: {  	[sflag:s24] =	ssyncset.done $0x0  }
0x74: {  	[sflag:s24] =	ssyncadd.s32 $0xFFFFFF80  }
0x75: {  	[tilespmem:s25], [sflag:$0x1] =	stream.indirect.gather [hbm4b:s4+s21], $0x80, s2, s21, $0xb8;
	[tilespmem:$0x1E300] =	vst v63  }
0x76: {  	_ =	swait.ge [sflag:s31], $0x4000  }
0x77: {  	s11 =	sand.u32 $0x7C00, s9;
	[sflag:s31] =	ssyncset.done $0x0  }
0x78: {  	s12 =	sand.u32 $0x380, s9;
	s10 =	sadd.s32 s3, s11;
	[sflag:s31] =	ssyncadd.s32 $0xFFFFC000  }
0x79: {  	[spmem:s1] =	stream.indirect.scatter.add.f32 [tilespmem:s28], [sflag:$0x7], $0x80, s7, s21, $0xb8;
	[tilespmem:$0x1E300] =	vst v63  }
0x7a: {  	s10 =	sor.u32 s12, s10;
	_ =	swait.ge [sflag:s18], $0x4000  }
0x7b: {  	s10 =	sshrl.u32 s10, $0x3;
	[sflag:s18] =	ssyncset.done $0x0  }
0x7c: {  	s10 =	sadd.s32 s5, s10;
	[sflag:s18] =	ssyncadd.s32 $0xFFFFC000  }
0x7d: {  	[tilespmem:s23], [sflag:$0x6] =	stream.linear.gather [hbm4b:s10+s2], $0x80, $0x38;
	[tilespmem:$0x1E300] =	vst v63  }
.Ltmp3:
0x7e: {  	_ = 	snop;
	(pc) =	sbr.rel .LBB2_2-.Ltmp3, $4  }
0x7f: {  	_ =	swait.ge [sflag:s26], $0x80  }
0x80: {  	[sflag:s26] =	ssyncset.done $0x0  }
0x81: {  	s9 =	sadd.s32 $0x200, s9;
	s7 =	sadd.s32 $0x200, s7;
	[sflag:s26] =	ssyncadd.s32 $0xFFFFFF80  }
0x82: {  	[tilespmem:s28], [sflag:$0x2] =	stream.indirect.gather [hbm4b:s4+s21], $0x80, s21, s21, $0xb8;
	[tilespmem:$0x1E300] =	vst v63  }
.LBB2_5:
0x83: {  	_ =	sfence.sel $0x180000  }
0x84: {  	[bflag:$0x0] =	sbarrier.arrive $0xFFFF  }
0x85: {  	_ =	strace $0x9000004A  }
0x86: {  	[bflag:$0x2] =	sbarrier.arrive $0xFFFF  }
0x87: {  	s0 =	rddreg [dreg:$0x3]  }
0x88: {  	s0 =	sadd.s32 @!p0 $0x100000, s0  }
0x89: {  	[sflag:s0] =	ssyncadd.tile.s32 @!p0 $0x1;
	_ =	shalt  }
.Lfunc_end2:
_tile_overlayer_lowered:
.L_overlay_start_2:
0x8a: {  	(tag) =	ssettag $0x2  }
0x8b: {  	s0 =	rddreg [dreg:$0x0];
	s2 =	stileid.u32  }
0x8c: {  	s1 =	rddreg [dreg:$0x1];
	p0 =	sne.s32 s2, $0x0  }
0x8d: {  	s3 =	rddreg [dreg:$0x2];
	[bflag:$0x3] =	sbarrier.arrive $0xFFFF;
	s2 =	simm.s32 @!p0 $0x1C07  }
0x8e: {  	[timem:s3], [sflag:s2] =	dma.local @!p0 [hbm:s0], s1  }
0x8f: {  	s0 =	simm.s32 @!p0 $0x7  }
0x90: {  	_ =	swait.ge @!p0 [sflag:s0], s1  }
0x91: {  	s1 =	ssub.s32 @!p0 $0x0, s1;
	[sflag:s0] =	ssyncset.done @!p0 $0x0  }
0x92: {  	[sflag:s0] =	ssyncadd.s32 @!p0 s1  }
0x93: {  	[bflag:$0x3] =	sbarrier.arrive $0xFFFF  }
0x94: {  	_ =	shalt  }

// kernel: kernel.17.cloned.1.call-start
scs
__scs_entry_jumppad:
0x0: {  	(pc) =	sbr.rel $0x88, $3  }
0x1: {  	(tag) =	ssettag $0x0;
	lr =	simm.s32 $0x1  }
0x2: {  	[smem:$0x3F99] =	sst lr;
	_ =	strace $0xD0000000  }
0x3: {  	_ = 	snop  }
0x4: {  	_ = 	snop  }
0x5: {  	_ = 	snop  }
0x6: {  	_ = 	snop  }
0x7: {  	_ = 	snop  }
__scs_overlays_trampoline_lowered:
0x8: {  	[smem:$0x3FA8] =	sst s0  }
0x9: {  	[smem:$0x3FA9] =	sst s1  }
0xa: {  	[smem:$0x3FAA] =	sst s2  }
0xb: {  	[smem:$0x3FAB] =	sst s3  }
0xc: {  	[smem:$0x3FAC] =	sst s4  }
0xd: {  	[smem:$0x3FAD] =	sst s5  }
0xe: {  	[smem:$0x3FAE] =	sst s6  }
0xf: {  	[smem:$0x3FAF] =	sst s7  }
0x10: {  	[smem:$0x3FB0] =	sst s8  }
0x11: {  	[smem:$0x3FB1] =	sst s9;
	s0 =	simm.s32 @!p0 $0x0  }
0x12: {  	s1 =	sld [smem:$0x3F97];
	s0 =	simm.s32 @p0 $0x1  }
0x13: {  	[smem:$0x3FB2] =	sst s0;
	s0 =	simm.s32 @!p1 $0x0  }
0x14: {  	s2 =	sld [smem:$0x3F96];
	s0 =	simm.s32 @p1 $0x1  }
0x15: {  	[smem:$0x3FB3] =	sst s0;
	s0 =	simm.s32 @!p2 $0x0  }
0x16: {  	s3 =	sld [smem:$0x3FDB];
	s0 =	simm.s32 @p2 $0x1  }
0x17: {  	s4 =	simm.s32 $0x1BF5;
	[smem:$0x3FB5] =	sst s0  }
0x18: {  	s0 =	sld [smem:$0x3F98];
	_ =	swait.ge [sflag:s4], $0x0  }
0x19: {  	s7 =	sld [smem:$0x3F99]  }
0x1a: {  	s8 =	sadd.s32 $0xFFFFE003, lr  }
0x1b: {  	s9 =	sadd.s32 $0xFFFFFEF7, lr;
	s5 =	simm.s32 $0xFFFFFFFF;
	p2 =	slt.u32 s8, $0xFFFFF086  }
0x1c: {  	p1 =	slt.u32 s9, $0xF7A;
	s5 =	simm.s32 @!p2 $0x0  }
0x1d: {  	s5 =	simm.s32 @p1 $0x1;
	p0 =	seq.s32 s7, s2  }
0x1e: {  	s7 =	smul.u32 @!p0 $0xF7A, s2;
	p2 =	seq.s32 @!p0 s5, $0x0  }
0x1f: {  	s9 =	smul.u32 $0xF7A, s1;
	s8 =	simm.s32 @!p0 $0x1BF5;
	p2 =	por !p2, p0  }
0x20: {  	[sflag:s8] =	ssyncset.s32 @!p0 $0xFFFFF086;
	s6 =	sadd.s32 @!p0 s3, s7;
	s7 =	simm.s32 @!p0 $0x108  }
0x21: {  	s3 =	sadd.s32 s3, s9;
	s6 =	sadd.s32 @!p0 $0x88, s6;
	s7 =	simm.s32 @p2 $0x1082  }
0x22: {  	[simem:s7], [sflag:s8] =	dma.local @!p0 [hbm:s6], $0xF7A  }
0x23: {  	s9 =	sor.u32 $0xD0000000, s2;
	s6 =	simm.s32 $0x108;
	_ =	swait.ge @!p0 [sflag:s8], $0x0  }
0x24: {  	s3 =	sadd.s32 $0x88, s3;
	s6 =	simm.s32 @!p1 $0x1082;
	[sflag:s4] =	ssyncset.s32 $0xFFFFF086  }
0x25: {  	[simem:s6], [sflag:s4] =	dma.local [hbm:s3], $0xF7A  }
0x26: {  	[smem:$0x3F99] =	sst s1;
	(tag) =	ssettag s2;
	_ =	strace s9  }
0x27: {  	s1 =	sld [smem:$0x3FA9]  }
0x28: {  	s2 =	sld [smem:$0x3FAA]  }
0x29: {  	s4 =	sld [smem:$0x3FAC]  }
0x2a: {  	p0 =	seq.s32 s5, $0x0;
	s5 =	sld [smem:$0x3FAD]  }
0x2b: {  	s6 =	sld [smem:$0x3FAE]  }
0x2c: {  	s7 =	sld [smem:$0x3FAF]  }
0x2d: {  	s3 =	simm.s32 $0x108;
	s8 =	sld [smem:$0x3FB0]  }
0x2e: {  	s3 =	simm.s32 @!p0 $0x1082;
	s9 =	sld [smem:$0x3FB1]  }
0x2f: {  	lr =	sadd.s32 s0, s3;
	s0 =	sld [smem:$0x3FA8]  }
0x30: {  	s3 =	sld [smem:$0x3FAB]  }
0x31: {  	[smem:$0x3FB4] =	sst s10  }
0x32: {  	s10 =	sld [smem:$0x3FB2];
	_ =	sdelay $0x3  }
0x33: {  	p0 =	seq.s32 s10, $0x1;
	s10 =	sld [smem:$0x3FB4];
	_ =	sdelay $0x3  }
0x34: {  	[smem:$0x3FB4] =	sst s10  }
0x35: {  	s10 =	sld [smem:$0x3FB3];
	_ =	sdelay $0x3  }
0x36: {  	p1 =	seq.s32 s10, $0x1;
	s10 =	sld [smem:$0x3FB4];
	_ =	sdelay $0x3  }
0x37: {  	[smem:$0x3FB4] =	sst s10  }
0x38: {  	s10 =	sld [smem:$0x3FB5]  }
0x39: {  	_ = 	snop;
	(pc) =	sbr.ind lr, $3  }
0x3a: {  	_ = 	snop  }
0x3b: {  	_ = 	snop  }
0x3c: {  	p2 =	seq.s32 s10, $0x1;
	s10 =	sld [smem:$0x3FB4]  }
0x3d: {  	_ =	shalt  }
0x3e: {  	_ =	shalt  }
0x3f: {  	_ =	shalt  }
0x40: {  	_ =	shalt  }
0x41: {  	_ =	shalt  }
0x42: {  	_ =	shalt  }
0x43: {  	_ =	shalt  }
0x44: {  	_ =	shalt  }
0x45: {  	_ =	shalt  }
0x46: {  	_ =	shalt  }
0x47: {  	_ =	shalt  }
0x48: {  	_ =	shalt  }
0x49: {  	_ =	shalt  }
0x4a: {  	_ =	shalt  }
0x4b: {  	_ =	shalt  }
0x4c: {  	_ =	shalt  }
0x4d: {  	_ =	shalt  }
0x4e: {  	_ =	shalt  }
0x4f: {  	_ =	shalt  }
0x50: {  	_ =	shalt  }
0x51: {  	_ =	shalt  }
0x52: {  	_ =	shalt  }
0x53: {  	_ =	shalt  }
0x54: {  	_ =	shalt  }
0x55: {  	_ =	shalt  }
0x56: {  	_ =	shalt  }
0x57: {  	_ =	shalt  }
0x58: {  	_ =	shalt  }
0x59: {  	_ =	shalt  }
0x5a: {  	_ =	shalt  }
0x5b: {  	_ =	shalt  }
0x5c: {  	_ =	shalt  }
0x5d: {  	_ =	shalt  }
0x5e: {  	_ =	shalt  }
0x5f: {  	_ =	shalt  }
0x60: {  	_ =	shalt  }
0x61: {  	_ =	shalt  }
0x62: {  	_ =	shalt  }
0x63: {  	_ =	shalt  }
0x64: {  	_ =	shalt  }
0x65: {  	_ =	shalt  }
0x66: {  	_ =	shalt  }
0x67: {  	_ =	shalt  }
0x68: {  	_ =	shalt  }
0x69: {  	_ =	shalt  }
0x6a: {  	_ =	shalt  }
0x6b: {  	_ =	shalt  }
0x6c: {  	_ =	shalt  }
0x6d: {  	_ =	shalt  }
0x6e: {  	_ =	shalt  }
0x6f: {  	_ =	shalt  }
0x70: {  	_ =	shalt  }
0x71: {  	_ =	shalt  }
0x72: {  	_ =	shalt  }
0x73: {  	_ =	shalt  }
0x74: {  	_ =	shalt  }
0x75: {  	_ =	shalt  }
0x76: {  	_ =	shalt  }
0x77: {  	_ =	shalt  }
0x78: {  	_ =	shalt  }
0x79: {  	_ =	shalt  }
0x7a: {  	_ =	shalt  }
0x7b: {  	_ =	shalt  }
0x7c: {  	_ =	shalt  }
0x7d: {  	_ =	shalt  }
0x7e: {  	_ =	shalt  }
0x7f: {  	_ =	shalt  }
0x80: {  	_ =	shalt  }
0x81: {  	_ =	shalt  }
0x82: {  	_ =	shalt  }
0x83: {  	_ =	shalt  }
0x84: {  	_ =	shalt  }
0x85: {  	_ =	shalt  }
0x86: {  	_ =	shalt  }
0x87: {  	_ =	shalt  }
.Lfunc_end0:
.L_simem_size_0:
called_computation.2_lowered:
.L_overlay_start_0:
0x88: {  	s2 =	sld [smem:$0x3FD9]  }
0x89: {  	s3 =	sld [smem:$0x3FFE];
	_ =	sdelay $0x1  }
0x8a: {  	s1 =	srdreg.scid  }
0x8b: {  	s0 =	sand.u32 $0x1, s1  }
0x8c: {  	s17 =	sshll.u32 s0, $0xA;
	s2 =	sadd.s32 s3, s2  }
0x8d: {  	s2 =	sadd.s32 s2, s17  }
0x8e: {  	[smem:$0x3FC0] =	sst s2  }
0x8f: {  	_ = 	snop  }
0x90: {  	s2 =	sld [smem:$0x3FD0];
	(tm) =	ssettm $0x1  }
0x91: {  	s18 =	sld [smem:$0x3FFB];
	_ =	sdelay $0x3  }
0x92: {  	_ =	strace s18  }
0x93: {  	s3 =	sld [smem:$0x3FFC];
	_ =	sdelay $0x3  }
0x94: {  	_ =	strace s3  }
0x95: {  	s3 =	sld [smem:$0x3FFD];
	_ =	sdelay $0x3  }
0x96: {  	_ =	strace s3  }
0x97: {  	_ =	strace $0x8FFFFFFF  }
0x98: {  	s19 =	sld [smem:$0x3FDB];
	_ =	sdelay $0x1  }
0x99: {  	s4 =	simm.s32 $_scs_section_size  }
0x9a: {  	s5 =	simm.s32 $_size__tile_overlayer_lowered;
	s6 =	simm.s32 $_tile_overlayer_lowered  }
0x9b: {  	s22 =	simm.s32 $0x1BFF;
	s21 =	sshll.u32 s6, $0x1;
	s3 =	sadd.s32 s4, s19  }
0x9c: {  	s7 =	simm.s32 $0x0;
	s20 =	sshll.u32 s5, $0x1;
	s5 =	sadd.s32 s21, s3  }
0x9d: {  	[timem:s7], [sflag:s22] =	dma.local [hbm:s5], s20  }
0x9e: {  	_ =	swait.ge [sflag:s22], s20  }
0x9f: {  	s4 =	ssub.s32 $0x0, s20;
	[sflag:s22] =	ssyncset.done $0x0  }
0xa0: {  	[sflag:s22] =	ssyncadd.s32 s4;
	_ =	sdelay $0x1  }
0xa1: {  	s23 =	simm.s32 $0x1B8B  }
0xa2: {  	_ =	swait.ge [sflag:s23], $0x1  }
0xa3: {  	[sflag:s23] =	ssyncset.done $0x0  }
0xa4: {  	s25 =	simm.s32 $0x1B8E;
	s24 =	sld [smem:$0x3FFE];
	[sflag:s23] =	ssyncadd.s32 $0xFFFFFFFF  }
0xa5: {  	s26 =	simm.s32 $execute0_lowered;
	[smem:$0x3FD2] =	sst s25  }
0xa6: {  	s5 =	sshll.u32 s26, $0x1;
	_ =	strace $0x8000004C;
	[dreg:$0x1] =	wrdreg $0xFFFFFFFF  }
0xa7: {  	s28 =	simm.s32 $_size_execute0_lowered;
	s3 =	sadd.s32 s3, s5;
	[dreg:$0x0] =	wrdreg $0x0  }
0xa8: {  	s5 =	sshll.u32 s28, $0x1;
	[dreg:$0x2] =	wrdreg s3  }
0xa9: {  	[dreg:$0x3] =	wrdreg s5  }
0xaa: {  	[dreg:$0x4] =	wrdreg $0xC0  }
0xab: {  	_ =	task [dreg:s7], $0x5FFFF  }
0xac: {  	[dreg:$0x1] =	wrdreg $0xFFFFFFFF  }
0xad: {  	[dreg:$0x0] =	wrdreg $0x60  }
0xae: {  	[dreg:$0x2] =	wrdreg s24  }
0xaf: {  	[dreg:$0x3] =	wrdreg s2  }
0xb0: {  	[dreg:$0x4] =	wrdreg $0xAA000  }
0xb1: {  	[dreg:$0x5] =	wrdreg $0x9  }
0xb2: {  	_ =	task.clear_ibuf [dreg:s7], $0x6FFFF;
	_ =	strace $0x9000004C  }
0xb3: {  	s29 =	simm.s32 $0x9;
	_ =	strace $0x8000004E  }
0xb4: {  	_ =	swait.ge [sflag:s29], $0x1  }
0xb5: {  	[sflag:s29] =	ssyncadd.s32 $0xFFFFFFFF  }
0xb6: {  	_ =	strace $0x9000004E  }
0xb7: {  	_ =	sfence  }
0xb8: {  	s30 =	sld [smem:$0x0];
	_ =	sdelay $0x2  }
0xb9: {  	s31 =	sshll.u32 s1, $0xD;
	s1 =	sshrl.u32 s1, $0x2  }
0xba: {  	s3 =	sand.u32 $0x4000, s31;
	s1 =	sadd.s32 s1, s30  }
0xbb: {  	s0 =	sor.u32 s3, s0;
	s1 =	sshll.u32 s1, $0x11  }
0xbc: {  	s0 =	sor.u32 s1, s0  }
0xbd: {  	s0 =	sadd.s32 $0x8F2B, s0  }
0xbe: {  	[sflag:s0] =	ssyncadd.remote.s32 $0x1  }
0xbf: {  	_ =	sfence.sel $0xFFFF  }
0xc0: {  	[dreg:$0x0] =	wrdreg $0xFFFFFFFF;
	(pc) =	sbr.abs _section_cstart, $3  }
0xc1: {  	[dreg:$0x1] =	wrdreg $0xFFFFFFFF  }
0xc2: {  	_ =	task.clear_ibuf [dreg:s7], $0x2FFFF;
	_ =	strace $0x9FFFFFFF  }
0xc3: {  	(tm) =	ssettm $0x7FFFFFFF  }
tec
execute0_lowered:
.L_overlay_start_1:
0x0: {  	(tag) =	ssettag $0x1  }
0x1: {  	s0 =	rddreg [dreg:$0x0];
	s1 =	srdreg.scid  }
0x2: {  	s6 =	rddreg [dreg:$0x1];
	s9 =	stileid.u32;
	s2 =	simm.s32 $0x0  }
0x3: {  	s18 =	simm.s32 $0x7;
	s28 =	simm.s32 $0x6A00;
	s29 =	simm.s32 $0x1  }
0x4: {  	s30 =	simm.s32 $0x5;
	s7 =	sand.u32 $0x1, s1;
	s1 =	rddreg [dreg:$0x2]  }
0x5: {  	s31 =	simm.s32 $0x2;
	[smem:$0x7FF] =	sst s2;
	s11 =	smul.u32 $0x4E000, s9  }
0x6: {  	s4 =	sadd.s32 $0x65600, s0;
	s5 =	sadd.s32 $0x5B600, s0;
	s14 =	smul.u32 $0x13800, s9  }
0x7: {  	p0 =	sne.s32 s9, $0x0;
	s26 =	sshll.u32 s9, $0x6;
	s3 =	sshll.u32 s7, $0x4  }
0x8: {  	_ =	strace $0x8000004D;
	s10 =	ssub.s32 $0x2, s7;
	s7 =	smul.u32 $0x138800, s7  }
0x9: {  	s22 =	sadd.s32 $0x138000, s1;
	s3 =	sor.u32 s9, s3;
	s13 =	sshrl.u32 s10, $0x1  }
0xa: {  	s19 =	sshrl.u32 s11, $0x2;
	s21 =	sshrl.u32 s14, $0x3;
	[dreg:$0x6] =	wrdreg s22  }
0xb: {  	s22 =	simm.s32 $0x100;
	s3 =	smul.u32 $0x2800, s3;
	s16 =	ssub.s32 s10, s13  }
0xc: {  	s17 =	sadd.s32 s19, s1;
	s10 =	sadd.s32 s6, s21;
	s6 =	sadd.s32 $0x27000, s6  }
0xd: {  	s25 =	sadd.s32 s14, s7;
	s7 =	sshrl.u32 s7, $0x3;
	s19 =	sor.u32 $0x1C07, s26  }
0xe: {  	s21 =	simm.s32 $0x80;
	s26 =	simm.s32 $0x4;
	[dreg:$0x5] =	wrdreg s10  }
0xf: {  	[dreg:$0x7] =	wrdreg s6;
	s6 =	sshrl.u32 s25, $0x3;
	s8 =	sshrl.u32 s3, $0x3  }
0x10: {  	s16 =	smax.u32 s16, $0x1;
	s25 =	simm.s32 $0x2A00;
	s12 =	sadd.s32 s8, s0  }
0x11: {  	s0 =	sadd.s32 $0xB3A00, s0;
	s8 =	sadd.s32 s5, s8;
	s20 =	sadd.s32 $0x2C00, s12  }
.Ltmp0:
0x12: {  	s23 =	sadd.s32 $0x10, s8;
	s24 =	sadd.s32 $0x20, s8;
	(pc) =	sbr.rel .LBB2_1-.Ltmp0, $4  }
0x13: {  	s13 =	sadd.s32 $0x30, s8;
	s7 =	sadd.s32 s0, s7;
	[dreg:$0x4] =	wrdreg s20  }
0x14: {  	s14 =	sadd.s32 s0, s6;
	s0 =	simm.s32 $0x6;
	[dreg:$0x8] =	wrdreg s23  }
0x15: {  	[dreg:$0x9] =	wrdreg s24;
	s15 =	sadd.s32 $0x27000, s7;
	s20 =	sshrl.u32 s17, $0x3  }
0x16: {  	s23 =	simm.s32 $0x180;
	s24 =	simm.s32 $0x3;
	s17 =	simm.s32 $0x0  }
.LBB2_4:
0x17: {  	_ =	swait.ge [sflag:s31], $0x4000  }
0x18: {  	[sflag:s31] =	ssyncset.done $0x0  }
0x19: {  	[sflag:s31] =	ssyncadd.s32 $0xFFFFC000  }
0x1a: {  	[spmem:s1] =	stream.indirect.scatter.add.f32 [tilespmem:s28], [sflag:$0x7], $0x80, s7, s21, $0xb8;
	[tilespmem:$0x1E300] =	vst v63  }
0x1b: {  	_ =	swait.ge [sflag:s18], $0x4000  }
0x1c: {  	[sflag:s18] =	ssyncset.done $0x0  }
0x1d: {  	[sflag:s18] =	ssyncadd.s32 $0xFFFFC000  }
0x1e: {  	[bflag:$0x0] =	sbarrier.arrive $0xFFFF  }
0x1f: {  	[hbm:s14], [sflag:s19] =	dma.local [spmem:s20], $0x2700  }
0x20: {  	_ =	swait.ge [sflag:s18], $0x2700  }
0x21: {  	s17 =	sadd.s32 $0x1, s17;
	[sflag:s18] =	ssyncset.done $0x0  }
0x22: {  	p1 =	sne.s32 s17, s16;
	[sflag:s18] =	ssyncadd.s32 $0xFFFFD900  }
0x23: {  	[hbm:s15], [sflag:s19] =	dma.local @!p0 [spmem:s6], $0x100  }
.Ltmp1:
0x24: {  	_ = 	snop;
	(pc) =	sbr.rel @!p1 .LBB2_5-.Ltmp1, $4  }
0x25: {  	s6 =	simm.s32 @!p0 $0x7  }
0x26: {  	_ =	swait.ge @!p0 [sflag:s6], $0x100  }
0x27: {  	[sflag:s6] =	ssyncset.done @!p0 $0x0  }
0x28: {  	[sflag:s6] =	ssyncadd.s32 @!p0 $0xFFFFFF00  }
.LBB2_1:
0x29: {  	s6 =	rddreg [dreg:$0x4];
	s7 =	simm.s32 $0x200  }
0x2a: {  	[tilespmem:s7], [sflag:$0x7] =	stream.linear.gather [hbm4b:s6+s2], $0x2800, $0x38;
	[tilespmem:$0x1E300] =	vst v63  }
0x2b: {  	_ =	swait.ge [sflag:s18], $0x2800  }
0x2c: {  	[sflag:s18] =	ssyncset.done $0x0  }
0x2d: {  	s10 =	rddreg [dreg:$0x5];
	[sflag:s18] =	ssyncadd.s32 $0xFFFFD800  }
0x2e: {  	[spmem:s20], [sflag:s19] =	dma.local [hbm:s10], $0x2700  }
0x2f: {  	_ =	swait.ge [sflag:s18], $0x2700  }
0x30: {  	[sflag:s18] =	ssyncset.done $0x0;
	s6 =	rddreg [dreg:$0x6]  }
0x31: {  	s7 =	rddreg [dreg:$0x7];
	[sflag:s18] =	ssyncadd.s32 $0xFFFFD900;
	s6 =	sshrl.u32 @!p0 s6, $0x3  }
0x32: {  	[spmem:s6], [sflag:s19] =	dma.local @!p0 [hbm:s7], $0x100  }
0x33: {  	s7 =	simm.s32 @!p0 $0x7  }
0x34: {  	_ =	swait.ge @!p0 [sflag:s7], $0x100  }
0x35: {  	[sflag:s7] =	ssyncset.done @!p0 $0x0  }
0x36: {  	[sflag:s7] =	ssyncadd.s32 @!p0 $0xFFFFFF00  }
0x37: {  	[bflag:$0x0] =	sbarrier.arrive $0xFFFF  }
0x38: {  	[tilespmem:s2], [sflag:$0x3] =	stream.linear.gather [hbm4b:s8+s2], $0x80, $0x38;
	[tilespmem:$0x1E300] =	vst v63  }
0x39: {  	s11 =	rddreg [dreg:$0x8]  }
0x3a: {  	[tilespmem:s21], [sflag:$0x4] =	stream.linear.gather [hbm4b:s11+s2], $0x80, $0x38;
	[tilespmem:$0x1E300] =	vst v63  }
0x3b: {  	s12 =	rddreg [dreg:$0x9]  }
0x3c: {  	[tilespmem:s22], [sflag:$0x5] =	stream.linear.gather [hbm4b:s12+s2], $0x80, $0x38;
	[tilespmem:$0x1E300] =	vst v63  }
0x3d: {  	_ = 	snop  }
0x3e: {  	[tilespmem:s23], [sflag:$0x6] =	stream.linear.gather [hbm4b:s13+s2], $0x80, $0x38;
	[tilespmem:$0x1E300] =	vst v63  }
0x3f: {  	_ =	swait.ge [sflag:s24], $0x80  }
0x40: {  	[sflag:s24] =	ssyncset.done $0x0  }
0x41: {  	[sflag:s24] =	ssyncadd.s32 $0xFFFFFF80  }
0x42: {  	[tilespmem:s25], [sflag:$0x1] =	stream.indirect.gather [hbm4b:s4+s21], $0x80, s2, s21, $0xb8;
	[tilespmem:$0x1E300] =	vst v63  }
0x43: {  	_ =	swait.ge [sflag:s26], $0x80  }
0x44: {  	[sflag:s26] =	ssyncset.done $0x0  }
0x45: {  	s9 =	simm.s32 $0x380;
	s7 =	simm.s32 $0x380;
	[sflag:s26] =	ssyncadd.s32 $0xFFFFFF80  }
0x46: {  	[tilespmem:s28], [sflag:$0x2] =	stream.indirect.gather [hbm4b:s4+s21], $0x80, s21, s21, $0xb8;
	[tilespmem:$0x1E300] =	vst v63  }
.LBB2_2:
0x47: {  	_ =	swait.ge [sflag:s29], $0x4000  }
0x48: {  	[sflag:s29] =	ssyncset.done $0x0  }
0x49: {  	s10 =	sadd.s32 $0xFFFFFE80, s7;
	p1 =	seq.s32 s9, $0x2980;
	[sflag:s29] =	ssyncadd.s32 $0xFFFFC000  }
0x4a: {  	[spmem:s1] =	stream.indirect.scatter.add.f32 [tilespmem:s25], [sflag:$0x7], $0x80, s10, s21, $0xb8;
	[tilespmem:$0x1E300] =	vst v63  }
0x4b: {  	s10 =	sadd.s32 @!p1 $0xFFFFFE80, s9  }
0x4c: {  	s11 =	sand.u32 @!p1 $0x7C00, s10  }
0x4d: {  	s10 =	sand.u32 @!p1 $0x200, s10;
	s11 =	sadd.s32 @!p1 s3, s11  }
0x4e: {  	_ =	swait.ge [sflag:s18], $0x4000;
	s10 =	sor.u32 @!p1 s10, s11  }
0x4f: {  	[sflag:s18] =	ssyncset.done $0x0;
	s10 =	sshrl.u32 @!p1 s10, $0x3  }
0x50: {  	[sflag:s18] =	ssyncadd.s32 $0xFFFFC000;
	s11 =	simm.s32 @!p1 $0x0;
	s10 =	sadd.s32 @!p1 s5, s10  }
0x51: {  	[tilespmem:s11], [sflag:$0x3] =	stream.linear.gather @!p1 [hbm4b:s10+s11], $0x80, $0x38;
	[tilespmem:$0x1E300] =	vst v63  }
0x52: {  	_ =	swait.ge [sflag:s30], $0x80  }
0x53: {  	[sflag:s30] =	ssyncset.done $0x0  }
0x54: {  	[sflag:s30] =	ssyncadd.s32 $0xFFFFFF80  }
0x55: {  	[tilespmem:s25], [sflag:$0x1] =	stream.indirect.gather [hbm4b:s4+s21], $0x80, s22, s21, $0xb8;
	[tilespmem:$0x1E300] =	vst v63  }
0x56: {  	_ =	swait.ge [sflag:s31], $0x4000  }
0x57: {  	[sflag:s31] =	ssyncset.done $0x0  }
0x58: {  	s12 =	sadd.s32 $0xFFFFFF00, s7;
	s10 =	sadd.s32 @!p1 $0xFFFFFF00, s9;
	[sflag:s31] =	ssyncadd.s32 $0xFFFFC000  }
0x59: {  	[spmem:s1] =	stream.indirect.scatter.add.f32 [tilespmem:s28], [sflag:$0x7], $0x80, s12, s21, $0xb8;
	[tilespmem:$0x1E300] =	vst v63  }
0x5a: {  	s12 =	sand.u32 @!p1 $0x7C00, s10  }
0x5b: {  	s10 =	sand.u32 @!p1 $0x280, s10;
	s12 =	sadd.s32 @!p1 s3, s12  }
0x5c: {  	_ =	swait.ge [sflag:s18], $0x4000;
	s10 =	sor.u32 @!p1 s10, s12  }
0x5d: {  	[sflag:s18] =	ssyncset.done $0x0;
	s10 =	sshrl.u32 @!p1 s10, $0x3  }
0x5e: {  	s12 =	simm.s32 @!p1 $0x80;
	[sflag:s18] =	ssyncadd.s32 $0xFFFFC000;
	s10 =	sadd.s32 @!p1 s5, s10  }
0x5f: {  	[tilespmem:s12], [sflag:$0x4] =	stream.linear.gather @!p1 [hbm4b:s10+s11], $0x80, $0x38;
	[tilespmem:$0x1E300] =	vst v63  }
0x60: {  	_ =	swait.ge [sflag:s0], $0x80  }
0x61: {  	[sflag:s0] =	ssyncset.done $0x0  }
0x62: {  	[sflag:s0] =	ssyncadd.s32 $0xFFFFFF80  }
0x63: {  	[tilespmem:s28], [sflag:$0x2] =	stream.indirect.gather [hbm4b:s4+s21], $0x80, s23, s21, $0xb8;
	[tilespmem:$0x1E300] =	vst v63  }
0x64: {  	_ =	swait.ge [sflag:s29], $0x4000  }
0x65: {  	[sflag:s29] =	ssyncset.done $0x0  }
.Ltmp2:
0x66: {  	s12 =	sadd.s32 $0xFFFFFF80, s7;
	[sflag:s29] =	ssyncadd.s32 $0xFFFFC000;
	(pc) =	sbr.rel @p1 .LBB2_4-.Ltmp2, $4  }
0x67: {  	[spmem:s1] =	stream.indirect.scatter.add.f32 [tilespmem:s25], [sflag:$0x7], $0x80, s12, s21, $0xb8;
	[tilespmem:$0x1E300] =	vst v63  }
0x68: {  	_ =	swait.ge [sflag:s18], $0x4000  }
0x69: {  	[sflag:s18] =	ssyncset.done $0x0  }
0x6a: {  	[sflag:s18] =	ssyncadd.s32 $0xFFFFC000  }
0x6b: {  	s10 =	sadd.s32 $0xFFFFFF80, s9  }
0x6c: {  	s11 =	sand.u32 $0x7C00, s10  }
0x6d: {  	s10 =	sand.u32 $0x300, s10;
	s11 =	sadd.s32 s3, s11  }
0x6e: {  	s10 =	sor.u32 s10, s11  }
0x6f: {  	s10 =	sshrl.u32 s10, $0x3  }
0x70: {  	s10 =	sadd.s32 s5, s10  }
0x71: {  	[tilespmem:s22], [sflag:$0x5] =	stream.linear.gather [hbm4b:s10+s2], $0x80, $0x38;
	[tilespmem:$0x1E300] =	vst v63  }
0x72: {  	_ =	swait.ge [sflag:s24], $0x80  }
0x73: {  	[sflag:s24] =	ssyncset.done $0x0  }
0x74: {  	[sflag:s24] =	ssyncadd.s32 $0xFFFFFF80  }
0x75: {  	[tilespmem:s25], [sflag:$0x1] =	stream.indirect.gather [hbm4b:s4+s21], $0x80, s2, s21, $0xb8;
	[tilespmem:$0x1E300] =	vst v63  }
0x76: {  	_ =	swait.ge [sflag:s31], $0x4000  }
0x77: {  	s11 =	sand.u32 $0x7C00, s9;
	[sflag:s31] =	ssyncset.done $0x0  }
0x78: {  	s12 =	sand.u32 $0x380, s9;
	s10 =	sadd.s32 s3, s11;
	[sflag:s31] =	ssyncadd.s32 $0xFFFFC000  }
0x79: {  	[spmem:s1] =	stream.indirect.scatter.add.f32 [tilespmem:s28], [sflag:$0x7], $0x80, s7, s21, $0xb8;
	[tilespmem:$0x1E300] =	vst v63  }
0x7a: {  	s10 =	sor.u32 s12, s10;
	_ =	swait.ge [sflag:s18], $0x4000  }
0x7b: {  	s10 =	sshrl.u32 s10, $0x3;
	[sflag:s18] =	ssyncset.done $0x0  }
0x7c: {  	s10 =	sadd.s32 s5, s10;
	[sflag:s18] =	ssyncadd.s32 $0xFFFFC000  }
0x7d: {  	[tilespmem:s23], [sflag:$0x6] =	stream.linear.gather [hbm4b:s10+s2], $0x80, $0x38;
	[tilespmem:$0x1E300] =	vst v63  }
.Ltmp3:
0x7e: {  	_ = 	snop;
	(pc) =	sbr.rel .LBB2_2-.Ltmp3, $4  }
0x7f: {  	_ =	swait.ge [sflag:s26], $0x80  }
0x80: {  	[sflag:s26] =	ssyncset.done $0x0  }
0x81: {  	s9 =	sadd.s32 $0x200, s9;
	s7 =	sadd.s32 $0x200, s7;
	[sflag:s26] =	ssyncadd.s32 $0xFFFFFF80  }
0x82: {  	[tilespmem:s28], [sflag:$0x2] =	stream.indirect.gather [hbm4b:s4+s21], $0x80, s21, s21, $0xb8;
	[tilespmem:$0x1E300] =	vst v63  }
.LBB2_5:
0x83: {  	_ =	sfence.sel $0x180000  }
0x84: {  	[bflag:$0x0] =	sbarrier.arrive $0xFFFF  }
0x85: {  	_ =	strace $0x9000004D  }
0x86: {  	[bflag:$0x2] =	sbarrier.arrive $0xFFFF  }
0x87: {  	s0 =	rddreg [dreg:$0x3]  }
0x88: {  	s0 =	sadd.s32 @!p0 $0x100000, s0  }
0x89: {  	[sflag:s0] =	ssyncadd.tile.s32 @!p0 $0x1;
	_ =	shalt  }
.Lfunc_end2:
_tile_overlayer_lowered:
.L_overlay_start_2:
0x8a: {  	(tag) =	ssettag $0x2  }
0x8b: {  	s0 =	rddreg [dreg:$0x0];
	s2 =	stileid.u32  }
0x8c: {  	s1 =	rddreg [dreg:$0x1];
	p0 =	sne.s32 s2, $0x0  }
0x8d: {  	s3 =	rddreg [dreg:$0x2];
	[bflag:$0x3] =	sbarrier.arrive $0xFFFF;
	s2 =	simm.s32 @!p0 $0x1C07  }
0x8e: {  	[timem:s3], [sflag:s2] =	dma.local @!p0 [hbm:s0], s1  }
0x8f: {  	s0 =	simm.s32 @!p0 $0x7  }
0x90: {  	_ =	swait.ge @!p0 [sflag:s0], s1  }
0x91: {  	s1 =	ssub.s32 @!p0 $0x0, s1;
	[sflag:s0] =	ssyncset.done @!p0 $0x0  }
0x92: {  	[sflag:s0] =	ssyncadd.s32 @!p0 s1  }
0x93: {  	[bflag:$0x3] =	sbarrier.arrive $0xFFFF  }
0x94: {  	_ =	shalt  }

// kernel: kernel.20.cloned.1.call-start
scs
__scs_entry_jumppad:
0x0: {  	(pc) =	sbr.rel $0x88, $3  }
0x1: {  	(tag) =	ssettag $0x0;
	lr =	simm.s32 $0x1  }
0x2: {  	[smem:$0x3F99] =	sst lr;
	_ =	strace $0xD0000000  }
0x3: {  	_ = 	snop  }
0x4: {  	_ = 	snop  }
0x5: {  	_ = 	snop  }
0x6: {  	_ = 	snop  }
0x7: {  	_ = 	snop  }
__scs_overlays_trampoline_lowered:
0x8: {  	[smem:$0x3FA8] =	sst s0  }
0x9: {  	[smem:$0x3FA9] =	sst s1  }
0xa: {  	[smem:$0x3FAA] =	sst s2  }
0xb: {  	[smem:$0x3FAB] =	sst s3  }
0xc: {  	[smem:$0x3FAC] =	sst s4  }
0xd: {  	[smem:$0x3FAD] =	sst s5  }
0xe: {  	[smem:$0x3FAE] =	sst s6  }
0xf: {  	[smem:$0x3FAF] =	sst s7  }
0x10: {  	[smem:$0x3FB0] =	sst s8  }
0x11: {  	[smem:$0x3FB1] =	sst s9;
	s0 =	simm.s32 @!p0 $0x0  }
0x12: {  	s1 =	sld [smem:$0x3F97];
	s0 =	simm.s32 @p0 $0x1  }
0x13: {  	[smem:$0x3FB2] =	sst s0;
	s0 =	simm.s32 @!p1 $0x0  }
0x14: {  	s2 =	sld [smem:$0x3F96];
	s0 =	simm.s32 @p1 $0x1  }
0x15: {  	[smem:$0x3FB3] =	sst s0;
	s0 =	simm.s32 @!p2 $0x0  }
0x16: {  	s3 =	sld [smem:$0x3FDB];
	s0 =	simm.s32 @p2 $0x1  }
0x17: {  	s4 =	simm.s32 $0x1BF5;
	[smem:$0x3FB5] =	sst s0  }
0x18: {  	s0 =	sld [smem:$0x3F98];
	_ =	swait.ge [sflag:s4], $0x0  }
0x19: {  	s7 =	sld [smem:$0x3F99]  }
0x1a: {  	s8 =	sadd.s32 $0xFFFFE003, lr  }
0x1b: {  	s9 =	sadd.s32 $0xFFFFFEF7, lr;
	s5 =	simm.s32 $0xFFFFFFFF;
	p2 =	slt.u32 s8, $0xFFFFF086  }
0x1c: {  	p1 =	slt.u32 s9, $0xF7A;
	s5 =	simm.s32 @!p2 $0x0  }
0x1d: {  	s5 =	simm.s32 @p1 $0x1;
	p0 =	seq.s32 s7, s2  }
0x1e: {  	s7 =	smul.u32 @!p0 $0xF7A, s2;
	p2 =	seq.s32 @!p0 s5, $0x0  }
0x1f: {  	s9 =	smul.u32 $0xF7A, s1;
	s8 =	simm.s32 @!p0 $0x1BF5;
	p2 =	por !p2, p0  }
0x20: {  	[sflag:s8] =	ssyncset.s32 @!p0 $0xFFFFF086;
	s6 =	sadd.s32 @!p0 s3, s7;
	s7 =	simm.s32 @!p0 $0x108  }
0x21: {  	s3 =	sadd.s32 s3, s9;
	s6 =	sadd.s32 @!p0 $0x88, s6;
	s7 =	simm.s32 @p2 $0x1082  }
0x22: {  	[simem:s7], [sflag:s8] =	dma.local @!p0 [hbm:s6], $0xF7A  }
0x23: {  	s9 =	sor.u32 $0xD0000000, s2;
	s6 =	simm.s32 $0x108;
	_ =	swait.ge @!p0 [sflag:s8], $0x0  }
0x24: {  	s3 =	sadd.s32 $0x88, s3;
	s6 =	simm.s32 @!p1 $0x1082;
	[sflag:s4] =	ssyncset.s32 $0xFFFFF086  }
0x25: {  	[simem:s6], [sflag:s4] =	dma.local [hbm:s3], $0xF7A  }
0x26: {  	[smem:$0x3F99] =	sst s1;
	(tag) =	ssettag s2;
	_ =	strace s9  }
0x27: {  	s1 =	sld [smem:$0x3FA9]  }
0x28: {  	s2 =	sld [smem:$0x3FAA]  }
0x29: {  	s4 =	sld [smem:$0x3FAC]  }
0x2a: {  	p0 =	seq.s32 s5, $0x0;
	s5 =	sld [smem:$0x3FAD]  }
0x2b: {  	s6 =	sld [smem:$0x3FAE]  }
0x2c: {  	s7 =	sld [smem:$0x3FAF]  }
0x2d: {  	s3 =	simm.s32 $0x108;
	s8 =	sld [smem:$0x3FB0]  }
0x2e: {  	s3 =	simm.s32 @!p0 $0x1082;
	s9 =	sld [smem:$0x3FB1]  }
0x2f: {  	lr =	sadd.s32 s0, s3;
	s0 =	sld [smem:$0x3FA8]  }
0x30: {  	s3 =	sld [smem:$0x3FAB]  }
0x31: {  	[smem:$0x3FB4] =	sst s10  }
0x32: {  	s10 =	sld [smem:$0x3FB2];
	_ =	sdelay $0x3  }
0x33: {  	p0 =	seq.s32 s10, $0x1;
	s10 =	sld [smem:$0x3FB4];
	_ =	sdelay $0x3  }
0x34: {  	[smem:$0x3FB4] =	sst s10  }
0x35: {  	s10 =	sld [smem:$0x3FB3];
	_ =	sdelay $0x3  }
0x36: {  	p1 =	seq.s32 s10, $0x1;
	s10 =	sld [smem:$0x3FB4];
	_ =	sdelay $0x3  }
0x37: {  	[smem:$0x3FB4] =	sst s10  }
0x38: {  	s10 =	sld [smem:$0x3FB5]  }
0x39: {  	_ = 	snop;
	(pc) =	sbr.ind lr, $3  }
0x3a: {  	_ = 	snop  }
0x3b: {  	_ = 	snop  }
0x3c: {  	p2 =	seq.s32 s10, $0x1;
	s10 =	sld [smem:$0x3FB4]  }
0x3d: {  	_ =	shalt  }
0x3e: {  	_ =	shalt  }
0x3f: {  	_ =	shalt  }
0x40: {  	_ =	shalt  }
0x41: {  	_ =	shalt  }
0x42: {  	_ =	shalt  }
0x43: {  	_ =	shalt  }
0x44: {  	_ =	shalt  }
0x45: {  	_ =	shalt  }
0x46: {  	_ =	shalt  }
0x47: {  	_ =	shalt  }
0x48: {  	_ =	shalt  }
0x49: {  	_ =	shalt  }
0x4a: {  	_ =	shalt  }
0x4b: {  	_ =	shalt  }
0x4c: {  	_ =	shalt  }
0x4d: {  	_ =	shalt  }
0x4e: {  	_ =	shalt  }
0x4f: {  	_ =	shalt  }
0x50: {  	_ =	shalt  }
0x51: {  	_ =	shalt  }
0x52: {  	_ =	shalt  }
0x53: {  	_ =	shalt  }
0x54: {  	_ =	shalt  }
0x55: {  	_ =	shalt  }
0x56: {  	_ =	shalt  }
0x57: {  	_ =	shalt  }
0x58: {  	_ =	shalt  }
0x59: {  	_ =	shalt  }
0x5a: {  	_ =	shalt  }
0x5b: {  	_ =	shalt  }
0x5c: {  	_ =	shalt  }
0x5d: {  	_ =	shalt  }
0x5e: {  	_ =	shalt  }
0x5f: {  	_ =	shalt  }
0x60: {  	_ =	shalt  }
0x61: {  	_ =	shalt  }
0x62: {  	_ =	shalt  }
0x63: {  	_ =	shalt  }
0x64: {  	_ =	shalt  }
0x65: {  	_ =	shalt  }
0x66: {  	_ =	shalt  }
0x67: {  	_ =	shalt  }
0x68: {  	_ =	shalt  }
0x69: {  	_ =	shalt  }
0x6a: {  	_ =	shalt  }
0x6b: {  	_ =	shalt  }
0x6c: {  	_ =	shalt  }
0x6d: {  	_ =	shalt  }
0x6e: {  	_ =	shalt  }
0x6f: {  	_ =	shalt  }
0x70: {  	_ =	shalt  }
0x71: {  	_ =	shalt  }
0x72: {  	_ =	shalt  }
0x73: {  	_ =	shalt  }
0x74: {  	_ =	shalt  }
0x75: {  	_ =	shalt  }
0x76: {  	_ =	shalt  }
0x77: {  	_ =	shalt  }
0x78: {  	_ =	shalt  }
0x79: {  	_ =	shalt  }
0x7a: {  	_ =	shalt  }
0x7b: {  	_ =	shalt  }
0x7c: {  	_ =	shalt  }
0x7d: {  	_ =	shalt  }
0x7e: {  	_ =	shalt  }
0x7f: {  	_ =	shalt  }
0x80: {  	_ =	shalt  }
0x81: {  	_ =	shalt  }
0x82: {  	_ =	shalt  }
0x83: {  	_ =	shalt  }
0x84: {  	_ =	shalt  }
0x85: {  	_ =	shalt  }
0x86: {  	_ =	shalt  }
0x87: {  	_ =	shalt  }
.Lfunc_end0:
.L_simem_size_0:
called_computation.3_lowered:
.L_overlay_start_0:
0x88: {  	s2 =	sld [smem:$0x3FD9]  }
0x89: {  	s3 =	sld [smem:$0x3FFE];
	_ =	sdelay $0x1  }
0x8a: {  	s1 =	srdreg.scid  }
0x8b: {  	s0 =	sand.u32 $0x1, s1  }
0x8c: {  	s17 =	sshll.u32 s0, $0xA;
	s2 =	sadd.s32 s3, s2  }
0x8d: {  	s2 =	sadd.s32 s2, s17  }
0x8e: {  	[smem:$0x3FC0] =	sst s2  }
0x8f: {  	_ = 	snop  }
0x90: {  	s2 =	sld [smem:$0x3FD0];
	(tm) =	ssettm $0x1  }
0x91: {  	s18 =	sld [smem:$0x3FFB];
	_ =	sdelay $0x3  }
0x92: {  	_ =	strace s18  }
0x93: {  	s3 =	sld [smem:$0x3FFC];
	_ =	sdelay $0x3  }
0x94: {  	_ =	strace s3  }
0x95: {  	s3 =	sld [smem:$0x3FFD];
	_ =	sdelay $0x3  }
0x96: {  	_ =	strace s3  }
0x97: {  	_ =	strace $0x8FFFFFFF  }
0x98: {  	s19 =	sld [smem:$0x3FDB];
	_ =	sdelay $0x1  }
0x99: {  	s4 =	simm.s32 $_scs_section_size  }
0x9a: {  	s5 =	simm.s32 $_size__tile_overlayer_lowered;
	s6 =	simm.s32 $_tile_overlayer_lowered  }
0x9b: {  	s22 =	simm.s32 $0x1BFF;
	s21 =	sshll.u32 s6, $0x1;
	s3 =	sadd.s32 s4, s19  }
0x9c: {  	s7 =	simm.s32 $0x0;
	s20 =	sshll.u32 s5, $0x1;
	s5 =	sadd.s32 s21, s3  }
0x9d: {  	[timem:s7], [sflag:s22] =	dma.local [hbm:s5], s20  }
0x9e: {  	_ =	swait.ge [sflag:s22], s20  }
0x9f: {  	s4 =	ssub.s32 $0x0, s20;
	[sflag:s22] =	ssyncset.done $0x0  }
0xa0: {  	[sflag:s22] =	ssyncadd.s32 s4;
	_ =	sdelay $0x1  }
0xa1: {  	s23 =	simm.s32 $0x1B8B  }
0xa2: {  	_ =	swait.ge [sflag:s23], $0x1  }
0xa3: {  	[sflag:s23] =	ssyncset.done $0x0  }
0xa4: {  	s25 =	simm.s32 $0x1B8E;
	s24 =	sld [smem:$0x3FFE];
	[sflag:s23] =	ssyncadd.s32 $0xFFFFFFFF  }
0xa5: {  	s26 =	simm.s32 $execute0_lowered;
	[smem:$0x3FD2] =	sst s25  }
0xa6: {  	s5 =	sshll.u32 s26, $0x1;
	_ =	strace $0x8000004F;
	[dreg:$0x1] =	wrdreg $0xFFFFFFFF  }
0xa7: {  	s28 =	simm.s32 $_size_execute0_lowered;
	s3 =	sadd.s32 s3, s5;
	[dreg:$0x0] =	wrdreg $0x0  }
0xa8: {  	s5 =	sshll.u32 s28, $0x1;
	[dreg:$0x2] =	wrdreg s3  }
0xa9: {  	[dreg:$0x3] =	wrdreg s5  }
0xaa: {  	[dreg:$0x4] =	wrdreg $0xC0  }
0xab: {  	_ =	task [dreg:s7], $0x5FFFF  }
0xac: {  	[dreg:$0x1] =	wrdreg $0xFFFFFFFF  }
0xad: {  	[dreg:$0x0] =	wrdreg $0x60  }
0xae: {  	[dreg:$0x2] =	wrdreg s24  }
0xaf: {  	[dreg:$0x3] =	wrdreg s2  }
0xb0: {  	[dreg:$0x4] =	wrdreg $0xAA000  }
0xb1: {  	[dreg:$0x5] =	wrdreg $0x9  }
0xb2: {  	_ =	task.clear_ibuf [dreg:s7], $0x6FFFF;
	_ =	strace $0x9000004F  }
0xb3: {  	s29 =	simm.s32 $0x9;
	_ =	strace $0x80000051  }
0xb4: {  	_ =	swait.ge [sflag:s29], $0x1  }
0xb5: {  	[sflag:s29] =	ssyncadd.s32 $0xFFFFFFFF  }
0xb6: {  	_ =	strace $0x90000051  }
0xb7: {  	_ =	sfence  }
0xb8: {  	s30 =	sld [smem:$0x0];
	_ =	sdelay $0x2  }
0xb9: {  	s31 =	sshll.u32 s1, $0xD;
	s1 =	sshrl.u32 s1, $0x2  }
0xba: {  	s3 =	sand.u32 $0x4000, s31;
	s1 =	sadd.s32 s1, s30  }
0xbb: {  	s0 =	sor.u32 s3, s0;
	s1 =	sshll.u32 s1, $0x11  }
0xbc: {  	s0 =	sor.u32 s1, s0  }
0xbd: {  	s0 =	sadd.s32 $0x8F2B, s0  }
0xbe: {  	[sflag:s0] =	ssyncadd.remote.s32 $0x1  }
0xbf: {  	_ =	sfence.sel $0xFFFF  }
0xc0: {  	[dreg:$0x0] =	wrdreg $0xFFFFFFFF;
	(pc) =	sbr.abs _section_cstart, $3  }
0xc1: {  	[dreg:$0x1] =	wrdreg $0xFFFFFFFF  }
0xc2: {  	_ =	task.clear_ibuf [dreg:s7], $0x2FFFF;
	_ =	strace $0x9FFFFFFF  }
0xc3: {  	(tm) =	ssettm $0x7FFFFFFF  }
tec
execute0_lowered:
.L_overlay_start_1:
0x0: {  	(tag) =	ssettag $0x1  }
0x1: {  	s0 =	rddreg [dreg:$0x0];
	s1 =	srdreg.scid  }
0x2: {  	s6 =	rddreg [dreg:$0x1];
	s9 =	stileid.u32;
	s2 =	simm.s32 $0x0  }
0x3: {  	s18 =	simm.s32 $0x7;
	s28 =	simm.s32 $0x6A00;
	s29 =	simm.s32 $0x1  }
0x4: {  	s30 =	simm.s32 $0x5;
	s7 =	sand.u32 $0x1, s1;
	s1 =	rddreg [dreg:$0x2]  }
0x5: {  	s31 =	simm.s32 $0x2;
	[smem:$0x7FF] =	sst s2;
	s11 =	smul.u32 $0x4E000, s9  }
0x6: {  	s4 =	sadd.s32 $0x65600, s0;
	s5 =	sadd.s32 $0x5B600, s0;
	s14 =	smul.u32 $0x13800, s9  }
0x7: {  	p0 =	sne.s32 s9, $0x0;
	s26 =	sshll.u32 s9, $0x6;
	s3 =	sshll.u32 s7, $0x4  }
0x8: {  	_ =	strace $0x80000050;
	s10 =	ssub.s32 $0x2, s7;
	s7 =	smul.u32 $0x138800, s7  }
0x9: {  	s22 =	sadd.s32 $0x138000, s1;
	s3 =	sor.u32 s9, s3;
	s13 =	sshrl.u32 s10, $0x1  }
0xa: {  	s19 =	sshrl.u32 s11, $0x2;
	s21 =	sshrl.u32 s14, $0x3;
	[dreg:$0x6] =	wrdreg s22  }
0xb: {  	s22 =	simm.s32 $0x100;
	s3 =	smul.u32 $0x2800, s3;
	s16 =	ssub.s32 s10, s13  }
0xc: {  	s17 =	sadd.s32 s19, s1;
	s10 =	sadd.s32 s6, s21;
	s6 =	sadd.s32 $0x27000, s6  }
0xd: {  	s25 =	sadd.s32 s14, s7;
	s7 =	sshrl.u32 s7, $0x3;
	s19 =	sor.u32 $0x1C07, s26  }
0xe: {  	s21 =	simm.s32 $0x80;
	s26 =	simm.s32 $0x4;
	[dreg:$0x5] =	wrdreg s10  }
0xf: {  	[dreg:$0x7] =	wrdreg s6;
	s6 =	sshrl.u32 s25, $0x3;
	s8 =	sshrl.u32 s3, $0x3  }
0x10: {  	s16 =	smax.u32 s16, $0x1;
	s25 =	simm.s32 $0x2A00;
	s12 =	sadd.s32 s8, s0  }
0x11: {  	s0 =	sadd.s32 $0x8C800, s0;
	s8 =	sadd.s32 s5, s8;
	s20 =	sadd.s32 $0x2C00, s12  }
.Ltmp0:
0x12: {  	s23 =	sadd.s32 $0x10, s8;
	s24 =	sadd.s32 $0x20, s8;
	(pc) =	sbr.rel .LBB2_1-.Ltmp0, $4  }
0x13: {  	s13 =	sadd.s32 $0x30, s8;
	s7 =	sadd.s32 s0, s7;
	[dreg:$0x4] =	wrdreg s20  }
0x14: {  	s14 =	sadd.s32 s0, s6;
	s0 =	simm.s32 $0x6;
	[dreg:$0x8] =	wrdreg s23  }
0x15: {  	[dreg:$0x9] =	wrdreg s24;
	s15 =	sadd.s32 $0x27000, s7;
	s20 =	sshrl.u32 s17, $0x3  }
0x16: {  	s23 =	simm.s32 $0x180;
	s24 =	simm.s32 $0x3;
	s17 =	simm.s32 $0x0  }
.LBB2_4:
0x17: {  	_ =	swait.ge [sflag:s31], $0x4000  }
0x18: {  	[sflag:s31] =	ssyncset.done $0x0  }
0x19: {  	[sflag:s31] =	ssyncadd.s32 $0xFFFFC000  }
0x1a: {  	[spmem:s1] =	stream.indirect.scatter.add.f32 [tilespmem:s28], [sflag:$0x7], $0x80, s7, s21, $0xb8;
	[tilespmem:$0x1E300] =	vst v63  }
0x1b: {  	_ =	swait.ge [sflag:s18], $0x4000  }
0x1c: {  	[sflag:s18] =	ssyncset.done $0x0  }
0x1d: {  	[sflag:s18] =	ssyncadd.s32 $0xFFFFC000  }
0x1e: {  	[bflag:$0x0] =	sbarrier.arrive $0xFFFF  }
0x1f: {  	[hbm:s14], [sflag:s19] =	dma.local [spmem:s20], $0x2700  }
0x20: {  	_ =	swait.ge [sflag:s18], $0x2700  }
0x21: {  	s17 =	sadd.s32 $0x1, s17;
	[sflag:s18] =	ssyncset.done $0x0  }
0x22: {  	p1 =	sne.s32 s17, s16;
	[sflag:s18] =	ssyncadd.s32 $0xFFFFD900  }
0x23: {  	[hbm:s15], [sflag:s19] =	dma.local @!p0 [spmem:s6], $0x100  }
.Ltmp1:
0x24: {  	_ = 	snop;
	(pc) =	sbr.rel @!p1 .LBB2_5-.Ltmp1, $4  }
0x25: {  	s6 =	simm.s32 @!p0 $0x7  }
0x26: {  	_ =	swait.ge @!p0 [sflag:s6], $0x100  }
0x27: {  	[sflag:s6] =	ssyncset.done @!p0 $0x0  }
0x28: {  	[sflag:s6] =	ssyncadd.s32 @!p0 $0xFFFFFF00  }
.LBB2_1:
0x29: {  	s6 =	rddreg [dreg:$0x4];
	s7 =	simm.s32 $0x200  }
0x2a: {  	[tilespmem:s7], [sflag:$0x7] =	stream.linear.gather [hbm4b:s6+s2], $0x2800, $0x38;
	[tilespmem:$0x1E300] =	vst v63  }
0x2b: {  	_ =	swait.ge [sflag:s18], $0x2800  }
0x2c: {  	[sflag:s18] =	ssyncset.done $0x0  }
0x2d: {  	s10 =	rddreg [dreg:$0x5];
	[sflag:s18] =	ssyncadd.s32 $0xFFFFD800  }
0x2e: {  	[spmem:s20], [sflag:s19] =	dma.local [hbm:s10], $0x2700  }
0x2f: {  	_ =	swait.ge [sflag:s18], $0x2700  }
0x30: {  	[sflag:s18] =	ssyncset.done $0x0;
	s6 =	rddreg [dreg:$0x6]  }
0x31: {  	s7 =	rddreg [dreg:$0x7];
	[sflag:s18] =	ssyncadd.s32 $0xFFFFD900;
	s6 =	sshrl.u32 @!p0 s6, $0x3  }
0x32: {  	[spmem:s6], [sflag:s19] =	dma.local @!p0 [hbm:s7], $0x100  }
0x33: {  	s7 =	simm.s32 @!p0 $0x7  }
0x34: {  	_ =	swait.ge @!p0 [sflag:s7], $0x100  }
0x35: {  	[sflag:s7] =	ssyncset.done @!p0 $0x0  }
0x36: {  	[sflag:s7] =	ssyncadd.s32 @!p0 $0xFFFFFF00  }
0x37: {  	[bflag:$0x0] =	sbarrier.arrive $0xFFFF  }
0x38: {  	[tilespmem:s2], [sflag:$0x3] =	stream.linear.gather [hbm4b:s8+s2], $0x80, $0x38;
	[tilespmem:$0x1E300] =	vst v63  }
0x39: {  	s11 =	rddreg [dreg:$0x8]  }
0x3a: {  	[tilespmem:s21], [sflag:$0x4] =	stream.linear.gather [hbm4b:s11+s2], $0x80, $0x38;
	[tilespmem:$0x1E300] =	vst v63  }
0x3b: {  	s12 =	rddreg [dreg:$0x9]  }
0x3c: {  	[tilespmem:s22], [sflag:$0x5] =	stream.linear.gather [hbm4b:s12+s2], $0x80, $0x38;
	[tilespmem:$0x1E300] =	vst v63  }
0x3d: {  	_ = 	snop  }
0x3e: {  	[tilespmem:s23], [sflag:$0x6] =	stream.linear.gather [hbm4b:s13+s2], $0x80, $0x38;
	[tilespmem:$0x1E300] =	vst v63  }
0x3f: {  	_ =	swait.ge [sflag:s24], $0x80  }
0x40: {  	[sflag:s24] =	ssyncset.done $0x0  }
0x41: {  	[sflag:s24] =	ssyncadd.s32 $0xFFFFFF80  }
0x42: {  	[tilespmem:s25], [sflag:$0x1] =	stream.indirect.gather [hbm4b:s4+s21], $0x80, s2, s21, $0xb8;
	[tilespmem:$0x1E300] =	vst v63  }
0x43: {  	_ =	swait.ge [sflag:s26], $0x80  }
0x44: {  	[sflag:s26] =	ssyncset.done $0x0  }
0x45: {  	s9 =	simm.s32 $0x380;
	s7 =	simm.s32 $0x380;
	[sflag:s26] =	ssyncadd.s32 $0xFFFFFF80  }
0x46: {  	[tilespmem:s28], [sflag:$0x2] =	stream.indirect.gather [hbm4b:s4+s21], $0x80, s21, s21, $0xb8;
	[tilespmem:$0x1E300] =	vst v63  }
.LBB2_2:
0x47: {  	_ =	swait.ge [sflag:s29], $0x4000  }
0x48: {  	[sflag:s29] =	ssyncset.done $0x0  }
0x49: {  	s10 =	sadd.s32 $0xFFFFFE80, s7;
	p1 =	seq.s32 s9, $0x2980;
	[sflag:s29] =	ssyncadd.s32 $0xFFFFC000  }
0x4a: {  	[spmem:s1] =	stream.indirect.scatter.add.f32 [tilespmem:s25], [sflag:$0x7], $0x80, s10, s21, $0xb8;
	[tilespmem:$0x1E300] =	vst v63  }
0x4b: {  	s10 =	sadd.s32 @!p1 $0xFFFFFE80, s9  }
0x4c: {  	s11 =	sand.u32 @!p1 $0x7C00, s10  }
0x4d: {  	s10 =	sand.u32 @!p1 $0x200, s10;
	s11 =	sadd.s32 @!p1 s3, s11  }
0x4e: {  	_ =	swait.ge [sflag:s18], $0x4000;
	s10 =	sor.u32 @!p1 s10, s11  }
0x4f: {  	[sflag:s18] =	ssyncset.done $0x0;
	s10 =	sshrl.u32 @!p1 s10, $0x3  }
0x50: {  	[sflag:s18] =	ssyncadd.s32 $0xFFFFC000;
	s11 =	simm.s32 @!p1 $0x0;
	s10 =	sadd.s32 @!p1 s5, s10  }
0x51: {  	[tilespmem:s11], [sflag:$0x3] =	stream.linear.gather @!p1 [hbm4b:s10+s11], $0x80, $0x38;
	[tilespmem:$0x1E300] =	vst v63  }
0x52: {  	_ =	swait.ge [sflag:s30], $0x80  }
0x53: {  	[sflag:s30] =	ssyncset.done $0x0  }
0x54: {  	[sflag:s30] =	ssyncadd.s32 $0xFFFFFF80  }
0x55: {  	[tilespmem:s25], [sflag:$0x1] =	stream.indirect.gather [hbm4b:s4+s21], $0x80, s22, s21, $0xb8;
	[tilespmem:$0x1E300] =	vst v63  }
0x56: {  	_ =	swait.ge [sflag:s31], $0x4000  }
0x57: {  	[sflag:s31] =	ssyncset.done $0x0  }
0x58: {  	s12 =	sadd.s32 $0xFFFFFF00, s7;
	s10 =	sadd.s32 @!p1 $0xFFFFFF00, s9;
	[sflag:s31] =	ssyncadd.s32 $0xFFFFC000  }
0x59: {  	[spmem:s1] =	stream.indirect.scatter.add.f32 [tilespmem:s28], [sflag:$0x7], $0x80, s12, s21, $0xb8;
	[tilespmem:$0x1E300] =	vst v63  }
0x5a: {  	s12 =	sand.u32 @!p1 $0x7C00, s10  }
0x5b: {  	s10 =	sand.u32 @!p1 $0x280, s10;
	s12 =	sadd.s32 @!p1 s3, s12  }
0x5c: {  	_ =	swait.ge [sflag:s18], $0x4000;
	s10 =	sor.u32 @!p1 s10, s12  }
0x5d: {  	[sflag:s18] =	ssyncset.done $0x0;
	s10 =	sshrl.u32 @!p1 s10, $0x3  }
0x5e: {  	s12 =	simm.s32 @!p1 $0x80;
	[sflag:s18] =	ssyncadd.s32 $0xFFFFC000;
	s10 =	sadd.s32 @!p1 s5, s10  }
0x5f: {  	[tilespmem:s12], [sflag:$0x4] =	stream.linear.gather @!p1 [hbm4b:s10+s11], $0x80, $0x38;
	[tilespmem:$0x1E300] =	vst v63  }
0x60: {  	_ =	swait.ge [sflag:s0], $0x80  }
0x61: {  	[sflag:s0] =	ssyncset.done $0x0  }
0x62: {  	[sflag:s0] =	ssyncadd.s32 $0xFFFFFF80  }
0x63: {  	[tilespmem:s28], [sflag:$0x2] =	stream.indirect.gather [hbm4b:s4+s21], $0x80, s23, s21, $0xb8;
	[tilespmem:$0x1E300] =	vst v63  }
0x64: {  	_ =	swait.ge [sflag:s29], $0x4000  }
0x65: {  	[sflag:s29] =	ssyncset.done $0x0  }
.Ltmp2:
0x66: {  	s12 =	sadd.s32 $0xFFFFFF80, s7;
	[sflag:s29] =	ssyncadd.s32 $0xFFFFC000;
	(pc) =	sbr.rel @p1 .LBB2_4-.Ltmp2, $4  }
0x67: {  	[spmem:s1] =	stream.indirect.scatter.add.f32 [tilespmem:s25], [sflag:$0x7], $0x80, s12, s21, $0xb8;
	[tilespmem:$0x1E300] =	vst v63  }
0x68: {  	_ =	swait.ge [sflag:s18], $0x4000  }
0x69: {  	[sflag:s18] =	ssyncset.done $0x0  }
0x6a: {  	[sflag:s18] =	ssyncadd.s32 $0xFFFFC000  }
0x6b: {  	s10 =	sadd.s32 $0xFFFFFF80, s9  }
0x6c: {  	s11 =	sand.u32 $0x7C00, s10  }
0x6d: {  	s10 =	sand.u32 $0x300, s10;
	s11 =	sadd.s32 s3, s11  }
0x6e: {  	s10 =	sor.u32 s10, s11  }
0x6f: {  	s10 =	sshrl.u32 s10, $0x3  }
0x70: {  	s10 =	sadd.s32 s5, s10  }
0x71: {  	[tilespmem:s22], [sflag:$0x5] =	stream.linear.gather [hbm4b:s10+s2], $0x80, $0x38;
	[tilespmem:$0x1E300] =	vst v63  }
0x72: {  	_ =	swait.ge [sflag:s24], $0x80  }
0x73: {  	[sflag:s24] =	ssyncset.done $0x0  }
0x74: {  	[sflag:s24] =	ssyncadd.s32 $0xFFFFFF80  }
0x75: {  	[tilespmem:s25], [sflag:$0x1] =	stream.indirect.gather [hbm4b:s4+s21], $0x80, s2, s21, $0xb8;
	[tilespmem:$0x1E300] =	vst v63  }
0x76: {  	_ =	swait.ge [sflag:s31], $0x4000  }
0x77: {  	s11 =	sand.u32 $0x7C00, s9;
	[sflag:s31] =	ssyncset.done $0x0  }
0x78: {  	s12 =	sand.u32 $0x380, s9;
	s10 =	sadd.s32 s3, s11;
	[sflag:s31] =	ssyncadd.s32 $0xFFFFC000  }
0x79: {  	[spmem:s1] =	stream.indirect.scatter.add.f32 [tilespmem:s28], [sflag:$0x7], $0x80, s7, s21, $0xb8;
	[tilespmem:$0x1E300] =	vst v63  }
0x7a: {  	s10 =	sor.u32 s12, s10;
	_ =	swait.ge [sflag:s18], $0x4000  }
0x7b: {  	s10 =	sshrl.u32 s10, $0x3;
	[sflag:s18] =	ssyncset.done $0x0  }
0x7c: {  	s10 =	sadd.s32 s5, s10;
	[sflag:s18] =	ssyncadd.s32 $0xFFFFC000  }
0x7d: {  	[tilespmem:s23], [sflag:$0x6] =	stream.linear.gather [hbm4b:s10+s2], $0x80, $0x38;
	[tilespmem:$0x1E300] =	vst v63  }
.Ltmp3:
0x7e: {  	_ = 	snop;
	(pc) =	sbr.rel .LBB2_2-.Ltmp3, $4  }
0x7f: {  	_ =	swait.ge [sflag:s26], $0x80  }
0x80: {  	[sflag:s26] =	ssyncset.done $0x0  }
0x81: {  	s9 =	sadd.s32 $0x200, s9;
	s7 =	sadd.s32 $0x200, s7;
	[sflag:s26] =	ssyncadd.s32 $0xFFFFFF80  }
0x82: {  	[tilespmem:s28], [sflag:$0x2] =	stream.indirect.gather [hbm4b:s4+s21], $0x80, s21, s21, $0xb8;
	[tilespmem:$0x1E300] =	vst v63  }
.LBB2_5:
0x83: {  	_ =	sfence.sel $0x180000  }
0x84: {  	[bflag:$0x0] =	sbarrier.arrive $0xFFFF  }
0x85: {  	_ =	strace $0x90000050  }
0x86: {  	[bflag:$0x2] =	sbarrier.arrive $0xFFFF  }
0x87: {  	s0 =	rddreg [dreg:$0x3]  }
0x88: {  	s0 =	sadd.s32 @!p0 $0x100000, s0  }
0x89: {  	[sflag:s0] =	ssyncadd.tile.s32 @!p0 $0x1;
	_ =	shalt  }
.Lfunc_end2:
_tile_overlayer_lowered:
.L_overlay_start_2:
0x8a: {  	(tag) =	ssettag $0x2  }
0x8b: {  	s0 =	rddreg [dreg:$0x0];
	s2 =	stileid.u32  }
0x8c: {  	s1 =	rddreg [dreg:$0x1];
	p0 =	sne.s32 s2, $0x0  }
0x8d: {  	s3 =	rddreg [dreg:$0x2];
	[bflag:$0x3] =	sbarrier.arrive $0xFFFF;
	s2 =	simm.s32 @!p0 $0x1C07  }
0x8e: {  	[timem:s3], [sflag:s2] =	dma.local @!p0 [hbm:s0], s1  }
0x8f: {  	s0 =	simm.s32 @!p0 $0x7  }
0x90: {  	_ =	swait.ge @!p0 [sflag:s0], s1  }
0x91: {  	s1 =	ssub.s32 @!p0 $0x0, s1;
	[sflag:s0] =	ssyncset.done @!p0 $0x0  }
0x92: {  	[sflag:s0] =	ssyncadd.s32 @!p0 s1  }
0x93: {  	[bflag:$0x3] =	sbarrier.arrive $0xFFFF  }
0x94: {  	_ =	shalt  }

</sc_bundles>
